<compile_context>
chip_gen: v7x
topology: tpu7x:2x2x1
jax: 0.10.2.dev20260603
libtpu: 0.0.44.dev20260713+nightly
codegen_flags: <defaults>
</compile_context>

<pallas_src>
import functools

import jax
import jax.numpy as jnp
from jax import lax
from jax.experimental import pallas as pl
from jax.experimental.pallas import tpu as pltpu
from jax.experimental.pallas import tpu_sc as plsc

_DROP_PROB = 0.1
_NC = 2
_NS = 16
_NW = _NC * _NS
_L = 16
_ROWS = 32768
_DIM = 1024
_RPW = _ROWS // _NW
_CHUNKS = _RPW // _L
_CR = 32
_NCH = _RPW // _CR
_NBUF = 3


def _sc_body(x_hbm, rand_hbm, pad_hbm, out_hbm,
             rand_v, pad_v, idx_v, buf_sh, gsem, ssem, psem):
    wid = lax.axis_index("s") * _NC + lax.axis_index("c")
    base = wid * _RPW
    buf_v = buf_sh.at[lax.axis_index("s")]

    ph = [pltpu.async_copy(pad_hbm, pad_v.at[r], psem) for r in range(_L)]
    pltpu.sync_copy(rand_hbm.at[pl.ds(base, _RPW)], rand_v)

    iota = lax.iota(jnp.int32, _L)
    n = jnp.int32(0)
    for c in range(_CHUNKS):
        rv = rand_v[pl.ds(c * _L, _L)]
        m = rv < _DROP_PROB
        rows = base + c * _L + iota
        mi = m.astype(jnp.int32)
        slots = n + plsc.cumsum(mi) - 1
        plsc.store_scatter(idx_v, [slots], rows, mask=m)
        n = n + jnp.sum(mi)

    def g_start(i):
        b = i % _NBUF
        return pltpu.async_copy(
            x_hbm.at[pl.ds(base + i * _CR, _CR)], buf_v.at[b], gsem[b])

    def s_start(i):
        b = i % _NBUF
        return pltpu.async_copy(
            buf_v.at[b], out_hbm.at[pl.ds(base + i * _CR, _CR)], ssem[b])

    gh = {i: g_start(i) for i in range(_NBUF)}
    sh = {}
    for i in range(_NCH):
        gh[i].wait()
        sh[i] = s_start(i)
        j = i + _NBUF
        if j < _NCH:
            sh[i].wait()
            gh[j] = g_start(j)
    for i in range(max(0, _NCH - _NBUF), _NCH):
        sh[i].wait()
    for h in ph:
        h.wait()

    @pl.when(n > 0)
    def _():
        head = idx_v[pl.ds(0, _L)]
        first = head[0]
        ng = (n + _L - 1) // _L

        def grp(g, carry):
            v = idx_v[pl.ds(g * _L, _L)]
            live = (g * _L + iota) < n
            vfix = jnp.where(live, v, first)
            pltpu.sync_copy(pad_v, out_hbm.at[vfix])
            return carry

        lax.fori_loop(0, ng, grp, jnp.int32(0))


def kernel(x, rand_tensor, pad):
    input_shape = x.shape
    x_flat = jnp.reshape(x, (_ROWS, _DIM))
    mesh = plsc.VectorSubcoreMesh(core_axis_name="c", subcore_axis_name="s")
    run = functools.partial(
        pl.kernel,
        mesh=mesh,
        compiler_params=pltpu.CompilerParams(needs_layout_passes=False),
        out_type=jax.ShapeDtypeStruct((_ROWS, _DIM), jnp.float32),
        scratch_types=[
            pltpu.VMEM((_RPW,), jnp.float32),
            pltpu.VMEM((_L, _DIM), jnp.float32),
            pltpu.VMEM((_RPW + _L,), jnp.int32),
            pltpu.VMEM_SHARED((_NS, _NBUF, _CR, _DIM), jnp.float32),
            [pltpu.SemaphoreType.DMA] * _NBUF,
            [pltpu.SemaphoreType.DMA] * _NBUF,
            pltpu.SemaphoreType.DMA,
        ],
    )(_sc_body)
    out = run(x_flat, rand_tensor, pad)
    return jnp.reshape(out, input_shape)

# --- scband reference (transcript-rebuilt; emitter-appended) ---
"""Pipeline reference for scband-drop-token-64793876627466 (READ-ONLY COPY).

The authoritative reference and input builder live on the scoring server;
editing this copy changes nothing except your own understanding.
"""

import jax, jax.numpy as jnp
import numpy as np

DIM = 1024
DROP_PROB = 0.1

def setup_inputs(seed: int = 0) -> dict:
    key = jax.random.key(seed)
    k1, k2, k3 = jax.random.split(key, 3)
    x = jax.random.normal(k1, (4, 8192, DIM), dtype=jnp.float32)
    rand_tensor = jax.random.uniform(k2, (4 * 8192,), dtype=jnp.float32)
    pad = jax.random.normal(k3, (DIM,), dtype=jnp.float32)
    return {"x": x, "rand_tensor": rand_tensor, "pad": pad}

def reference(x, rand_tensor, pad):
    # DropToken forward (training mode): rows where rand < drop_prob are
    # overwritten with the learned pad vector (row-wise scatter-overwrite).
    input_shape = x.shape
    x_flat = jnp.reshape(x, (-1, input_shape[-1]))
    mask = rand_tensor < DROP_PROB
    x_flat = jnp.where(mask[:, None], pad[None, :], x_flat)
    return jnp.reshape(x_flat, input_shape)

if __name__ == "__main__":
    import jax
    _d = setup_inputs()
    print(jax.jit(kernel)(*tuple(_d.values())))

</pallas_src>

<mosaic_0001>
#map = affine_map<(d0, d1) -> (0, 0)>
#map1 = affine_map<(d0, d1) -> (0)>
module attributes {stable_mosaic.version = 14 : i64} {
  func.func @_sc_body(%arg0: i32, %arg1: i32, %arg2: memref<32768x1024xf32, #tpu.memory_space<hbm>>, %arg3: memref<32768xf32, #tpu.memory_space<hbm>>, %arg4: memref<1024xf32, #tpu.memory_space<hbm>>, %arg5: memref<32768x1024xf32, #tpu.memory_space<hbm>>, %arg6: memref<1024xf32, #tpu.memory_space<vmem>>, %arg7: memref<16x1024xf32, #tpu.memory_space<vmem>>, %arg8: memref<1040xi32, #tpu.memory_space<vmem>>, %arg9: memref<16x3x32x1024xf32, #tpu.memory_space<vmem_shared>>, %arg10: memref<!tpu.dma_semaphore, #tpu.memory_space<semaphore_mem>>, %arg11: memref<!tpu.dma_semaphore, #tpu.memory_space<semaphore_mem>>, %arg12: memref<!tpu.dma_semaphore, #tpu.memory_space<semaphore_mem>>, %arg13: memref<!tpu.dma_semaphore, #tpu.memory_space<semaphore_mem>>, %arg14: memref<!tpu.dma_semaphore, #tpu.memory_space<semaphore_mem>>, %arg15: memref<!tpu.dma_semaphore, #tpu.memory_space<semaphore_mem>>, %arg16: memref<!tpu.dma_semaphore, #tpu.memory_space<semaphore_mem>>) attributes {dimension_semantics = [#tpu.dimension_semantics<core_parallel>, #tpu.dimension_semantics<subcore_parallel>], iteration_bounds = array<i64: 2, 16>, scalar_prefetch = 0 : i64, scratch_operands = 11 : i64, tpu.core_type = #tpu.core_type<sc_vector_subcore>, window_params = [{transform_indices = #map}, {transform_indices = #map1}, {transform_indices = #map1}, {transform_indices = #map}]} {
    %mul3A = arith.constant 2 : i32
    %mul3A_0 = arith.muli %arg1, %mul3A : i32
    %add3A = arith.addi %mul3A_0, %arg0 : i32
    %mul3A_1 = arith.constant 1024 : i32
    %mul3A_2 = arith.muli %add3A, %mul3A_1 : i32
    %dma_start3A = arith.constant 0 : i32
    %dma_start3A_3 = arith.constant 0 : i32
    %dma_start3A_4 = tpu.memref_slice %arg7[%dma_start3A, %dma_start3A_3] : memref<16x1024xf32, #tpu.memory_space<vmem>> -> memref<1x1024xf32, #tpu.memory_space<vmem>>
    %dma_start3A_5 = tpu.memref_squeeze %dma_start3A_4 : memref<1x1024xf32, #tpu.memory_space<vmem>> -> memref<1024xf32, #tpu.memory_space<vmem>>
    %dma_start3A_6 = arith.constant 0 : i32
    %dma_start3A_7 = tpu.memref_slice %arg7[%dma_start3A, %dma_start3A_6] : memref<16x1024xf32, #tpu.memory_space<vmem>> -> memref<1x1024xf32, #tpu.memory_space<vmem>>
    %dma_start3A_8 = tpu.memref_squeeze %dma_start3A_7 : memref<1x1024xf32, #tpu.memory_space<vmem>> -> memref<1024xf32, #tpu.memory_space<vmem>>
    tpu.enqueue_dma source(%arg4 : memref<1024xf32, #tpu.memory_space<hbm>>) target(%dma_start3A_8 : memref<1024xf32, #tpu.memory_space<vmem>>) target_semaphore(%arg16 : memref<!tpu.dma_semaphore, #tpu.memory_space<semaphore_mem>>)
    %dma_start3A_9 = arith.constant 1 : i32
    %dma_start3A_10 = arith.constant 0 : i32
    %dma_start3A_11 = tpu.memref_slice %arg7[%dma_start3A_9, %dma_start3A_10] : memref<16x1024xf32, #tpu.memory_space<vmem>> -> memref<1x1024xf32, #tpu.memory_space<vmem>>
    %dma_start3A_12 = tpu.memref_squeeze %dma_start3A_11 : memref<1x1024xf32, #tpu.memory_space<vmem>> -> memref<1024xf32, #tpu.memory_space<vmem>>
    %dma_start3A_13 = arith.constant 0 : i32
    %dma_start3A_14 = tpu.memref_slice %arg7[%dma_start3A_9, %dma_start3A_13] : memref<16x1024xf32, #tpu.memory_space<vmem>> -> memref<1x1024xf32, #tpu.memory_space<vmem>>
    %dma_start3A_15 = tpu.memref_squeeze %dma_start3A_14 : memref<1x1024xf32, #tpu.memory_space<vmem>> -> memref<1024xf32, #tpu.memory_space<vmem>>
    tpu.enqueue_dma source(%arg4 : memref<1024xf32, #tpu.memory_space<hbm>>) target(%dma_start3A_15 : memref<1024xf32, #tpu.memory_space<vmem>>) target_semaphore(%arg16 : memref<!tpu.dma_semaphore, #tpu.memory_space<semaphore_mem>>)
    %dma_start3A_16 = arith.constant 2 : i32
    %dma_start3A_17 = arith.constant 0 : i32
    %dma_start3A_18 = tpu.memref_slice %arg7[%dma_start3A_16, %dma_start3A_17] : memref<16x1024xf32, #tpu.memory_space<vmem>> -> memref<1x1024xf32, #tpu.memory_space<vmem>>
    %dma_start3A_19 = tpu.memref_squeeze %dma_start3A_18 : memref<1x1024xf32, #tpu.memory_space<vmem>> -> memref<1024xf32, #tpu.memory_space<vmem>>
    %dma_start3A_20 = arith.constant 0 : i32
    %dma_start3A_21 = tpu.memref_slice %arg7[%dma_start3A_16, %dma_start3A_20] : memref<16x1024xf32, #tpu.memory_space<vmem>> -> memref<1x1024xf32, #tpu.memory_space<vmem>>
    %dma_start3A_22 = tpu.memref_squeeze %dma_start3A_21 : memref<1x1024xf32, #tpu.memory_space<vmem>> -> memref<1024xf32, #tpu.memory_space<vmem>>
    tpu.enqueue_dma source(%arg4 : memref<1024xf32, #tpu.memory_space<hbm>>) target(%dma_start3A_22 : memref<1024xf32, #tpu.memory_space<vmem>>) target_semaphore(%arg16 : memref<!tpu.dma_semaphore, #tpu.memory_space<semaphore_mem>>)
    %dma_start3A_23 = arith.constant 3 : i32
    %dma_start3A_24 = arith.constant 0 : i32
    %dma_start3A_25 = tpu.memref_slice %arg7[%dma_start3A_23, %dma_start3A_24] : memref<16x1024xf32, #tpu.memory_space<vmem>> -> memref<1x1024xf32, #tpu.memory_space<vmem>>
    %dma_start3A_26 = tpu.memref_squeeze %dma_start3A_25 : memref<1x1024xf32, #tpu.memory_space<vmem>> -> memref<1024xf32, #tpu.memory_space<vmem>>
    %dma_start3A_27 = arith.constant 0 : i32
    %dma_start3A_28 = tpu.memref_slice %arg7[%dma_start3A_23, %dma_start3A_27] : memref<16x1024xf32, #tpu.memory_space<vmem>> -> memref<1x1024xf32, #tpu.memory_space<vmem>>
    %dma_start3A_29 = tpu.memref_squeeze %dma_start3A_28 : memref<1x1024xf32, #tpu.memory_space<vmem>> -> memref<1024xf32, #tpu.memory_space<vmem>>
    tpu.enqueue_dma source(%arg4 : memref<1024xf32, #tpu.memory_space<hbm>>) target(%dma_start3A_29 : memref<1024xf32, #tpu.memory_space<vmem>>) target_semaphore(%arg16 : memref<!tpu.dma_semaphore, #tpu.memory_space<semaphore_mem>>)
    %dma_start3A_30 = arith.constant 4 : i32
    %dma_start3A_31 = arith.constant 0 : i32
    %dma_start3A_32 = tpu.memref_slice %arg7[%dma_start3A_30, %dma_start3A_31] : memref<16x1024xf32, #tpu.memory_space<vmem>> -> memref<1x1024xf32, #tpu.memory_space<vmem>>
    %dma_start3A_33 = tpu.memref_squeeze %dma_start3A_32 : memref<1x1024xf32, #tpu.memory_space<vmem>> -> memref<1024xf32, #tpu.memory_space<vmem>>
    %dma_start3A_34 = arith.constant 0 : i32
    %dma_start3A_35 = tpu.memref_slice %arg7[%dma_start3A_30, %dma_start3A_34] : memref<16x1024xf32, #tpu.memory_space<vmem>> -> memref<1x1024xf32, #tpu.memory_space<vmem>>
    %dma_start3A_36 = tpu.memref_squeeze %dma_start3A_35 : memref<1x1024xf32, #tpu.memory_space<vmem>> -> memref<1024xf32, #tpu.memory_space<vmem>>
    tpu.enqueue_dma source(%arg4 : memref<1024xf32, #tpu.memory_space<hbm>>) target(%dma_start3A_36 : memref<1024xf32, #tpu.memory_space<vmem>>) target_semaphore(%arg16 : memref<!tpu.dma_semaphore, #tpu.memory_space<semaphore_mem>>)
    %dma_start3A_37 = arith.constant 5 : i32
    %dma_start3A_38 = arith.constant 0 : i32
    %dma_start3A_39 = tpu.memref_slice %arg7[%dma_start3A_37, %dma_start3A_38] : memref<16x1024xf32, #tpu.memory_space<vmem>> -> memref<1x1024xf32, #tpu.memory_space<vmem>>
    %dma_start3A_40 = tpu.memref_squeeze %dma_start3A_39 : memref<1x1024xf32, #tpu.memory_space<vmem>> -> memref<1024xf32, #tpu.memory_space<vmem>>
    %dma_start3A_41 = arith.constant 0 : i32
    %dma_start3A_42 = tpu.memref_slice %arg7[%dma_start3A_37, %dma_start3A_41] : memref<16x1024xf32, #tpu.memory_space<vmem>> -> memref<1x1024xf32, #tpu.memory_space<vmem>>
    %dma_start3A_43 = tpu.memref_squeeze %dma_start3A_42 : memref<1x1024xf32, #tpu.memory_space<vmem>> -> memref<1024xf32, #tpu.memory_space<vmem>>
    tpu.enqueue_dma source(%arg4 : memref<1024xf32, #tpu.memory_space<hbm>>) target(%dma_start3A_43 : memref<1024xf32, #tpu.memory_space<vmem>>) target_semaphore(%arg16 : memref<!tpu.dma_semaphore, #tpu.memory_space<semaphore_mem>>)
    %dma_start3A_44 = arith.constant 6 : i32
    %dma_start3A_45 = arith.constant 0 : i32
    %dma_start3A_46 = tpu.memref_slice %arg7[%dma_start3A_44, %dma_start3A_45] : memref<16x1024xf32, #tpu.memory_space<vmem>> -> memref<1x1024xf32, #tpu.memory_space<vmem>>
    %dma_start3A_47 = tpu.memref_squeeze %dma_start3A_46 : memref<1x1024xf32, #tpu.memory_space<vmem>> -> memref<1024xf32, #tpu.memory_space<vmem>>
    %dma_start3A_48 = arith.constant 0 : i32
    %dma_start3A_49 = tpu.memref_slice %arg7[%dma_start3A_44, %dma_start3A_48] : memref<16x1024xf32, #tpu.memory_space<vmem>> -> memref<1x1024xf32, #tpu.memory_space<vmem>>
    %dma_start3A_50 = tpu.memref_squeeze %dma_start3A_49 : memref<1x1024xf32, #tpu.memory_space<vmem>> -> memref<1024xf32, #tpu.memory_space<vmem>>
    tpu.enqueue_dma source(%arg4 : memref<1024xf32, #tpu.memory_space<hbm>>) target(%dma_start3A_50 : memref<1024xf32, #tpu.memory_space<vmem>>) target_semaphore(%arg16 : memref<!tpu.dma_semaphore, #tpu.memory_space<semaphore_mem>>)
    %dma_start3A_51 = arith.constant 7 : i32
    %dma_start3A_52 = arith.constant 0 : i32
    %dma_start3A_53 = tpu.memref_slice %arg7[%dma_start3A_51, %dma_start3A_52] : memref<16x1024xf32, #tpu.memory_space<vmem>> -> memref<1x1024xf32, #tpu.memory_space<vmem>>
    %dma_start3A_54 = tpu.memref_squeeze %dma_start3A_53 : memref<1x1024xf32, #tpu.memory_space<vmem>> -> memref<1024xf32, #tpu.memory_space<vmem>>
    %dma_start3A_55 = arith.constant 0 : i32
    %dma_start3A_56 = tpu.memref_slice %arg7[%dma_start3A_51, %dma_start3A_55] : memref<16x1024xf32, #tpu.memory_space<vmem>> -> memref<1x1024xf32, #tpu.memory_space<vmem>>
    %dma_start3A_57 = tpu.memref_squeeze %dma_start3A_56 : memref<1x1024xf32, #tpu.memory_space<vmem>> -> memref<1024xf32, #tpu.memory_space<vmem>>
    tpu.enqueue_dma source(%arg4 : memref<1024xf32, #tpu.memory_space<hbm>>) target(%dma_start3A_57 : memref<1024xf32, #tpu.memory_space<vmem>>) target_semaphore(%arg16 : memref<!tpu.dma_semaphore, #tpu.memory_space<semaphore_mem>>)
    %dma_start3A_58 = arith.constant 8 : i32
    %dma_start3A_59 = arith.constant 0 : i32
    %dma_start3A_60 = tpu.memref_slice %arg7[%dma_start3A_58, %dma_start3A_59] : memref<16x1024xf32, #tpu.memory_space<vmem>> -> memref<1x1024xf32, #tpu.memory_space<vmem>>
    %dma_start3A_61 = tpu.memref_squeeze %dma_start3A_60 : memref<1x1024xf32, #tpu.memory_space<vmem>> -> memref<1024xf32, #tpu.memory_space<vmem>>
    %dma_start3A_62 = arith.constant 0 : i32
    %dma_start3A_63 = tpu.memref_slice %arg7[%dma_start3A_58, %dma_start3A_62] : memref<16x1024xf32, #tpu.memory_space<vmem>> -> memref<1x1024xf32, #tpu.memory_space<vmem>>
    %dma_start3A_64 = tpu.memref_squeeze %dma_start3A_63 : memref<1x1024xf32, #tpu.memory_space<vmem>> -> memref<1024xf32, #tpu.memory_space<vmem>>
    tpu.enqueue_dma source(%arg4 : memref<1024xf32, #tpu.memory_space<hbm>>) target(%dma_start3A_64 : memref<1024xf32, #tpu.memory_space<vmem>>) target_semaphore(%arg16 : memref<!tpu.dma_semaphore, #tpu.memory_space<semaphore_mem>>)
    %dma_start3A_65 = arith.constant 9 : i32
    %dma_start3A_66 = arith.constant 0 : i32
    %dma_start3A_67 = tpu.memref_slice %arg7[%dma_start3A_65, %dma_start3A_66] : memref<16x1024xf32, #tpu.memory_space<vmem>> -> memref<1x1024xf32, #tpu.memory_space<vmem>>
    %dma_start3A_68 = tpu.memref_squeeze %dma_start3A_67 : memref<1x1024xf32, #tpu.memory_space<vmem>> -> memref<1024xf32, #tpu.memory_space<vmem>>
    %dma_start3A_69 = arith.constant 0 : i32
    %dma_start3A_70 = tpu.memref_slice %arg7[%dma_start3A_65, %dma_start3A_69] : memref<16x1024xf32, #tpu.memory_space<vmem>> -> memref<1x1024xf32, #tpu.memory_space<vmem>>
    %dma_start3A_71 = tpu.memref_squeeze %dma_start3A_70 : memref<1x1024xf32, #tpu.memory_space<vmem>> -> memref<1024xf32, #tpu.memory_space<vmem>>
    tpu.enqueue_dma source(%arg4 : memref<1024xf32, #tpu.memory_space<hbm>>) target(%dma_start3A_71 : memref<1024xf32, #tpu.memory_space<vmem>>) target_semaphore(%arg16 : memref<!tpu.dma_semaphore, #tpu.memory_space<semaphore_mem>>)
    %dma_start3A_72 = arith.constant 10 : i32
    %dma_start3A_73 = arith.constant 0 : i32
    %dma_start3A_74 = tpu.memref_slice %arg7[%dma_start3A_72, %dma_start3A_73] : memref<16x1024xf32, #tpu.memory_space<vmem>> -> memref<1x1024xf32, #tpu.memory_space<vmem>>
    %dma_start3A_75 = tpu.memref_squeeze %dma_start3A_74 : memref<1x1024xf32, #tpu.memory_space<vmem>> -> memref<1024xf32, #tpu.memory_space<vmem>>
    %dma_start3A_76 = arith.constant 0 : i32
    %dma_start3A_77 = tpu.memref_slice %arg7[%dma_start3A_72, %dma_start3A_76] : memref<16x1024xf32, #tpu.memory_space<vmem>> -> memref<1x1024xf32, #tpu.memory_space<vmem>>
    %dma_start3A_78 = tpu.memref_squeeze %dma_start3A_77 : memref<1x1024xf32, #tpu.memory_space<vmem>> -> memref<1024xf32, #tpu.memory_space<vmem>>
    tpu.enqueue_dma source(%arg4 : memref<1024xf32, #tpu.memory_space<hbm>>) target(%dma_start3A_78 : memref<1024xf32, #tpu.memory_space<vmem>>) target_semaphore(%arg16 : memref<!tpu.dma_semaphore, #tpu.memory_space<semaphore_mem>>)
    %dma_start3A_79 = arith.constant 11 : i32
    %dma_start3A_80 = arith.constant 0 : i32
    %dma_start3A_81 = tpu.memref_slice %arg7[%dma_start3A_79, %dma_start3A_80] : memref<16x1024xf32, #tpu.memory_space<vmem>> -> memref<1x1024xf32, #tpu.memory_space<vmem>>
    %dma_start3A_82 = tpu.memref_squeeze %dma_start3A_81 : memref<1x1024xf32, #tpu.memory_space<vmem>> -> memref<1024xf32, #tpu.memory_space<vmem>>
    %dma_start3A_83 = arith.constant 0 : i32
    %dma_start3A_84 = tpu.memref_slice %arg7[%dma_start3A_79, %dma_start3A_83] : memref<16x1024xf32, #tpu.memory_space<vmem>> -> memref<1x1024xf32, #tpu.memory_space<vmem>>
    %dma_start3A_85 = tpu.memref_squeeze %dma_start3A_84 : memref<1x1024xf32, #tpu.memory_space<vmem>> -> memref<1024xf32, #tpu.memory_space<vmem>>
    tpu.enqueue_dma source(%arg4 : memref<1024xf32, #tpu.memory_space<hbm>>) target(%dma_start3A_85 : memref<1024xf32, #tpu.memory_space<vmem>>) target_semaphore(%arg16 : memref<!tpu.dma_semaphore, #tpu.memory_space<semaphore_mem>>)
    %dma_start3A_86 = arith.constant 12 : i32
    %dma_start3A_87 = arith.constant 0 : i32
    %dma_start3A_88 = tpu.memref_slice %arg7[%dma_start3A_86, %dma_start3A_87] : memref<16x1024xf32, #tpu.memory_space<vmem>> -> memref<1x1024xf32, #tpu.memory_space<vmem>>
    %dma_start3A_89 = tpu.memref_squeeze %dma_start3A_88 : memref<1x1024xf32, #tpu.memory_space<vmem>> -> memref<1024xf32, #tpu.memory_space<vmem>>
    %dma_start3A_90 = arith.constant 0 : i32
    %dma_start3A_91 = tpu.memref_slice %arg7[%dma_start3A_86, %dma_start3A_90] : memref<16x1024xf32, #tpu.memory_space<vmem>> -> memref<1x1024xf32, #tpu.memory_space<vmem>>
    %dma_start3A_92 = tpu.memref_squeeze %dma_start3A_91 : memref<1x1024xf32, #tpu.memory_space<vmem>> -> memref<1024xf32, #tpu.memory_space<vmem>>
    tpu.enqueue_dma source(%arg4 : memref<1024xf32, #tpu.memory_space<hbm>>) target(%dma_start3A_92 : memref<1024xf32, #tpu.memory_space<vmem>>) target_semaphore(%arg16 : memref<!tpu.dma_semaphore, #tpu.memory_space<semaphore_mem>>)
    %dma_start3A_93 = arith.constant 13 : i32
    %dma_start3A_94 = arith.constant 0 : i32
    %dma_start3A_95 = tpu.memref_slice %arg7[%dma_start3A_93, %dma_start3A_94] : memref<16x1024xf32, #tpu.memory_space<vmem>> -> memref<1x1024xf32, #tpu.memory_space<vmem>>
    %dma_start3A_96 = tpu.memref_squeeze %dma_start3A_95 : memref<1x1024xf32, #tpu.memory_space<vmem>> -> memref<1024xf32, #tpu.memory_space<vmem>>
    %dma_start3A_97 = arith.constant 0 : i32
    %dma_start3A_98 = tpu.memref_slice %arg7[%dma_start3A_93, %dma_start3A_97] : memref<16x1024xf32, #tpu.memory_space<vmem>> -> memref<1x1024xf32, #tpu.memory_space<vmem>>
    %dma_start3A_99 = tpu.memref_squeeze %dma_start3A_98 : memref<1x1024xf32, #tpu.memory_space<vmem>> -> memref<1024xf32, #tpu.memory_space<vmem>>
    tpu.enqueue_dma source(%arg4 : memref<1024xf32, #tpu.memory_space<hbm>>) target(%dma_start3A_99 : memref<1024xf32, #tpu.memory_space<vmem>>) target_semaphore(%arg16 : memref<!tpu.dma_semaphore, #tpu.memory_space<semaphore_mem>>)
    %dma_start3A_100 = arith.constant 14 : i32
    %dma_start3A_101 = arith.constant 0 : i32
    %dma_start3A_102 = tpu.memref_slice %arg7[%dma_start3A_100, %dma_start3A_101] : memref<16x1024xf32, #tpu.memory_space<vmem>> -> memref<1x1024xf32, #tpu.memory_space<vmem>>
    %dma_start3A_103 = tpu.memref_squeeze %dma_start3A_102 : memref<1x1024xf32, #tpu.memory_space<vmem>> -> memref<1024xf32, #tpu.memory_space<vmem>>
    %dma_start3A_104 = arith.constant 0 : i32
    %dma_start3A_105 = tpu.memref_slice %arg7[%dma_start3A_100, %dma_start3A_104] : memref<16x1024xf32, #tpu.memory_space<vmem>> -> memref<1x1024xf32, #tpu.memory_space<vmem>>
    %dma_start3A_106 = tpu.memref_squeeze %dma_start3A_105 : memref<1x1024xf32, #tpu.memory_space<vmem>> -> memref<1024xf32, #tpu.memory_space<vmem>>
    tpu.enqueue_dma source(%arg4 : memref<1024xf32, #tpu.memory_space<hbm>>) target(%dma_start3A_106 : memref<1024xf32, #tpu.memory_space<vmem>>) target_semaphore(%arg16 : memref<!tpu.dma_semaphore, #tpu.memory_space<semaphore_mem>>)
    %dma_start3A_107 = arith.constant 15 : i32
    %dma_start3A_108 = arith.constant 0 : i32
    %dma_start3A_109 = tpu.memref_slice %arg7[%dma_start3A_107, %dma_start3A_108] : memref<16x1024xf32, #tpu.memory_space<vmem>> -> memref<1x1024xf32, #tpu.memory_space<vmem>>
    %dma_start3A_110 = tpu.memref_squeeze %dma_start3A_109 : memref<1x1024xf32, #tpu.memory_space<vmem>> -> memref<1024xf32, #tpu.memory_space<vmem>>
    %dma_start3A_111 = arith.constant 0 : i32
    %dma_start3A_112 = tpu.memref_slice %arg7[%dma_start3A_107, %dma_start3A_111] : memref<16x1024xf32, #tpu.memory_space<vmem>> -> memref<1x1024xf32, #tpu.memory_space<vmem>>
    %dma_start3A_113 = tpu.memref_squeeze %dma_start3A_112 : memref<1x1024xf32, #tpu.memory_space<vmem>> -> memref<1024xf32, #tpu.memory_space<vmem>>
    tpu.enqueue_dma source(%arg4 : memref<1024xf32, #tpu.memory_space<hbm>>) target(%dma_start3A_113 : memref<1024xf32, #tpu.memory_space<vmem>>) target_semaphore(%arg16 : memref<!tpu.dma_semaphore, #tpu.memory_space<semaphore_mem>>)
    "tpu.region"() ({
      %run_scoped3A = tpu.sem_alloc : memref<!tpu.dma_semaphore, #tpu.memory_space<semaphore_mem>>
      %dma_start3A_3359 = tpu.memref_slice %arg3[%mul3A_2] : memref<32768xf32, #tpu.memory_space<hbm>> -> memref<1024xf32, #tpu.memory_space<hbm>>
      %dma_start3A_3360 = tpu.memref_slice %arg3[%mul3A_2] : memref<32768xf32, #tpu.memory_space<hbm>> -> memref<1024xf32, #tpu.memory_space<hbm>>
      tpu.enqueue_dma source(%dma_start3A_3360 : memref<1024xf32, #tpu.memory_space<hbm>>) target(%arg6 : memref<1024xf32, #tpu.memory_space<vmem>>) target_semaphore(%run_scoped3A : memref<!tpu.dma_semaphore, #tpu.memory_space<semaphore_mem>>)
      %dma_wait3A_3361 = tpu.memref_slice %arg3[%mul3A_2] : memref<32768xf32, #tpu.memory_space<hbm>> -> memref<1024xf32, #tpu.memory_space<hbm>>
      %dma_wait3A_3362 = tpu.memref_slice %arg3[%mul3A_2] : memref<32768xf32, #tpu.memory_space<hbm>> -> memref<1024xf32, #tpu.memory_space<hbm>>
      tpu.wait_dma2 semaphore(%run_scoped3A : memref<!tpu.dma_semaphore, #tpu.memory_space<semaphore_mem>>) src(%dma_wait3A_3362 : memref<1024xf32, #tpu.memory_space<hbm>>) dst(%arg6 : memref<1024xf32, #tpu.memory_space<vmem>>)
      tpu.yield
    }) : () -> ()
    %iota3A = tpu.iota {dimensions = array<i32: 0>} : vector<16xi32>
    %get3A = arith.constant 0 : index
    %get3A_114 = tpu.vector_load %arg6[%get3A] {strides = array<i32>} : memref<1024xf32, #tpu.memory_space<vmem>>, vector<16xf32>,
    %lt3A = arith.constant 1.000000e-01 : f32
    %lt3A_115 = vector.broadcast %lt3A : f32 to vector<16xf32>
    %lt3A_116 = arith.cmpf olt, %get3A_114, %lt3A_115 : vector<16xf32>
    %add3A_117 = arith.constant 0 : i32
    %add3A_118 = arith.addi %mul3A_2, %add3A_117 : i32
    %add3A_119 = vector.broadcast %add3A_118 : i32 to vector<16xi32>
    %add3A_120 = arith.addi %add3A_119, %iota3A : vector<16xi32>
    %convert_element_type3A = arith.extui %lt3A_116 : vector<16xi1> to vector<16xi32>
    %broadcast_in_dim3A = arith.constant true
    %broadcast_in_dim3A_121 = vector.broadcast %broadcast_in_dim3A : i1 to vector<16xi1>
    %masked_cumsum3A = tpu.scan <sum>, %convert_element_type3A masked %broadcast_in_dim3A_121 : vector<16xi32>, vector<16xi1> -> vector<16xi32>
    %add3A_122 = arith.constant 0 : i32
    %add3A_123 = vector.broadcast %add3A_122 : i32 to vector<16xi32>
    %add3A_124 = arith.addi %add3A_123, %masked_cumsum3A : vector<16xi32>
    %sub3A = arith.constant 1 : i32
    %sub3A_125 = vector.broadcast %sub3A : i32 to vector<16xi32>
    %sub3A_126 = arith.subi %add3A_124, %sub3A_125 : vector<16xi32>
    tpu.vector_store_idx %arg8[%sub3A_126], %add3A_120 masked %lt3A_116 : memref<1040xi32, #tpu.memory_space<vmem>>[vector<16xi32>], vector<16xi32>, vector<16xi1>
    %reduce_sum3A = arith.constant true
    %reduce_sum3A_127 = vector.broadcast %reduce_sum3A : i1 to vector<16xi1>
    %reduce_sum3A_128 = tpu.scan <sum>, %convert_element_type3A masked %reduce_sum3A_127 : vector<16xi32>, vector<16xi1> -> vector<16xi32>
    %reduce_sum3A_129 = vector.extract %reduce_sum3A_128[15] : i32 from vector<16xi32>
    %add3A_130 = arith.constant 0 : i32
    %add3A_131 = arith.addi %add3A_130, %reduce_sum3A_129 : i32
    %get3A_132 = arith.constant 16 : index
    %get3A_133 = tpu.vector_load %arg6[%get3A_132] {strides = array<i32>} : memref<1024xf32, #tpu.memory_space<vmem>>, vector<16xf32>,
    %lt3A_134 = arith.constant 1.000000e-01 : f32
    %lt3A_135 = vector.broadcast %lt3A_134 : f32 to vector<16xf32>
    %lt3A_136 = arith.cmpf olt, %get3A_133, %lt3A_135 : vector<16xf32>
    %add3A_137 = arith.constant 16 : i32
    %add3A_138 = arith.addi %mul3A_2, %add3A_137 : i32
    %add3A_139 = vector.broadcast %add3A_138 : i32 to vector<16xi32>
    %add3A_140 = arith.addi %add3A_139, %iota3A : vector<16xi32>
    %convert_element_type3A_141 = arith.extui %lt3A_136 : vector<16xi1> to vector<16xi32>
    %broadcast_in_dim3A_142 = arith.constant true
    %broadcast_in_dim3A_143 = vector.broadcast %broadcast_in_dim3A_142 : i1 to vector<16xi1>
    %masked_cumsum3A_144 = tpu.scan <sum>, %convert_element_type3A_141 masked %broadcast_in_dim3A_143 : vector<16xi32>, vector<16xi1> -> vector<16xi32>
    %add3A_145 = vector.broadcast %add3A_131 : i32 to vector<16xi32>
    %add3A_146 = arith.addi %add3A_145, %masked_cumsum3A_144 : vector<16xi32>
    %sub3A_147 = arith.constant 1 : i32
    %sub3A_148 = vector.broadcast %sub3A_147 : i32 to vector<16xi32>
    %sub3A_149 = arith.subi %add3A_146, %sub3A_148 : vector<16xi32>
    tpu.vector_store_idx %arg8[%sub3A_149], %add3A_140 masked %lt3A_136 : memref<1040xi32, #tpu.memory_space<vmem>>[vector<16xi32>], vector<16xi32>, vector<16xi1>
    %reduce_sum3A_150 = arith.constant true
    %reduce_sum3A_151 = vector.broadcast %reduce_sum3A_150 : i1 to vector<16xi1>
    %reduce_sum3A_152 = tpu.scan <sum>, %convert_element_type3A_141 masked %reduce_sum3A_151 : vector<16xi32>, vector<16xi1> -> vector<16xi32>
    %reduce_sum3A_153 = vector.extract %reduce_sum3A_152[15] : i32 from vector<16xi32>
    %add3A_154 = arith.addi %add3A_131, %reduce_sum3A_153 : i32
    %get3A_155 = arith.constant 32 : index
    %get3A_156 = tpu.vector_load %arg6[%get3A_155] {strides = array<i32>} : memref<1024xf32, #tpu.memory_space<vmem>>, vector<16xf32>,
    %lt3A_157 = arith.constant 1.000000e-01 : f32
    %lt3A_158 = vector.broadcast %lt3A_157 : f32 to vector<16xf32>
    %lt3A_159 = arith.cmpf olt, %get3A_156, %lt3A_158 : vector<16xf32>
    %add3A_160 = arith.constant 32 : i32
    %add3A_161 = arith.addi %mul3A_2, %add3A_160 : i32
    %add3A_162 = vector.broadcast %add3A_161 : i32 to vector<16xi32>
    %add3A_163 = arith.addi %add3A_162, %iota3A : vector<16xi32>
    %convert_element_type3A_164 = arith.extui %lt3A_159 : vector<16xi1> to vector<16xi32>
    %broadcast_in_dim3A_165 = arith.constant true
    %broadcast_in_dim3A_166 = vector.broadcast %broadcast_in_dim3A_165 : i1 to vector<16xi1>
    %masked_cumsum3A_167 = tpu.scan <sum>, %convert_element_type3A_164 masked %broadcast_in_dim3A_166 : vector<16xi32>, vector<16xi1> -> vector<16xi32>
    %add3A_168 = vector.broadcast %add3A_154 : i32 to vector<16xi32>
    %add3A_169 = arith.addi %add3A_168, %masked_cumsum3A_167 : vector<16xi32>
    %sub3A_170 = arith.constant 1 : i32
    %sub3A_171 = vector.broadcast %sub3A_170 : i32 to vector<16xi32>
    %sub3A_172 = arith.subi %add3A_169, %sub3A_171 : vector<16xi32>
    tpu.vector_store_idx %arg8[%sub3A_172], %add3A_163 masked %lt3A_159 : memref<1040xi32, #tpu.memory_space<vmem>>[vector<16xi32>], vector<16xi32>, vector<16xi1>
    %reduce_sum3A_173 = arith.constant true
    %reduce_sum3A_174 = vector.broadcast %reduce_sum3A_173 : i1 to vector<16xi1>
    %reduce_sum3A_175 = tpu.scan <sum>, %convert_element_type3A_164 masked %reduce_sum3A_174 : vector<16xi32>, vector<16xi1> -> vector<16xi32>
    %reduce_sum3A_176 = vector.extract %reduce_sum3A_175[15] : i32 from vector<16xi32>
    %add3A_177 = arith.addi %add3A_154, %reduce_sum3A_176 : i32
    %get3A_178 = arith.constant 48 : index
    %get3A_179 = tpu.vector_load %arg6[%get3A_178] {strides = array<i32>} : memref<1024xf32, #tpu.memory_space<vmem>>, vector<16xf32>,
    %lt3A_180 = arith.constant 1.000000e-01 : f32
    %lt3A_181 = vector.broadcast %lt3A_180 : f32 to vector<16xf32>
    %lt3A_182 = arith.cmpf olt, %get3A_179, %lt3A_181 : vector<16xf32>
    %add3A_183 = arith.constant 48 : i32
    %add3A_184 = arith.addi %mul3A_2, %add3A_183 : i32
    %add3A_185 = vector.broadcast %add3A_184 : i32 to vector<16xi32>
    %add3A_186 = arith.addi %add3A_185, %iota3A : vector<16xi32>
    %convert_element_type3A_187 = arith.extui %lt3A_182 : vector<16xi1> to vector<16xi32>
    %broadcast_in_dim3A_188 = arith.constant true
    %broadcast_in_dim3A_189 = vector.broadcast %broadcast_in_dim3A_188 : i1 to vector<16xi1>
    %masked_cumsum3A_190 = tpu.scan <sum>, %convert_element_type3A_187 masked %broadcast_in_dim3A_189 : vector<16xi32>, vector<16xi1> -> vector<16xi32>
    %add3A_191 = vector.broadcast %add3A_177 : i32 to vector<16xi32>
    %add3A_192 = arith.addi %add3A_191, %masked_cumsum3A_190 : vector<16xi32>
    %sub3A_193 = arith.constant 1 : i32
    %sub3A_194 = vector.broadcast %sub3A_193 : i32 to vector<16xi32>
    %sub3A_195 = arith.subi %add3A_192, %sub3A_194 : vector<16xi32>
    tpu.vector_store_idx %arg8[%sub3A_195], %add3A_186 masked %lt3A_182 : memref<1040xi32, #tpu.memory_space<vmem>>[vector<16xi32>], vector<16xi32>, vector<16xi1>
    %reduce_sum3A_196 = arith.constant true
    %reduce_sum3A_197 = vector.broadcast %reduce_sum3A_196 : i1 to vector<16xi1>
    %reduce_sum3A_198 = tpu.scan <sum>, %convert_element_type3A_187 masked %reduce_sum3A_197 : vector<16xi32>, vector<16xi1> -> vector<16xi32>
    %reduce_sum3A_199 = vector.extract %reduce_sum3A_198[15] : i32 from vector<16xi32>
    %add3A_200 = arith.addi %add3A_177, %reduce_sum3A_199 : i32
    %get3A_201 = arith.constant 64 : index
    %get3A_202 = tpu.vector_load %arg6[%get3A_201] {strides = array<i32>} : memref<1024xf32, #tpu.memory_space<vmem>>, vector<16xf32>,
    %lt3A_203 = arith.constant 1.000000e-01 : f32
    %lt3A_204 = vector.broadcast %lt3A_203 : f32 to vector<16xf32>
    %lt3A_205 = arith.cmpf olt, %get3A_202, %lt3A_204 : vector<16xf32>
    %add3A_206 = arith.constant 64 : i32
    %add3A_207 = arith.addi %mul3A_2, %add3A_206 : i32
    %add3A_208 = vector.broadcast %add3A_207 : i32 to vector<16xi32>
    %add3A_209 = arith.addi %add3A_208, %iota3A : vector<16xi32>
    %convert_element_type3A_210 = arith.extui %lt3A_205 : vector<16xi1> to vector<16xi32>
    %broadcast_in_dim3A_211 = arith.constant true
    %broadcast_in_dim3A_212 = vector.broadcast %broadcast_in_dim3A_211 : i1 to vector<16xi1>
    %masked_cumsum3A_213 = tpu.scan <sum>, %convert_element_type3A_210 masked %broadcast_in_dim3A_212 : vector<16xi32>, vector<16xi1> -> vector<16xi32>
    %add3A_214 = vector.broadcast %add3A_200 : i32 to vector<16xi32>
    %add3A_215 = arith.addi %add3A_214, %masked_cumsum3A_213 : vector<16xi32>
    %sub3A_216 = arith.constant 1 : i32
    %sub3A_217 = vector.broadcast %sub3A_216 : i32 to vector<16xi32>
    %sub3A_218 = arith.subi %add3A_215, %sub3A_217 : vector<16xi32>
    tpu.vector_store_idx %arg8[%sub3A_218], %add3A_209 masked %lt3A_205 : memref<1040xi32, #tpu.memory_space<vmem>>[vector<16xi32>], vector<16xi32>, vector<16xi1>
    %reduce_sum3A_219 = arith.constant true
    %reduce_sum3A_220 = vector.broadcast %reduce_sum3A_219 : i1 to vector<16xi1>
    %reduce_sum3A_221 = tpu.scan <sum>, %convert_element_type3A_210 masked %reduce_sum3A_220 : vector<16xi32>, vector<16xi1> -> vector<16xi32>
    %reduce_sum3A_222 = vector.extract %reduce_sum3A_221[15] : i32 from vector<16xi32>
    %add3A_223 = arith.addi %add3A_200, %reduce_sum3A_222 : i32
    %get3A_224 = arith.constant 80 : index
    %get3A_225 = tpu.vector_load %arg6[%get3A_224] {strides = array<i32>} : memref<1024xf32, #tpu.memory_space<vmem>>, vector<16xf32>,
    %lt3A_226 = arith.constant 1.000000e-01 : f32
    %lt3A_227 = vector.broadcast %lt3A_226 : f32 to vector<16xf32>
    %lt3A_228 = arith.cmpf olt, %get3A_225, %lt3A_227 : vector<16xf32>
    %add3A_229 = arith.constant 80 : i32
    %add3A_230 = arith.addi %mul3A_2, %add3A_229 : i32
    %add3A_231 = vector.broadcast %add3A_230 : i32 to vector<16xi32>
    %add3A_232 = arith.addi %add3A_231, %iota3A : vector<16xi32>
    %convert_element_type3A_233 = arith.extui %lt3A_228 : vector<16xi1> to vector<16xi32>
    %broadcast_in_dim3A_234 = arith.constant true
    %broadcast_in_dim3A_235 = vector.broadcast %broadcast_in_dim3A_234 : i1 to vector<16xi1>
    %masked_cumsum3A_236 = tpu.scan <sum>, %convert_element_type3A_233 masked %broadcast_in_dim3A_235 : vector<16xi32>, vector<16xi1> -> vector<16xi32>
    %add3A_237 = vector.broadcast %add3A_223 : i32 to vector<16xi32>
    %add3A_238 = arith.addi %add3A_237, %masked_cumsum3A_236 : vector<16xi32>
    %sub3A_239 = arith.constant 1 : i32
    %sub3A_240 = vector.broadcast %sub3A_239 : i32 to vector<16xi32>
    %sub3A_241 = arith.subi %add3A_238, %sub3A_240 : vector<16xi32>
    tpu.vector_store_idx %arg8[%sub3A_241], %add3A_232 masked %lt3A_228 : memref<1040xi32, #tpu.memory_space<vmem>>[vector<16xi32>], vector<16xi32>, vector<16xi1>
    %reduce_sum3A_242 = arith.constant true
    %reduce_sum3A_243 = vector.broadcast %reduce_sum3A_242 : i1 to vector<16xi1>
    %reduce_sum3A_244 = tpu.scan <sum>, %convert_element_type3A_233 masked %reduce_sum3A_243 : vector<16xi32>, vector<16xi1> -> vector<16xi32>
    %reduce_sum3A_245 = vector.extract %reduce_sum3A_244[15] : i32 from vector<16xi32>
    %add3A_246 = arith.addi %add3A_223, %reduce_sum3A_245 : i32
    %get3A_247 = arith.constant 96 : index
    %get3A_248 = tpu.vector_load %arg6[%get3A_247] {strides = array<i32>} : memref<1024xf32, #tpu.memory_space<vmem>>, vector<16xf32>,
    %lt3A_249 = arith.constant 1.000000e-01 : f32
    %lt3A_250 = vector.broadcast %lt3A_249 : f32 to vector<16xf32>
    %lt3A_251 = arith.cmpf olt, %get3A_248, %lt3A_250 : vector<16xf32>
    %add3A_252 = arith.constant 96 : i32
    %add3A_253 = arith.addi %mul3A_2, %add3A_252 : i32
    %add3A_254 = vector.broadcast %add3A_253 : i32 to vector<16xi32>
    %add3A_255 = arith.addi %add3A_254, %iota3A : vector<16xi32>
    %convert_element_type3A_256 = arith.extui %lt3A_251 : vector<16xi1> to vector<16xi32>
    %broadcast_in_dim3A_257 = arith.constant true
    %broadcast_in_dim3A_258 = vector.broadcast %broadcast_in_dim3A_257 : i1 to vector<16xi1>
    %masked_cumsum3A_259 = tpu.scan <sum>, %convert_element_type3A_256 masked %broadcast_in_dim3A_258 : vector<16xi32>, vector<16xi1> -> vector<16xi32>
    %add3A_260 = vector.broadcast %add3A_246 : i32 to vector<16xi32>
    %add3A_261 = arith.addi %add3A_260, %masked_cumsum3A_259 : vector<16xi32>
    %sub3A_262 = arith.constant 1 : i32
    %sub3A_263 = vector.broadcast %sub3A_262 : i32 to vector<16xi32>
    %sub3A_264 = arith.subi %add3A_261, %sub3A_263 : vector<16xi32>
    tpu.vector_store_idx %arg8[%sub3A_264], %add3A_255 masked %lt3A_251 : memref<1040xi32, #tpu.memory_space<vmem>>[vector<16xi32>], vector<16xi32>, vector<16xi1>
    %reduce_sum3A_265 = arith.constant true
    %reduce_sum3A_266 = vector.broadcast %reduce_sum3A_265 : i1 to vector<16xi1>
    %reduce_sum3A_267 = tpu.scan <sum>, %convert_element_type3A_256 masked %reduce_sum3A_266 : vector<16xi32>, vector<16xi1> -> vector<16xi32>
    %reduce_sum3A_268 = vector.extract %reduce_sum3A_267[15] : i32 from vector<16xi32>
    %add3A_269 = arith.addi %add3A_246, %reduce_sum3A_268 : i32
    %get3A_270 = arith.constant 112 : index
    %get3A_271 = tpu.vector_load %arg6[%get3A_270] {strides = array<i32>} : memref<1024xf32, #tpu.memory_space<vmem>>, vector<16xf32>,
    %lt3A_272 = arith.constant 1.000000e-01 : f32
    %lt3A_273 = vector.broadcast %lt3A_272 : f32 to vector<16xf32>
    %lt3A_274 = arith.cmpf olt, %get3A_271, %lt3A_273 : vector<16xf32>
    %add3A_275 = arith.constant 112 : i32
    %add3A_276 = arith.addi %mul3A_2, %add3A_275 : i32
    %add3A_277 = vector.broadcast %add3A_276 : i32 to vector<16xi32>
    %add3A_278 = arith.addi %add3A_277, %iota3A : vector<16xi32>
    %convert_element_type3A_279 = arith.extui %lt3A_274 : vector<16xi1> to vector<16xi32>
    %broadcast_in_dim3A_280 = arith.constant true
    %broadcast_in_dim3A_281 = vector.broadcast %broadcast_in_dim3A_280 : i1 to vector<16xi1>
    %masked_cumsum3A_282 = tpu.scan <sum>, %convert_element_type3A_279 masked %broadcast_in_dim3A_281 : vector<16xi32>, vector<16xi1> -> vector<16xi32>
    %add3A_283 = vector.broadcast %add3A_269 : i32 to vector<16xi32>
    %add3A_284 = arith.addi %add3A_283, %masked_cumsum3A_282 : vector<16xi32>
    %sub3A_285 = arith.constant 1 : i32
    %sub3A_286 = vector.broadcast %sub3A_285 : i32 to vector<16xi32>
    %sub3A_287 = arith.subi %add3A_284, %sub3A_286 : vector<16xi32>
    tpu.vector_store_idx %arg8[%sub3A_287], %add3A_278 masked %lt3A_274 : memref<1040xi32, #tpu.memory_space<vmem>>[vector<16xi32>], vector<16xi32>, vector<16xi1>
    %reduce_sum3A_288 = arith.constant true
    %reduce_sum3A_289 = vector.broadcast %reduce_sum3A_288 : i1 to vector<16xi1>
    %reduce_sum3A_290 = tpu.scan <sum>, %convert_element_type3A_279 masked %reduce_sum3A_289 : vector<16xi32>, vector<16xi1> -> vector<16xi32>
    %reduce_sum3A_291 = vector.extract %reduce_sum3A_290[15] : i32 from vector<16xi32>
    %add3A_292 = arith.addi %add3A_269, %reduce_sum3A_291 : i32
    %get3A_293 = arith.constant 128 : index
    %get3A_294 = tpu.vector_load %arg6[%get3A_293] {strides = array<i32>} : memref<1024xf32, #tpu.memory_space<vmem>>, vector<16xf32>,
    %lt3A_295 = arith.constant 1.000000e-01 : f32
    %lt3A_296 = vector.broadcast %lt3A_295 : f32 to vector<16xf32>
    %lt3A_297 = arith.cmpf olt, %get3A_294, %lt3A_296 : vector<16xf32>
    %add3A_298 = arith.constant 128 : i32
    %add3A_299 = arith.addi %mul3A_2, %add3A_298 : i32
    %add3A_300 = vector.broadcast %add3A_299 : i32 to vector<16xi32>
    %add3A_301 = arith.addi %add3A_300, %iota3A : vector<16xi32>
    %convert_element_type3A_302 = arith.extui %lt3A_297 : vector<16xi1> to vector<16xi32>
    %broadcast_in_dim3A_303 = arith.constant true
    %broadcast_in_dim3A_304 = vector.broadcast %broadcast_in_dim3A_303 : i1 to vector<16xi1>
    %masked_cumsum3A_305 = tpu.scan <sum>, %convert_element_type3A_302 masked %broadcast_in_dim3A_304 : vector<16xi32>, vector<16xi1> -> vector<16xi32>
    %add3A_306 = vector.broadcast %add3A_292 : i32 to vector<16xi32>
    %add3A_307 = arith.addi %add3A_306, %masked_cumsum3A_305 : vector<16xi32>
    %sub3A_308 = arith.constant 1 : i32
    %sub3A_309 = vector.broadcast %sub3A_308 : i32 to vector<16xi32>
    %sub3A_310 = arith.subi %add3A_307, %sub3A_309 : vector<16xi32>
    tpu.vector_store_idx %arg8[%sub3A_310], %add3A_301 masked %lt3A_297 : memref<1040xi32, #tpu.memory_space<vmem>>[vector<16xi32>], vector<16xi32>, vector<16xi1>
    %reduce_sum3A_311 = arith.constant true
    %reduce_sum3A_312 = vector.broadcast %reduce_sum3A_311 : i1 to vector<16xi1>
    %reduce_sum3A_313 = tpu.scan <sum>, %convert_element_type3A_302 masked %reduce_sum3A_312 : vector<16xi32>, vector<16xi1> -> vector<16xi32>
    %reduce_sum3A_314 = vector.extract %reduce_sum3A_313[15] : i32 from vector<16xi32>
    %add3A_315 = arith.addi %add3A_292, %reduce_sum3A_314 : i32
    %get3A_316 = arith.constant 144 : index
    %get3A_317 = tpu.vector_load %arg6[%get3A_316] {strides = array<i32>} : memref<1024xf32, #tpu.memory_space<vmem>>, vector<16xf32>,
    %lt3A_318 = arith.constant 1.000000e-01 : f32
    %lt3A_319 = vector.broadcast %lt3A_318 : f32 to vector<16xf32>
    %lt3A_320 = arith.cmpf olt, %get3A_317, %lt3A_319 : vector<16xf32>
    %add3A_321 = arith.constant 144 : i32
    %add3A_322 = arith.addi %mul3A_2, %add3A_321 : i32
    %add3A_323 = vector.broadcast %add3A_322 : i32 to vector<16xi32>
    %add3A_324 = arith.addi %add3A_323, %iota3A : vector<16xi32>
    %convert_element_type3A_325 = arith.extui %lt3A_320 : vector<16xi1> to vector<16xi32>
    %broadcast_in_dim3A_326 = arith.constant true
    %broadcast_in_dim3A_327 = vector.broadcast %broadcast_in_dim3A_326 : i1 to vector<16xi1>
    %masked_cumsum3A_328 = tpu.scan <sum>, %convert_element_type3A_325 masked %broadcast_in_dim3A_327 : vector<16xi32>, vector<16xi1> -> vector<16xi32>
    %add3A_329 = vector.broadcast %add3A_315 : i32 to vector<16xi32>
    %add3A_330 = arith.addi %add3A_329, %masked_cumsum3A_328 : vector<16xi32>
    %sub3A_331 = arith.constant 1 : i32
    %sub3A_332 = vector.broadcast %sub3A_331 : i32 to vector<16xi32>
    %sub3A_333 = arith.subi %add3A_330, %sub3A_332 : vector<16xi32>
    tpu.vector_store_idx %arg8[%sub3A_333], %add3A_324 masked %lt3A_320 : memref<1040xi32, #tpu.memory_space<vmem>>[vector<16xi32>], vector<16xi32>, vector<16xi1>
    %reduce_sum3A_334 = arith.constant true
    %reduce_sum3A_335 = vector.broadcast %reduce_sum3A_334 : i1 to vector<16xi1>
    %reduce_sum3A_336 = tpu.scan <sum>, %convert_element_type3A_325 masked %reduce_sum3A_335 : vector<16xi32>, vector<16xi1> -> vector<16xi32>
    %reduce_sum3A_337 = vector.extract %reduce_sum3A_336[15] : i32 from vector<16xi32>
    %add3A_338 = arith.addi %add3A_315, %reduce_sum3A_337 : i32
    %get3A_339 = arith.constant 160 : index
    %get3A_340 = tpu.vector_load %arg6[%get3A_339] {strides = array<i32>} : memref<1024xf32, #tpu.memory_space<vmem>>, vector<16xf32>,
    %lt3A_341 = arith.constant 1.000000e-01 : f32
    %lt3A_342 = vector.broadcast %lt3A_341 : f32 to vector<16xf32>
    %lt3A_343 = arith.cmpf olt, %get3A_340, %lt3A_342 : vector<16xf32>
    %add3A_344 = arith.constant 160 : i32
    %add3A_345 = arith.addi %mul3A_2, %add3A_344 : i32
    %add3A_346 = vector.broadcast %add3A_345 : i32 to vector<16xi32>
    %add3A_347 = arith.addi %add3A_346, %iota3A : vector<16xi32>
    %convert_element_type3A_348 = arith.extui %lt3A_343 : vector<16xi1> to vector<16xi32>
    %broadcast_in_dim3A_349 = arith.constant true
    %broadcast_in_dim3A_350 = vector.broadcast %broadcast_in_dim3A_349 : i1 to vector<16xi1>
    %masked_cumsum3A_351 = tpu.scan <sum>, %convert_element_type3A_348 masked %broadcast_in_dim3A_350 : vector<16xi32>, vector<16xi1> -> vector<16xi32>
    %add3A_352 = vector.broadcast %add3A_338 : i32 to vector<16xi32>
    %add3A_353 = arith.addi %add3A_352, %masked_cumsum3A_351 : vector<16xi32>
    %sub3A_354 = arith.constant 1 : i32
    %sub3A_355 = vector.broadcast %sub3A_354 : i32 to vector<16xi32>
    %sub3A_356 = arith.subi %add3A_353, %sub3A_355 : vector<16xi32>
    tpu.vector_store_idx %arg8[%sub3A_356], %add3A_347 masked %lt3A_343 : memref<1040xi32, #tpu.memory_space<vmem>>[vector<16xi32>], vector<16xi32>, vector<16xi1>
    %reduce_sum3A_357 = arith.constant true
    %reduce_sum3A_358 = vector.broadcast %reduce_sum3A_357 : i1 to vector<16xi1>
    %reduce_sum3A_359 = tpu.scan <sum>, %convert_element_type3A_348 masked %reduce_sum3A_358 : vector<16xi32>, vector<16xi1> -> vector<16xi32>
    %reduce_sum3A_360 = vector.extract %reduce_sum3A_359[15] : i32 from vector<16xi32>
    %add3A_361 = arith.addi %add3A_338, %reduce_sum3A_360 : i32
    %get3A_362 = arith.constant 176 : index
    %get3A_363 = tpu.vector_load %arg6[%get3A_362] {strides = array<i32>} : memref<1024xf32, #tpu.memory_space<vmem>>, vector<16xf32>,
    %lt3A_364 = arith.constant 1.000000e-01 : f32
    %lt3A_365 = vector.broadcast %lt3A_364 : f32 to vector<16xf32>
    %lt3A_366 = arith.cmpf olt, %get3A_363, %lt3A_365 : vector<16xf32>
    %add3A_367 = arith.constant 176 : i32
    %add3A_368 = arith.addi %mul3A_2, %add3A_367 : i32
    %add3A_369 = vector.broadcast %add3A_368 : i32 to vector<16xi32>
    %add3A_370 = arith.addi %add3A_369, %iota3A : vector<16xi32>
    %convert_element_type3A_371 = arith.extui %lt3A_366 : vector<16xi1> to vector<16xi32>
    %broadcast_in_dim3A_372 = arith.constant true
    %broadcast_in_dim3A_373 = vector.broadcast %broadcast_in_dim3A_372 : i1 to vector<16xi1>
    %masked_cumsum3A_374 = tpu.scan <sum>, %convert_element_type3A_371 masked %broadcast_in_dim3A_373 : vector<16xi32>, vector<16xi1> -> vector<16xi32>
    %add3A_375 = vector.broadcast %add3A_361 : i32 to vector<16xi32>
    %add3A_376 = arith.addi %add3A_375, %masked_cumsum3A_374 : vector<16xi32>
    %sub3A_377 = arith.constant 1 : i32
    %sub3A_378 = vector.broadcast %sub3A_377 : i32 to vector<16xi32>
    %sub3A_379 = arith.subi %add3A_376, %sub3A_378 : vector<16xi32>
    tpu.vector_store_idx %arg8[%sub3A_379], %add3A_370 masked %lt3A_366 : memref<1040xi32, #tpu.memory_space<vmem>>[vector<16xi32>], vector<16xi32>, vector<16xi1>
    %reduce_sum3A_380 = arith.constant true
    %reduce_sum3A_381 = vector.broadcast %reduce_sum3A_380 : i1 to vector<16xi1>
    %reduce_sum3A_382 = tpu.scan <sum>, %convert_element_type3A_371 masked %reduce_sum3A_381 : vector<16xi32>, vector<16xi1> -> vector<16xi32>
    %reduce_sum3A_383 = vector.extract %reduce_sum3A_382[15] : i32 from vector<16xi32>
    %add3A_384 = arith.addi %add3A_361, %reduce_sum3A_383 : i32
    %get3A_385 = arith.constant 192 : index
    %get3A_386 = tpu.vector_load %arg6[%get3A_385] {strides = array<i32>} : memref<1024xf32, #tpu.memory_space<vmem>>, vector<16xf32>,
    %lt3A_387 = arith.constant 1.000000e-01 : f32
    %lt3A_388 = vector.broadcast %lt3A_387 : f32 to vector<16xf32>
    %lt3A_389 = arith.cmpf olt, %get3A_386, %lt3A_388 : vector<16xf32>
    %add3A_390 = arith.constant 192 : i32
    %add3A_391 = arith.addi %mul3A_2, %add3A_390 : i32
    %add3A_392 = vector.broadcast %add3A_391 : i32 to vector<16xi32>
    %add3A_393 = arith.addi %add3A_392, %iota3A : vector<16xi32>
    %convert_element_type3A_394 = arith.extui %lt3A_389 : vector<16xi1> to vector<16xi32>
    %broadcast_in_dim3A_395 = arith.constant true
    %broadcast_in_dim3A_396 = vector.broadcast %broadcast_in_dim3A_395 : i1 to vector<16xi1>
    %masked_cumsum3A_397 = tpu.scan <sum>, %convert_element_type3A_394 masked %broadcast_in_dim3A_396 : vector<16xi32>, vector<16xi1> -> vector<16xi32>
    %add3A_398 = vector.broadcast %add3A_384 : i32 to vector<16xi32>
    %add3A_399 = arith.addi %add3A_398, %masked_cumsum3A_397 : vector<16xi32>
    %sub3A_400 = arith.constant 1 : i32
    %sub3A_401 = vector.broadcast %sub3A_400 : i32 to vector<16xi32>
    %sub3A_402 = arith.subi %add3A_399, %sub3A_401 : vector<16xi32>
    tpu.vector_store_idx %arg8[%sub3A_402], %add3A_393 masked %lt3A_389 : memref<1040xi32, #tpu.memory_space<vmem>>[vector<16xi32>], vector<16xi32>, vector<16xi1>
    %reduce_sum3A_403 = arith.constant true
    %reduce_sum3A_404 = vector.broadcast %reduce_sum3A_403 : i1 to vector<16xi1>
    %reduce_sum3A_405 = tpu.scan <sum>, %convert_element_type3A_394 masked %reduce_sum3A_404 : vector<16xi32>, vector<16xi1> -> vector<16xi32>
    %reduce_sum3A_406 = vector.extract %reduce_sum3A_405[15] : i32 from vector<16xi32>
    %add3A_407 = arith.addi %add3A_384, %reduce_sum3A_406 : i32
    %get3A_408 = arith.constant 208 : index
    %get3A_409 = tpu.vector_load %arg6[%get3A_408] {strides = array<i32>} : memref<1024xf32, #tpu.memory_space<vmem>>, vector<16xf32>,
    %lt3A_410 = arith.constant 1.000000e-01 : f32
    %lt3A_411 = vector.broadcast %lt3A_410 : f32 to vector<16xf32>
    %lt3A_412 = arith.cmpf olt, %get3A_409, %lt3A_411 : vector<16xf32>
    %add3A_413 = arith.constant 208 : i32
    %add3A_414 = arith.addi %mul3A_2, %add3A_413 : i32
    %add3A_415 = vector.broadcast %add3A_414 : i32 to vector<16xi32>
    %add3A_416 = arith.addi %add3A_415, %iota3A : vector<16xi32>
    %convert_element_type3A_417 = arith.extui %lt3A_412 : vector<16xi1> to vector<16xi32>
    %broadcast_in_dim3A_418 = arith.constant true
    %broadcast_in_dim3A_419 = vector.broadcast %broadcast_in_dim3A_418 : i1 to vector<16xi1>
    %masked_cumsum3A_420 = tpu.scan <sum>, %convert_element_type3A_417 masked %broadcast_in_dim3A_419 : vector<16xi32>, vector<16xi1> -> vector<16xi32>
    %add3A_421 = vector.broadcast %add3A_407 : i32 to vector<16xi32>
    %add3A_422 = arith.addi %add3A_421, %masked_cumsum3A_420 : vector<16xi32>
    %sub3A_423 = arith.constant 1 : i32
    %sub3A_424 = vector.broadcast %sub3A_423 : i32 to vector<16xi32>
    %sub3A_425 = arith.subi %add3A_422, %sub3A_424 : vector<16xi32>
    tpu.vector_store_idx %arg8[%sub3A_425], %add3A_416 masked %lt3A_412 : memref<1040xi32, #tpu.memory_space<vmem>>[vector<16xi32>], vector<16xi32>, vector<16xi1>
    %reduce_sum3A_426 = arith.constant true
    %reduce_sum3A_427 = vector.broadcast %reduce_sum3A_426 : i1 to vector<16xi1>
    %reduce_sum3A_428 = tpu.scan <sum>, %convert_element_type3A_417 masked %reduce_sum3A_427 : vector<16xi32>, vector<16xi1> -> vector<16xi32>
    %reduce_sum3A_429 = vector.extract %reduce_sum3A_428[15] : i32 from vector<16xi32>
    %add3A_430 = arith.addi %add3A_407, %reduce_sum3A_429 : i32
    %get3A_431 = arith.constant 224 : index
    %get3A_432 = tpu.vector_load %arg6[%get3A_431] {strides = array<i32>} : memref<1024xf32, #tpu.memory_space<vmem>>, vector<16xf32>,
    %lt3A_433 = arith.constant 1.000000e-01 : f32
    %lt3A_434 = vector.broadcast %lt3A_433 : f32 to vector<16xf32>
    %lt3A_435 = arith.cmpf olt, %get3A_432, %lt3A_434 : vector<16xf32>
    %add3A_436 = arith.constant 224 : i32
    %add3A_437 = arith.addi %mul3A_2, %add3A_436 : i32
    %add3A_438 = vector.broadcast %add3A_437 : i32 to vector<16xi32>
    %add3A_439 = arith.addi %add3A_438, %iota3A : vector<16xi32>
    %convert_element_type3A_440 = arith.extui %lt3A_435 : vector<16xi1> to vector<16xi32>
    %broadcast_in_dim3A_441 = arith.constant true
    %broadcast_in_dim3A_442 = vector.broadcast %broadcast_in_dim3A_441 : i1 to vector<16xi1>
    %masked_cumsum3A_443 = tpu.scan <sum>, %convert_element_type3A_440 masked %broadcast_in_dim3A_442 : vector<16xi32>, vector<16xi1> -> vector<16xi32>
    %add3A_444 = vector.broadcast %add3A_430 : i32 to vector<16xi32>
    %add3A_445 = arith.addi %add3A_444, %masked_cumsum3A_443 : vector<16xi32>
    %sub3A_446 = arith.constant 1 : i32
    %sub3A_447 = vector.broadcast %sub3A_446 : i32 to vector<16xi32>
    %sub3A_448 = arith.subi %add3A_445, %sub3A_447 : vector<16xi32>
    tpu.vector_store_idx %arg8[%sub3A_448], %add3A_439 masked %lt3A_435 : memref<1040xi32, #tpu.memory_space<vmem>>[vector<16xi32>], vector<16xi32>, vector<16xi1>
    %reduce_sum3A_449 = arith.constant true
    %reduce_sum3A_450 = vector.broadcast %reduce_sum3A_449 : i1 to vector<16xi1>
    %reduce_sum3A_451 = tpu.scan <sum>, %convert_element_type3A_440 masked %reduce_sum3A_450 : vector<16xi32>, vector<16xi1> -> vector<16xi32>
    %reduce_sum3A_452 = vector.extract %reduce_sum3A_451[15] : i32 from vector<16xi32>
    %add3A_453 = arith.addi %add3A_430, %reduce_sum3A_452 : i32
    %get3A_454 = arith.constant 240 : index
    %get3A_455 = tpu.vector_load %arg6[%get3A_454] {strides = array<i32>} : memref<1024xf32, #tpu.memory_space<vmem>>, vector<16xf32>,
    %lt3A_456 = arith.constant 1.000000e-01 : f32
    %lt3A_457 = vector.broadcast %lt3A_456 : f32 to vector<16xf32>
    %lt3A_458 = arith.cmpf olt, %get3A_455, %lt3A_457 : vector<16xf32>
    %add3A_459 = arith.constant 240 : i32
    %add3A_460 = arith.addi %mul3A_2, %add3A_459 : i32
    %add3A_461 = vector.broadcast %add3A_460 : i32 to vector<16xi32>
    %add3A_462 = arith.addi %add3A_461, %iota3A : vector<16xi32>
    %convert_element_type3A_463 = arith.extui %lt3A_458 : vector<16xi1> to vector<16xi32>
    %broadcast_in_dim3A_464 = arith.constant true
    %broadcast_in_dim3A_465 = vector.broadcast %broadcast_in_dim3A_464 : i1 to vector<16xi1>
    %masked_cumsum3A_466 = tpu.scan <sum>, %convert_element_type3A_463 masked %broadcast_in_dim3A_465 : vector<16xi32>, vector<16xi1> -> vector<16xi32>
    %add3A_467 = vector.broadcast %add3A_453 : i32 to vector<16xi32>
    %add3A_468 = arith.addi %add3A_467, %masked_cumsum3A_466 : vector<16xi32>
    %sub3A_469 = arith.constant 1 : i32
    %sub3A_470 = vector.broadcast %sub3A_469 : i32 to vector<16xi32>
    %sub3A_471 = arith.subi %add3A_468, %sub3A_470 : vector<16xi32>
    tpu.vector_store_idx %arg8[%sub3A_471], %add3A_462 masked %lt3A_458 : memref<1040xi32, #tpu.memory_space<vmem>>[vector<16xi32>], vector<16xi32>, vector<16xi1>
    %reduce_sum3A_472 = arith.constant true
    %reduce_sum3A_473 = vector.broadcast %reduce_sum3A_472 : i1 to vector<16xi1>
    %reduce_sum3A_474 = tpu.scan <sum>, %convert_element_type3A_463 masked %reduce_sum3A_473 : vector<16xi32>, vector<16xi1> -> vector<16xi32>
    %reduce_sum3A_475 = vector.extract %reduce_sum3A_474[15] : i32 from vector<16xi32>
    %add3A_476 = arith.addi %add3A_453, %reduce_sum3A_475 : i32
    %get3A_477 = arith.constant 256 : index
    %get3A_478 = tpu.vector_load %arg6[%get3A_477] {strides = array<i32>} : memref<1024xf32, #tpu.memory_space<vmem>>, vector<16xf32>,
    %lt3A_479 = arith.constant 1.000000e-01 : f32
    %lt3A_480 = vector.broadcast %lt3A_479 : f32 to vector<16xf32>
    %lt3A_481 = arith.cmpf olt, %get3A_478, %lt3A_480 : vector<16xf32>
    %add3A_482 = arith.constant 256 : i32
    %add3A_483 = arith.addi %mul3A_2, %add3A_482 : i32
    %add3A_484 = vector.broadcast %add3A_483 : i32 to vector<16xi32>
    %add3A_485 = arith.addi %add3A_484, %iota3A : vector<16xi32>
    %convert_element_type3A_486 = arith.extui %lt3A_481 : vector<16xi1> to vector<16xi32>
    %broadcast_in_dim3A_487 = arith.constant true
    %broadcast_in_dim3A_488 = vector.broadcast %broadcast_in_dim3A_487 : i1 to vector<16xi1>
    %masked_cumsum3A_489 = tpu.scan <sum>, %convert_element_type3A_486 masked %broadcast_in_dim3A_488 : vector<16xi32>, vector<16xi1> -> vector<16xi32>
    %add3A_490 = vector.broadcast %add3A_476 : i32 to vector<16xi32>
    %add3A_491 = arith.addi %add3A_490, %masked_cumsum3A_489 : vector<16xi32>
    %sub3A_492 = arith.constant 1 : i32
    %sub3A_493 = vector.broadcast %sub3A_492 : i32 to vector<16xi32>
    %sub3A_494 = arith.subi %add3A_491, %sub3A_493 : vector<16xi32>
    tpu.vector_store_idx %arg8[%sub3A_494], %add3A_485 masked %lt3A_481 : memref<1040xi32, #tpu.memory_space<vmem>>[vector<16xi32>], vector<16xi32>, vector<16xi1>
    %reduce_sum3A_495 = arith.constant true
    %reduce_sum3A_496 = vector.broadcast %reduce_sum3A_495 : i1 to vector<16xi1>
    %reduce_sum3A_497 = tpu.scan <sum>, %convert_element_type3A_486 masked %reduce_sum3A_496 : vector<16xi32>, vector<16xi1> -> vector<16xi32>
    %reduce_sum3A_498 = vector.extract %reduce_sum3A_497[15] : i32 from vector<16xi32>
    %add3A_499 = arith.addi %add3A_476, %reduce_sum3A_498 : i32
    %get3A_500 = arith.constant 272 : index
    %get3A_501 = tpu.vector_load %arg6[%get3A_500] {strides = array<i32>} : memref<1024xf32, #tpu.memory_space<vmem>>, vector<16xf32>,
    %lt3A_502 = arith.constant 1.000000e-01 : f32
    %lt3A_503 = vector.broadcast %lt3A_502 : f32 to vector<16xf32>
    %lt3A_504 = arith.cmpf olt, %get3A_501, %lt3A_503 : vector<16xf32>
    %add3A_505 = arith.constant 272 : i32
    %add3A_506 = arith.addi %mul3A_2, %add3A_505 : i32
    %add3A_507 = vector.broadcast %add3A_506 : i32 to vector<16xi32>
    %add3A_508 = arith.addi %add3A_507, %iota3A : vector<16xi32>
    %convert_element_type3A_509 = arith.extui %lt3A_504 : vector<16xi1> to vector<16xi32>
    %broadcast_in_dim3A_510 = arith.constant true
    %broadcast_in_dim3A_511 = vector.broadcast %broadcast_in_dim3A_510 : i1 to vector<16xi1>
    %masked_cumsum3A_512 = tpu.scan <sum>, %convert_element_type3A_509 masked %broadcast_in_dim3A_511 : vector<16xi32>, vector<16xi1> -> vector<16xi32>
    %add3A_513 = vector.broadcast %add3A_499 : i32 to vector<16xi32>
    %add3A_514 = arith.addi %add3A_513, %masked_cumsum3A_512 : vector<16xi32>
    %sub3A_515 = arith.constant 1 : i32
    %sub3A_516 = vector.broadcast %sub3A_515 : i32 to vector<16xi32>
    %sub3A_517 = arith.subi %add3A_514, %sub3A_516 : vector<16xi32>
    tpu.vector_store_idx %arg8[%sub3A_517], %add3A_508 masked %lt3A_504 : memref<1040xi32, #tpu.memory_space<vmem>>[vector<16xi32>], vector<16xi32>, vector<16xi1>
    %reduce_sum3A_518 = arith.constant true
    %reduce_sum3A_519 = vector.broadcast %reduce_sum3A_518 : i1 to vector<16xi1>
    %reduce_sum3A_520 = tpu.scan <sum>, %convert_element_type3A_509 masked %reduce_sum3A_519 : vector<16xi32>, vector<16xi1> -> vector<16xi32>
    %reduce_sum3A_521 = vector.extract %reduce_sum3A_520[15] : i32 from vector<16xi32>
    %add3A_522 = arith.addi %add3A_499, %reduce_sum3A_521 : i32
    %get3A_523 = arith.constant 288 : index
    %get3A_524 = tpu.vector_load %arg6[%get3A_523] {strides = array<i32>} : memref<1024xf32, #tpu.memory_space<vmem>>, vector<16xf32>,
    %lt3A_525 = arith.constant 1.000000e-01 : f32
    %lt3A_526 = vector.broadcast %lt3A_525 : f32 to vector<16xf32>
    %lt3A_527 = arith.cmpf olt, %get3A_524, %lt3A_526 : vector<16xf32>
    %add3A_528 = arith.constant 288 : i32
    %add3A_529 = arith.addi %mul3A_2, %add3A_528 : i32
    %add3A_530 = vector.broadcast %add3A_529 : i32 to vector<16xi32>
    %add3A_531 = arith.addi %add3A_530, %iota3A : vector<16xi32>
    %convert_element_type3A_532 = arith.extui %lt3A_527 : vector<16xi1> to vector<16xi32>
    %broadcast_in_dim3A_533 = arith.constant true
    %broadcast_in_dim3A_534 = vector.broadcast %broadcast_in_dim3A_533 : i1 to vector<16xi1>
    %masked_cumsum3A_535 = tpu.scan <sum>, %convert_element_type3A_532 masked %broadcast_in_dim3A_534 : vector<16xi32>, vector<16xi1> -> vector<16xi32>
    %add3A_536 = vector.broadcast %add3A_522 : i32 to vector<16xi32>
    %add3A_537 = arith.addi %add3A_536, %masked_cumsum3A_535 : vector<16xi32>
    %sub3A_538 = arith.constant 1 : i32
    %sub3A_539 = vector.broadcast %sub3A_538 : i32 to vector<16xi32>
    %sub3A_540 = arith.subi %add3A_537, %sub3A_539 : vector<16xi32>
    tpu.vector_store_idx %arg8[%sub3A_540], %add3A_531 masked %lt3A_527 : memref<1040xi32, #tpu.memory_space<vmem>>[vector<16xi32>], vector<16xi32>, vector<16xi1>
    %reduce_sum3A_541 = arith.constant true
    %reduce_sum3A_542 = vector.broadcast %reduce_sum3A_541 : i1 to vector<16xi1>
    %reduce_sum3A_543 = tpu.scan <sum>, %convert_element_type3A_532 masked %reduce_sum3A_542 : vector<16xi32>, vector<16xi1> -> vector<16xi32>
    %reduce_sum3A_544 = vector.extract %reduce_sum3A_543[15] : i32 from vector<16xi32>
    %add3A_545 = arith.addi %add3A_522, %reduce_sum3A_544 : i32
    %get3A_546 = arith.constant 304 : index
    %get3A_547 = tpu.vector_load %arg6[%get3A_546] {strides = array<i32>} : memref<1024xf32, #tpu.memory_space<vmem>>, vector<16xf32>,
    %lt3A_548 = arith.constant 1.000000e-01 : f32
    %lt3A_549 = vector.broadcast %lt3A_548 : f32 to vector<16xf32>
    %lt3A_550 = arith.cmpf olt, %get3A_547, %lt3A_549 : vector<16xf32>
    %add3A_551 = arith.constant 304 : i32
    %add3A_552 = arith.addi %mul3A_2, %add3A_551 : i32
    %add3A_553 = vector.broadcast %add3A_552 : i32 to vector<16xi32>
    %add3A_554 = arith.addi %add3A_553, %iota3A : vector<16xi32>
    %convert_element_type3A_555 = arith.extui %lt3A_550 : vector<16xi1> to vector<16xi32>
    %broadcast_in_dim3A_556 = arith.constant true
    %broadcast_in_dim3A_557 = vector.broadcast %broadcast_in_dim3A_556 : i1 to vector<16xi1>
    %masked_cumsum3A_558 = tpu.scan <sum>, %convert_element_type3A_555 masked %broadcast_in_dim3A_557 : vector<16xi32>, vector<16xi1> -> vector<16xi32>
    %add3A_559 = vector.broadcast %add3A_545 : i32 to vector<16xi32>
    %add3A_560 = arith.addi %add3A_559, %masked_cumsum3A_558 : vector<16xi32>
    %sub3A_561 = arith.constant 1 : i32
    %sub3A_562 = vector.broadcast %sub3A_561 : i32 to vector<16xi32>
    %sub3A_563 = arith.subi %add3A_560, %sub3A_562 : vector<16xi32>
    tpu.vector_store_idx %arg8[%sub3A_563], %add3A_554 masked %lt3A_550 : memref<1040xi32, #tpu.memory_space<vmem>>[vector<16xi32>], vector<16xi32>, vector<16xi1>
    %reduce_sum3A_564 = arith.constant true
    %reduce_sum3A_565 = vector.broadcast %reduce_sum3A_564 : i1 to vector<16xi1>
    %reduce_sum3A_566 = tpu.scan <sum>, %convert_element_type3A_555 masked %reduce_sum3A_565 : vector<16xi32>, vector<16xi1> -> vector<16xi32>
    %reduce_sum3A_567 = vector.extract %reduce_sum3A_566[15] : i32 from vector<16xi32>
    %add3A_568 = arith.addi %add3A_545, %reduce_sum3A_567 : i32
    %get3A_569 = arith.constant 320 : index
    %get3A_570 = tpu.vector_load %arg6[%get3A_569] {strides = array<i32>} : memref<1024xf32, #tpu.memory_space<vmem>>, vector<16xf32>,
    %lt3A_571 = arith.constant 1.000000e-01 : f32
    %lt3A_572 = vector.broadcast %lt3A_571 : f32 to vector<16xf32>
    %lt3A_573 = arith.cmpf olt, %get3A_570, %lt3A_572 : vector<16xf32>
    %add3A_574 = arith.constant 320 : i32
    %add3A_575 = arith.addi %mul3A_2, %add3A_574 : i32
    %add3A_576 = vector.broadcast %add3A_575 : i32 to vector<16xi32>
    %add3A_577 = arith.addi %add3A_576, %iota3A : vector<16xi32>
    %convert_element_type3A_578 = arith.extui %lt3A_573 : vector<16xi1> to vector<16xi32>
    %broadcast_in_dim3A_579 = arith.constant true
    %broadcast_in_dim3A_580 = vector.broadcast %broadcast_in_dim3A_579 : i1 to vector<16xi1>
    %masked_cumsum3A_581 = tpu.scan <sum>, %convert_element_type3A_578 masked %broadcast_in_dim3A_580 : vector<16xi32>, vector<16xi1> -> vector<16xi32>
    %add3A_582 = vector.broadcast %add3A_568 : i32 to vector<16xi32>
    %add3A_583 = arith.addi %add3A_582, %masked_cumsum3A_581 : vector<16xi32>
    %sub3A_584 = arith.constant 1 : i32
    %sub3A_585 = vector.broadcast %sub3A_584 : i32 to vector<16xi32>
    %sub3A_586 = arith.subi %add3A_583, %sub3A_585 : vector<16xi32>
    tpu.vector_store_idx %arg8[%sub3A_586], %add3A_577 masked %lt3A_573 : memref<1040xi32, #tpu.memory_space<vmem>>[vector<16xi32>], vector<16xi32>, vector<16xi1>
    %reduce_sum3A_587 = arith.constant true
    %reduce_sum3A_588 = vector.broadcast %reduce_sum3A_587 : i1 to vector<16xi1>
    %reduce_sum3A_589 = tpu.scan <sum>, %convert_element_type3A_578 masked %reduce_sum3A_588 : vector<16xi32>, vector<16xi1> -> vector<16xi32>
    %reduce_sum3A_590 = vector.extract %reduce_sum3A_589[15] : i32 from vector<16xi32>
    %add3A_591 = arith.addi %add3A_568, %reduce_sum3A_590 : i32
    %get3A_592 = arith.constant 336 : index
    %get3A_593 = tpu.vector_load %arg6[%get3A_592] {strides = array<i32>} : memref<1024xf32, #tpu.memory_space<vmem>>, vector<16xf32>,
    %lt3A_594 = arith.constant 1.000000e-01 : f32
    %lt3A_595 = vector.broadcast %lt3A_594 : f32 to vector<16xf32>
    %lt3A_596 = arith.cmpf olt, %get3A_593, %lt3A_595 : vector<16xf32>
    %add3A_597 = arith.constant 336 : i32
    %add3A_598 = arith.addi %mul3A_2, %add3A_597 : i32
    %add3A_599 = vector.broadcast %add3A_598 : i32 to vector<16xi32>
    %add3A_600 = arith.addi %add3A_599, %iota3A : vector<16xi32>
    %convert_element_type3A_601 = arith.extui %lt3A_596 : vector<16xi1> to vector<16xi32>
    %broadcast_in_dim3A_602 = arith.constant true
    %broadcast_in_dim3A_603 = vector.broadcast %broadcast_in_dim3A_602 : i1 to vector<16xi1>
    %masked_cumsum3A_604 = tpu.scan <sum>, %convert_element_type3A_601 masked %broadcast_in_dim3A_603 : vector<16xi32>, vector<16xi1> -> vector<16xi32>
    %add3A_605 = vector.broadcast %add3A_591 : i32 to vector<16xi32>
    %add3A_606 = arith.addi %add3A_605, %masked_cumsum3A_604 : vector<16xi32>
    %sub3A_607 = arith.constant 1 : i32
    %sub3A_608 = vector.broadcast %sub3A_607 : i32 to vector<16xi32>
    %sub3A_609 = arith.subi %add3A_606, %sub3A_608 : vector<16xi32>
    tpu.vector_store_idx %arg8[%sub3A_609], %add3A_600 masked %lt3A_596 : memref<1040xi32, #tpu.memory_space<vmem>>[vector<16xi32>], vector<16xi32>, vector<16xi1>
    %reduce_sum3A_610 = arith.constant true
    %reduce_sum3A_611 = vector.broadcast %reduce_sum3A_610 : i1 to vector<16xi1>
    %reduce_sum3A_612 = tpu.scan <sum>, %convert_element_type3A_601 masked %reduce_sum3A_611 : vector<16xi32>, vector<16xi1> -> vector<16xi32>
    %reduce_sum3A_613 = vector.extract %reduce_sum3A_612[15] : i32 from vector<16xi32>
    %add3A_614 = arith.addi %add3A_591, %reduce_sum3A_613 : i32
    %get3A_615 = arith.constant 352 : index
    %get3A_616 = tpu.vector_load %arg6[%get3A_615] {strides = array<i32>} : memref<1024xf32, #tpu.memory_space<vmem>>, vector<16xf32>,
    %lt3A_617 = arith.constant 1.000000e-01 : f32
    %lt3A_618 = vector.broadcast %lt3A_617 : f32 to vector<16xf32>
    %lt3A_619 = arith.cmpf olt, %get3A_616, %lt3A_618 : vector<16xf32>
    %add3A_620 = arith.constant 352 : i32
    %add3A_621 = arith.addi %mul3A_2, %add3A_620 : i32
    %add3A_622 = vector.broadcast %add3A_621 : i32 to vector<16xi32>
    %add3A_623 = arith.addi %add3A_622, %iota3A : vector<16xi32>
    %convert_element_type3A_624 = arith.extui %lt3A_619 : vector<16xi1> to vector<16xi32>
    %broadcast_in_dim3A_625 = arith.constant true
    %broadcast_in_dim3A_626 = vector.broadcast %broadcast_in_dim3A_625 : i1 to vector<16xi1>
    %masked_cumsum3A_627 = tpu.scan <sum>, %convert_element_type3A_624 masked %broadcast_in_dim3A_626 : vector<16xi32>, vector<16xi1> -> vector<16xi32>
    %add3A_628 = vector.broadcast %add3A_614 : i32 to vector<16xi32>
    %add3A_629 = arith.addi %add3A_628, %masked_cumsum3A_627 : vector<16xi32>
    %sub3A_630 = arith.constant 1 : i32
    %sub3A_631 = vector.broadcast %sub3A_630 : i32 to vector<16xi32>
    %sub3A_632 = arith.subi %add3A_629, %sub3A_631 : vector<16xi32>
    tpu.vector_store_idx %arg8[%sub3A_632], %add3A_623 masked %lt3A_619 : memref<1040xi32, #tpu.memory_space<vmem>>[vector<16xi32>], vector<16xi32>, vector<16xi1>
    %reduce_sum3A_633 = arith.constant true
    %reduce_sum3A_634 = vector.broadcast %reduce_sum3A_633 : i1 to vector<16xi1>
    %reduce_sum3A_635 = tpu.scan <sum>, %convert_element_type3A_624 masked %reduce_sum3A_634 : vector<16xi32>, vector<16xi1> -> vector<16xi32>
    %reduce_sum3A_636 = vector.extract %reduce_sum3A_635[15] : i32 from vector<16xi32>
    %add3A_637 = arith.addi %add3A_614, %reduce_sum3A_636 : i32
    %get3A_638 = arith.constant 368 : index
    %get3A_639 = tpu.vector_load %arg6[%get3A_638] {strides = array<i32>} : memref<1024xf32, #tpu.memory_space<vmem>>, vector<16xf32>,
    %lt3A_640 = arith.constant 1.000000e-01 : f32
    %lt3A_641 = vector.broadcast %lt3A_640 : f32 to vector<16xf32>
    %lt3A_642 = arith.cmpf olt, %get3A_639, %lt3A_641 : vector<16xf32>
    %add3A_643 = arith.constant 368 : i32
    %add3A_644 = arith.addi %mul3A_2, %add3A_643 : i32
    %add3A_645 = vector.broadcast %add3A_644 : i32 to vector<16xi32>
    %add3A_646 = arith.addi %add3A_645, %iota3A : vector<16xi32>
    %convert_element_type3A_647 = arith.extui %lt3A_642 : vector<16xi1> to vector<16xi32>
    %broadcast_in_dim3A_648 = arith.constant true
    %broadcast_in_dim3A_649 = vector.broadcast %broadcast_in_dim3A_648 : i1 to vector<16xi1>
    %masked_cumsum3A_650 = tpu.scan <sum>, %convert_element_type3A_647 masked %broadcast_in_dim3A_649 : vector<16xi32>, vector<16xi1> -> vector<16xi32>
    %add3A_651 = vector.broadcast %add3A_637 : i32 to vector<16xi32>
    %add3A_652 = arith.addi %add3A_651, %masked_cumsum3A_650 : vector<16xi32>
    %sub3A_653 = arith.constant 1 : i32
    %sub3A_654 = vector.broadcast %sub3A_653 : i32 to vector<16xi32>
    %sub3A_655 = arith.subi %add3A_652, %sub3A_654 : vector<16xi32>
    tpu.vector_store_idx %arg8[%sub3A_655], %add3A_646 masked %lt3A_642 : memref<1040xi32, #tpu.memory_space<vmem>>[vector<16xi32>], vector<16xi32>, vector<16xi1>
    %reduce_sum3A_656 = arith.constant true
    %reduce_sum3A_657 = vector.broadcast %reduce_sum3A_656 : i1 to vector<16xi1>
    %reduce_sum3A_658 = tpu.scan <sum>, %convert_element_type3A_647 masked %reduce_sum3A_657 : vector<16xi32>, vector<16xi1> -> vector<16xi32>
    %reduce_sum3A_659 = vector.extract %reduce_sum3A_658[15] : i32 from vector<16xi32>
    %add3A_660 = arith.addi %add3A_637, %reduce_sum3A_659 : i32
    %get3A_661 = arith.constant 384 : index
    %get3A_662 = tpu.vector_load %arg6[%get3A_661] {strides = array<i32>} : memref<1024xf32, #tpu.memory_space<vmem>>, vector<16xf32>,
    %lt3A_663 = arith.constant 1.000000e-01 : f32
    %lt3A_664 = vector.broadcast %lt3A_663 : f32 to vector<16xf32>
    %lt3A_665 = arith.cmpf olt, %get3A_662, %lt3A_664 : vector<16xf32>
    %add3A_666 = arith.constant 384 : i32
    %add3A_667 = arith.addi %mul3A_2, %add3A_666 : i32
    %add3A_668 = vector.broadcast %add3A_667 : i32 to vector<16xi32>
    %add3A_669 = arith.addi %add3A_668, %iota3A : vector<16xi32>
    %convert_element_type3A_670 = arith.extui %lt3A_665 : vector<16xi1> to vector<16xi32>
    %broadcast_in_dim3A_671 = arith.constant true
    %broadcast_in_dim3A_672 = vector.broadcast %broadcast_in_dim3A_671 : i1 to vector<16xi1>
    %masked_cumsum3A_673 = tpu.scan <sum>, %convert_element_type3A_670 masked %broadcast_in_dim3A_672 : vector<16xi32>, vector<16xi1> -> vector<16xi32>
    %add3A_674 = vector.broadcast %add3A_660 : i32 to vector<16xi32>
    %add3A_675 = arith.addi %add3A_674, %masked_cumsum3A_673 : vector<16xi32>
    %sub3A_676 = arith.constant 1 : i32
    %sub3A_677 = vector.broadcast %sub3A_676 : i32 to vector<16xi32>
    %sub3A_678 = arith.subi %add3A_675, %sub3A_677 : vector<16xi32>
    tpu.vector_store_idx %arg8[%sub3A_678], %add3A_669 masked %lt3A_665 : memref<1040xi32, #tpu.memory_space<vmem>>[vector<16xi32>], vector<16xi32>, vector<16xi1>
    %reduce_sum3A_679 = arith.constant true
    %reduce_sum3A_680 = vector.broadcast %reduce_sum3A_679 : i1 to vector<16xi1>
    %reduce_sum3A_681 = tpu.scan <sum>, %convert_element_type3A_670 masked %reduce_sum3A_680 : vector<16xi32>, vector<16xi1> -> vector<16xi32>
    %reduce_sum3A_682 = vector.extract %reduce_sum3A_681[15] : i32 from vector<16xi32>
    %add3A_683 = arith.addi %add3A_660, %reduce_sum3A_682 : i32
    %get3A_684 = arith.constant 400 : index
    %get3A_685 = tpu.vector_load %arg6[%get3A_684] {strides = array<i32>} : memref<1024xf32, #tpu.memory_space<vmem>>, vector<16xf32>,
    %lt3A_686 = arith.constant 1.000000e-01 : f32
    %lt3A_687 = vector.broadcast %lt3A_686 : f32 to vector<16xf32>
    %lt3A_688 = arith.cmpf olt, %get3A_685, %lt3A_687 : vector<16xf32>
    %add3A_689 = arith.constant 400 : i32
    %add3A_690 = arith.addi %mul3A_2, %add3A_689 : i32
    %add3A_691 = vector.broadcast %add3A_690 : i32 to vector<16xi32>
    %add3A_692 = arith.addi %add3A_691, %iota3A : vector<16xi32>
    %convert_element_type3A_693 = arith.extui %lt3A_688 : vector<16xi1> to vector<16xi32>
    %broadcast_in_dim3A_694 = arith.constant true
    %broadcast_in_dim3A_695 = vector.broadcast %broadcast_in_dim3A_694 : i1 to vector<16xi1>
    %masked_cumsum3A_696 = tpu.scan <sum>, %convert_element_type3A_693 masked %broadcast_in_dim3A_695 : vector<16xi32>, vector<16xi1> -> vector<16xi32>
    %add3A_697 = vector.broadcast %add3A_683 : i32 to vector<16xi32>
    %add3A_698 = arith.addi %add3A_697, %masked_cumsum3A_696 : vector<16xi32>
    %sub3A_699 = arith.constant 1 : i32
    %sub3A_700 = vector.broadcast %sub3A_699 : i32 to vector<16xi32>
    %sub3A_701 = arith.subi %add3A_698, %sub3A_700 : vector<16xi32>
    tpu.vector_store_idx %arg8[%sub3A_701], %add3A_692 masked %lt3A_688 : memref<1040xi32, #tpu.memory_space<vmem>>[vector<16xi32>], vector<16xi32>, vector<16xi1>
    %reduce_sum3A_702 = arith.constant true
    %reduce_sum3A_703 = vector.broadcast %reduce_sum3A_702 : i1 to vector<16xi1>
    %reduce_sum3A_704 = tpu.scan <sum>, %convert_element_type3A_693 masked %reduce_sum3A_703 : vector<16xi32>, vector<16xi1> -> vector<16xi32>
    %reduce_sum3A_705 = vector.extract %reduce_sum3A_704[15] : i32 from vector<16xi32>
    %add3A_706 = arith.addi %add3A_683, %reduce_sum3A_705 : i32
    %get3A_707 = arith.constant 416 : index
    %get3A_708 = tpu.vector_load %arg6[%get3A_707] {strides = array<i32>} : memref<1024xf32, #tpu.memory_space<vmem>>, vector<16xf32>,
    %lt3A_709 = arith.constant 1.000000e-01 : f32
    %lt3A_710 = vector.broadcast %lt3A_709 : f32 to vector<16xf32>
    %lt3A_711 = arith.cmpf olt, %get3A_708, %lt3A_710 : vector<16xf32>
    %add3A_712 = arith.constant 416 : i32
    %add3A_713 = arith.addi %mul3A_2, %add3A_712 : i32
    %add3A_714 = vector.broadcast %add3A_713 : i32 to vector<16xi32>
    %add3A_715 = arith.addi %add3A_714, %iota3A : vector<16xi32>
    %convert_element_type3A_716 = arith.extui %lt3A_711 : vector<16xi1> to vector<16xi32>
    %broadcast_in_dim3A_717 = arith.constant true
    %broadcast_in_dim3A_718 = vector.broadcast %broadcast_in_dim3A_717 : i1 to vector<16xi1>
    %masked_cumsum3A_719 = tpu.scan <sum>, %convert_element_type3A_716 masked %broadcast_in_dim3A_718 : vector<16xi32>, vector<16xi1> -> vector<16xi32>
    %add3A_720 = vector.broadcast %add3A_706 : i32 to vector<16xi32>
    %add3A_721 = arith.addi %add3A_720, %masked_cumsum3A_719 : vector<16xi32>
    %sub3A_722 = arith.constant 1 : i32
    %sub3A_723 = vector.broadcast %sub3A_722 : i32 to vector<16xi32>
    %sub3A_724 = arith.subi %add3A_721, %sub3A_723 : vector<16xi32>
    tpu.vector_store_idx %arg8[%sub3A_724], %add3A_715 masked %lt3A_711 : memref<1040xi32, #tpu.memory_space<vmem>>[vector<16xi32>], vector<16xi32>, vector<16xi1>
    %reduce_sum3A_725 = arith.constant true
    %reduce_sum3A_726 = vector.broadcast %reduce_sum3A_725 : i1 to vector<16xi1>
    %reduce_sum3A_727 = tpu.scan <sum>, %convert_element_type3A_716 masked %reduce_sum3A_726 : vector<16xi32>, vector<16xi1> -> vector<16xi32>
    %reduce_sum3A_728 = vector.extract %reduce_sum3A_727[15] : i32 from vector<16xi32>
    %add3A_729 = arith.addi %add3A_706, %reduce_sum3A_728 : i32
    %get3A_730 = arith.constant 432 : index
    %get3A_731 = tpu.vector_load %arg6[%get3A_730] {strides = array<i32>} : memref<1024xf32, #tpu.memory_space<vmem>>, vector<16xf32>,
    %lt3A_732 = arith.constant 1.000000e-01 : f32
    %lt3A_733 = vector.broadcast %lt3A_732 : f32 to vector<16xf32>
    %lt3A_734 = arith.cmpf olt, %get3A_731, %lt3A_733 : vector<16xf32>
    %add3A_735 = arith.constant 432 : i32
    %add3A_736 = arith.addi %mul3A_2, %add3A_735 : i32
    %add3A_737 = vector.broadcast %add3A_736 : i32 to vector<16xi32>
    %add3A_738 = arith.addi %add3A_737, %iota3A : vector<16xi32>
    %convert_element_type3A_739 = arith.extui %lt3A_734 : vector<16xi1> to vector<16xi32>
    %broadcast_in_dim3A_740 = arith.constant true
    %broadcast_in_dim3A_741 = vector.broadcast %broadcast_in_dim3A_740 : i1 to vector<16xi1>
    %masked_cumsum3A_742 = tpu.scan <sum>, %convert_element_type3A_739 masked %broadcast_in_dim3A_741 : vector<16xi32>, vector<16xi1> -> vector<16xi32>
    %add3A_743 = vector.broadcast %add3A_729 : i32 to vector<16xi32>
    %add3A_744 = arith.addi %add3A_743, %masked_cumsum3A_742 : vector<16xi32>
    %sub3A_745 = arith.constant 1 : i32
    %sub3A_746 = vector.broadcast %sub3A_745 : i32 to vector<16xi32>
    %sub3A_747 = arith.subi %add3A_744, %sub3A_746 : vector<16xi32>
    tpu.vector_store_idx %arg8[%sub3A_747], %add3A_738 masked %lt3A_734 : memref<1040xi32, #tpu.memory_space<vmem>>[vector<16xi32>], vector<16xi32>, vector<16xi1>
    %reduce_sum3A_748 = arith.constant true
    %reduce_sum3A_749 = vector.broadcast %reduce_sum3A_748 : i1 to vector<16xi1>
    %reduce_sum3A_750 = tpu.scan <sum>, %convert_element_type3A_739 masked %reduce_sum3A_749 : vector<16xi32>, vector<16xi1> -> vector<16xi32>
    %reduce_sum3A_751 = vector.extract %reduce_sum3A_750[15] : i32 from vector<16xi32>
    %add3A_752 = arith.addi %add3A_729, %reduce_sum3A_751 : i32
    %get3A_753 = arith.constant 448 : index
    %get3A_754 = tpu.vector_load %arg6[%get3A_753] {strides = array<i32>} : memref<1024xf32, #tpu.memory_space<vmem>>, vector<16xf32>,
    %lt3A_755 = arith.constant 1.000000e-01 : f32
    %lt3A_756 = vector.broadcast %lt3A_755 : f32 to vector<16xf32>
    %lt3A_757 = arith.cmpf olt, %get3A_754, %lt3A_756 : vector<16xf32>
    %add3A_758 = arith.constant 448 : i32
    %add3A_759 = arith.addi %mul3A_2, %add3A_758 : i32
    %add3A_760 = vector.broadcast %add3A_759 : i32 to vector<16xi32>
    %add3A_761 = arith.addi %add3A_760, %iota3A : vector<16xi32>
    %convert_element_type3A_762 = arith.extui %lt3A_757 : vector<16xi1> to vector<16xi32>
    %broadcast_in_dim3A_763 = arith.constant true
    %broadcast_in_dim3A_764 = vector.broadcast %broadcast_in_dim3A_763 : i1 to vector<16xi1>
    %masked_cumsum3A_765 = tpu.scan <sum>, %convert_element_type3A_762 masked %broadcast_in_dim3A_764 : vector<16xi32>, vector<16xi1> -> vector<16xi32>
    %add3A_766 = vector.broadcast %add3A_752 : i32 to vector<16xi32>
    %add3A_767 = arith.addi %add3A_766, %masked_cumsum3A_765 : vector<16xi32>
    %sub3A_768 = arith.constant 1 : i32
    %sub3A_769 = vector.broadcast %sub3A_768 : i32 to vector<16xi32>
    %sub3A_770 = arith.subi %add3A_767, %sub3A_769 : vector<16xi32>
    tpu.vector_store_idx %arg8[%sub3A_770], %add3A_761 masked %lt3A_757 : memref<1040xi32, #tpu.memory_space<vmem>>[vector<16xi32>], vector<16xi32>, vector<16xi1>
    %reduce_sum3A_771 = arith.constant true
    %reduce_sum3A_772 = vector.broadcast %reduce_sum3A_771 : i1 to vector<16xi1>
    %reduce_sum3A_773 = tpu.scan <sum>, %convert_element_type3A_762 masked %reduce_sum3A_772 : vector<16xi32>, vector<16xi1> -> vector<16xi32>
    %reduce_sum3A_774 = vector.extract %reduce_sum3A_773[15] : i32 from vector<16xi32>
    %add3A_775 = arith.addi %add3A_752, %reduce_sum3A_774 : i32
    %get3A_776 = arith.constant 464 : index
    %get3A_777 = tpu.vector_load %arg6[%get3A_776] {strides = array<i32>} : memref<1024xf32, #tpu.memory_space<vmem>>, vector<16xf32>,
    %lt3A_778 = arith.constant 1.000000e-01 : f32
    %lt3A_779 = vector.broadcast %lt3A_778 : f32 to vector<16xf32>
    %lt3A_780 = arith.cmpf olt, %get3A_777, %lt3A_779 : vector<16xf32>
    %add3A_781 = arith.constant 464 : i32
    %add3A_782 = arith.addi %mul3A_2, %add3A_781 : i32
    %add3A_783 = vector.broadcast %add3A_782 : i32 to vector<16xi32>
    %add3A_784 = arith.addi %add3A_783, %iota3A : vector<16xi32>
    %convert_element_type3A_785 = arith.extui %lt3A_780 : vector<16xi1> to vector<16xi32>
    %broadcast_in_dim3A_786 = arith.constant true
    %broadcast_in_dim3A_787 = vector.broadcast %broadcast_in_dim3A_786 : i1 to vector<16xi1>
    %masked_cumsum3A_788 = tpu.scan <sum>, %convert_element_type3A_785 masked %broadcast_in_dim3A_787 : vector<16xi32>, vector<16xi1> -> vector<16xi32>
    %add3A_789 = vector.broadcast %add3A_775 : i32 to vector<16xi32>
    %add3A_790 = arith.addi %add3A_789, %masked_cumsum3A_788 : vector<16xi32>
    %sub3A_791 = arith.constant 1 : i32
    %sub3A_792 = vector.broadcast %sub3A_791 : i32 to vector<16xi32>
    %sub3A_793 = arith.subi %add3A_790, %sub3A_792 : vector<16xi32>
    tpu.vector_store_idx %arg8[%sub3A_793], %add3A_784 masked %lt3A_780 : memref<1040xi32, #tpu.memory_space<vmem>>[vector<16xi32>], vector<16xi32>, vector<16xi1>
    %reduce_sum3A_794 = arith.constant true
    %reduce_sum3A_795 = vector.broadcast %reduce_sum3A_794 : i1 to vector<16xi1>
    %reduce_sum3A_796 = tpu.scan <sum>, %convert_element_type3A_785 masked %reduce_sum3A_795 : vector<16xi32>, vector<16xi1> -> vector<16xi32>
    %reduce_sum3A_797 = vector.extract %reduce_sum3A_796[15] : i32 from vector<16xi32>
    %add3A_798 = arith.addi %add3A_775, %reduce_sum3A_797 : i32
    %get3A_799 = arith.constant 480 : index
    %get3A_800 = tpu.vector_load %arg6[%get3A_799] {strides = array<i32>} : memref<1024xf32, #tpu.memory_space<vmem>>, vector<16xf32>,
    %lt3A_801 = arith.constant 1.000000e-01 : f32
    %lt3A_802 = vector.broadcast %lt3A_801 : f32 to vector<16xf32>
    %lt3A_803 = arith.cmpf olt, %get3A_800, %lt3A_802 : vector<16xf32>
    %add3A_804 = arith.constant 480 : i32
    %add3A_805 = arith.addi %mul3A_2, %add3A_804 : i32
    %add3A_806 = vector.broadcast %add3A_805 : i32 to vector<16xi32>
    %add3A_807 = arith.addi %add3A_806, %iota3A : vector<16xi32>
    %convert_element_type3A_808 = arith.extui %lt3A_803 : vector<16xi1> to vector<16xi32>
    %broadcast_in_dim3A_809 = arith.constant true
    %broadcast_in_dim3A_810 = vector.broadcast %broadcast_in_dim3A_809 : i1 to vector<16xi1>
    %masked_cumsum3A_811 = tpu.scan <sum>, %convert_element_type3A_808 masked %broadcast_in_dim3A_810 : vector<16xi32>, vector<16xi1> -> vector<16xi32>
    %add3A_812 = vector.broadcast %add3A_798 : i32 to vector<16xi32>
    %add3A_813 = arith.addi %add3A_812, %masked_cumsum3A_811 : vector<16xi32>
    %sub3A_814 = arith.constant 1 : i32
    %sub3A_815 = vector.broadcast %sub3A_814 : i32 to vector<16xi32>
    %sub3A_816 = arith.subi %add3A_813, %sub3A_815 : vector<16xi32>
    tpu.vector_store_idx %arg8[%sub3A_816], %add3A_807 masked %lt3A_803 : memref<1040xi32, #tpu.memory_space<vmem>>[vector<16xi32>], vector<16xi32>, vector<16xi1>
    %reduce_sum3A_817 = arith.constant true
    %reduce_sum3A_818 = vector.broadcast %reduce_sum3A_817 : i1 to vector<16xi1>
    %reduce_sum3A_819 = tpu.scan <sum>, %convert_element_type3A_808 masked %reduce_sum3A_818 : vector<16xi32>, vector<16xi1> -> vector<16xi32>
    %reduce_sum3A_820 = vector.extract %reduce_sum3A_819[15] : i32 from vector<16xi32>
    %add3A_821 = arith.addi %add3A_798, %reduce_sum3A_820 : i32
    %get3A_822 = arith.constant 496 : index
    %get3A_823 = tpu.vector_load %arg6[%get3A_822] {strides = array<i32>} : memref<1024xf32, #tpu.memory_space<vmem>>, vector<16xf32>,
    %lt3A_824 = arith.constant 1.000000e-01 : f32
    %lt3A_825 = vector.broadcast %lt3A_824 : f32 to vector<16xf32>
    %lt3A_826 = arith.cmpf olt, %get3A_823, %lt3A_825 : vector<16xf32>
    %add3A_827 = arith.constant 496 : i32
    %add3A_828 = arith.addi %mul3A_2, %add3A_827 : i32
    %add3A_829 = vector.broadcast %add3A_828 : i32 to vector<16xi32>
    %add3A_830 = arith.addi %add3A_829, %iota3A : vector<16xi32>
    %convert_element_type3A_831 = arith.extui %lt3A_826 : vector<16xi1> to vector<16xi32>
    %broadcast_in_dim3A_832 = arith.constant true
    %broadcast_in_dim3A_833 = vector.broadcast %broadcast_in_dim3A_832 : i1 to vector<16xi1>
    %masked_cumsum3A_834 = tpu.scan <sum>, %convert_element_type3A_831 masked %broadcast_in_dim3A_833 : vector<16xi32>, vector<16xi1> -> vector<16xi32>
    %add3A_835 = vector.broadcast %add3A_821 : i32 to vector<16xi32>
    %add3A_836 = arith.addi %add3A_835, %masked_cumsum3A_834 : vector<16xi32>
    %sub3A_837 = arith.constant 1 : i32
    %sub3A_838 = vector.broadcast %sub3A_837 : i32 to vector<16xi32>
    %sub3A_839 = arith.subi %add3A_836, %sub3A_838 : vector<16xi32>
    tpu.vector_store_idx %arg8[%sub3A_839], %add3A_830 masked %lt3A_826 : memref<1040xi32, #tpu.memory_space<vmem>>[vector<16xi32>], vector<16xi32>, vector<16xi1>
    %reduce_sum3A_840 = arith.constant true
    %reduce_sum3A_841 = vector.broadcast %reduce_sum3A_840 : i1 to vector<16xi1>
    %reduce_sum3A_842 = tpu.scan <sum>, %convert_element_type3A_831 masked %reduce_sum3A_841 : vector<16xi32>, vector<16xi1> -> vector<16xi32>
    %reduce_sum3A_843 = vector.extract %reduce_sum3A_842[15] : i32 from vector<16xi32>
    %add3A_844 = arith.addi %add3A_821, %reduce_sum3A_843 : i32
    %get3A_845 = arith.constant 512 : index
    %get3A_846 = tpu.vector_load %arg6[%get3A_845] {strides = array<i32>} : memref<1024xf32, #tpu.memory_space<vmem>>, vector<16xf32>,
    %lt3A_847 = arith.constant 1.000000e-01 : f32
    %lt3A_848 = vector.broadcast %lt3A_847 : f32 to vector<16xf32>
    %lt3A_849 = arith.cmpf olt, %get3A_846, %lt3A_848 : vector<16xf32>
    %add3A_850 = arith.constant 512 : i32
    %add3A_851 = arith.addi %mul3A_2, %add3A_850 : i32
    %add3A_852 = vector.broadcast %add3A_851 : i32 to vector<16xi32>
    %add3A_853 = arith.addi %add3A_852, %iota3A : vector<16xi32>
    %convert_element_type3A_854 = arith.extui %lt3A_849 : vector<16xi1> to vector<16xi32>
    %broadcast_in_dim3A_855 = arith.constant true
    %broadcast_in_dim3A_856 = vector.broadcast %broadcast_in_dim3A_855 : i1 to vector<16xi1>
    %masked_cumsum3A_857 = tpu.scan <sum>, %convert_element_type3A_854 masked %broadcast_in_dim3A_856 : vector<16xi32>, vector<16xi1> -> vector<16xi32>
    %add3A_858 = vector.broadcast %add3A_844 : i32 to vector<16xi32>
    %add3A_859 = arith.addi %add3A_858, %masked_cumsum3A_857 : vector<16xi32>
    %sub3A_860 = arith.constant 1 : i32
    %sub3A_861 = vector.broadcast %sub3A_860 : i32 to vector<16xi32>
    %sub3A_862 = arith.subi %add3A_859, %sub3A_861 : vector<16xi32>
    tpu.vector_store_idx %arg8[%sub3A_862], %add3A_853 masked %lt3A_849 : memref<1040xi32, #tpu.memory_space<vmem>>[vector<16xi32>], vector<16xi32>, vector<16xi1>
    %reduce_sum3A_863 = arith.constant true
    %reduce_sum3A_864 = vector.broadcast %reduce_sum3A_863 : i1 to vector<16xi1>
    %reduce_sum3A_865 = tpu.scan <sum>, %convert_element_type3A_854 masked %reduce_sum3A_864 : vector<16xi32>, vector<16xi1> -> vector<16xi32>
    %reduce_sum3A_866 = vector.extract %reduce_sum3A_865[15] : i32 from vector<16xi32>
    %add3A_867 = arith.addi %add3A_844, %reduce_sum3A_866 : i32
    %get3A_868 = arith.constant 528 : index
    %get3A_869 = tpu.vector_load %arg6[%get3A_868] {strides = array<i32>} : memref<1024xf32, #tpu.memory_space<vmem>>, vector<16xf32>,
    %lt3A_870 = arith.constant 1.000000e-01 : f32
    %lt3A_871 = vector.broadcast %lt3A_870 : f32 to vector<16xf32>
    %lt3A_872 = arith.cmpf olt, %get3A_869, %lt3A_871 : vector<16xf32>
    %add3A_873 = arith.constant 528 : i32
    %add3A_874 = arith.addi %mul3A_2, %add3A_873 : i32
    %add3A_875 = vector.broadcast %add3A_874 : i32 to vector<16xi32>
    %add3A_876 = arith.addi %add3A_875, %iota3A : vector<16xi32>
    %convert_element_type3A_877 = arith.extui %lt3A_872 : vector<16xi1> to vector<16xi32>
    %broadcast_in_dim3A_878 = arith.constant true
    %broadcast_in_dim3A_879 = vector.broadcast %broadcast_in_dim3A_878 : i1 to vector<16xi1>
    %masked_cumsum3A_880 = tpu.scan <sum>, %convert_element_type3A_877 masked %broadcast_in_dim3A_879 : vector<16xi32>, vector<16xi1> -> vector<16xi32>
    %add3A_881 = vector.broadcast %add3A_867 : i32 to vector<16xi32>
    %add3A_882 = arith.addi %add3A_881, %masked_cumsum3A_880 : vector<16xi32>
    %sub3A_883 = arith.constant 1 : i32
    %sub3A_884 = vector.broadcast %sub3A_883 : i32 to vector<16xi32>
    %sub3A_885 = arith.subi %add3A_882, %sub3A_884 : vector<16xi32>
    tpu.vector_store_idx %arg8[%sub3A_885], %add3A_876 masked %lt3A_872 : memref<1040xi32, #tpu.memory_space<vmem>>[vector<16xi32>], vector<16xi32>, vector<16xi1>
    %reduce_sum3A_886 = arith.constant true
    %reduce_sum3A_887 = vector.broadcast %reduce_sum3A_886 : i1 to vector<16xi1>
    %reduce_sum3A_888 = tpu.scan <sum>, %convert_element_type3A_877 masked %reduce_sum3A_887 : vector<16xi32>, vector<16xi1> -> vector<16xi32>
    %reduce_sum3A_889 = vector.extract %reduce_sum3A_888[15] : i32 from vector<16xi32>
    %add3A_890 = arith.addi %add3A_867, %reduce_sum3A_889 : i32
    %get3A_891 = arith.constant 544 : index
    %get3A_892 = tpu.vector_load %arg6[%get3A_891] {strides = array<i32>} : memref<1024xf32, #tpu.memory_space<vmem>>, vector<16xf32>,
    %lt3A_893 = arith.constant 1.000000e-01 : f32
    %lt3A_894 = vector.broadcast %lt3A_893 : f32 to vector<16xf32>
    %lt3A_895 = arith.cmpf olt, %get3A_892, %lt3A_894 : vector<16xf32>
    %add3A_896 = arith.constant 544 : i32
    %add3A_897 = arith.addi %mul3A_2, %add3A_896 : i32
    %add3A_898 = vector.broadcast %add3A_897 : i32 to vector<16xi32>
    %add3A_899 = arith.addi %add3A_898, %iota3A : vector<16xi32>
    %convert_element_type3A_900 = arith.extui %lt3A_895 : vector<16xi1> to vector<16xi32>
    %broadcast_in_dim3A_901 = arith.constant true
    %broadcast_in_dim3A_902 = vector.broadcast %broadcast_in_dim3A_901 : i1 to vector<16xi1>
    %masked_cumsum3A_903 = tpu.scan <sum>, %convert_element_type3A_900 masked %broadcast_in_dim3A_902 : vector<16xi32>, vector<16xi1> -> vector<16xi32>
    %add3A_904 = vector.broadcast %add3A_890 : i32 to vector<16xi32>
    %add3A_905 = arith.addi %add3A_904, %masked_cumsum3A_903 : vector<16xi32>
    %sub3A_906 = arith.constant 1 : i32
    %sub3A_907 = vector.broadcast %sub3A_906 : i32 to vector<16xi32>
    %sub3A_908 = arith.subi %add3A_905, %sub3A_907 : vector<16xi32>
    tpu.vector_store_idx %arg8[%sub3A_908], %add3A_899 masked %lt3A_895 : memref<1040xi32, #tpu.memory_space<vmem>>[vector<16xi32>], vector<16xi32>, vector<16xi1>
    %reduce_sum3A_909 = arith.constant true
    %reduce_sum3A_910 = vector.broadcast %reduce_sum3A_909 : i1 to vector<16xi1>
    %reduce_sum3A_911 = tpu.scan <sum>, %convert_element_type3A_900 masked %reduce_sum3A_910 : vector<16xi32>, vector<16xi1> -> vector<16xi32>
    %reduce_sum3A_912 = vector.extract %reduce_sum3A_911[15] : i32 from vector<16xi32>
    %add3A_913 = arith.addi %add3A_890, %reduce_sum3A_912 : i32
    %get3A_914 = arith.constant 560 : index
    %get3A_915 = tpu.vector_load %arg6[%get3A_914] {strides = array<i32>} : memref<1024xf32, #tpu.memory_space<vmem>>, vector<16xf32>,
    %lt3A_916 = arith.constant 1.000000e-01 : f32
    %lt3A_917 = vector.broadcast %lt3A_916 : f32 to vector<16xf32>
    %lt3A_918 = arith.cmpf olt, %get3A_915, %lt3A_917 : vector<16xf32>
    %add3A_919 = arith.constant 560 : i32
    %add3A_920 = arith.addi %mul3A_2, %add3A_919 : i32
    %add3A_921 = vector.broadcast %add3A_920 : i32 to vector<16xi32>
    %add3A_922 = arith.addi %add3A_921, %iota3A : vector<16xi32>
    %convert_element_type3A_923 = arith.extui %lt3A_918 : vector<16xi1> to vector<16xi32>
    %broadcast_in_dim3A_924 = arith.constant true
    %broadcast_in_dim3A_925 = vector.broadcast %broadcast_in_dim3A_924 : i1 to vector<16xi1>
    %masked_cumsum3A_926 = tpu.scan <sum>, %convert_element_type3A_923 masked %broadcast_in_dim3A_925 : vector<16xi32>, vector<16xi1> -> vector<16xi32>
    %add3A_927 = vector.broadcast %add3A_913 : i32 to vector<16xi32>
    %add3A_928 = arith.addi %add3A_927, %masked_cumsum3A_926 : vector<16xi32>
    %sub3A_929 = arith.constant 1 : i32
    %sub3A_930 = vector.broadcast %sub3A_929 : i32 to vector<16xi32>
    %sub3A_931 = arith.subi %add3A_928, %sub3A_930 : vector<16xi32>
    tpu.vector_store_idx %arg8[%sub3A_931], %add3A_922 masked %lt3A_918 : memref<1040xi32, #tpu.memory_space<vmem>>[vector<16xi32>], vector<16xi32>, vector<16xi1>
    %reduce_sum3A_932 = arith.constant true
    %reduce_sum3A_933 = vector.broadcast %reduce_sum3A_932 : i1 to vector<16xi1>
    %reduce_sum3A_934 = tpu.scan <sum>, %convert_element_type3A_923 masked %reduce_sum3A_933 : vector<16xi32>, vector<16xi1> -> vector<16xi32>
    %reduce_sum3A_935 = vector.extract %reduce_sum3A_934[15] : i32 from vector<16xi32>
    %add3A_936 = arith.addi %add3A_913, %reduce_sum3A_935 : i32
    %get3A_937 = arith.constant 576 : index
    %get3A_938 = tpu.vector_load %arg6[%get3A_937] {strides = array<i32>} : memref<1024xf32, #tpu.memory_space<vmem>>, vector<16xf32>,
    %lt3A_939 = arith.constant 1.000000e-01 : f32
    %lt3A_940 = vector.broadcast %lt3A_939 : f32 to vector<16xf32>
    %lt3A_941 = arith.cmpf olt, %get3A_938, %lt3A_940 : vector<16xf32>
    %add3A_942 = arith.constant 576 : i32
    %add3A_943 = arith.addi %mul3A_2, %add3A_942 : i32
    %add3A_944 = vector.broadcast %add3A_943 : i32 to vector<16xi32>
    %add3A_945 = arith.addi %add3A_944, %iota3A : vector<16xi32>
    %convert_element_type3A_946 = arith.extui %lt3A_941 : vector<16xi1> to vector<16xi32>
    %broadcast_in_dim3A_947 = arith.constant true
    %broadcast_in_dim3A_948 = vector.broadcast %broadcast_in_dim3A_947 : i1 to vector<16xi1>
    %masked_cumsum3A_949 = tpu.scan <sum>, %convert_element_type3A_946 masked %broadcast_in_dim3A_948 : vector<16xi32>, vector<16xi1> -> vector<16xi32>
    %add3A_950 = vector.broadcast %add3A_936 : i32 to vector<16xi32>
    %add3A_951 = arith.addi %add3A_950, %masked_cumsum3A_949 : vector<16xi32>
    %sub3A_952 = arith.constant 1 : i32
    %sub3A_953 = vector.broadcast %sub3A_952 : i32 to vector<16xi32>
    %sub3A_954 = arith.subi %add3A_951, %sub3A_953 : vector<16xi32>
    tpu.vector_store_idx %arg8[%sub3A_954], %add3A_945 masked %lt3A_941 : memref<1040xi32, #tpu.memory_space<vmem>>[vector<16xi32>], vector<16xi32>, vector<16xi1>
    %reduce_sum3A_955 = arith.constant true
    %reduce_sum3A_956 = vector.broadcast %reduce_sum3A_955 : i1 to vector<16xi1>
    %reduce_sum3A_957 = tpu.scan <sum>, %convert_element_type3A_946 masked %reduce_sum3A_956 : vector<16xi32>, vector<16xi1> -> vector<16xi32>
    %reduce_sum3A_958 = vector.extract %reduce_sum3A_957[15] : i32 from vector<16xi32>
    %add3A_959 = arith.addi %add3A_936, %reduce_sum3A_958 : i32
    %get3A_960 = arith.constant 592 : index
    %get3A_961 = tpu.vector_load %arg6[%get3A_960] {strides = array<i32>} : memref<1024xf32, #tpu.memory_space<vmem>>, vector<16xf32>,
    %lt3A_962 = arith.constant 1.000000e-01 : f32
    %lt3A_963 = vector.broadcast %lt3A_962 : f32 to vector<16xf32>
    %lt3A_964 = arith.cmpf olt, %get3A_961, %lt3A_963 : vector<16xf32>
    %add3A_965 = arith.constant 592 : i32
    %add3A_966 = arith.addi %mul3A_2, %add3A_965 : i32
    %add3A_967 = vector.broadcast %add3A_966 : i32 to vector<16xi32>
    %add3A_968 = arith.addi %add3A_967, %iota3A : vector<16xi32>
    %convert_element_type3A_969 = arith.extui %lt3A_964 : vector<16xi1> to vector<16xi32>
    %broadcast_in_dim3A_970 = arith.constant true
    %broadcast_in_dim3A_971 = vector.broadcast %broadcast_in_dim3A_970 : i1 to vector<16xi1>
    %masked_cumsum3A_972 = tpu.scan <sum>, %convert_element_type3A_969 masked %broadcast_in_dim3A_971 : vector<16xi32>, vector<16xi1> -> vector<16xi32>
    %add3A_973 = vector.broadcast %add3A_959 : i32 to vector<16xi32>
    %add3A_974 = arith.addi %add3A_973, %masked_cumsum3A_972 : vector<16xi32>
    %sub3A_975 = arith.constant 1 : i32
    %sub3A_976 = vector.broadcast %sub3A_975 : i32 to vector<16xi32>
    %sub3A_977 = arith.subi %add3A_974, %sub3A_976 : vector<16xi32>
    tpu.vector_store_idx %arg8[%sub3A_977], %add3A_968 masked %lt3A_964 : memref<1040xi32, #tpu.memory_space<vmem>>[vector<16xi32>], vector<16xi32>, vector<16xi1>
    %reduce_sum3A_978 = arith.constant true
    %reduce_sum3A_979 = vector.broadcast %reduce_sum3A_978 : i1 to vector<16xi1>
    %reduce_sum3A_980 = tpu.scan <sum>, %convert_element_type3A_969 masked %reduce_sum3A_979 : vector<16xi32>, vector<16xi1> -> vector<16xi32>
    %reduce_sum3A_981 = vector.extract %reduce_sum3A_980[15] : i32 from vector<16xi32>
    %add3A_982 = arith.addi %add3A_959, %reduce_sum3A_981 : i32
    %get3A_983 = arith.constant 608 : index
    %get3A_984 = tpu.vector_load %arg6[%get3A_983] {strides = array<i32>} : memref<1024xf32, #tpu.memory_space<vmem>>, vector<16xf32>,
    %lt3A_985 = arith.constant 1.000000e-01 : f32
    %lt3A_986 = vector.broadcast %lt3A_985 : f32 to vector<16xf32>
    %lt3A_987 = arith.cmpf olt, %get3A_984, %lt3A_986 : vector<16xf32>
    %add3A_988 = arith.constant 608 : i32
    %add3A_989 = arith.addi %mul3A_2, %add3A_988 : i32
    %add3A_990 = vector.broadcast %add3A_989 : i32 to vector<16xi32>
    %add3A_991 = arith.addi %add3A_990, %iota3A : vector<16xi32>
    %convert_element_type3A_992 = arith.extui %lt3A_987 : vector<16xi1> to vector<16xi32>
    %broadcast_in_dim3A_993 = arith.constant true
    %broadcast_in_dim3A_994 = vector.broadcast %broadcast_in_dim3A_993 : i1 to vector<16xi1>
    %masked_cumsum3A_995 = tpu.scan <sum>, %convert_element_type3A_992 masked %broadcast_in_dim3A_994 : vector<16xi32>, vector<16xi1> -> vector<16xi32>
    %add3A_996 = vector.broadcast %add3A_982 : i32 to vector<16xi32>
    %add3A_997 = arith.addi %add3A_996, %masked_cumsum3A_995 : vector<16xi32>
    %sub3A_998 = arith.constant 1 : i32
    %sub3A_999 = vector.broadcast %sub3A_998 : i32 to vector<16xi32>
    %sub3A_1000 = arith.subi %add3A_997, %sub3A_999 : vector<16xi32>
    tpu.vector_store_idx %arg8[%sub3A_1000], %add3A_991 masked %lt3A_987 : memref<1040xi32, #tpu.memory_space<vmem>>[vector<16xi32>], vector<16xi32>, vector<16xi1>
    %reduce_sum3A_1001 = arith.constant true
    %reduce_sum3A_1002 = vector.broadcast %reduce_sum3A_1001 : i1 to vector<16xi1>
    %reduce_sum3A_1003 = tpu.scan <sum>, %convert_element_type3A_992 masked %reduce_sum3A_1002 : vector<16xi32>, vector<16xi1> -> vector<16xi32>
    %reduce_sum3A_1004 = vector.extract %reduce_sum3A_1003[15] : i32 from vector<16xi32>
    %add3A_1005 = arith.addi %add3A_982, %reduce_sum3A_1004 : i32
    %get3A_1006 = arith.constant 624 : index
    %get3A_1007 = tpu.vector_load %arg6[%get3A_1006] {strides = array<i32>} : memref<1024xf32, #tpu.memory_space<vmem>>, vector<16xf32>,
    %lt3A_1008 = arith.constant 1.000000e-01 : f32
    %lt3A_1009 = vector.broadcast %lt3A_1008 : f32 to vector<16xf32>
    %lt3A_1010 = arith.cmpf olt, %get3A_1007, %lt3A_1009 : vector<16xf32>
    %add3A_1011 = arith.constant 624 : i32
    %add3A_1012 = arith.addi %mul3A_2, %add3A_1011 : i32
    %add3A_1013 = vector.broadcast %add3A_1012 : i32 to vector<16xi32>
    %add3A_1014 = arith.addi %add3A_1013, %iota3A : vector<16xi32>
    %convert_element_type3A_1015 = arith.extui %lt3A_1010 : vector<16xi1> to vector<16xi32>
    %broadcast_in_dim3A_1016 = arith.constant true
    %broadcast_in_dim3A_1017 = vector.broadcast %broadcast_in_dim3A_1016 : i1 to vector<16xi1>
    %masked_cumsum3A_1018 = tpu.scan <sum>, %convert_element_type3A_1015 masked %broadcast_in_dim3A_1017 : vector<16xi32>, vector<16xi1> -> vector<16xi32>
    %add3A_1019 = vector.broadcast %add3A_1005 : i32 to vector<16xi32>
    %add3A_1020 = arith.addi %add3A_1019, %masked_cumsum3A_1018 : vector<16xi32>
    %sub3A_1021 = arith.constant 1 : i32
    %sub3A_1022 = vector.broadcast %sub3A_1021 : i32 to vector<16xi32>
    %sub3A_1023 = arith.subi %add3A_1020, %sub3A_1022 : vector<16xi32>
    tpu.vector_store_idx %arg8[%sub3A_1023], %add3A_1014 masked %lt3A_1010 : memref<1040xi32, #tpu.memory_space<vmem>>[vector<16xi32>], vector<16xi32>, vector<16xi1>
    %reduce_sum3A_1024 = arith.constant true
    %reduce_sum3A_1025 = vector.broadcast %reduce_sum3A_1024 : i1 to vector<16xi1>
    %reduce_sum3A_1026 = tpu.scan <sum>, %convert_element_type3A_1015 masked %reduce_sum3A_1025 : vector<16xi32>, vector<16xi1> -> vector<16xi32>
    %reduce_sum3A_1027 = vector.extract %reduce_sum3A_1026[15] : i32 from vector<16xi32>
    %add3A_1028 = arith.addi %add3A_1005, %reduce_sum3A_1027 : i32
    %get3A_1029 = arith.constant 640 : index
    %get3A_1030 = tpu.vector_load %arg6[%get3A_1029] {strides = array<i32>} : memref<1024xf32, #tpu.memory_space<vmem>>, vector<16xf32>,
    %lt3A_1031 = arith.constant 1.000000e-01 : f32
    %lt3A_1032 = vector.broadcast %lt3A_1031 : f32 to vector<16xf32>
    %lt3A_1033 = arith.cmpf olt, %get3A_1030, %lt3A_1032 : vector<16xf32>
    %add3A_1034 = arith.constant 640 : i32
    %add3A_1035 = arith.addi %mul3A_2, %add3A_1034 : i32
    %add3A_1036 = vector.broadcast %add3A_1035 : i32 to vector<16xi32>
    %add3A_1037 = arith.addi %add3A_1036, %iota3A : vector<16xi32>
    %convert_element_type3A_1038 = arith.extui %lt3A_1033 : vector<16xi1> to vector<16xi32>
    %broadcast_in_dim3A_1039 = arith.constant true
    %broadcast_in_dim3A_1040 = vector.broadcast %broadcast_in_dim3A_1039 : i1 to vector<16xi1>
    %masked_cumsum3A_1041 = tpu.scan <sum>, %convert_element_type3A_1038 masked %broadcast_in_dim3A_1040 : vector<16xi32>, vector<16xi1> -> vector<16xi32>
    %add3A_1042 = vector.broadcast %add3A_1028 : i32 to vector<16xi32>
    %add3A_1043 = arith.addi %add3A_1042, %masked_cumsum3A_1041 : vector<16xi32>
    %sub3A_1044 = arith.constant 1 : i32
    %sub3A_1045 = vector.broadcast %sub3A_1044 : i32 to vector<16xi32>
    %sub3A_1046 = arith.subi %add3A_1043, %sub3A_1045 : vector<16xi32>
    tpu.vector_store_idx %arg8[%sub3A_1046], %add3A_1037 masked %lt3A_1033 : memref<1040xi32, #tpu.memory_space<vmem>>[vector<16xi32>], vector<16xi32>, vector<16xi1>
    %reduce_sum3A_1047 = arith.constant true
    %reduce_sum3A_1048 = vector.broadcast %reduce_sum3A_1047 : i1 to vector<16xi1>
    %reduce_sum3A_1049 = tpu.scan <sum>, %convert_element_type3A_1038 masked %reduce_sum3A_1048 : vector<16xi32>, vector<16xi1> -> vector<16xi32>
    %reduce_sum3A_1050 = vector.extract %reduce_sum3A_1049[15] : i32 from vector<16xi32>
    %add3A_1051 = arith.addi %add3A_1028, %reduce_sum3A_1050 : i32
    %get3A_1052 = arith.constant 656 : index
    %get3A_1053 = tpu.vector_load %arg6[%get3A_1052] {strides = array<i32>} : memref<1024xf32, #tpu.memory_space<vmem>>, vector<16xf32>,
    %lt3A_1054 = arith.constant 1.000000e-01 : f32
    %lt3A_1055 = vector.broadcast %lt3A_1054 : f32 to vector<16xf32>
    %lt3A_1056 = arith.cmpf olt, %get3A_1053, %lt3A_1055 : vector<16xf32>
    %add3A_1057 = arith.constant 656 : i32
    %add3A_1058 = arith.addi %mul3A_2, %add3A_1057 : i32
    %add3A_1059 = vector.broadcast %add3A_1058 : i32 to vector<16xi32>
    %add3A_1060 = arith.addi %add3A_1059, %iota3A : vector<16xi32>
    %convert_element_type3A_1061 = arith.extui %lt3A_1056 : vector<16xi1> to vector<16xi32>
    %broadcast_in_dim3A_1062 = arith.constant true
    %broadcast_in_dim3A_1063 = vector.broadcast %broadcast_in_dim3A_1062 : i1 to vector<16xi1>
    %masked_cumsum3A_1064 = tpu.scan <sum>, %convert_element_type3A_1061 masked %broadcast_in_dim3A_1063 : vector<16xi32>, vector<16xi1> -> vector<16xi32>
    %add3A_1065 = vector.broadcast %add3A_1051 : i32 to vector<16xi32>
    %add3A_1066 = arith.addi %add3A_1065, %masked_cumsum3A_1064 : vector<16xi32>
    %sub3A_1067 = arith.constant 1 : i32
    %sub3A_1068 = vector.broadcast %sub3A_1067 : i32 to vector<16xi32>
    %sub3A_1069 = arith.subi %add3A_1066, %sub3A_1068 : vector<16xi32>
    tpu.vector_store_idx %arg8[%sub3A_1069], %add3A_1060 masked %lt3A_1056 : memref<1040xi32, #tpu.memory_space<vmem>>[vector<16xi32>], vector<16xi32>, vector<16xi1>
    %reduce_sum3A_1070 = arith.constant true
    %reduce_sum3A_1071 = vector.broadcast %reduce_sum3A_1070 : i1 to vector<16xi1>
    %reduce_sum3A_1072 = tpu.scan <sum>, %convert_element_type3A_1061 masked %reduce_sum3A_1071 : vector<16xi32>, vector<16xi1> -> vector<16xi32>
    %reduce_sum3A_1073 = vector.extract %reduce_sum3A_1072[15] : i32 from vector<16xi32>
    %add3A_1074 = arith.addi %add3A_1051, %reduce_sum3A_1073 : i32
    %get3A_1075 = arith.constant 672 : index
    %get3A_1076 = tpu.vector_load %arg6[%get3A_1075] {strides = array<i32>} : memref<1024xf32, #tpu.memory_space<vmem>>, vector<16xf32>,
    %lt3A_1077 = arith.constant 1.000000e-01 : f32
    %lt3A_1078 = vector.broadcast %lt3A_1077 : f32 to vector<16xf32>
    %lt3A_1079 = arith.cmpf olt, %get3A_1076, %lt3A_1078 : vector<16xf32>
    %add3A_1080 = arith.constant 672 : i32
    %add3A_1081 = arith.addi %mul3A_2, %add3A_1080 : i32
    %add3A_1082 = vector.broadcast %add3A_1081 : i32 to vector<16xi32>
    %add3A_1083 = arith.addi %add3A_1082, %iota3A : vector<16xi32>
    %convert_element_type3A_1084 = arith.extui %lt3A_1079 : vector<16xi1> to vector<16xi32>
    %broadcast_in_dim3A_1085 = arith.constant true
    %broadcast_in_dim3A_1086 = vector.broadcast %broadcast_in_dim3A_1085 : i1 to vector<16xi1>
    %masked_cumsum3A_1087 = tpu.scan <sum>, %convert_element_type3A_1084 masked %broadcast_in_dim3A_1086 : vector<16xi32>, vector<16xi1> -> vector<16xi32>
    %add3A_1088 = vector.broadcast %add3A_1074 : i32 to vector<16xi32>
    %add3A_1089 = arith.addi %add3A_1088, %masked_cumsum3A_1087 : vector<16xi32>
    %sub3A_1090 = arith.constant 1 : i32
    %sub3A_1091 = vector.broadcast %sub3A_1090 : i32 to vector<16xi32>
    %sub3A_1092 = arith.subi %add3A_1089, %sub3A_1091 : vector<16xi32>
    tpu.vector_store_idx %arg8[%sub3A_1092], %add3A_1083 masked %lt3A_1079 : memref<1040xi32, #tpu.memory_space<vmem>>[vector<16xi32>], vector<16xi32>, vector<16xi1>
    %reduce_sum3A_1093 = arith.constant true
    %reduce_sum3A_1094 = vector.broadcast %reduce_sum3A_1093 : i1 to vector<16xi1>
    %reduce_sum3A_1095 = tpu.scan <sum>, %convert_element_type3A_1084 masked %reduce_sum3A_1094 : vector<16xi32>, vector<16xi1> -> vector<16xi32>
    %reduce_sum3A_1096 = vector.extract %reduce_sum3A_1095[15] : i32 from vector<16xi32>
    %add3A_1097 = arith.addi %add3A_1074, %reduce_sum3A_1096 : i32
    %get3A_1098 = arith.constant 688 : index
    %get3A_1099 = tpu.vector_load %arg6[%get3A_1098] {strides = array<i32>} : memref<1024xf32, #tpu.memory_space<vmem>>, vector<16xf32>,
    %lt3A_1100 = arith.constant 1.000000e-01 : f32
    %lt3A_1101 = vector.broadcast %lt3A_1100 : f32 to vector<16xf32>
    %lt3A_1102 = arith.cmpf olt, %get3A_1099, %lt3A_1101 : vector<16xf32>
    %add3A_1103 = arith.constant 688 : i32
    %add3A_1104 = arith.addi %mul3A_2, %add3A_1103 : i32
    %add3A_1105 = vector.broadcast %add3A_1104 : i32 to vector<16xi32>
    %add3A_1106 = arith.addi %add3A_1105, %iota3A : vector<16xi32>
    %convert_element_type3A_1107 = arith.extui %lt3A_1102 : vector<16xi1> to vector<16xi32>
    %broadcast_in_dim3A_1108 = arith.constant true
    %broadcast_in_dim3A_1109 = vector.broadcast %broadcast_in_dim3A_1108 : i1 to vector<16xi1>
    %masked_cumsum3A_1110 = tpu.scan <sum>, %convert_element_type3A_1107 masked %broadcast_in_dim3A_1109 : vector<16xi32>, vector<16xi1> -> vector<16xi32>
    %add3A_1111 = vector.broadcast %add3A_1097 : i32 to vector<16xi32>
    %add3A_1112 = arith.addi %add3A_1111, %masked_cumsum3A_1110 : vector<16xi32>
    %sub3A_1113 = arith.constant 1 : i32
    %sub3A_1114 = vector.broadcast %sub3A_1113 : i32 to vector<16xi32>
    %sub3A_1115 = arith.subi %add3A_1112, %sub3A_1114 : vector<16xi32>
    tpu.vector_store_idx %arg8[%sub3A_1115], %add3A_1106 masked %lt3A_1102 : memref<1040xi32, #tpu.memory_space<vmem>>[vector<16xi32>], vector<16xi32>, vector<16xi1>
    %reduce_sum3A_1116 = arith.constant true
    %reduce_sum3A_1117 = vector.broadcast %reduce_sum3A_1116 : i1 to vector<16xi1>
    %reduce_sum3A_1118 = tpu.scan <sum>, %convert_element_type3A_1107 masked %reduce_sum3A_1117 : vector<16xi32>, vector<16xi1> -> vector<16xi32>
    %reduce_sum3A_1119 = vector.extract %reduce_sum3A_1118[15] : i32 from vector<16xi32>
    %add3A_1120 = arith.addi %add3A_1097, %reduce_sum3A_1119 : i32
    %get3A_1121 = arith.constant 704 : index
    %get3A_1122 = tpu.vector_load %arg6[%get3A_1121] {strides = array<i32>} : memref<1024xf32, #tpu.memory_space<vmem>>, vector<16xf32>,
    %lt3A_1123 = arith.constant 1.000000e-01 : f32
    %lt3A_1124 = vector.broadcast %lt3A_1123 : f32 to vector<16xf32>
    %lt3A_1125 = arith.cmpf olt, %get3A_1122, %lt3A_1124 : vector<16xf32>
    %add3A_1126 = arith.constant 704 : i32
    %add3A_1127 = arith.addi %mul3A_2, %add3A_1126 : i32
    %add3A_1128 = vector.broadcast %add3A_1127 : i32 to vector<16xi32>
    %add3A_1129 = arith.addi %add3A_1128, %iota3A : vector<16xi32>
    %convert_element_type3A_1130 = arith.extui %lt3A_1125 : vector<16xi1> to vector<16xi32>
    %broadcast_in_dim3A_1131 = arith.constant true
    %broadcast_in_dim3A_1132 = vector.broadcast %broadcast_in_dim3A_1131 : i1 to vector<16xi1>
    %masked_cumsum3A_1133 = tpu.scan <sum>, %convert_element_type3A_1130 masked %broadcast_in_dim3A_1132 : vector<16xi32>, vector<16xi1> -> vector<16xi32>
    %add3A_1134 = vector.broadcast %add3A_1120 : i32 to vector<16xi32>
    %add3A_1135 = arith.addi %add3A_1134, %masked_cumsum3A_1133 : vector<16xi32>
    %sub3A_1136 = arith.constant 1 : i32
    %sub3A_1137 = vector.broadcast %sub3A_1136 : i32 to vector<16xi32>
    %sub3A_1138 = arith.subi %add3A_1135, %sub3A_1137 : vector<16xi32>
    tpu.vector_store_idx %arg8[%sub3A_1138], %add3A_1129 masked %lt3A_1125 : memref<1040xi32, #tpu.memory_space<vmem>>[vector<16xi32>], vector<16xi32>, vector<16xi1>
    %reduce_sum3A_1139 = arith.constant true
    %reduce_sum3A_1140 = vector.broadcast %reduce_sum3A_1139 : i1 to vector<16xi1>
    %reduce_sum3A_1141 = tpu.scan <sum>, %convert_element_type3A_1130 masked %reduce_sum3A_1140 : vector<16xi32>, vector<16xi1> -> vector<16xi32>
    %reduce_sum3A_1142 = vector.extract %reduce_sum3A_1141[15] : i32 from vector<16xi32>
    %add3A_1143 = arith.addi %add3A_1120, %reduce_sum3A_1142 : i32
    %get3A_1144 = arith.constant 720 : index
    %get3A_1145 = tpu.vector_load %arg6[%get3A_1144] {strides = array<i32>} : memref<1024xf32, #tpu.memory_space<vmem>>, vector<16xf32>,
    %lt3A_1146 = arith.constant 1.000000e-01 : f32
    %lt3A_1147 = vector.broadcast %lt3A_1146 : f32 to vector<16xf32>
    %lt3A_1148 = arith.cmpf olt, %get3A_1145, %lt3A_1147 : vector<16xf32>
    %add3A_1149 = arith.constant 720 : i32
    %add3A_1150 = arith.addi %mul3A_2, %add3A_1149 : i32
    %add3A_1151 = vector.broadcast %add3A_1150 : i32 to vector<16xi32>
    %add3A_1152 = arith.addi %add3A_1151, %iota3A : vector<16xi32>
    %convert_element_type3A_1153 = arith.extui %lt3A_1148 : vector<16xi1> to vector<16xi32>
    %broadcast_in_dim3A_1154 = arith.constant true
    %broadcast_in_dim3A_1155 = vector.broadcast %broadcast_in_dim3A_1154 : i1 to vector<16xi1>
    %masked_cumsum3A_1156 = tpu.scan <sum>, %convert_element_type3A_1153 masked %broadcast_in_dim3A_1155 : vector<16xi32>, vector<16xi1> -> vector<16xi32>
    %add3A_1157 = vector.broadcast %add3A_1143 : i32 to vector<16xi32>
    %add3A_1158 = arith.addi %add3A_1157, %masked_cumsum3A_1156 : vector<16xi32>
    %sub3A_1159 = arith.constant 1 : i32
    %sub3A_1160 = vector.broadcast %sub3A_1159 : i32 to vector<16xi32>
    %sub3A_1161 = arith.subi %add3A_1158, %sub3A_1160 : vector<16xi32>
    tpu.vector_store_idx %arg8[%sub3A_1161], %add3A_1152 masked %lt3A_1148 : memref<1040xi32, #tpu.memory_space<vmem>>[vector<16xi32>], vector<16xi32>, vector<16xi1>
    %reduce_sum3A_1162 = arith.constant true
    %reduce_sum3A_1163 = vector.broadcast %reduce_sum3A_1162 : i1 to vector<16xi1>
    %reduce_sum3A_1164 = tpu.scan <sum>, %convert_element_type3A_1153 masked %reduce_sum3A_1163 : vector<16xi32>, vector<16xi1> -> vector<16xi32>
    %reduce_sum3A_1165 = vector.extract %reduce_sum3A_1164[15] : i32 from vector<16xi32>
    %add3A_1166 = arith.addi %add3A_1143, %reduce_sum3A_1165 : i32
    %get3A_1167 = arith.constant 736 : index
    %get3A_1168 = tpu.vector_load %arg6[%get3A_1167] {strides = array<i32>} : memref<1024xf32, #tpu.memory_space<vmem>>, vector<16xf32>,
    %lt3A_1169 = arith.constant 1.000000e-01 : f32
    %lt3A_1170 = vector.broadcast %lt3A_1169 : f32 to vector<16xf32>
    %lt3A_1171 = arith.cmpf olt, %get3A_1168, %lt3A_1170 : vector<16xf32>
    %add3A_1172 = arith.constant 736 : i32
    %add3A_1173 = arith.addi %mul3A_2, %add3A_1172 : i32
    %add3A_1174 = vector.broadcast %add3A_1173 : i32 to vector<16xi32>
    %add3A_1175 = arith.addi %add3A_1174, %iota3A : vector<16xi32>
    %convert_element_type3A_1176 = arith.extui %lt3A_1171 : vector<16xi1> to vector<16xi32>
    %broadcast_in_dim3A_1177 = arith.constant true
    %broadcast_in_dim3A_1178 = vector.broadcast %broadcast_in_dim3A_1177 : i1 to vector<16xi1>
    %masked_cumsum3A_1179 = tpu.scan <sum>, %convert_element_type3A_1176 masked %broadcast_in_dim3A_1178 : vector<16xi32>, vector<16xi1> -> vector<16xi32>
    %add3A_1180 = vector.broadcast %add3A_1166 : i32 to vector<16xi32>
    %add3A_1181 = arith.addi %add3A_1180, %masked_cumsum3A_1179 : vector<16xi32>
    %sub3A_1182 = arith.constant 1 : i32
    %sub3A_1183 = vector.broadcast %sub3A_1182 : i32 to vector<16xi32>
    %sub3A_1184 = arith.subi %add3A_1181, %sub3A_1183 : vector<16xi32>
    tpu.vector_store_idx %arg8[%sub3A_1184], %add3A_1175 masked %lt3A_1171 : memref<1040xi32, #tpu.memory_space<vmem>>[vector<16xi32>], vector<16xi32>, vector<16xi1>
    %reduce_sum3A_1185 = arith.constant true
    %reduce_sum3A_1186 = vector.broadcast %reduce_sum3A_1185 : i1 to vector<16xi1>
    %reduce_sum3A_1187 = tpu.scan <sum>, %convert_element_type3A_1176 masked %reduce_sum3A_1186 : vector<16xi32>, vector<16xi1> -> vector<16xi32>
    %reduce_sum3A_1188 = vector.extract %reduce_sum3A_1187[15] : i32 from vector<16xi32>
    %add3A_1189 = arith.addi %add3A_1166, %reduce_sum3A_1188 : i32
    %get3A_1190 = arith.constant 752 : index
    %get3A_1191 = tpu.vector_load %arg6[%get3A_1190] {strides = array<i32>} : memref<1024xf32, #tpu.memory_space<vmem>>, vector<16xf32>,
    %lt3A_1192 = arith.constant 1.000000e-01 : f32
    %lt3A_1193 = vector.broadcast %lt3A_1192 : f32 to vector<16xf32>
    %lt3A_1194 = arith.cmpf olt, %get3A_1191, %lt3A_1193 : vector<16xf32>
    %add3A_1195 = arith.constant 752 : i32
    %add3A_1196 = arith.addi %mul3A_2, %add3A_1195 : i32
    %add3A_1197 = vector.broadcast %add3A_1196 : i32 to vector<16xi32>
    %add3A_1198 = arith.addi %add3A_1197, %iota3A : vector<16xi32>
    %convert_element_type3A_1199 = arith.extui %lt3A_1194 : vector<16xi1> to vector<16xi32>
    %broadcast_in_dim3A_1200 = arith.constant true
    %broadcast_in_dim3A_1201 = vector.broadcast %broadcast_in_dim3A_1200 : i1 to vector<16xi1>
    %masked_cumsum3A_1202 = tpu.scan <sum>, %convert_element_type3A_1199 masked %broadcast_in_dim3A_1201 : vector<16xi32>, vector<16xi1> -> vector<16xi32>
    %add3A_1203 = vector.broadcast %add3A_1189 : i32 to vector<16xi32>
    %add3A_1204 = arith.addi %add3A_1203, %masked_cumsum3A_1202 : vector<16xi32>
    %sub3A_1205 = arith.constant 1 : i32
    %sub3A_1206 = vector.broadcast %sub3A_1205 : i32 to vector<16xi32>
    %sub3A_1207 = arith.subi %add3A_1204, %sub3A_1206 : vector<16xi32>
    tpu.vector_store_idx %arg8[%sub3A_1207], %add3A_1198 masked %lt3A_1194 : memref<1040xi32, #tpu.memory_space<vmem>>[vector<16xi32>], vector<16xi32>, vector<16xi1>
    %reduce_sum3A_1208 = arith.constant true
    %reduce_sum3A_1209 = vector.broadcast %reduce_sum3A_1208 : i1 to vector<16xi1>
    %reduce_sum3A_1210 = tpu.scan <sum>, %convert_element_type3A_1199 masked %reduce_sum3A_1209 : vector<16xi32>, vector<16xi1> -> vector<16xi32>
    %reduce_sum3A_1211 = vector.extract %reduce_sum3A_1210[15] : i32 from vector<16xi32>
    %add3A_1212 = arith.addi %add3A_1189, %reduce_sum3A_1211 : i32
    %get3A_1213 = arith.constant 768 : index
    %get3A_1214 = tpu.vector_load %arg6[%get3A_1213] {strides = array<i32>} : memref<1024xf32, #tpu.memory_space<vmem>>, vector<16xf32>,
    %lt3A_1215 = arith.constant 1.000000e-01 : f32
    %lt3A_1216 = vector.broadcast %lt3A_1215 : f32 to vector<16xf32>
    %lt3A_1217 = arith.cmpf olt, %get3A_1214, %lt3A_1216 : vector<16xf32>
    %add3A_1218 = arith.constant 768 : i32
    %add3A_1219 = arith.addi %mul3A_2, %add3A_1218 : i32
    %add3A_1220 = vector.broadcast %add3A_1219 : i32 to vector<16xi32>
    %add3A_1221 = arith.addi %add3A_1220, %iota3A : vector<16xi32>
    %convert_element_type3A_1222 = arith.extui %lt3A_1217 : vector<16xi1> to vector<16xi32>
    %broadcast_in_dim3A_1223 = arith.constant true
    %broadcast_in_dim3A_1224 = vector.broadcast %broadcast_in_dim3A_1223 : i1 to vector<16xi1>
    %masked_cumsum3A_1225 = tpu.scan <sum>, %convert_element_type3A_1222 masked %broadcast_in_dim3A_1224 : vector<16xi32>, vector<16xi1> -> vector<16xi32>
    %add3A_1226 = vector.broadcast %add3A_1212 : i32 to vector<16xi32>
    %add3A_1227 = arith.addi %add3A_1226, %masked_cumsum3A_1225 : vector<16xi32>
    %sub3A_1228 = arith.constant 1 : i32
    %sub3A_1229 = vector.broadcast %sub3A_1228 : i32 to vector<16xi32>
    %sub3A_1230 = arith.subi %add3A_1227, %sub3A_1229 : vector<16xi32>
    tpu.vector_store_idx %arg8[%sub3A_1230], %add3A_1221 masked %lt3A_1217 : memref<1040xi32, #tpu.memory_space<vmem>>[vector<16xi32>], vector<16xi32>, vector<16xi1>
    %reduce_sum3A_1231 = arith.constant true
    %reduce_sum3A_1232 = vector.broadcast %reduce_sum3A_1231 : i1 to vector<16xi1>
    %reduce_sum3A_1233 = tpu.scan <sum>, %convert_element_type3A_1222 masked %reduce_sum3A_1232 : vector<16xi32>, vector<16xi1> -> vector<16xi32>
    %reduce_sum3A_1234 = vector.extract %reduce_sum3A_1233[15] : i32 from vector<16xi32>
    %add3A_1235 = arith.addi %add3A_1212, %reduce_sum3A_1234 : i32
    %get3A_1236 = arith.constant 784 : index
    %get3A_1237 = tpu.vector_load %arg6[%get3A_1236] {strides = array<i32>} : memref<1024xf32, #tpu.memory_space<vmem>>, vector<16xf32>,
    %lt3A_1238 = arith.constant 1.000000e-01 : f32
    %lt3A_1239 = vector.broadcast %lt3A_1238 : f32 to vector<16xf32>
    %lt3A_1240 = arith.cmpf olt, %get3A_1237, %lt3A_1239 : vector<16xf32>
    %add3A_1241 = arith.constant 784 : i32
    %add3A_1242 = arith.addi %mul3A_2, %add3A_1241 : i32
    %add3A_1243 = vector.broadcast %add3A_1242 : i32 to vector<16xi32>
    %add3A_1244 = arith.addi %add3A_1243, %iota3A : vector<16xi32>
    %convert_element_type3A_1245 = arith.extui %lt3A_1240 : vector<16xi1> to vector<16xi32>
    %broadcast_in_dim3A_1246 = arith.constant true
    %broadcast_in_dim3A_1247 = vector.broadcast %broadcast_in_dim3A_1246 : i1 to vector<16xi1>
    %masked_cumsum3A_1248 = tpu.scan <sum>, %convert_element_type3A_1245 masked %broadcast_in_dim3A_1247 : vector<16xi32>, vector<16xi1> -> vector<16xi32>
    %add3A_1249 = vector.broadcast %add3A_1235 : i32 to vector<16xi32>
    %add3A_1250 = arith.addi %add3A_1249, %masked_cumsum3A_1248 : vector<16xi32>
    %sub3A_1251 = arith.constant 1 : i32
    %sub3A_1252 = vector.broadcast %sub3A_1251 : i32 to vector<16xi32>
    %sub3A_1253 = arith.subi %add3A_1250, %sub3A_1252 : vector<16xi32>
    tpu.vector_store_idx %arg8[%sub3A_1253], %add3A_1244 masked %lt3A_1240 : memref<1040xi32, #tpu.memory_space<vmem>>[vector<16xi32>], vector<16xi32>, vector<16xi1>
    %reduce_sum3A_1254 = arith.constant true
    %reduce_sum3A_1255 = vector.broadcast %reduce_sum3A_1254 : i1 to vector<16xi1>
    %reduce_sum3A_1256 = tpu.scan <sum>, %convert_element_type3A_1245 masked %reduce_sum3A_1255 : vector<16xi32>, vector<16xi1> -> vector<16xi32>
    %reduce_sum3A_1257 = vector.extract %reduce_sum3A_1256[15] : i32 from vector<16xi32>
    %add3A_1258 = arith.addi %add3A_1235, %reduce_sum3A_1257 : i32
    %get3A_1259 = arith.constant 800 : index
    %get3A_1260 = tpu.vector_load %arg6[%get3A_1259] {strides = array<i32>} : memref<1024xf32, #tpu.memory_space<vmem>>, vector<16xf32>,
    %lt3A_1261 = arith.constant 1.000000e-01 : f32
    %lt3A_1262 = vector.broadcast %lt3A_1261 : f32 to vector<16xf32>
    %lt3A_1263 = arith.cmpf olt, %get3A_1260, %lt3A_1262 : vector<16xf32>
    %add3A_1264 = arith.constant 800 : i32
    %add3A_1265 = arith.addi %mul3A_2, %add3A_1264 : i32
    %add3A_1266 = vector.broadcast %add3A_1265 : i32 to vector<16xi32>
    %add3A_1267 = arith.addi %add3A_1266, %iota3A : vector<16xi32>
    %convert_element_type3A_1268 = arith.extui %lt3A_1263 : vector<16xi1> to vector<16xi32>
    %broadcast_in_dim3A_1269 = arith.constant true
    %broadcast_in_dim3A_1270 = vector.broadcast %broadcast_in_dim3A_1269 : i1 to vector<16xi1>
    %masked_cumsum3A_1271 = tpu.scan <sum>, %convert_element_type3A_1268 masked %broadcast_in_dim3A_1270 : vector<16xi32>, vector<16xi1> -> vector<16xi32>
    %add3A_1272 = vector.broadcast %add3A_1258 : i32 to vector<16xi32>
    %add3A_1273 = arith.addi %add3A_1272, %masked_cumsum3A_1271 : vector<16xi32>
    %sub3A_1274 = arith.constant 1 : i32
    %sub3A_1275 = vector.broadcast %sub3A_1274 : i32 to vector<16xi32>
    %sub3A_1276 = arith.subi %add3A_1273, %sub3A_1275 : vector<16xi32>
    tpu.vector_store_idx %arg8[%sub3A_1276], %add3A_1267 masked %lt3A_1263 : memref<1040xi32, #tpu.memory_space<vmem>>[vector<16xi32>], vector<16xi32>, vector<16xi1>
    %reduce_sum3A_1277 = arith.constant true
    %reduce_sum3A_1278 = vector.broadcast %reduce_sum3A_1277 : i1 to vector<16xi1>
    %reduce_sum3A_1279 = tpu.scan <sum>, %convert_element_type3A_1268 masked %reduce_sum3A_1278 : vector<16xi32>, vector<16xi1> -> vector<16xi32>
    %reduce_sum3A_1280 = vector.extract %reduce_sum3A_1279[15] : i32 from vector<16xi32>
    %add3A_1281 = arith.addi %add3A_1258, %reduce_sum3A_1280 : i32
    %get3A_1282 = arith.constant 816 : index
    %get3A_1283 = tpu.vector_load %arg6[%get3A_1282] {strides = array<i32>} : memref<1024xf32, #tpu.memory_space<vmem>>, vector<16xf32>,
    %lt3A_1284 = arith.constant 1.000000e-01 : f32
    %lt3A_1285 = vector.broadcast %lt3A_1284 : f32 to vector<16xf32>
    %lt3A_1286 = arith.cmpf olt, %get3A_1283, %lt3A_1285 : vector<16xf32>
    %add3A_1287 = arith.constant 816 : i32
    %add3A_1288 = arith.addi %mul3A_2, %add3A_1287 : i32
    %add3A_1289 = vector.broadcast %add3A_1288 : i32 to vector<16xi32>
    %add3A_1290 = arith.addi %add3A_1289, %iota3A : vector<16xi32>
    %convert_element_type3A_1291 = arith.extui %lt3A_1286 : vector<16xi1> to vector<16xi32>
    %broadcast_in_dim3A_1292 = arith.constant true
    %broadcast_in_dim3A_1293 = vector.broadcast %broadcast_in_dim3A_1292 : i1 to vector<16xi1>
    %masked_cumsum3A_1294 = tpu.scan <sum>, %convert_element_type3A_1291 masked %broadcast_in_dim3A_1293 : vector<16xi32>, vector<16xi1> -> vector<16xi32>
    %add3A_1295 = vector.broadcast %add3A_1281 : i32 to vector<16xi32>
    %add3A_1296 = arith.addi %add3A_1295, %masked_cumsum3A_1294 : vector<16xi32>
    %sub3A_1297 = arith.constant 1 : i32
    %sub3A_1298 = vector.broadcast %sub3A_1297 : i32 to vector<16xi32>
    %sub3A_1299 = arith.subi %add3A_1296, %sub3A_1298 : vector<16xi32>
    tpu.vector_store_idx %arg8[%sub3A_1299], %add3A_1290 masked %lt3A_1286 : memref<1040xi32, #tpu.memory_space<vmem>>[vector<16xi32>], vector<16xi32>, vector<16xi1>
    %reduce_sum3A_1300 = arith.constant true
    %reduce_sum3A_1301 = vector.broadcast %reduce_sum3A_1300 : i1 to vector<16xi1>
    %reduce_sum3A_1302 = tpu.scan <sum>, %convert_element_type3A_1291 masked %reduce_sum3A_1301 : vector<16xi32>, vector<16xi1> -> vector<16xi32>
    %reduce_sum3A_1303 = vector.extract %reduce_sum3A_1302[15] : i32 from vector<16xi32>
    %add3A_1304 = arith.addi %add3A_1281, %reduce_sum3A_1303 : i32
    %get3A_1305 = arith.constant 832 : index
    %get3A_1306 = tpu.vector_load %arg6[%get3A_1305] {strides = array<i32>} : memref<1024xf32, #tpu.memory_space<vmem>>, vector<16xf32>,
    %lt3A_1307 = arith.constant 1.000000e-01 : f32
    %lt3A_1308 = vector.broadcast %lt3A_1307 : f32 to vector<16xf32>
    %lt3A_1309 = arith.cmpf olt, %get3A_1306, %lt3A_1308 : vector<16xf32>
    %add3A_1310 = arith.constant 832 : i32
    %add3A_1311 = arith.addi %mul3A_2, %add3A_1310 : i32
    %add3A_1312 = vector.broadcast %add3A_1311 : i32 to vector<16xi32>
    %add3A_1313 = arith.addi %add3A_1312, %iota3A : vector<16xi32>
    %convert_element_type3A_1314 = arith.extui %lt3A_1309 : vector<16xi1> to vector<16xi32>
    %broadcast_in_dim3A_1315 = arith.constant true
    %broadcast_in_dim3A_1316 = vector.broadcast %broadcast_in_dim3A_1315 : i1 to vector<16xi1>
    %masked_cumsum3A_1317 = tpu.scan <sum>, %convert_element_type3A_1314 masked %broadcast_in_dim3A_1316 : vector<16xi32>, vector<16xi1> -> vector<16xi32>
    %add3A_1318 = vector.broadcast %add3A_1304 : i32 to vector<16xi32>
    %add3A_1319 = arith.addi %add3A_1318, %masked_cumsum3A_1317 : vector<16xi32>
    %sub3A_1320 = arith.constant 1 : i32
    %sub3A_1321 = vector.broadcast %sub3A_1320 : i32 to vector<16xi32>
    %sub3A_1322 = arith.subi %add3A_1319, %sub3A_1321 : vector<16xi32>
    tpu.vector_store_idx %arg8[%sub3A_1322], %add3A_1313 masked %lt3A_1309 : memref<1040xi32, #tpu.memory_space<vmem>>[vector<16xi32>], vector<16xi32>, vector<16xi1>
    %reduce_sum3A_1323 = arith.constant true
    %reduce_sum3A_1324 = vector.broadcast %reduce_sum3A_1323 : i1 to vector<16xi1>
    %reduce_sum3A_1325 = tpu.scan <sum>, %convert_element_type3A_1314 masked %reduce_sum3A_1324 : vector<16xi32>, vector<16xi1> -> vector<16xi32>
    %reduce_sum3A_1326 = vector.extract %reduce_sum3A_1325[15] : i32 from vector<16xi32>
    %add3A_1327 = arith.addi %add3A_1304, %reduce_sum3A_1326 : i32
    %get3A_1328 = arith.constant 848 : index
    %get3A_1329 = tpu.vector_load %arg6[%get3A_1328] {strides = array<i32>} : memref<1024xf32, #tpu.memory_space<vmem>>, vector<16xf32>,
    %lt3A_1330 = arith.constant 1.000000e-01 : f32
    %lt3A_1331 = vector.broadcast %lt3A_1330 : f32 to vector<16xf32>
    %lt3A_1332 = arith.cmpf olt, %get3A_1329, %lt3A_1331 : vector<16xf32>
    %add3A_1333 = arith.constant 848 : i32
    %add3A_1334 = arith.addi %mul3A_2, %add3A_1333 : i32
    %add3A_1335 = vector.broadcast %add3A_1334 : i32 to vector<16xi32>
    %add3A_1336 = arith.addi %add3A_1335, %iota3A : vector<16xi32>
    %convert_element_type3A_1337 = arith.extui %lt3A_1332 : vector<16xi1> to vector<16xi32>
    %broadcast_in_dim3A_1338 = arith.constant true
    %broadcast_in_dim3A_1339 = vector.broadcast %broadcast_in_dim3A_1338 : i1 to vector<16xi1>
    %masked_cumsum3A_1340 = tpu.scan <sum>, %convert_element_type3A_1337 masked %broadcast_in_dim3A_1339 : vector<16xi32>, vector<16xi1> -> vector<16xi32>
    %add3A_1341 = vector.broadcast %add3A_1327 : i32 to vector<16xi32>
    %add3A_1342 = arith.addi %add3A_1341, %masked_cumsum3A_1340 : vector<16xi32>
    %sub3A_1343 = arith.constant 1 : i32
    %sub3A_1344 = vector.broadcast %sub3A_1343 : i32 to vector<16xi32>
    %sub3A_1345 = arith.subi %add3A_1342, %sub3A_1344 : vector<16xi32>
    tpu.vector_store_idx %arg8[%sub3A_1345], %add3A_1336 masked %lt3A_1332 : memref<1040xi32, #tpu.memory_space<vmem>>[vector<16xi32>], vector<16xi32>, vector<16xi1>
    %reduce_sum3A_1346 = arith.constant true
    %reduce_sum3A_1347 = vector.broadcast %reduce_sum3A_1346 : i1 to vector<16xi1>
    %reduce_sum3A_1348 = tpu.scan <sum>, %convert_element_type3A_1337 masked %reduce_sum3A_1347 : vector<16xi32>, vector<16xi1> -> vector<16xi32>
    %reduce_sum3A_1349 = vector.extract %reduce_sum3A_1348[15] : i32 from vector<16xi32>
    %add3A_1350 = arith.addi %add3A_1327, %reduce_sum3A_1349 : i32
    %get3A_1351 = arith.constant 864 : index
    %get3A_1352 = tpu.vector_load %arg6[%get3A_1351] {strides = array<i32>} : memref<1024xf32, #tpu.memory_space<vmem>>, vector<16xf32>,
    %lt3A_1353 = arith.constant 1.000000e-01 : f32
    %lt3A_1354 = vector.broadcast %lt3A_1353 : f32 to vector<16xf32>
    %lt3A_1355 = arith.cmpf olt, %get3A_1352, %lt3A_1354 : vector<16xf32>
    %add3A_1356 = arith.constant 864 : i32
    %add3A_1357 = arith.addi %mul3A_2, %add3A_1356 : i32
    %add3A_1358 = vector.broadcast %add3A_1357 : i32 to vector<16xi32>
    %add3A_1359 = arith.addi %add3A_1358, %iota3A : vector<16xi32>
    %convert_element_type3A_1360 = arith.extui %lt3A_1355 : vector<16xi1> to vector<16xi32>
    %broadcast_in_dim3A_1361 = arith.constant true
    %broadcast_in_dim3A_1362 = vector.broadcast %broadcast_in_dim3A_1361 : i1 to vector<16xi1>
    %masked_cumsum3A_1363 = tpu.scan <sum>, %convert_element_type3A_1360 masked %broadcast_in_dim3A_1362 : vector<16xi32>, vector<16xi1> -> vector<16xi32>
    %add3A_1364 = vector.broadcast %add3A_1350 : i32 to vector<16xi32>
    %add3A_1365 = arith.addi %add3A_1364, %masked_cumsum3A_1363 : vector<16xi32>
    %sub3A_1366 = arith.constant 1 : i32
    %sub3A_1367 = vector.broadcast %sub3A_1366 : i32 to vector<16xi32>
    %sub3A_1368 = arith.subi %add3A_1365, %sub3A_1367 : vector<16xi32>
    tpu.vector_store_idx %arg8[%sub3A_1368], %add3A_1359 masked %lt3A_1355 : memref<1040xi32, #tpu.memory_space<vmem>>[vector<16xi32>], vector<16xi32>, vector<16xi1>
    %reduce_sum3A_1369 = arith.constant true
    %reduce_sum3A_1370 = vector.broadcast %reduce_sum3A_1369 : i1 to vector<16xi1>
    %reduce_sum3A_1371 = tpu.scan <sum>, %convert_element_type3A_1360 masked %reduce_sum3A_1370 : vector<16xi32>, vector<16xi1> -> vector<16xi32>
    %reduce_sum3A_1372 = vector.extract %reduce_sum3A_1371[15] : i32 from vector<16xi32>
    %add3A_1373 = arith.addi %add3A_1350, %reduce_sum3A_1372 : i32
    %get3A_1374 = arith.constant 880 : index
    %get3A_1375 = tpu.vector_load %arg6[%get3A_1374] {strides = array<i32>} : memref<1024xf32, #tpu.memory_space<vmem>>, vector<16xf32>,
    %lt3A_1376 = arith.constant 1.000000e-01 : f32
    %lt3A_1377 = vector.broadcast %lt3A_1376 : f32 to vector<16xf32>
    %lt3A_1378 = arith.cmpf olt, %get3A_1375, %lt3A_1377 : vector<16xf32>
    %add3A_1379 = arith.constant 880 : i32
    %add3A_1380 = arith.addi %mul3A_2, %add3A_1379 : i32
    %add3A_1381 = vector.broadcast %add3A_1380 : i32 to vector<16xi32>
    %add3A_1382 = arith.addi %add3A_1381, %iota3A : vector<16xi32>
    %convert_element_type3A_1383 = arith.extui %lt3A_1378 : vector<16xi1> to vector<16xi32>
    %broadcast_in_dim3A_1384 = arith.constant true
    %broadcast_in_dim3A_1385 = vector.broadcast %broadcast_in_dim3A_1384 : i1 to vector<16xi1>
    %masked_cumsum3A_1386 = tpu.scan <sum>, %convert_element_type3A_1383 masked %broadcast_in_dim3A_1385 : vector<16xi32>, vector<16xi1> -> vector<16xi32>
    %add3A_1387 = vector.broadcast %add3A_1373 : i32 to vector<16xi32>
    %add3A_1388 = arith.addi %add3A_1387, %masked_cumsum3A_1386 : vector<16xi32>
    %sub3A_1389 = arith.constant 1 : i32
    %sub3A_1390 = vector.broadcast %sub3A_1389 : i32 to vector<16xi32>
    %sub3A_1391 = arith.subi %add3A_1388, %sub3A_1390 : vector<16xi32>
    tpu.vector_store_idx %arg8[%sub3A_1391], %add3A_1382 masked %lt3A_1378 : memref<1040xi32, #tpu.memory_space<vmem>>[vector<16xi32>], vector<16xi32>, vector<16xi1>
    %reduce_sum3A_1392 = arith.constant true
    %reduce_sum3A_1393 = vector.broadcast %reduce_sum3A_1392 : i1 to vector<16xi1>
    %reduce_sum3A_1394 = tpu.scan <sum>, %convert_element_type3A_1383 masked %reduce_sum3A_1393 : vector<16xi32>, vector<16xi1> -> vector<16xi32>
    %reduce_sum3A_1395 = vector.extract %reduce_sum3A_1394[15] : i32 from vector<16xi32>
    %add3A_1396 = arith.addi %add3A_1373, %reduce_sum3A_1395 : i32
    %get3A_1397 = arith.constant 896 : index
    %get3A_1398 = tpu.vector_load %arg6[%get3A_1397] {strides = array<i32>} : memref<1024xf32, #tpu.memory_space<vmem>>, vector<16xf32>,
    %lt3A_1399 = arith.constant 1.000000e-01 : f32
    %lt3A_1400 = vector.broadcast %lt3A_1399 : f32 to vector<16xf32>
    %lt3A_1401 = arith.cmpf olt, %get3A_1398, %lt3A_1400 : vector<16xf32>
    %add3A_1402 = arith.constant 896 : i32
    %add3A_1403 = arith.addi %mul3A_2, %add3A_1402 : i32
    %add3A_1404 = vector.broadcast %add3A_1403 : i32 to vector<16xi32>
    %add3A_1405 = arith.addi %add3A_1404, %iota3A : vector<16xi32>
    %convert_element_type3A_1406 = arith.extui %lt3A_1401 : vector<16xi1> to vector<16xi32>
    %broadcast_in_dim3A_1407 = arith.constant true
    %broadcast_in_dim3A_1408 = vector.broadcast %broadcast_in_dim3A_1407 : i1 to vector<16xi1>
    %masked_cumsum3A_1409 = tpu.scan <sum>, %convert_element_type3A_1406 masked %broadcast_in_dim3A_1408 : vector<16xi32>, vector<16xi1> -> vector<16xi32>
    %add3A_1410 = vector.broadcast %add3A_1396 : i32 to vector<16xi32>
    %add3A_1411 = arith.addi %add3A_1410, %masked_cumsum3A_1409 : vector<16xi32>
    %sub3A_1412 = arith.constant 1 : i32
    %sub3A_1413 = vector.broadcast %sub3A_1412 : i32 to vector<16xi32>
    %sub3A_1414 = arith.subi %add3A_1411, %sub3A_1413 : vector<16xi32>
    tpu.vector_store_idx %arg8[%sub3A_1414], %add3A_1405 masked %lt3A_1401 : memref<1040xi32, #tpu.memory_space<vmem>>[vector<16xi32>], vector<16xi32>, vector<16xi1>
    %reduce_sum3A_1415 = arith.constant true
    %reduce_sum3A_1416 = vector.broadcast %reduce_sum3A_1415 : i1 to vector<16xi1>
    %reduce_sum3A_1417 = tpu.scan <sum>, %convert_element_type3A_1406 masked %reduce_sum3A_1416 : vector<16xi32>, vector<16xi1> -> vector<16xi32>
    %reduce_sum3A_1418 = vector.extract %reduce_sum3A_1417[15] : i32 from vector<16xi32>
    %add3A_1419 = arith.addi %add3A_1396, %reduce_sum3A_1418 : i32
    %get3A_1420 = arith.constant 912 : index
    %get3A_1421 = tpu.vector_load %arg6[%get3A_1420] {strides = array<i32>} : memref<1024xf32, #tpu.memory_space<vmem>>, vector<16xf32>,
    %lt3A_1422 = arith.constant 1.000000e-01 : f32
    %lt3A_1423 = vector.broadcast %lt3A_1422 : f32 to vector<16xf32>
    %lt3A_1424 = arith.cmpf olt, %get3A_1421, %lt3A_1423 : vector<16xf32>
    %add3A_1425 = arith.constant 912 : i32
    %add3A_1426 = arith.addi %mul3A_2, %add3A_1425 : i32
    %add3A_1427 = vector.broadcast %add3A_1426 : i32 to vector<16xi32>
    %add3A_1428 = arith.addi %add3A_1427, %iota3A : vector<16xi32>
    %convert_element_type3A_1429 = arith.extui %lt3A_1424 : vector<16xi1> to vector<16xi32>
    %broadcast_in_dim3A_1430 = arith.constant true
    %broadcast_in_dim3A_1431 = vector.broadcast %broadcast_in_dim3A_1430 : i1 to vector<16xi1>
    %masked_cumsum3A_1432 = tpu.scan <sum>, %convert_element_type3A_1429 masked %broadcast_in_dim3A_1431 : vector<16xi32>, vector<16xi1> -> vector<16xi32>
    %add3A_1433 = vector.broadcast %add3A_1419 : i32 to vector<16xi32>
    %add3A_1434 = arith.addi %add3A_1433, %masked_cumsum3A_1432 : vector<16xi32>
    %sub3A_1435 = arith.constant 1 : i32
    %sub3A_1436 = vector.broadcast %sub3A_1435 : i32 to vector<16xi32>
    %sub3A_1437 = arith.subi %add3A_1434, %sub3A_1436 : vector<16xi32>
    tpu.vector_store_idx %arg8[%sub3A_1437], %add3A_1428 masked %lt3A_1424 : memref<1040xi32, #tpu.memory_space<vmem>>[vector<16xi32>], vector<16xi32>, vector<16xi1>
    %reduce_sum3A_1438 = arith.constant true
    %reduce_sum3A_1439 = vector.broadcast %reduce_sum3A_1438 : i1 to vector<16xi1>
    %reduce_sum3A_1440 = tpu.scan <sum>, %convert_element_type3A_1429 masked %reduce_sum3A_1439 : vector<16xi32>, vector<16xi1> -> vector<16xi32>
    %reduce_sum3A_1441 = vector.extract %reduce_sum3A_1440[15] : i32 from vector<16xi32>
    %add3A_1442 = arith.addi %add3A_1419, %reduce_sum3A_1441 : i32
    %get3A_1443 = arith.constant 928 : index
    %get3A_1444 = tpu.vector_load %arg6[%get3A_1443] {strides = array<i32>} : memref<1024xf32, #tpu.memory_space<vmem>>, vector<16xf32>,
    %lt3A_1445 = arith.constant 1.000000e-01 : f32
    %lt3A_1446 = vector.broadcast %lt3A_1445 : f32 to vector<16xf32>
    %lt3A_1447 = arith.cmpf olt, %get3A_1444, %lt3A_1446 : vector<16xf32>
    %add3A_1448 = arith.constant 928 : i32
    %add3A_1449 = arith.addi %mul3A_2, %add3A_1448 : i32
    %add3A_1450 = vector.broadcast %add3A_1449 : i32 to vector<16xi32>
    %add3A_1451 = arith.addi %add3A_1450, %iota3A : vector<16xi32>
    %convert_element_type3A_1452 = arith.extui %lt3A_1447 : vector<16xi1> to vector<16xi32>
    %broadcast_in_dim3A_1453 = arith.constant true
    %broadcast_in_dim3A_1454 = vector.broadcast %broadcast_in_dim3A_1453 : i1 to vector<16xi1>
    %masked_cumsum3A_1455 = tpu.scan <sum>, %convert_element_type3A_1452 masked %broadcast_in_dim3A_1454 : vector<16xi32>, vector<16xi1> -> vector<16xi32>
    %add3A_1456 = vector.broadcast %add3A_1442 : i32 to vector<16xi32>
    %add3A_1457 = arith.addi %add3A_1456, %masked_cumsum3A_1455 : vector<16xi32>
    %sub3A_1458 = arith.constant 1 : i32
    %sub3A_1459 = vector.broadcast %sub3A_1458 : i32 to vector<16xi32>
    %sub3A_1460 = arith.subi %add3A_1457, %sub3A_1459 : vector<16xi32>
    tpu.vector_store_idx %arg8[%sub3A_1460], %add3A_1451 masked %lt3A_1447 : memref<1040xi32, #tpu.memory_space<vmem>>[vector<16xi32>], vector<16xi32>, vector<16xi1>
    %reduce_sum3A_1461 = arith.constant true
    %reduce_sum3A_1462 = vector.broadcast %reduce_sum3A_1461 : i1 to vector<16xi1>
    %reduce_sum3A_1463 = tpu.scan <sum>, %convert_element_type3A_1452 masked %reduce_sum3A_1462 : vector<16xi32>, vector<16xi1> -> vector<16xi32>
    %reduce_sum3A_1464 = vector.extract %reduce_sum3A_1463[15] : i32 from vector<16xi32>
    %add3A_1465 = arith.addi %add3A_1442, %reduce_sum3A_1464 : i32
    %get3A_1466 = arith.constant 944 : index
    %get3A_1467 = tpu.vector_load %arg6[%get3A_1466] {strides = array<i32>} : memref<1024xf32, #tpu.memory_space<vmem>>, vector<16xf32>,
    %lt3A_1468 = arith.constant 1.000000e-01 : f32
    %lt3A_1469 = vector.broadcast %lt3A_1468 : f32 to vector<16xf32>
    %lt3A_1470 = arith.cmpf olt, %get3A_1467, %lt3A_1469 : vector<16xf32>
    %add3A_1471 = arith.constant 944 : i32
    %add3A_1472 = arith.addi %mul3A_2, %add3A_1471 : i32
    %add3A_1473 = vector.broadcast %add3A_1472 : i32 to vector<16xi32>
    %add3A_1474 = arith.addi %add3A_1473, %iota3A : vector<16xi32>
    %convert_element_type3A_1475 = arith.extui %lt3A_1470 : vector<16xi1> to vector<16xi32>
    %broadcast_in_dim3A_1476 = arith.constant true
    %broadcast_in_dim3A_1477 = vector.broadcast %broadcast_in_dim3A_1476 : i1 to vector<16xi1>
    %masked_cumsum3A_1478 = tpu.scan <sum>, %convert_element_type3A_1475 masked %broadcast_in_dim3A_1477 : vector<16xi32>, vector<16xi1> -> vector<16xi32>
    %add3A_1479 = vector.broadcast %add3A_1465 : i32 to vector<16xi32>
    %add3A_1480 = arith.addi %add3A_1479, %masked_cumsum3A_1478 : vector<16xi32>
    %sub3A_1481 = arith.constant 1 : i32
    %sub3A_1482 = vector.broadcast %sub3A_1481 : i32 to vector<16xi32>
    %sub3A_1483 = arith.subi %add3A_1480, %sub3A_1482 : vector<16xi32>
    tpu.vector_store_idx %arg8[%sub3A_1483], %add3A_1474 masked %lt3A_1470 : memref<1040xi32, #tpu.memory_space<vmem>>[vector<16xi32>], vector<16xi32>, vector<16xi1>
    %reduce_sum3A_1484 = arith.constant true
    %reduce_sum3A_1485 = vector.broadcast %reduce_sum3A_1484 : i1 to vector<16xi1>
    %reduce_sum3A_1486 = tpu.scan <sum>, %convert_element_type3A_1475 masked %reduce_sum3A_1485 : vector<16xi32>, vector<16xi1> -> vector<16xi32>
    %reduce_sum3A_1487 = vector.extract %reduce_sum3A_1486[15] : i32 from vector<16xi32>
    %add3A_1488 = arith.addi %add3A_1465, %reduce_sum3A_1487 : i32
    %get3A_1489 = arith.constant 960 : index
    %get3A_1490 = tpu.vector_load %arg6[%get3A_1489] {strides = array<i32>} : memref<1024xf32, #tpu.memory_space<vmem>>, vector<16xf32>,
    %lt3A_1491 = arith.constant 1.000000e-01 : f32
    %lt3A_1492 = vector.broadcast %lt3A_1491 : f32 to vector<16xf32>
    %lt3A_1493 = arith.cmpf olt, %get3A_1490, %lt3A_1492 : vector<16xf32>
    %add3A_1494 = arith.constant 960 : i32
    %add3A_1495 = arith.addi %mul3A_2, %add3A_1494 : i32
    %add3A_1496 = vector.broadcast %add3A_1495 : i32 to vector<16xi32>
    %add3A_1497 = arith.addi %add3A_1496, %iota3A : vector<16xi32>
    %convert_element_type3A_1498 = arith.extui %lt3A_1493 : vector<16xi1> to vector<16xi32>
    %broadcast_in_dim3A_1499 = arith.constant true
    %broadcast_in_dim3A_1500 = vector.broadcast %broadcast_in_dim3A_1499 : i1 to vector<16xi1>
    %masked_cumsum3A_1501 = tpu.scan <sum>, %convert_element_type3A_1498 masked %broadcast_in_dim3A_1500 : vector<16xi32>, vector<16xi1> -> vector<16xi32>
    %add3A_1502 = vector.broadcast %add3A_1488 : i32 to vector<16xi32>
    %add3A_1503 = arith.addi %add3A_1502, %masked_cumsum3A_1501 : vector<16xi32>
    %sub3A_1504 = arith.constant 1 : i32
    %sub3A_1505 = vector.broadcast %sub3A_1504 : i32 to vector<16xi32>
    %sub3A_1506 = arith.subi %add3A_1503, %sub3A_1505 : vector<16xi32>
    tpu.vector_store_idx %arg8[%sub3A_1506], %add3A_1497 masked %lt3A_1493 : memref<1040xi32, #tpu.memory_space<vmem>>[vector<16xi32>], vector<16xi32>, vector<16xi1>
    %reduce_sum3A_1507 = arith.constant true
    %reduce_sum3A_1508 = vector.broadcast %reduce_sum3A_1507 : i1 to vector<16xi1>
    %reduce_sum3A_1509 = tpu.scan <sum>, %convert_element_type3A_1498 masked %reduce_sum3A_1508 : vector<16xi32>, vector<16xi1> -> vector<16xi32>
    %reduce_sum3A_1510 = vector.extract %reduce_sum3A_1509[15] : i32 from vector<16xi32>
    %add3A_1511 = arith.addi %add3A_1488, %reduce_sum3A_1510 : i32
    %get3A_1512 = arith.constant 976 : index
    %get3A_1513 = tpu.vector_load %arg6[%get3A_1512] {strides = array<i32>} : memref<1024xf32, #tpu.memory_space<vmem>>, vector<16xf32>,
    %lt3A_1514 = arith.constant 1.000000e-01 : f32
    %lt3A_1515 = vector.broadcast %lt3A_1514 : f32 to vector<16xf32>
    %lt3A_1516 = arith.cmpf olt, %get3A_1513, %lt3A_1515 : vector<16xf32>
    %add3A_1517 = arith.constant 976 : i32
    %add3A_1518 = arith.addi %mul3A_2, %add3A_1517 : i32
    %add3A_1519 = vector.broadcast %add3A_1518 : i32 to vector<16xi32>
    %add3A_1520 = arith.addi %add3A_1519, %iota3A : vector<16xi32>
    %convert_element_type3A_1521 = arith.extui %lt3A_1516 : vector<16xi1> to vector<16xi32>
    %broadcast_in_dim3A_1522 = arith.constant true
    %broadcast_in_dim3A_1523 = vector.broadcast %broadcast_in_dim3A_1522 : i1 to vector<16xi1>
    %masked_cumsum3A_1524 = tpu.scan <sum>, %convert_element_type3A_1521 masked %broadcast_in_dim3A_1523 : vector<16xi32>, vector<16xi1> -> vector<16xi32>
    %add3A_1525 = vector.broadcast %add3A_1511 : i32 to vector<16xi32>
    %add3A_1526 = arith.addi %add3A_1525, %masked_cumsum3A_1524 : vector<16xi32>
    %sub3A_1527 = arith.constant 1 : i32
    %sub3A_1528 = vector.broadcast %sub3A_1527 : i32 to vector<16xi32>
    %sub3A_1529 = arith.subi %add3A_1526, %sub3A_1528 : vector<16xi32>
    tpu.vector_store_idx %arg8[%sub3A_1529], %add3A_1520 masked %lt3A_1516 : memref<1040xi32, #tpu.memory_space<vmem>>[vector<16xi32>], vector<16xi32>, vector<16xi1>
    %reduce_sum3A_1530 = arith.constant true
    %reduce_sum3A_1531 = vector.broadcast %reduce_sum3A_1530 : i1 to vector<16xi1>
    %reduce_sum3A_1532 = tpu.scan <sum>, %convert_element_type3A_1521 masked %reduce_sum3A_1531 : vector<16xi32>, vector<16xi1> -> vector<16xi32>
    %reduce_sum3A_1533 = vector.extract %reduce_sum3A_1532[15] : i32 from vector<16xi32>
    %add3A_1534 = arith.addi %add3A_1511, %reduce_sum3A_1533 : i32
    %get3A_1535 = arith.constant 992 : index
    %get3A_1536 = tpu.vector_load %arg6[%get3A_1535] {strides = array<i32>} : memref<1024xf32, #tpu.memory_space<vmem>>, vector<16xf32>,
    %lt3A_1537 = arith.constant 1.000000e-01 : f32
    %lt3A_1538 = vector.broadcast %lt3A_1537 : f32 to vector<16xf32>
    %lt3A_1539 = arith.cmpf olt, %get3A_1536, %lt3A_1538 : vector<16xf32>
    %add3A_1540 = arith.constant 992 : i32
    %add3A_1541 = arith.addi %mul3A_2, %add3A_1540 : i32
    %add3A_1542 = vector.broadcast %add3A_1541 : i32 to vector<16xi32>
    %add3A_1543 = arith.addi %add3A_1542, %iota3A : vector<16xi32>
    %convert_element_type3A_1544 = arith.extui %lt3A_1539 : vector<16xi1> to vector<16xi32>
    %broadcast_in_dim3A_1545 = arith.constant true
    %broadcast_in_dim3A_1546 = vector.broadcast %broadcast_in_dim3A_1545 : i1 to vector<16xi1>
    %masked_cumsum3A_1547 = tpu.scan <sum>, %convert_element_type3A_1544 masked %broadcast_in_dim3A_1546 : vector<16xi32>, vector<16xi1> -> vector<16xi32>
    %add3A_1548 = vector.broadcast %add3A_1534 : i32 to vector<16xi32>
    %add3A_1549 = arith.addi %add3A_1548, %masked_cumsum3A_1547 : vector<16xi32>
    %sub3A_1550 = arith.constant 1 : i32
    %sub3A_1551 = vector.broadcast %sub3A_1550 : i32 to vector<16xi32>
    %sub3A_1552 = arith.subi %add3A_1549, %sub3A_1551 : vector<16xi32>
    tpu.vector_store_idx %arg8[%sub3A_1552], %add3A_1543 masked %lt3A_1539 : memref<1040xi32, #tpu.memory_space<vmem>>[vector<16xi32>], vector<16xi32>, vector<16xi1>
    %reduce_sum3A_1553 = arith.constant true
    %reduce_sum3A_1554 = vector.broadcast %reduce_sum3A_1553 : i1 to vector<16xi1>
    %reduce_sum3A_1555 = tpu.scan <sum>, %convert_element_type3A_1544 masked %reduce_sum3A_1554 : vector<16xi32>, vector<16xi1> -> vector<16xi32>
    %reduce_sum3A_1556 = vector.extract %reduce_sum3A_1555[15] : i32 from vector<16xi32>
    %add3A_1557 = arith.addi %add3A_1534, %reduce_sum3A_1556 : i32
    %get3A_1558 = arith.constant 1008 : index
    %get3A_1559 = tpu.vector_load %arg6[%get3A_1558] {strides = array<i32>} : memref<1024xf32, #tpu.memory_space<vmem>>, vector<16xf32>,
    %lt3A_1560 = arith.constant 1.000000e-01 : f32
    %lt3A_1561 = vector.broadcast %lt3A_1560 : f32 to vector<16xf32>
    %lt3A_1562 = arith.cmpf olt, %get3A_1559, %lt3A_1561 : vector<16xf32>
    %add3A_1563 = arith.constant 1008 : i32
    %add3A_1564 = arith.addi %mul3A_2, %add3A_1563 : i32
    %add3A_1565 = vector.broadcast %add3A_1564 : i32 to vector<16xi32>
    %add3A_1566 = arith.addi %add3A_1565, %iota3A : vector<16xi32>
    %convert_element_type3A_1567 = arith.extui %lt3A_1562 : vector<16xi1> to vector<16xi32>
    %broadcast_in_dim3A_1568 = arith.constant true
    %broadcast_in_dim3A_1569 = vector.broadcast %broadcast_in_dim3A_1568 : i1 to vector<16xi1>
    %masked_cumsum3A_1570 = tpu.scan <sum>, %convert_element_type3A_1567 masked %broadcast_in_dim3A_1569 : vector<16xi32>, vector<16xi1> -> vector<16xi32>
    %add3A_1571 = vector.broadcast %add3A_1557 : i32 to vector<16xi32>
    %add3A_1572 = arith.addi %add3A_1571, %masked_cumsum3A_1570 : vector<16xi32>
    %sub3A_1573 = arith.constant 1 : i32
    %sub3A_1574 = vector.broadcast %sub3A_1573 : i32 to vector<16xi32>
    %sub3A_1575 = arith.subi %add3A_1572, %sub3A_1574 : vector<16xi32>
    tpu.vector_store_idx %arg8[%sub3A_1575], %add3A_1566 masked %lt3A_1562 : memref<1040xi32, #tpu.memory_space<vmem>>[vector<16xi32>], vector<16xi32>, vector<16xi1>
    %reduce_sum3A_1576 = arith.constant true
    %reduce_sum3A_1577 = vector.broadcast %reduce_sum3A_1576 : i1 to vector<16xi1>
    %reduce_sum3A_1578 = tpu.scan <sum>, %convert_element_type3A_1567 masked %reduce_sum3A_1577 : vector<16xi32>, vector<16xi1> -> vector<16xi32>
    %reduce_sum3A_1579 = vector.extract %reduce_sum3A_1578[15] : i32 from vector<16xi32>
    %add3A_1580 = arith.addi %add3A_1557, %reduce_sum3A_1579 : i32
    %add3A_1581 = arith.constant 0 : i32
    %add3A_1582 = arith.addi %mul3A_2, %add3A_1581 : i32
    %dma_start3A_1583 = arith.constant 0 : i32
    %dma_start3A_1584 = arith.constant 0 : i32
    %dma_start3A_1585 = arith.constant 0 : i32
    %dma_start3A_1586 = arith.constant 0 : i32
    %dma_start3A_1587 = tpu.memref_slice %arg9[%arg1, %dma_start3A_1584, %dma_start3A_1585, %dma_start3A_1586] : memref<16x3x32x1024xf32, #tpu.memory_space<vmem_shared>> -> memref<1x3x32x1024xf32, #tpu.memory_space<vmem_shared>>
    %dma_start3A_1588 = tpu.memref_squeeze %dma_start3A_1587 : memref<1x3x32x1024xf32, #tpu.memory_space<vmem_shared>> -> memref<3x32x1024xf32, #tpu.memory_space<vmem_shared>>
    %dma_start3A_1589 = arith.constant 0 : i32
    %dma_start3A_1590 = arith.constant 0 : i32
    %dma_start3A_1591 = tpu.memref_slice %dma_start3A_1588[%dma_start3A_1583, %dma_start3A_1589, %dma_start3A_1590] : memref<3x32x1024xf32, #tpu.memory_space<vmem_shared>> -> memref<1x32x1024xf32, #tpu.memory_space<vmem_shared>>
    %dma_start3A_1592 = tpu.memref_squeeze %dma_start3A_1591 : memref<1x32x1024xf32, #tpu.memory_space<vmem_shared>> -> memref<32x1024xf32, #tpu.memory_space<vmem_shared>>
    %dma_start3A_1593 = arith.constant 0 : i32
    %dma_start3A_1594 = tpu.memref_slice %arg2[%add3A_1582, %dma_start3A_1593] : memref<32768x1024xf32, #tpu.memory_space<hbm>> -> memref<32x1024xf32, #tpu.memory_space<hbm>>
    tpu.enqueue_dma source(%dma_start3A_1594 : memref<32x1024xf32, #tpu.memory_space<hbm>>) target(%dma_start3A_1592 : memref<32x1024xf32, #tpu.memory_space<vmem_shared>>) target_semaphore(%arg10 : memref<!tpu.dma_semaphore, #tpu.memory_space<semaphore_mem>>)
    %add3A_1595 = arith.constant 32 : i32
    %add3A_1596 = arith.addi %mul3A_2, %add3A_1595 : i32
    %dma_start3A_1597 = arith.constant 1 : i32
    %dma_start3A_1598 = arith.constant 0 : i32
    %dma_start3A_1599 = arith.constant 0 : i32
    %dma_start3A_1600 = arith.constant 0 : i32
    %dma_start3A_1601 = tpu.memref_slice %arg9[%arg1, %dma_start3A_1598, %dma_start3A_1599, %dma_start3A_1600] : memref<16x3x32x1024xf32, #tpu.memory_space<vmem_shared>> -> memref<1x3x32x1024xf32, #tpu.memory_space<vmem_shared>>
    %dma_start3A_1602 = tpu.memref_squeeze %dma_start3A_1601 : memref<1x3x32x1024xf32, #tpu.memory_space<vmem_shared>> -> memref<3x32x1024xf32, #tpu.memory_space<vmem_shared>>
    %dma_start3A_1603 = arith.constant 0 : i32
    %dma_start3A_1604 = arith.constant 0 : i32
    %dma_start3A_1605 = tpu.memref_slice %dma_start3A_1602[%dma_start3A_1597, %dma_start3A_1603, %dma_start3A_1604] : memref<3x32x1024xf32, #tpu.memory_space<vmem_shared>> -> memref<1x32x1024xf32, #tpu.memory_space<vmem_shared>>
    %dma_start3A_1606 = tpu.memref_squeeze %dma_start3A_1605 : memref<1x32x1024xf32, #tpu.memory_space<vmem_shared>> -> memref<32x1024xf32, #tpu.memory_space<vmem_shared>>
    %dma_start3A_1607 = arith.constant 0 : i32
    %dma_start3A_1608 = tpu.memref_slice %arg2[%add3A_1596, %dma_start3A_1607] : memref<32768x1024xf32, #tpu.memory_space<hbm>> -> memref<32x1024xf32, #tpu.memory_space<hbm>>
    tpu.enqueue_dma source(%dma_start3A_1608 : memref<32x1024xf32, #tpu.memory_space<hbm>>) target(%dma_start3A_1606 : memref<32x1024xf32, #tpu.memory_space<vmem_shared>>) target_semaphore(%arg11 : memref<!tpu.dma_semaphore, #tpu.memory_space<semaphore_mem>>)
    %add3A_1609 = arith.constant 64 : i32
    %add3A_1610 = arith.addi %mul3A_2, %add3A_1609 : i32
    %dma_start3A_1611 = arith.constant 2 : i32
    %dma_start3A_1612 = arith.constant 0 : i32
    %dma_start3A_1613 = arith.constant 0 : i32
    %dma_start3A_1614 = arith.constant 0 : i32
    %dma_start3A_1615 = tpu.memref_slice %arg9[%arg1, %dma_start3A_1612, %dma_start3A_1613, %dma_start3A_1614] : memref<16x3x32x1024xf32, #tpu.memory_space<vmem_shared>> -> memref<1x3x32x1024xf32, #tpu.memory_space<vmem_shared>>
    %dma_start3A_1616 = tpu.memref_squeeze %dma_start3A_1615 : memref<1x3x32x1024xf32, #tpu.memory_space<vmem_shared>> -> memref<3x32x1024xf32, #tpu.memory_space<vmem_shared>>
    %dma_start3A_1617 = arith.constant 0 : i32
    %dma_start3A_1618 = arith.constant 0 : i32
    %dma_start3A_1619 = tpu.memref_slice %dma_start3A_1616[%dma_start3A_1611, %dma_start3A_1617, %dma_start3A_1618] : memref<3x32x1024xf32, #tpu.memory_space<vmem_shared>> -> memref<1x32x1024xf32, #tpu.memory_space<vmem_shared>>
    %dma_start3A_1620 = tpu.memref_squeeze %dma_start3A_1619 : memref<1x32x1024xf32, #tpu.memory_space<vmem_shared>> -> memref<32x1024xf32, #tpu.memory_space<vmem_shared>>
    %dma_start3A_1621 = arith.constant 0 : i32
    %dma_start3A_1622 = tpu.memref_slice %arg2[%add3A_1610, %dma_start3A_1621] : memref<32768x1024xf32, #tpu.memory_space<hbm>> -> memref<32x1024xf32, #tpu.memory_space<hbm>>
    tpu.enqueue_dma source(%dma_start3A_1622 : memref<32x1024xf32, #tpu.memory_space<hbm>>) target(%dma_start3A_1620 : memref<32x1024xf32, #tpu.memory_space<vmem_shared>>) target_semaphore(%arg12 : memref<!tpu.dma_semaphore, #tpu.memory_space<semaphore_mem>>)
    %dma_wait3A = arith.constant 0 : i32
    %dma_wait3A_1623 = arith.constant 0 : i32
    %dma_wait3A_1624 = arith.constant 0 : i32
    %dma_wait3A_1625 = arith.constant 0 : i32
    %dma_wait3A_1626 = tpu.memref_slice %arg9[%arg1, %dma_wait3A_1623, %dma_wait3A_1624, %dma_wait3A_1625] : memref<16x3x32x1024xf32, #tpu.memory_space<vmem_shared>> -> memref<1x3x32x1024xf32, #tpu.memory_space<vmem_shared>>
    %dma_wait3A_1627 = tpu.memref_squeeze %dma_wait3A_1626 : memref<1x3x32x1024xf32, #tpu.memory_space<vmem_shared>> -> memref<3x32x1024xf32, #tpu.memory_space<vmem_shared>>
    %dma_wait3A_1628 = arith.constant 0 : i32
    %dma_wait3A_1629 = arith.constant 0 : i32
    %dma_wait3A_1630 = tpu.memref_slice %dma_wait3A_1627[%dma_wait3A, %dma_wait3A_1628, %dma_wait3A_1629] : memref<3x32x1024xf32, #tpu.memory_space<vmem_shared>> -> memref<1x32x1024xf32, #tpu.memory_space<vmem_shared>>
    %dma_wait3A_1631 = tpu.memref_squeeze %dma_wait3A_1630 : memref<1x32x1024xf32, #tpu.memory_space<vmem_shared>> -> memref<32x1024xf32, #tpu.memory_space<vmem_shared>>
    %dma_wait3A_1632 = arith.constant 0 : i32
    %dma_wait3A_1633 = tpu.memref_slice %arg2[%add3A_1582, %dma_wait3A_1632] : memref<32768x1024xf32, #tpu.memory_space<hbm>> -> memref<32x1024xf32, #tpu.memory_space<hbm>>
    tpu.wait_dma2 semaphore(%arg10 : memref<!tpu.dma_semaphore, #tpu.memory_space<semaphore_mem>>) src(%dma_wait3A_1633 : memref<32x1024xf32, #tpu.memory_space<hbm>>) dst(%dma_wait3A_1631 : memref<32x1024xf32, #tpu.memory_space<vmem_shared>>)
    %add3A_1634 = arith.constant 0 : i32
    %add3A_1635 = arith.addi %mul3A_2, %add3A_1634 : i32
    %dma_start3A_1636 = arith.constant 0 : i32
    %dma_start3A_1637 = arith.constant 0 : i32
    %dma_start3A_1638 = tpu.memref_slice %arg5[%add3A_1635, %dma_start3A_1637] : memref<32768x1024xf32, #tpu.memory_space<hbm>> -> memref<32x1024xf32, #tpu.memory_space<hbm>>
    %dma_start3A_1639 = arith.constant 0 : i32
    %dma_start3A_1640 = arith.constant 0 : i32
    %dma_start3A_1641 = arith.constant 0 : i32
    %dma_start3A_1642 = tpu.memref_slice %arg9[%arg1, %dma_start3A_1639, %dma_start3A_1640, %dma_start3A_1641] : memref<16x3x32x1024xf32, #tpu.memory_space<vmem_shared>> -> memref<1x3x32x1024xf32, #tpu.memory_space<vmem_shared>>
    %dma_start3A_1643 = tpu.memref_squeeze %dma_start3A_1642 : memref<1x3x32x1024xf32, #tpu.memory_space<vmem_shared>> -> memref<3x32x1024xf32, #tpu.memory_space<vmem_shared>>
    %dma_start3A_1644 = arith.constant 0 : i32
    %dma_start3A_1645 = arith.constant 0 : i32
    %dma_start3A_1646 = tpu.memref_slice %dma_start3A_1643[%dma_start3A_1636, %dma_start3A_1644, %dma_start3A_1645] : memref<3x32x1024xf32, #tpu.memory_space<vmem_shared>> -> memref<1x32x1024xf32, #tpu.memory_space<vmem_shared>>
    %dma_start3A_1647 = tpu.memref_squeeze %dma_start3A_1646 : memref<1x32x1024xf32, #tpu.memory_space<vmem_shared>> -> memref<32x1024xf32, #tpu.memory_space<vmem_shared>>
    tpu.enqueue_dma source(%dma_start3A_1647 : memref<32x1024xf32, #tpu.memory_space<vmem_shared>>) target(%dma_start3A_1638 : memref<32x1024xf32, #tpu.memory_space<hbm>>) target_semaphore(%arg13 : memref<!tpu.dma_semaphore, #tpu.memory_space<semaphore_mem>>)
    %dma_wait3A_1648 = arith.constant 0 : i32
    %dma_wait3A_1649 = arith.constant 0 : i32
    %dma_wait3A_1650 = tpu.memref_slice %arg5[%add3A_1635, %dma_wait3A_1649] : memref<32768x1024xf32, #tpu.memory_space<hbm>> -> memref<32x1024xf32, #tpu.memory_space<hbm>>
    %dma_wait3A_1651 = arith.constant 0 : i32
    %dma_wait3A_1652 = arith.constant 0 : i32
    %dma_wait3A_1653 = arith.constant 0 : i32
    %dma_wait3A_1654 = tpu.memref_slice %arg9[%arg1, %dma_wait3A_1651, %dma_wait3A_1652, %dma_wait3A_1653] : memref<16x3x32x1024xf32, #tpu.memory_space<vmem_shared>> -> memref<1x3x32x1024xf32, #tpu.memory_space<vmem_shared>>
    %dma_wait3A_1655 = tpu.memref_squeeze %dma_wait3A_1654 : memref<1x3x32x1024xf32, #tpu.memory_space<vmem_shared>> -> memref<3x32x1024xf32, #tpu.memory_space<vmem_shared>>
    %dma_wait3A_1656 = arith.constant 0 : i32
    %dma_wait3A_1657 = arith.constant 0 : i32
    %dma_wait3A_1658 = tpu.memref_slice %dma_wait3A_1655[%dma_wait3A_1648, %dma_wait3A_1656, %dma_wait3A_1657] : memref<3x32x1024xf32, #tpu.memory_space<vmem_shared>> -> memref<1x32x1024xf32, #tpu.memory_space<vmem_shared>>
    %dma_wait3A_1659 = tpu.memref_squeeze %dma_wait3A_1658 : memref<1x32x1024xf32, #tpu.memory_space<vmem_shared>> -> memref<32x1024xf32, #tpu.memory_space<vmem_shared>>
    tpu.wait_dma2 semaphore(%arg13 : memref<!tpu.dma_semaphore, #tpu.memory_space<semaphore_mem>>) src(%dma_wait3A_1659 : memref<32x1024xf32, #tpu.memory_space<vmem_shared>>) dst(%dma_wait3A_1650 : memref<32x1024xf32, #tpu.memory_space<hbm>>)
    %add3A_1660 = arith.constant 96 : i32
    %add3A_1661 = arith.addi %mul3A_2, %add3A_1660 : i32
    %dma_start3A_1662 = arith.constant 0 : i32
    %dma_start3A_1663 = arith.constant 0 : i32
    %dma_start3A_1664 = arith.constant 0 : i32
    %dma_start3A_1665 = arith.constant 0 : i32
    %dma_start3A_1666 = tpu.memref_slice %arg9[%arg1, %dma_start3A_1663, %dma_start3A_1664, %dma_start3A_1665] : memref<16x3x32x1024xf32, #tpu.memory_space<vmem_shared>> -> memref<1x3x32x1024xf32, #tpu.memory_space<vmem_shared>>
    %dma_start3A_1667 = tpu.memref_squeeze %dma_start3A_1666 : memref<1x3x32x1024xf32, #tpu.memory_space<vmem_shared>> -> memref<3x32x1024xf32, #tpu.memory_space<vmem_shared>>
    %dma_start3A_1668 = arith.constant 0 : i32
    %dma_start3A_1669 = arith.constant 0 : i32
    %dma_start3A_1670 = tpu.memref_slice %dma_start3A_1667[%dma_start3A_1662, %dma_start3A_1668, %dma_start3A_1669] : memref<3x32x1024xf32, #tpu.memory_space<vmem_shared>> -> memref<1x32x1024xf32, #tpu.memory_space<vmem_shared>>
    %dma_start3A_1671 = tpu.memref_squeeze %dma_start3A_1670 : memref<1x32x1024xf32, #tpu.memory_space<vmem_shared>> -> memref<32x1024xf32, #tpu.memory_space<vmem_shared>>
    %dma_start3A_1672 = arith.constant 0 : i32
    %dma_start3A_1673 = tpu.memref_slice %arg2[%add3A_1661, %dma_start3A_1672] : memref<32768x1024xf32, #tpu.memory_space<hbm>> -> memref<32x1024xf32, #tpu.memory_space<hbm>>
    tpu.enqueue_dma source(%dma_start3A_1673 : memref<32x1024xf32, #tpu.memory_space<hbm>>) target(%dma_start3A_1671 : memref<32x1024xf32, #tpu.memory_space<vmem_shared>>) target_semaphore(%arg10 : memref<!tpu.dma_semaphore, #tpu.memory_space<semaphore_mem>>)
    %dma_wait3A_1674 = arith.constant 1 : i32
    %dma_wait3A_1675 = arith.constant 0 : i32
    %dma_wait3A_1676 = arith.constant 0 : i32
    %dma_wait3A_1677 = arith.constant 0 : i32
    %dma_wait3A_1678 = tpu.memref_slice %arg9[%arg1, %dma_wait3A_1675, %dma_wait3A_1676, %dma_wait3A_1677] : memref<16x3x32x1024xf32, #tpu.memory_space<vmem_shared>> -> memref<1x3x32x1024xf32, #tpu.memory_space<vmem_shared>>
    %dma_wait3A_1679 = tpu.memref_squeeze %dma_wait3A_1678 : memref<1x3x32x1024xf32, #tpu.memory_space<vmem_shared>> -> memref<3x32x1024xf32, #tpu.memory_space<vmem_shared>>
    %dma_wait3A_1680 = arith.constant 0 : i32
    %dma_wait3A_1681 = arith.constant 0 : i32
    %dma_wait3A_1682 = tpu.memref_slice %dma_wait3A_1679[%dma_wait3A_1674, %dma_wait3A_1680, %dma_wait3A_1681] : memref<3x32x1024xf32, #tpu.memory_space<vmem_shared>> -> memref<1x32x1024xf32, #tpu.memory_space<vmem_shared>>
    %dma_wait3A_1683 = tpu.memref_squeeze %dma_wait3A_1682 : memref<1x32x1024xf32, #tpu.memory_space<vmem_shared>> -> memref<32x1024xf32, #tpu.memory_space<vmem_shared>>
    %dma_wait3A_1684 = arith.constant 0 : i32
    %dma_wait3A_1685 = tpu.memref_slice %arg2[%add3A_1596, %dma_wait3A_1684] : memref<32768x1024xf32, #tpu.memory_space<hbm>> -> memref<32x1024xf32, #tpu.memory_space<hbm>>
    tpu.wait_dma2 semaphore(%arg11 : memref<!tpu.dma_semaphore, #tpu.memory_space<semaphore_mem>>) src(%dma_wait3A_1685 : memref<32x1024xf32, #tpu.memory_space<hbm>>) dst(%dma_wait3A_1683 : memref<32x1024xf32, #tpu.memory_space<vmem_shared>>)
    %add3A_1686 = arith.constant 32 : i32
    %add3A_1687 = arith.addi %mul3A_2, %add3A_1686 : i32
    %dma_start3A_1688 = arith.constant 1 : i32
    %dma_start3A_1689 = arith.constant 0 : i32
    %dma_start3A_1690 = tpu.memref_slice %arg5[%add3A_1687, %dma_start3A_1689] : memref<32768x1024xf32, #tpu.memory_space<hbm>> -> memref<32x1024xf32, #tpu.memory_space<hbm>>
    %dma_start3A_1691 = arith.constant 0 : i32
    %dma_start3A_1692 = arith.constant 0 : i32
    %dma_start3A_1693 = arith.constant 0 : i32
    %dma_start3A_1694 = tpu.memref_slice %arg9[%arg1, %dma_start3A_1691, %dma_start3A_1692, %dma_start3A_1693] : memref<16x3x32x1024xf32, #tpu.memory_space<vmem_shared>> -> memref<1x3x32x1024xf32, #tpu.memory_space<vmem_shared>>
    %dma_start3A_1695 = tpu.memref_squeeze %dma_start3A_1694 : memref<1x3x32x1024xf32, #tpu.memory_space<vmem_shared>> -> memref<3x32x1024xf32, #tpu.memory_space<vmem_shared>>
    %dma_start3A_1696 = arith.constant 0 : i32
    %dma_start3A_1697 = arith.constant 0 : i32
    %dma_start3A_1698 = tpu.memref_slice %dma_start3A_1695[%dma_start3A_1688, %dma_start3A_1696, %dma_start3A_1697] : memref<3x32x1024xf32, #tpu.memory_space<vmem_shared>> -> memref<1x32x1024xf32, #tpu.memory_space<vmem_shared>>
    %dma_start3A_1699 = tpu.memref_squeeze %dma_start3A_1698 : memref<1x32x1024xf32, #tpu.memory_space<vmem_shared>> -> memref<32x1024xf32, #tpu.memory_space<vmem_shared>>
    tpu.enqueue_dma source(%dma_start3A_1699 : memref<32x1024xf32, #tpu.memory_space<vmem_shared>>) target(%dma_start3A_1690 : memref<32x1024xf32, #tpu.memory_space<hbm>>) target_semaphore(%arg14 : memref<!tpu.dma_semaphore, #tpu.memory_space<semaphore_mem>>)
    %dma_wait3A_1700 = arith.constant 1 : i32
    %dma_wait3A_1701 = arith.constant 0 : i32
    %dma_wait3A_1702 = tpu.memref_slice %arg5[%add3A_1687, %dma_wait3A_1701] : memref<32768x1024xf32, #tpu.memory_space<hbm>> -> memref<32x1024xf32, #tpu.memory_space<hbm>>
    %dma_wait3A_1703 = arith.constant 0 : i32
    %dma_wait3A_1704 = arith.constant 0 : i32
    %dma_wait3A_1705 = arith.constant 0 : i32
    %dma_wait3A_1706 = tpu.memref_slice %arg9[%arg1, %dma_wait3A_1703, %dma_wait3A_1704, %dma_wait3A_1705] : memref<16x3x32x1024xf32, #tpu.memory_space<vmem_shared>> -> memref<1x3x32x1024xf32, #tpu.memory_space<vmem_shared>>
    %dma_wait3A_1707 = tpu.memref_squeeze %dma_wait3A_1706 : memref<1x3x32x1024xf32, #tpu.memory_space<vmem_shared>> -> memref<3x32x1024xf32, #tpu.memory_space<vmem_shared>>
    %dma_wait3A_1708 = arith.constant 0 : i32
    %dma_wait3A_1709 = arith.constant 0 : i32
    %dma_wait3A_1710 = tpu.memref_slice %dma_wait3A_1707[%dma_wait3A_1700, %dma_wait3A_1708, %dma_wait3A_1709] : memref<3x32x1024xf32, #tpu.memory_space<vmem_shared>> -> memref<1x32x1024xf32, #tpu.memory_space<vmem_shared>>
    %dma_wait3A_1711 = tpu.memref_squeeze %dma_wait3A_1710 : memref<1x32x1024xf32, #tpu.memory_space<vmem_shared>> -> memref<32x1024xf32, #tpu.memory_space<vmem_shared>>
    tpu.wait_dma2 semaphore(%arg14 : memref<!tpu.dma_semaphore, #tpu.memory_space<semaphore_mem>>) src(%dma_wait3A_1711 : memref<32x1024xf32, #tpu.memory_space<vmem_shared>>) dst(%dma_wait3A_1702 : memref<32x1024xf32, #tpu.memory_space<hbm>>)
    %add3A_1712 = arith.constant 128 : i32
    %add3A_1713 = arith.addi %mul3A_2, %add3A_1712 : i32
    %dma_start3A_1714 = arith.constant 1 : i32
    %dma_start3A_1715 = arith.constant 0 : i32
    %dma_start3A_1716 = arith.constant 0 : i32
    %dma_start3A_1717 = arith.constant 0 : i32
    %dma_start3A_1718 = tpu.memref_slice %arg9[%arg1, %dma_start3A_1715, %dma_start3A_1716, %dma_start3A_1717] : memref<16x3x32x1024xf32, #tpu.memory_space<vmem_shared>> -> memref<1x3x32x1024xf32, #tpu.memory_space<vmem_shared>>
    %dma_start3A_1719 = tpu.memref_squeeze %dma_start3A_1718 : memref<1x3x32x1024xf32, #tpu.memory_space<vmem_shared>> -> memref<3x32x1024xf32, #tpu.memory_space<vmem_shared>>
    %dma_start3A_1720 = arith.constant 0 : i32
    %dma_start3A_1721 = arith.constant 0 : i32
    %dma_start3A_1722 = tpu.memref_slice %dma_start3A_1719[%dma_start3A_1714, %dma_start3A_1720, %dma_start3A_1721] : memref<3x32x1024xf32, #tpu.memory_space<vmem_shared>> -> memref<1x32x1024xf32, #tpu.memory_space<vmem_shared>>
    %dma_start3A_1723 = tpu.memref_squeeze %dma_start3A_1722 : memref<1x32x1024xf32, #tpu.memory_space<vmem_shared>> -> memref<32x1024xf32, #tpu.memory_space<vmem_shared>>
    %dma_start3A_1724 = arith.constant 0 : i32
    %dma_start3A_1725 = tpu.memref_slice %arg2[%add3A_1713, %dma_start3A_1724] : memref<32768x1024xf32, #tpu.memory_space<hbm>> -> memref<32x1024xf32, #tpu.memory_space<hbm>>
    tpu.enqueue_dma source(%dma_start3A_1725 : memref<32x1024xf32, #tpu.memory_space<hbm>>) target(%dma_start3A_1723 : memref<32x1024xf32, #tpu.memory_space<vmem_shared>>) target_semaphore(%arg11 : memref<!tpu.dma_semaphore, #tpu.memory_space<semaphore_mem>>)
    %dma_wait3A_1726 = arith.constant 2 : i32
    %dma_wait3A_1727 = arith.constant 0 : i32
    %dma_wait3A_1728 = arith.constant 0 : i32
    %dma_wait3A_1729 = arith.constant 0 : i32
    %dma_wait3A_1730 = tpu.memref_slice %arg9[%arg1, %dma_wait3A_1727, %dma_wait3A_1728, %dma_wait3A_1729] : memref<16x3x32x1024xf32, #tpu.memory_space<vmem_shared>> -> memref<1x3x32x1024xf32, #tpu.memory_space<vmem_shared>>
    %dma_wait3A_1731 = tpu.memref_squeeze %dma_wait3A_1730 : memref<1x3x32x1024xf32, #tpu.memory_space<vmem_shared>> -> memref<3x32x1024xf32, #tpu.memory_space<vmem_shared>>
    %dma_wait3A_1732 = arith.constant 0 : i32
    %dma_wait3A_1733 = arith.constant 0 : i32
    %dma_wait3A_1734 = tpu.memref_slice %dma_wait3A_1731[%dma_wait3A_1726, %dma_wait3A_1732, %dma_wait3A_1733] : memref<3x32x1024xf32, #tpu.memory_space<vmem_shared>> -> memref<1x32x1024xf32, #tpu.memory_space<vmem_shared>>
    %dma_wait3A_1735 = tpu.memref_squeeze %dma_wait3A_1734 : memref<1x32x1024xf32, #tpu.memory_space<vmem_shared>> -> memref<32x1024xf32, #tpu.memory_space<vmem_shared>>
    %dma_wait3A_1736 = arith.constant 0 : i32
    %dma_wait3A_1737 = tpu.memref_slice %arg2[%add3A_1610, %dma_wait3A_1736] : memref<32768x1024xf32, #tpu.memory_space<hbm>> -> memref<32x1024xf32, #tpu.memory_space<hbm>>
    tpu.wait_dma2 semaphore(%arg12 : memref<!tpu.dma_semaphore, #tpu.memory_space<semaphore_mem>>) src(%dma_wait3A_1737 : memref<32x1024xf32, #tpu.memory_space<hbm>>) dst(%dma_wait3A_1735 : memref<32x1024xf32, #tpu.memory_space<vmem_shared>>)
    %add3A_1738 = arith.constant 64 : i32
    %add3A_1739 = arith.addi %mul3A_2, %add3A_1738 : i32
    %dma_start3A_1740 = arith.constant 2 : i32
    %dma_start3A_1741 = arith.constant 0 : i32
    %dma_start3A_1742 = tpu.memref_slice %arg5[%add3A_1739, %dma_start3A_1741] : memref<32768x1024xf32, #tpu.memory_space<hbm>> -> memref<32x1024xf32, #tpu.memory_space<hbm>>
    %dma_start3A_1743 = arith.constant 0 : i32
    %dma_start3A_1744 = arith.constant 0 : i32
    %dma_start3A_1745 = arith.constant 0 : i32
    %dma_start3A_1746 = tpu.memref_slice %arg9[%arg1, %dma_start3A_1743, %dma_start3A_1744, %dma_start3A_1745] : memref<16x3x32x1024xf32, #tpu.memory_space<vmem_shared>> -> memref<1x3x32x1024xf32, #tpu.memory_space<vmem_shared>>
    %dma_start3A_1747 = tpu.memref_squeeze %dma_start3A_1746 : memref<1x3x32x1024xf32, #tpu.memory_space<vmem_shared>> -> memref<3x32x1024xf32, #tpu.memory_space<vmem_shared>>
    %dma_start3A_1748 = arith.constant 0 : i32
    %dma_start3A_1749 = arith.constant 0 : i32
    %dma_start3A_1750 = tpu.memref_slice %dma_start3A_1747[%dma_start3A_1740, %dma_start3A_1748, %dma_start3A_1749] : memref<3x32x1024xf32, #tpu.memory_space<vmem_shared>> -> memref<1x32x1024xf32, #tpu.memory_space<vmem_shared>>
    %dma_start3A_1751 = tpu.memref_squeeze %dma_start3A_1750 : memref<1x32x1024xf32, #tpu.memory_space<vmem_shared>> -> memref<32x1024xf32, #tpu.memory_space<vmem_shared>>
    tpu.enqueue_dma source(%dma_start3A_1751 : memref<32x1024xf32, #tpu.memory_space<vmem_shared>>) target(%dma_start3A_1742 : memref<32x1024xf32, #tpu.memory_space<hbm>>) target_semaphore(%arg15 : memref<!tpu.dma_semaphore, #tpu.memory_space<semaphore_mem>>)
    %dma_wait3A_1752 = arith.constant 2 : i32
    %dma_wait3A_1753 = arith.constant 0 : i32
    %dma_wait3A_1754 = tpu.memref_slice %arg5[%add3A_1739, %dma_wait3A_1753] : memref<32768x1024xf32, #tpu.memory_space<hbm>> -> memref<32x1024xf32, #tpu.memory_space<hbm>>
    %dma_wait3A_1755 = arith.constant 0 : i32
    %dma_wait3A_1756 = arith.constant 0 : i32
    %dma_wait3A_1757 = arith.constant 0 : i32
    %dma_wait3A_1758 = tpu.memref_slice %arg9[%arg1, %dma_wait3A_1755, %dma_wait3A_1756, %dma_wait3A_1757] : memref<16x3x32x1024xf32, #tpu.memory_space<vmem_shared>> -> memref<1x3x32x1024xf32, #tpu.memory_space<vmem_shared>>
    %dma_wait3A_1759 = tpu.memref_squeeze %dma_wait3A_1758 : memref<1x3x32x1024xf32, #tpu.memory_space<vmem_shared>> -> memref<3x32x1024xf32, #tpu.memory_space<vmem_shared>>
    %dma_wait3A_1760 = arith.constant 0 : i32
    %dma_wait3A_1761 = arith.constant 0 : i32
    %dma_wait3A_1762 = tpu.memref_slice %dma_wait3A_1759[%dma_wait3A_1752, %dma_wait3A_1760, %dma_wait3A_1761] : memref<3x32x1024xf32, #tpu.memory_space<vmem_shared>> -> memref<1x32x1024xf32, #tpu.memory_space<vmem_shared>>
    %dma_wait3A_1763 = tpu.memref_squeeze %dma_wait3A_1762 : memref<1x32x1024xf32, #tpu.memory_space<vmem_shared>> -> memref<32x1024xf32, #tpu.memory_space<vmem_shared>>
    tpu.wait_dma2 semaphore(%arg15 : memref<!tpu.dma_semaphore, #tpu.memory_space<semaphore_mem>>) src(%dma_wait3A_1763 : memref<32x1024xf32, #tpu.memory_space<vmem_shared>>) dst(%dma_wait3A_1754 : memref<32x1024xf32, #tpu.memory_space<hbm>>)
    %add3A_1764 = arith.constant 160 : i32
    %add3A_1765 = arith.addi %mul3A_2, %add3A_1764 : i32
    %dma_start3A_1766 = arith.constant 2 : i32
    %dma_start3A_1767 = arith.constant 0 : i32
    %dma_start3A_1768 = arith.constant 0 : i32
    %dma_start3A_1769 = arith.constant 0 : i32
    %dma_start3A_1770 = tpu.memref_slice %arg9[%arg1, %dma_start3A_1767, %dma_start3A_1768, %dma_start3A_1769] : memref<16x3x32x1024xf32, #tpu.memory_space<vmem_shared>> -> memref<1x3x32x1024xf32, #tpu.memory_space<vmem_shared>>
    %dma_start3A_1771 = tpu.memref_squeeze %dma_start3A_1770 : memref<1x3x32x1024xf32, #tpu.memory_space<vmem_shared>> -> memref<3x32x1024xf32, #tpu.memory_space<vmem_shared>>
    %dma_start3A_1772 = arith.constant 0 : i32
    %dma_start3A_1773 = arith.constant 0 : i32
    %dma_start3A_1774 = tpu.memref_slice %dma_start3A_1771[%dma_start3A_1766, %dma_start3A_1772, %dma_start3A_1773] : memref<3x32x1024xf32, #tpu.memory_space<vmem_shared>> -> memref<1x32x1024xf32, #tpu.memory_space<vmem_shared>>
    %dma_start3A_1775 = tpu.memref_squeeze %dma_start3A_1774 : memref<1x32x1024xf32, #tpu.memory_space<vmem_shared>> -> memref<32x1024xf32, #tpu.memory_space<vmem_shared>>
    %dma_start3A_1776 = arith.constant 0 : i32
    %dma_start3A_1777 = tpu.memref_slice %arg2[%add3A_1765, %dma_start3A_1776] : memref<32768x1024xf32, #tpu.memory_space<hbm>> -> memref<32x1024xf32, #tpu.memory_space<hbm>>
    tpu.enqueue_dma source(%dma_start3A_1777 : memref<32x1024xf32, #tpu.memory_space<hbm>>) target(%dma_start3A_1775 : memref<32x1024xf32, #tpu.memory_space<vmem_shared>>) target_semaphore(%arg12 : memref<!tpu.dma_semaphore, #tpu.memory_space<semaphore_mem>>)
    %dma_wait3A_1778 = arith.constant 0 : i32
    %dma_wait3A_1779 = arith.constant 0 : i32
    %dma_wait3A_1780 = arith.constant 0 : i32
    %dma_wait3A_1781 = arith.constant 0 : i32
    %dma_wait3A_1782 = tpu.memref_slice %arg9[%arg1, %dma_wait3A_1779, %dma_wait3A_1780, %dma_wait3A_1781] : memref<16x3x32x1024xf32, #tpu.memory_space<vmem_shared>> -> memref<1x3x32x1024xf32, #tpu.memory_space<vmem_shared>>
    %dma_wait3A_1783 = tpu.memref_squeeze %dma_wait3A_1782 : memref<1x3x32x1024xf32, #tpu.memory_space<vmem_shared>> -> memref<3x32x1024xf32, #tpu.memory_space<vmem_shared>>
    %dma_wait3A_1784 = arith.constant 0 : i32
    %dma_wait3A_1785 = arith.constant 0 : i32
    %dma_wait3A_1786 = tpu.memref_slice %dma_wait3A_1783[%dma_wait3A_1778, %dma_wait3A_1784, %dma_wait3A_1785] : memref<3x32x1024xf32, #tpu.memory_space<vmem_shared>> -> memref<1x32x1024xf32, #tpu.memory_space<vmem_shared>>
    %dma_wait3A_1787 = tpu.memref_squeeze %dma_wait3A_1786 : memref<1x32x1024xf32, #tpu.memory_space<vmem_shared>> -> memref<32x1024xf32, #tpu.memory_space<vmem_shared>>
    %dma_wait3A_1788 = arith.constant 0 : i32
    %dma_wait3A_1789 = tpu.memref_slice %arg2[%add3A_1661, %dma_wait3A_1788] : memref<32768x1024xf32, #tpu.memory_space<hbm>> -> memref<32x1024xf32, #tpu.memory_space<hbm>>
    tpu.wait_dma2 semaphore(%arg10 : memref<!tpu.dma_semaphore, #tpu.memory_space<semaphore_mem>>) src(%dma_wait3A_1789 : memref<32x1024xf32, #tpu.memory_space<hbm>>) dst(%dma_wait3A_1787 : memref<32x1024xf32, #tpu.memory_space<vmem_shared>>)
    %add3A_1790 = arith.constant 96 : i32
    %add3A_1791 = arith.addi %mul3A_2, %add3A_1790 : i32
    %dma_start3A_1792 = arith.constant 0 : i32
    %dma_start3A_1793 = arith.constant 0 : i32
    %dma_start3A_1794 = tpu.memref_slice %arg5[%add3A_1791, %dma_start3A_1793] : memref<32768x1024xf32, #tpu.memory_space<hbm>> -> memref<32x1024xf32, #tpu.memory_space<hbm>>
    %dma_start3A_1795 = arith.constant 0 : i32
    %dma_start3A_1796 = arith.constant 0 : i32
    %dma_start3A_1797 = arith.constant 0 : i32
    %dma_start3A_1798 = tpu.memref_slice %arg9[%arg1, %dma_start3A_1795, %dma_start3A_1796, %dma_start3A_1797] : memref<16x3x32x1024xf32, #tpu.memory_space<vmem_shared>> -> memref<1x3x32x1024xf32, #tpu.memory_space<vmem_shared>>
    %dma_start3A_1799 = tpu.memref_squeeze %dma_start3A_1798 : memref<1x3x32x1024xf32, #tpu.memory_space<vmem_shared>> -> memref<3x32x1024xf32, #tpu.memory_space<vmem_shared>>
    %dma_start3A_1800 = arith.constant 0 : i32
    %dma_start3A_1801 = arith.constant 0 : i32
    %dma_start3A_1802 = tpu.memref_slice %dma_start3A_1799[%dma_start3A_1792, %dma_start3A_1800, %dma_start3A_1801] : memref<3x32x1024xf32, #tpu.memory_space<vmem_shared>> -> memref<1x32x1024xf32, #tpu.memory_space<vmem_shared>>
    %dma_start3A_1803 = tpu.memref_squeeze %dma_start3A_1802 : memref<1x32x1024xf32, #tpu.memory_space<vmem_shared>> -> memref<32x1024xf32, #tpu.memory_space<vmem_shared>>
    tpu.enqueue_dma source(%dma_start3A_1803 : memref<32x1024xf32, #tpu.memory_space<vmem_shared>>) target(%dma_start3A_1794 : memref<32x1024xf32, #tpu.memory_space<hbm>>) target_semaphore(%arg13 : memref<!tpu.dma_semaphore, #tpu.memory_space<semaphore_mem>>)
    %dma_wait3A_1804 = arith.constant 0 : i32
    %dma_wait3A_1805 = arith.constant 0 : i32
    %dma_wait3A_1806 = tpu.memref_slice %arg5[%add3A_1791, %dma_wait3A_1805] : memref<32768x1024xf32, #tpu.memory_space<hbm>> -> memref<32x1024xf32, #tpu.memory_space<hbm>>
    %dma_wait3A_1807 = arith.constant 0 : i32
    %dma_wait3A_1808 = arith.constant 0 : i32
    %dma_wait3A_1809 = arith.constant 0 : i32
    %dma_wait3A_1810 = tpu.memref_slice %arg9[%arg1, %dma_wait3A_1807, %dma_wait3A_1808, %dma_wait3A_1809] : memref<16x3x32x1024xf32, #tpu.memory_space<vmem_shared>> -> memref<1x3x32x1024xf32, #tpu.memory_space<vmem_shared>>
    %dma_wait3A_1811 = tpu.memref_squeeze %dma_wait3A_1810 : memref<1x3x32x1024xf32, #tpu.memory_space<vmem_shared>> -> memref<3x32x1024xf32, #tpu.memory_space<vmem_shared>>
    %dma_wait3A_1812 = arith.constant 0 : i32
    %dma_wait3A_1813 = arith.constant 0 : i32
    %dma_wait3A_1814 = tpu.memref_slice %dma_wait3A_1811[%dma_wait3A_1804, %dma_wait3A_1812, %dma_wait3A_1813] : memref<3x32x1024xf32, #tpu.memory_space<vmem_shared>> -> memref<1x32x1024xf32, #tpu.memory_space<vmem_shared>>
    %dma_wait3A_1815 = tpu.memref_squeeze %dma_wait3A_1814 : memref<1x32x1024xf32, #tpu.memory_space<vmem_shared>> -> memref<32x1024xf32, #tpu.memory_space<vmem_shared>>
    tpu.wait_dma2 semaphore(%arg13 : memref<!tpu.dma_semaphore, #tpu.memory_space<semaphore_mem>>) src(%dma_wait3A_1815 : memref<32x1024xf32, #tpu.memory_space<vmem_shared>>) dst(%dma_wait3A_1806 : memref<32x1024xf32, #tpu.memory_space<hbm>>)
    %add3A_1816 = arith.constant 192 : i32
    %add3A_1817 = arith.addi %mul3A_2, %add3A_1816 : i32
    %dma_start3A_1818 = arith.constant 0 : i32
    %dma_start3A_1819 = arith.constant 0 : i32
    %dma_start3A_1820 = arith.constant 0 : i32
    %dma_start3A_1821 = arith.constant 0 : i32
    %dma_start3A_1822 = tpu.memref_slice %arg9[%arg1, %dma_start3A_1819, %dma_start3A_1820, %dma_start3A_1821] : memref<16x3x32x1024xf32, #tpu.memory_space<vmem_shared>> -> memref<1x3x32x1024xf32, #tpu.memory_space<vmem_shared>>
    %dma_start3A_1823 = tpu.memref_squeeze %dma_start3A_1822 : memref<1x3x32x1024xf32, #tpu.memory_space<vmem_shared>> -> memref<3x32x1024xf32, #tpu.memory_space<vmem_shared>>
    %dma_start3A_1824 = arith.constant 0 : i32
    %dma_start3A_1825 = arith.constant 0 : i32
    %dma_start3A_1826 = tpu.memref_slice %dma_start3A_1823[%dma_start3A_1818, %dma_start3A_1824, %dma_start3A_1825] : memref<3x32x1024xf32, #tpu.memory_space<vmem_shared>> -> memref<1x32x1024xf32, #tpu.memory_space<vmem_shared>>
    %dma_start3A_1827 = tpu.memref_squeeze %dma_start3A_1826 : memref<1x32x1024xf32, #tpu.memory_space<vmem_shared>> -> memref<32x1024xf32, #tpu.memory_space<vmem_shared>>
    %dma_start3A_1828 = arith.constant 0 : i32
    %dma_start3A_1829 = tpu.memref_slice %arg2[%add3A_1817, %dma_start3A_1828] : memref<32768x1024xf32, #tpu.memory_space<hbm>> -> memref<32x1024xf32, #tpu.memory_space<hbm>>
    tpu.enqueue_dma source(%dma_start3A_1829 : memref<32x1024xf32, #tpu.memory_space<hbm>>) target(%dma_start3A_1827 : memref<32x1024xf32, #tpu.memory_space<vmem_shared>>) target_semaphore(%arg10 : memref<!tpu.dma_semaphore, #tpu.memory_space<semaphore_mem>>)
    %dma_wait3A_1830 = arith.constant 1 : i32
    %dma_wait3A_1831 = arith.constant 0 : i32
    %dma_wait3A_1832 = arith.constant 0 : i32
    %dma_wait3A_1833 = arith.constant 0 : i32
    %dma_wait3A_1834 = tpu.memref_slice %arg9[%arg1, %dma_wait3A_1831, %dma_wait3A_1832, %dma_wait3A_1833] : memref<16x3x32x1024xf32, #tpu.memory_space<vmem_shared>> -> memref<1x3x32x1024xf32, #tpu.memory_space<vmem_shared>>
    %dma_wait3A_1835 = tpu.memref_squeeze %dma_wait3A_1834 : memref<1x3x32x1024xf32, #tpu.memory_space<vmem_shared>> -> memref<3x32x1024xf32, #tpu.memory_space<vmem_shared>>
    %dma_wait3A_1836 = arith.constant 0 : i32
    %dma_wait3A_1837 = arith.constant 0 : i32
    %dma_wait3A_1838 = tpu.memref_slice %dma_wait3A_1835[%dma_wait3A_1830, %dma_wait3A_1836, %dma_wait3A_1837] : memref<3x32x1024xf32, #tpu.memory_space<vmem_shared>> -> memref<1x32x1024xf32, #tpu.memory_space<vmem_shared>>
    %dma_wait3A_1839 = tpu.memref_squeeze %dma_wait3A_1838 : memref<1x32x1024xf32, #tpu.memory_space<vmem_shared>> -> memref<32x1024xf32, #tpu.memory_space<vmem_shared>>
    %dma_wait3A_1840 = arith.constant 0 : i32
    %dma_wait3A_1841 = tpu.memref_slice %arg2[%add3A_1713, %dma_wait3A_1840] : memref<32768x1024xf32, #tpu.memory_space<hbm>> -> memref<32x1024xf32, #tpu.memory_space<hbm>>
    tpu.wait_dma2 semaphore(%arg11 : memref<!tpu.dma_semaphore, #tpu.memory_space<semaphore_mem>>) src(%dma_wait3A_1841 : memref<32x1024xf32, #tpu.memory_space<hbm>>) dst(%dma_wait3A_1839 : memref<32x1024xf32, #tpu.memory_space<vmem_shared>>)
    %add3A_1842 = arith.constant 128 : i32
    %add3A_1843 = arith.addi %mul3A_2, %add3A_1842 : i32
    %dma_start3A_1844 = arith.constant 1 : i32
    %dma_start3A_1845 = arith.constant 0 : i32
    %dma_start3A_1846 = tpu.memref_slice %arg5[%add3A_1843, %dma_start3A_1845] : memref<32768x1024xf32, #tpu.memory_space<hbm>> -> memref<32x1024xf32, #tpu.memory_space<hbm>>
    %dma_start3A_1847 = arith.constant 0 : i32
    %dma_start3A_1848 = arith.constant 0 : i32
    %dma_start3A_1849 = arith.constant 0 : i32
    %dma_start3A_1850 = tpu.memref_slice %arg9[%arg1, %dma_start3A_1847, %dma_start3A_1848, %dma_start3A_1849] : memref<16x3x32x1024xf32, #tpu.memory_space<vmem_shared>> -> memref<1x3x32x1024xf32, #tpu.memory_space<vmem_shared>>
    %dma_start3A_1851 = tpu.memref_squeeze %dma_start3A_1850 : memref<1x3x32x1024xf32, #tpu.memory_space<vmem_shared>> -> memref<3x32x1024xf32, #tpu.memory_space<vmem_shared>>
    %dma_start3A_1852 = arith.constant 0 : i32
    %dma_start3A_1853 = arith.constant 0 : i32
    %dma_start3A_1854 = tpu.memref_slice %dma_start3A_1851[%dma_start3A_1844, %dma_start3A_1852, %dma_start3A_1853] : memref<3x32x1024xf32, #tpu.memory_space<vmem_shared>> -> memref<1x32x1024xf32, #tpu.memory_space<vmem_shared>>
    %dma_start3A_1855 = tpu.memref_squeeze %dma_start3A_1854 : memref<1x32x1024xf32, #tpu.memory_space<vmem_shared>> -> memref<32x1024xf32, #tpu.memory_space<vmem_shared>>
    tpu.enqueue_dma source(%dma_start3A_1855 : memref<32x1024xf32, #tpu.memory_space<vmem_shared>>) target(%dma_start3A_1846 : memref<32x1024xf32, #tpu.memory_space<hbm>>) target_semaphore(%arg14 : memref<!tpu.dma_semaphore, #tpu.memory_space<semaphore_mem>>)
    %dma_wait3A_1856 = arith.constant 1 : i32
    %dma_wait3A_1857 = arith.constant 0 : i32
    %dma_wait3A_1858 = tpu.memref_slice %arg5[%add3A_1843, %dma_wait3A_1857] : memref<32768x1024xf32, #tpu.memory_space<hbm>> -> memref<32x1024xf32, #tpu.memory_space<hbm>>
    %dma_wait3A_1859 = arith.constant 0 : i32
    %dma_wait3A_1860 = arith.constant 0 : i32
    %dma_wait3A_1861 = arith.constant 0 : i32
    %dma_wait3A_1862 = tpu.memref_slice %arg9[%arg1, %dma_wait3A_1859, %dma_wait3A_1860, %dma_wait3A_1861] : memref<16x3x32x1024xf32, #tpu.memory_space<vmem_shared>> -> memref<1x3x32x1024xf32, #tpu.memory_space<vmem_shared>>
    %dma_wait3A_1863 = tpu.memref_squeeze %dma_wait3A_1862 : memref<1x3x32x1024xf32, #tpu.memory_space<vmem_shared>> -> memref<3x32x1024xf32, #tpu.memory_space<vmem_shared>>
    %dma_wait3A_1864 = arith.constant 0 : i32
    %dma_wait3A_1865 = arith.constant 0 : i32
    %dma_wait3A_1866 = tpu.memref_slice %dma_wait3A_1863[%dma_wait3A_1856, %dma_wait3A_1864, %dma_wait3A_1865] : memref<3x32x1024xf32, #tpu.memory_space<vmem_shared>> -> memref<1x32x1024xf32, #tpu.memory_space<vmem_shared>>
    %dma_wait3A_1867 = tpu.memref_squeeze %dma_wait3A_1866 : memref<1x32x1024xf32, #tpu.memory_space<vmem_shared>> -> memref<32x1024xf32, #tpu.memory_space<vmem_shared>>
    tpu.wait_dma2 semaphore(%arg14 : memref<!tpu.dma_semaphore, #tpu.memory_space<semaphore_mem>>) src(%dma_wait3A_1867 : memref<32x1024xf32, #tpu.memory_space<vmem_shared>>) dst(%dma_wait3A_1858 : memref<32x1024xf32, #tpu.memory_space<hbm>>)
    %add3A_1868 = arith.constant 224 : i32
    %add3A_1869 = arith.addi %mul3A_2, %add3A_1868 : i32
    %dma_start3A_1870 = arith.constant 1 : i32
    %dma_start3A_1871 = arith.constant 0 : i32
    %dma_start3A_1872 = arith.constant 0 : i32
    %dma_start3A_1873 = arith.constant 0 : i32
    %dma_start3A_1874 = tpu.memref_slice %arg9[%arg1, %dma_start3A_1871, %dma_start3A_1872, %dma_start3A_1873] : memref<16x3x32x1024xf32, #tpu.memory_space<vmem_shared>> -> memref<1x3x32x1024xf32, #tpu.memory_space<vmem_shared>>
    %dma_start3A_1875 = tpu.memref_squeeze %dma_start3A_1874 : memref<1x3x32x1024xf32, #tpu.memory_space<vmem_shared>> -> memref<3x32x1024xf32, #tpu.memory_space<vmem_shared>>
    %dma_start3A_1876 = arith.constant 0 : i32
    %dma_start3A_1877 = arith.constant 0 : i32
    %dma_start3A_1878 = tpu.memref_slice %dma_start3A_1875[%dma_start3A_1870, %dma_start3A_1876, %dma_start3A_1877] : memref<3x32x1024xf32, #tpu.memory_space<vmem_shared>> -> memref<1x32x1024xf32, #tpu.memory_space<vmem_shared>>
    %dma_start3A_1879 = tpu.memref_squeeze %dma_start3A_1878 : memref<1x32x1024xf32, #tpu.memory_space<vmem_shared>> -> memref<32x1024xf32, #tpu.memory_space<vmem_shared>>
    %dma_start3A_1880 = arith.constant 0 : i32
    %dma_start3A_1881 = tpu.memref_slice %arg2[%add3A_1869, %dma_start3A_1880] : memref<32768x1024xf32, #tpu.memory_space<hbm>> -> memref<32x1024xf32, #tpu.memory_space<hbm>>
    tpu.enqueue_dma source(%dma_start3A_1881 : memref<32x1024xf32, #tpu.memory_space<hbm>>) target(%dma_start3A_1879 : memref<32x1024xf32, #tpu.memory_space<vmem_shared>>) target_semaphore(%arg11 : memref<!tpu.dma_semaphore, #tpu.memory_space<semaphore_mem>>)
    %dma_wait3A_1882 = arith.constant 2 : i32
    %dma_wait3A_1883 = arith.constant 0 : i32
    %dma_wait3A_1884 = arith.constant 0 : i32
    %dma_wait3A_1885 = arith.constant 0 : i32
    %dma_wait3A_1886 = tpu.memref_slice %arg9[%arg1, %dma_wait3A_1883, %dma_wait3A_1884, %dma_wait3A_1885] : memref<16x3x32x1024xf32, #tpu.memory_space<vmem_shared>> -> memref<1x3x32x1024xf32, #tpu.memory_space<vmem_shared>>
    %dma_wait3A_1887 = tpu.memref_squeeze %dma_wait3A_1886 : memref<1x3x32x1024xf32, #tpu.memory_space<vmem_shared>> -> memref<3x32x1024xf32, #tpu.memory_space<vmem_shared>>
    %dma_wait3A_1888 = arith.constant 0 : i32
    %dma_wait3A_1889 = arith.constant 0 : i32
    %dma_wait3A_1890 = tpu.memref_slice %dma_wait3A_1887[%dma_wait3A_1882, %dma_wait3A_1888, %dma_wait3A_1889] : memref<3x32x1024xf32, #tpu.memory_space<vmem_shared>> -> memref<1x32x1024xf32, #tpu.memory_space<vmem_shared>>
    %dma_wait3A_1891 = tpu.memref_squeeze %dma_wait3A_1890 : memref<1x32x1024xf32, #tpu.memory_space<vmem_shared>> -> memref<32x1024xf32, #tpu.memory_space<vmem_shared>>
    %dma_wait3A_1892 = arith.constant 0 : i32
    %dma_wait3A_1893 = tpu.memref_slice %arg2[%add3A_1765, %dma_wait3A_1892] : memref<32768x1024xf32, #tpu.memory_space<hbm>> -> memref<32x1024xf32, #tpu.memory_space<hbm>>
    tpu.wait_dma2 semaphore(%arg12 : memref<!tpu.dma_semaphore, #tpu.memory_space<semaphore_mem>>) src(%dma_wait3A_1893 : memref<32x1024xf32, #tpu.memory_space<hbm>>) dst(%dma_wait3A_1891 : memref<32x1024xf32, #tpu.memory_space<vmem_shared>>)
    %add3A_1894 = arith.constant 160 : i32
    %add3A_1895 = arith.addi %mul3A_2, %add3A_1894 : i32
    %dma_start3A_1896 = arith.constant 2 : i32
    %dma_start3A_1897 = arith.constant 0 : i32
    %dma_start3A_1898 = tpu.memref_slice %arg5[%add3A_1895, %dma_start3A_1897] : memref<32768x1024xf32, #tpu.memory_space<hbm>> -> memref<32x1024xf32, #tpu.memory_space<hbm>>
    %dma_start3A_1899 = arith.constant 0 : i32
    %dma_start3A_1900 = arith.constant 0 : i32
    %dma_start3A_1901 = arith.constant 0 : i32
    %dma_start3A_1902 = tpu.memref_slice %arg9[%arg1, %dma_start3A_1899, %dma_start3A_1900, %dma_start3A_1901] : memref<16x3x32x1024xf32, #tpu.memory_space<vmem_shared>> -> memref<1x3x32x1024xf32, #tpu.memory_space<vmem_shared>>
    %dma_start3A_1903 = tpu.memref_squeeze %dma_start3A_1902 : memref<1x3x32x1024xf32, #tpu.memory_space<vmem_shared>> -> memref<3x32x1024xf32, #tpu.memory_space<vmem_shared>>
    %dma_start3A_1904 = arith.constant 0 : i32
    %dma_start3A_1905 = arith.constant 0 : i32
    %dma_start3A_1906 = tpu.memref_slice %dma_start3A_1903[%dma_start3A_1896, %dma_start3A_1904, %dma_start3A_1905] : memref<3x32x1024xf32, #tpu.memory_space<vmem_shared>> -> memref<1x32x1024xf32, #tpu.memory_space<vmem_shared>>
    %dma_start3A_1907 = tpu.memref_squeeze %dma_start3A_1906 : memref<1x32x1024xf32, #tpu.memory_space<vmem_shared>> -> memref<32x1024xf32, #tpu.memory_space<vmem_shared>>
    tpu.enqueue_dma source(%dma_start3A_1907 : memref<32x1024xf32, #tpu.memory_space<vmem_shared>>) target(%dma_start3A_1898 : memref<32x1024xf32, #tpu.memory_space<hbm>>) target_semaphore(%arg15 : memref<!tpu.dma_semaphore, #tpu.memory_space<semaphore_mem>>)
    %dma_wait3A_1908 = arith.constant 2 : i32
    %dma_wait3A_1909 = arith.constant 0 : i32
    %dma_wait3A_1910 = tpu.memref_slice %arg5[%add3A_1895, %dma_wait3A_1909] : memref<32768x1024xf32, #tpu.memory_space<hbm>> -> memref<32x1024xf32, #tpu.memory_space<hbm>>
    %dma_wait3A_1911 = arith.constant 0 : i32
    %dma_wait3A_1912 = arith.constant 0 : i32
    %dma_wait3A_1913 = arith.constant 0 : i32
    %dma_wait3A_1914 = tpu.memref_slice %arg9[%arg1, %dma_wait3A_1911, %dma_wait3A_1912, %dma_wait3A_1913] : memref<16x3x32x1024xf32, #tpu.memory_space<vmem_shared>> -> memref<1x3x32x1024xf32, #tpu.memory_space<vmem_shared>>
    %dma_wait3A_1915 = tpu.memref_squeeze %dma_wait3A_1914 : memref<1x3x32x1024xf32, #tpu.memory_space<vmem_shared>> -> memref<3x32x1024xf32, #tpu.memory_space<vmem_shared>>
    %dma_wait3A_1916 = arith.constant 0 : i32
    %dma_wait3A_1917 = arith.constant 0 : i32
    %dma_wait3A_1918 = tpu.memref_slice %dma_wait3A_1915[%dma_wait3A_1908, %dma_wait3A_1916, %dma_wait3A_1917] : memref<3x32x1024xf32, #tpu.memory_space<vmem_shared>> -> memref<1x32x1024xf32, #tpu.memory_space<vmem_shared>>
    %dma_wait3A_1919 = tpu.memref_squeeze %dma_wait3A_1918 : memref<1x32x1024xf32, #tpu.memory_space<vmem_shared>> -> memref<32x1024xf32, #tpu.memory_space<vmem_shared>>
    tpu.wait_dma2 semaphore(%arg15 : memref<!tpu.dma_semaphore, #tpu.memory_space<semaphore_mem>>) src(%dma_wait3A_1919 : memref<32x1024xf32, #tpu.memory_space<vmem_shared>>) dst(%dma_wait3A_1910 : memref<32x1024xf32, #tpu.memory_space<hbm>>)
    %add3A_1920 = arith.constant 256 : i32
    %add3A_1921 = arith.addi %mul3A_2, %add3A_1920 : i32
    %dma_start3A_1922 = arith.constant 2 : i32
    %dma_start3A_1923 = arith.constant 0 : i32
    %dma_start3A_1924 = arith.constant 0 : i32
    %dma_start3A_1925 = arith.constant 0 : i32
    %dma_start3A_1926 = tpu.memref_slice %arg9[%arg1, %dma_start3A_1923, %dma_start3A_1924, %dma_start3A_1925] : memref<16x3x32x1024xf32, #tpu.memory_space<vmem_shared>> -> memref<1x3x32x1024xf32, #tpu.memory_space<vmem_shared>>
    %dma_start3A_1927 = tpu.memref_squeeze %dma_start3A_1926 : memref<1x3x32x1024xf32, #tpu.memory_space<vmem_shared>> -> memref<3x32x1024xf32, #tpu.memory_space<vmem_shared>>
    %dma_start3A_1928 = arith.constant 0 : i32
    %dma_start3A_1929 = arith.constant 0 : i32
    %dma_start3A_1930 = tpu.memref_slice %dma_start3A_1927[%dma_start3A_1922, %dma_start3A_1928, %dma_start3A_1929] : memref<3x32x1024xf32, #tpu.memory_space<vmem_shared>> -> memref<1x32x1024xf32, #tpu.memory_space<vmem_shared>>
    %dma_start3A_1931 = tpu.memref_squeeze %dma_start3A_1930 : memref<1x32x1024xf32, #tpu.memory_space<vmem_shared>> -> memref<32x1024xf32, #tpu.memory_space<vmem_shared>>
    %dma_start3A_1932 = arith.constant 0 : i32
    %dma_start3A_1933 = tpu.memref_slice %arg2[%add3A_1921, %dma_start3A_1932] : memref<32768x1024xf32, #tpu.memory_space<hbm>> -> memref<32x1024xf32, #tpu.memory_space<hbm>>
    tpu.enqueue_dma source(%dma_start3A_1933 : memref<32x1024xf32, #tpu.memory_space<hbm>>) target(%dma_start3A_1931 : memref<32x1024xf32, #tpu.memory_space<vmem_shared>>) target_semaphore(%arg12 : memref<!tpu.dma_semaphore, #tpu.memory_space<semaphore_mem>>)
    %dma_wait3A_1934 = arith.constant 0 : i32
    %dma_wait3A_1935 = arith.constant 0 : i32
    %dma_wait3A_1936 = arith.constant 0 : i32
    %dma_wait3A_1937 = arith.constant 0 : i32
    %dma_wait3A_1938 = tpu.memref_slice %arg9[%arg1, %dma_wait3A_1935, %dma_wait3A_1936, %dma_wait3A_1937] : memref<16x3x32x1024xf32, #tpu.memory_space<vmem_shared>> -> memref<1x3x32x1024xf32, #tpu.memory_space<vmem_shared>>
    %dma_wait3A_1939 = tpu.memref_squeeze %dma_wait3A_1938 : memref<1x3x32x1024xf32, #tpu.memory_space<vmem_shared>> -> memref<3x32x1024xf32, #tpu.memory_space<vmem_shared>>
    %dma_wait3A_1940 = arith.constant 0 : i32
    %dma_wait3A_1941 = arith.constant 0 : i32
    %dma_wait3A_1942 = tpu.memref_slice %dma_wait3A_1939[%dma_wait3A_1934, %dma_wait3A_1940, %dma_wait3A_1941] : memref<3x32x1024xf32, #tpu.memory_space<vmem_shared>> -> memref<1x32x1024xf32, #tpu.memory_space<vmem_shared>>
    %dma_wait3A_1943 = tpu.memref_squeeze %dma_wait3A_1942 : memref<1x32x1024xf32, #tpu.memory_space<vmem_shared>> -> memref<32x1024xf32, #tpu.memory_space<vmem_shared>>
    %dma_wait3A_1944 = arith.constant 0 : i32
    %dma_wait3A_1945 = tpu.memref_slice %arg2[%add3A_1817, %dma_wait3A_1944] : memref<32768x1024xf32, #tpu.memory_space<hbm>> -> memref<32x1024xf32, #tpu.memory_space<hbm>>
    tpu.wait_dma2 semaphore(%arg10 : memref<!tpu.dma_semaphore, #tpu.memory_space<semaphore_mem>>) src(%dma_wait3A_1945 : memref<32x1024xf32, #tpu.memory_space<hbm>>) dst(%dma_wait3A_1943 : memref<32x1024xf32, #tpu.memory_space<vmem_shared>>)
    %add3A_1946 = arith.constant 192 : i32
    %add3A_1947 = arith.addi %mul3A_2, %add3A_1946 : i32
    %dma_start3A_1948 = arith.constant 0 : i32
    %dma_start3A_1949 = arith.constant 0 : i32
    %dma_start3A_1950 = tpu.memref_slice %arg5[%add3A_1947, %dma_start3A_1949] : memref<32768x1024xf32, #tpu.memory_space<hbm>> -> memref<32x1024xf32, #tpu.memory_space<hbm>>
    %dma_start3A_1951 = arith.constant 0 : i32
    %dma_start3A_1952 = arith.constant 0 : i32
    %dma_start3A_1953 = arith.constant 0 : i32
    %dma_start3A_1954 = tpu.memref_slice %arg9[%arg1, %dma_start3A_1951, %dma_start3A_1952, %dma_start3A_1953] : memref<16x3x32x1024xf32, #tpu.memory_space<vmem_shared>> -> memref<1x3x32x1024xf32, #tpu.memory_space<vmem_shared>>
    %dma_start3A_1955 = tpu.memref_squeeze %dma_start3A_1954 : memref<1x3x32x1024xf32, #tpu.memory_space<vmem_shared>> -> memref<3x32x1024xf32, #tpu.memory_space<vmem_shared>>
    %dma_start3A_1956 = arith.constant 0 : i32
    %dma_start3A_1957 = arith.constant 0 : i32
    %dma_start3A_1958 = tpu.memref_slice %dma_start3A_1955[%dma_start3A_1948, %dma_start3A_1956, %dma_start3A_1957] : memref<3x32x1024xf32, #tpu.memory_space<vmem_shared>> -> memref<1x32x1024xf32, #tpu.memory_space<vmem_shared>>
    %dma_start3A_1959 = tpu.memref_squeeze %dma_start3A_1958 : memref<1x32x1024xf32, #tpu.memory_space<vmem_shared>> -> memref<32x1024xf32, #tpu.memory_space<vmem_shared>>
    tpu.enqueue_dma source(%dma_start3A_1959 : memref<32x1024xf32, #tpu.memory_space<vmem_shared>>) target(%dma_start3A_1950 : memref<32x1024xf32, #tpu.memory_space<hbm>>) target_semaphore(%arg13 : memref<!tpu.dma_semaphore, #tpu.memory_space<semaphore_mem>>)
    %dma_wait3A_1960 = arith.constant 0 : i32
    %dma_wait3A_1961 = arith.constant 0 : i32
    %dma_wait3A_1962 = tpu.memref_slice %arg5[%add3A_1947, %dma_wait3A_1961] : memref<32768x1024xf32, #tpu.memory_space<hbm>> -> memref<32x1024xf32, #tpu.memory_space<hbm>>
    %dma_wait3A_1963 = arith.constant 0 : i32
    %dma_wait3A_1964 = arith.constant 0 : i32
    %dma_wait3A_1965 = arith.constant 0 : i32
    %dma_wait3A_1966 = tpu.memref_slice %arg9[%arg1, %dma_wait3A_1963, %dma_wait3A_1964, %dma_wait3A_1965] : memref<16x3x32x1024xf32, #tpu.memory_space<vmem_shared>> -> memref<1x3x32x1024xf32, #tpu.memory_space<vmem_shared>>
    %dma_wait3A_1967 = tpu.memref_squeeze %dma_wait3A_1966 : memref<1x3x32x1024xf32, #tpu.memory_space<vmem_shared>> -> memref<3x32x1024xf32, #tpu.memory_space<vmem_shared>>
    %dma_wait3A_1968 = arith.constant 0 : i32
    %dma_wait3A_1969 = arith.constant 0 : i32
    %dma_wait3A_1970 = tpu.memref_slice %dma_wait3A_1967[%dma_wait3A_1960, %dma_wait3A_1968, %dma_wait3A_1969] : memref<3x32x1024xf32, #tpu.memory_space<vmem_shared>> -> memref<1x32x1024xf32, #tpu.memory_space<vmem_shared>>
    %dma_wait3A_1971 = tpu.memref_squeeze %dma_wait3A_1970 : memref<1x32x1024xf32, #tpu.memory_space<vmem_shared>> -> memref<32x1024xf32, #tpu.memory_space<vmem_shared>>
    tpu.wait_dma2 semaphore(%arg13 : memref<!tpu.dma_semaphore, #tpu.memory_space<semaphore_mem>>) src(%dma_wait3A_1971 : memref<32x1024xf32, #tpu.memory_space<vmem_shared>>) dst(%dma_wait3A_1962 : memref<32x1024xf32, #tpu.memory_space<hbm>>)
    %add3A_1972 = arith.constant 288 : i32
    %add3A_1973 = arith.addi %mul3A_2, %add3A_1972 : i32
    %dma_start3A_1974 = arith.constant 0 : i32
    %dma_start3A_1975 = arith.constant 0 : i32
    %dma_start3A_1976 = arith.constant 0 : i32
    %dma_start3A_1977 = arith.constant 0 : i32
    %dma_start3A_1978 = tpu.memref_slice %arg9[%arg1, %dma_start3A_1975, %dma_start3A_1976, %dma_start3A_1977] : memref<16x3x32x1024xf32, #tpu.memory_space<vmem_shared>> -> memref<1x3x32x1024xf32, #tpu.memory_space<vmem_shared>>
    %dma_start3A_1979 = tpu.memref_squeeze %dma_start3A_1978 : memref<1x3x32x1024xf32, #tpu.memory_space<vmem_shared>> -> memref<3x32x1024xf32, #tpu.memory_space<vmem_shared>>
    %dma_start3A_1980 = arith.constant 0 : i32
    %dma_start3A_1981 = arith.constant 0 : i32
    %dma_start3A_1982 = tpu.memref_slice %dma_start3A_1979[%dma_start3A_1974, %dma_start3A_1980, %dma_start3A_1981] : memref<3x32x1024xf32, #tpu.memory_space<vmem_shared>> -> memref<1x32x1024xf32, #tpu.memory_space<vmem_shared>>
    %dma_start3A_1983 = tpu.memref_squeeze %dma_start3A_1982 : memref<1x32x1024xf32, #tpu.memory_space<vmem_shared>> -> memref<32x1024xf32, #tpu.memory_space<vmem_shared>>
    %dma_start3A_1984 = arith.constant 0 : i32
    %dma_start3A_1985 = tpu.memref_slice %arg2[%add3A_1973, %dma_start3A_1984] : memref<32768x1024xf32, #tpu.memory_space<hbm>> -> memref<32x1024xf32, #tpu.memory_space<hbm>>
    tpu.enqueue_dma source(%dma_start3A_1985 : memref<32x1024xf32, #tpu.memory_space<hbm>>) target(%dma_start3A_1983 : memref<32x1024xf32, #tpu.memory_space<vmem_shared>>) target_semaphore(%arg10 : memref<!tpu.dma_semaphore, #tpu.memory_space<semaphore_mem>>)
    %dma_wait3A_1986 = arith.constant 1 : i32
    %dma_wait3A_1987 = arith.constant 0 : i32
    %dma_wait3A_1988 = arith.constant 0 : i32
    %dma_wait3A_1989 = arith.constant 0 : i32
    %dma_wait3A_1990 = tpu.memref_slice %arg9[%arg1, %dma_wait3A_1987, %dma_wait3A_1988, %dma_wait3A_1989] : memref<16x3x32x1024xf32, #tpu.memory_space<vmem_shared>> -> memref<1x3x32x1024xf32, #tpu.memory_space<vmem_shared>>
    %dma_wait3A_1991 = tpu.memref_squeeze %dma_wait3A_1990 : memref<1x3x32x1024xf32, #tpu.memory_space<vmem_shared>> -> memref<3x32x1024xf32, #tpu.memory_space<vmem_shared>>
    %dma_wait3A_1992 = arith.constant 0 : i32
    %dma_wait3A_1993 = arith.constant 0 : i32
    %dma_wait3A_1994 = tpu.memref_slice %dma_wait3A_1991[%dma_wait3A_1986, %dma_wait3A_1992, %dma_wait3A_1993] : memref<3x32x1024xf32, #tpu.memory_space<vmem_shared>> -> memref<1x32x1024xf32, #tpu.memory_space<vmem_shared>>
    %dma_wait3A_1995 = tpu.memref_squeeze %dma_wait3A_1994 : memref<1x32x1024xf32, #tpu.memory_space<vmem_shared>> -> memref<32x1024xf32, #tpu.memory_space<vmem_shared>>
    %dma_wait3A_1996 = arith.constant 0 : i32
    %dma_wait3A_1997 = tpu.memref_slice %arg2[%add3A_1869, %dma_wait3A_1996] : memref<32768x1024xf32, #tpu.memory_space<hbm>> -> memref<32x1024xf32, #tpu.memory_space<hbm>>
    tpu.wait_dma2 semaphore(%arg11 : memref<!tpu.dma_semaphore, #tpu.memory_space<semaphore_mem>>) src(%dma_wait3A_1997 : memref<32x1024xf32, #tpu.memory_space<hbm>>) dst(%dma_wait3A_1995 : memref<32x1024xf32, #tpu.memory_space<vmem_shared>>)
    %add3A_1998 = arith.constant 224 : i32
    %add3A_1999 = arith.addi %mul3A_2, %add3A_1998 : i32
    %dma_start3A_2000 = arith.constant 1 : i32
    %dma_start3A_2001 = arith.constant 0 : i32
    %dma_start3A_2002 = tpu.memref_slice %arg5[%add3A_1999, %dma_start3A_2001] : memref<32768x1024xf32, #tpu.memory_space<hbm>> -> memref<32x1024xf32, #tpu.memory_space<hbm>>
    %dma_start3A_2003 = arith.constant 0 : i32
    %dma_start3A_2004 = arith.constant 0 : i32
    %dma_start3A_2005 = arith.constant 0 : i32
    %dma_start3A_2006 = tpu.memref_slice %arg9[%arg1, %dma_start3A_2003, %dma_start3A_2004, %dma_start3A_2005] : memref<16x3x32x1024xf32, #tpu.memory_space<vmem_shared>> -> memref<1x3x32x1024xf32, #tpu.memory_space<vmem_shared>>
    %dma_start3A_2007 = tpu.memref_squeeze %dma_start3A_2006 : memref<1x3x32x1024xf32, #tpu.memory_space<vmem_shared>> -> memref<3x32x1024xf32, #tpu.memory_space<vmem_shared>>
    %dma_start3A_2008 = arith.constant 0 : i32
    %dma_start3A_2009 = arith.constant 0 : i32
    %dma_start3A_2010 = tpu.memref_slice %dma_start3A_2007[%dma_start3A_2000, %dma_start3A_2008, %dma_start3A_2009] : memref<3x32x1024xf32, #tpu.memory_space<vmem_shared>> -> memref<1x32x1024xf32, #tpu.memory_space<vmem_shared>>
    %dma_start3A_2011 = tpu.memref_squeeze %dma_start3A_2010 : memref<1x32x1024xf32, #tpu.memory_space<vmem_shared>> -> memref<32x1024xf32, #tpu.memory_space<vmem_shared>>
    tpu.enqueue_dma source(%dma_start3A_2011 : memref<32x1024xf32, #tpu.memory_space<vmem_shared>>) target(%dma_start3A_2002 : memref<32x1024xf32, #tpu.memory_space<hbm>>) target_semaphore(%arg14 : memref<!tpu.dma_semaphore, #tpu.memory_space<semaphore_mem>>)
    %dma_wait3A_2012 = arith.constant 1 : i32
    %dma_wait3A_2013 = arith.constant 0 : i32
    %dma_wait3A_2014 = tpu.memref_slice %arg5[%add3A_1999, %dma_wait3A_2013] : memref<32768x1024xf32, #tpu.memory_space<hbm>> -> memref<32x1024xf32, #tpu.memory_space<hbm>>
    %dma_wait3A_2015 = arith.constant 0 : i32
    %dma_wait3A_2016 = arith.constant 0 : i32
    %dma_wait3A_2017 = arith.constant 0 : i32
    %dma_wait3A_2018 = tpu.memref_slice %arg9[%arg1, %dma_wait3A_2015, %dma_wait3A_2016, %dma_wait3A_2017] : memref<16x3x32x1024xf32, #tpu.memory_space<vmem_shared>> -> memref<1x3x32x1024xf32, #tpu.memory_space<vmem_shared>>
    %dma_wait3A_2019 = tpu.memref_squeeze %dma_wait3A_2018 : memref<1x3x32x1024xf32, #tpu.memory_space<vmem_shared>> -> memref<3x32x1024xf32, #tpu.memory_space<vmem_shared>>
    %dma_wait3A_2020 = arith.constant 0 : i32
    %dma_wait3A_2021 = arith.constant 0 : i32
    %dma_wait3A_2022 = tpu.memref_slice %dma_wait3A_2019[%dma_wait3A_2012, %dma_wait3A_2020, %dma_wait3A_2021] : memref<3x32x1024xf32, #tpu.memory_space<vmem_shared>> -> memref<1x32x1024xf32, #tpu.memory_space<vmem_shared>>
    %dma_wait3A_2023 = tpu.memref_squeeze %dma_wait3A_2022 : memref<1x32x1024xf32, #tpu.memory_space<vmem_shared>> -> memref<32x1024xf32, #tpu.memory_space<vmem_shared>>
    tpu.wait_dma2 semaphore(%arg14 : memref<!tpu.dma_semaphore, #tpu.memory_space<semaphore_mem>>) src(%dma_wait3A_2023 : memref<32x1024xf32, #tpu.memory_space<vmem_shared>>) dst(%dma_wait3A_2014 : memref<32x1024xf32, #tpu.memory_space<hbm>>)
    %add3A_2024 = arith.constant 320 : i32
    %add3A_2025 = arith.addi %mul3A_2, %add3A_2024 : i32
    %dma_start3A_2026 = arith.constant 1 : i32
    %dma_start3A_2027 = arith.constant 0 : i32
    %dma_start3A_2028 = arith.constant 0 : i32
    %dma_start3A_2029 = arith.constant 0 : i32
    %dma_start3A_2030 = tpu.memref_slice %arg9[%arg1, %dma_start3A_2027, %dma_start3A_2028, %dma_start3A_2029] : memref<16x3x32x1024xf32, #tpu.memory_space<vmem_shared>> -> memref<1x3x32x1024xf32, #tpu.memory_space<vmem_shared>>
    %dma_start3A_2031 = tpu.memref_squeeze %dma_start3A_2030 : memref<1x3x32x1024xf32, #tpu.memory_space<vmem_shared>> -> memref<3x32x1024xf32, #tpu.memory_space<vmem_shared>>
    %dma_start3A_2032 = arith.constant 0 : i32
    %dma_start3A_2033 = arith.constant 0 : i32
    %dma_start3A_2034 = tpu.memref_slice %dma_start3A_2031[%dma_start3A_2026, %dma_start3A_2032, %dma_start3A_2033] : memref<3x32x1024xf32, #tpu.memory_space<vmem_shared>> -> memref<1x32x1024xf32, #tpu.memory_space<vmem_shared>>
    %dma_start3A_2035 = tpu.memref_squeeze %dma_start3A_2034 : memref<1x32x1024xf32, #tpu.memory_space<vmem_shared>> -> memref<32x1024xf32, #tpu.memory_space<vmem_shared>>
    %dma_start3A_2036 = arith.constant 0 : i32
    %dma_start3A_2037 = tpu.memref_slice %arg2[%add3A_2025, %dma_start3A_2036] : memref<32768x1024xf32, #tpu.memory_space<hbm>> -> memref<32x1024xf32, #tpu.memory_space<hbm>>
    tpu.enqueue_dma source(%dma_start3A_2037 : memref<32x1024xf32, #tpu.memory_space<hbm>>) target(%dma_start3A_2035 : memref<32x1024xf32, #tpu.memory_space<vmem_shared>>) target_semaphore(%arg11 : memref<!tpu.dma_semaphore, #tpu.memory_space<semaphore_mem>>)
    %dma_wait3A_2038 = arith.constant 2 : i32
    %dma_wait3A_2039 = arith.constant 0 : i32
    %dma_wait3A_2040 = arith.constant 0 : i32
    %dma_wait3A_2041 = arith.constant 0 : i32
    %dma_wait3A_2042 = tpu.memref_slice %arg9[%arg1, %dma_wait3A_2039, %dma_wait3A_2040, %dma_wait3A_2041] : memref<16x3x32x1024xf32, #tpu.memory_space<vmem_shared>> -> memref<1x3x32x1024xf32, #tpu.memory_space<vmem_shared>>
    %dma_wait3A_2043 = tpu.memref_squeeze %dma_wait3A_2042 : memref<1x3x32x1024xf32, #tpu.memory_space<vmem_shared>> -> memref<3x32x1024xf32, #tpu.memory_space<vmem_shared>>
    %dma_wait3A_2044 = arith.constant 0 : i32
    %dma_wait3A_2045 = arith.constant 0 : i32
    %dma_wait3A_2046 = tpu.memref_slice %dma_wait3A_2043[%dma_wait3A_2038, %dma_wait3A_2044, %dma_wait3A_2045] : memref<3x32x1024xf32, #tpu.memory_space<vmem_shared>> -> memref<1x32x1024xf32, #tpu.memory_space<vmem_shared>>
    %dma_wait3A_2047 = tpu.memref_squeeze %dma_wait3A_2046 : memref<1x32x1024xf32, #tpu.memory_space<vmem_shared>> -> memref<32x1024xf32, #tpu.memory_space<vmem_shared>>
    %dma_wait3A_2048 = arith.constant 0 : i32
    %dma_wait3A_2049 = tpu.memref_slice %arg2[%add3A_1921, %dma_wait3A_2048] : memref<32768x1024xf32, #tpu.memory_space<hbm>> -> memref<32x1024xf32, #tpu.memory_space<hbm>>
    tpu.wait_dma2 semaphore(%arg12 : memref<!tpu.dma_semaphore, #tpu.memory_space<semaphore_mem>>) src(%dma_wait3A_2049 : memref<32x1024xf32, #tpu.memory_space<hbm>>) dst(%dma_wait3A_2047 : memref<32x1024xf32, #tpu.memory_space<vmem_shared>>)
    %add3A_2050 = arith.constant 256 : i32
    %add3A_2051 = arith.addi %mul3A_2, %add3A_2050 : i32
    %dma_start3A_2052 = arith.constant 2 : i32
    %dma_start3A_2053 = arith.constant 0 : i32
    %dma_start3A_2054 = tpu.memref_slice %arg5[%add3A_2051, %dma_start3A_2053] : memref<32768x1024xf32, #tpu.memory_space<hbm>> -> memref<32x1024xf32, #tpu.memory_space<hbm>>
    %dma_start3A_2055 = arith.constant 0 : i32
    %dma_start3A_2056 = arith.constant 0 : i32
    %dma_start3A_2057 = arith.constant 0 : i32
    %dma_start3A_2058 = tpu.memref_slice %arg9[%arg1, %dma_start3A_2055, %dma_start3A_2056, %dma_start3A_2057] : memref<16x3x32x1024xf32, #tpu.memory_space<vmem_shared>> -> memref<1x3x32x1024xf32, #tpu.memory_space<vmem_shared>>
    %dma_start3A_2059 = tpu.memref_squeeze %dma_start3A_2058 : memref<1x3x32x1024xf32, #tpu.memory_space<vmem_shared>> -> memref<3x32x1024xf32, #tpu.memory_space<vmem_shared>>
    %dma_start3A_2060 = arith.constant 0 : i32
    %dma_start3A_2061 = arith.constant 0 : i32
    %dma_start3A_2062 = tpu.memref_slice %dma_start3A_2059[%dma_start3A_2052, %dma_start3A_2060, %dma_start3A_2061] : memref<3x32x1024xf32, #tpu.memory_space<vmem_shared>> -> memref<1x32x1024xf32, #tpu.memory_space<vmem_shared>>
    %dma_start3A_2063 = tpu.memref_squeeze %dma_start3A_2062 : memref<1x32x1024xf32, #tpu.memory_space<vmem_shared>> -> memref<32x1024xf32, #tpu.memory_space<vmem_shared>>
    tpu.enqueue_dma source(%dma_start3A_2063 : memref<32x1024xf32, #tpu.memory_space<vmem_shared>>) target(%dma_start3A_2054 : memref<32x1024xf32, #tpu.memory_space<hbm>>) target_semaphore(%arg15 : memref<!tpu.dma_semaphore, #tpu.memory_space<semaphore_mem>>)
    %dma_wait3A_2064 = arith.constant 2 : i32
    %dma_wait3A_2065 = arith.constant 0 : i32
    %dma_wait3A_2066 = tpu.memref_slice %arg5[%add3A_2051, %dma_wait3A_2065] : memref<32768x1024xf32, #tpu.memory_space<hbm>> -> memref<32x1024xf32, #tpu.memory_space<hbm>>
    %dma_wait3A_2067 = arith.constant 0 : i32
    %dma_wait3A_2068 = arith.constant 0 : i32
    %dma_wait3A_2069 = arith.constant 0 : i32
    %dma_wait3A_2070 = tpu.memref_slice %arg9[%arg1, %dma_wait3A_2067, %dma_wait3A_2068, %dma_wait3A_2069] : memref<16x3x32x1024xf32, #tpu.memory_space<vmem_shared>> -> memref<1x3x32x1024xf32, #tpu.memory_space<vmem_shared>>
    %dma_wait3A_2071 = tpu.memref_squeeze %dma_wait3A_2070 : memref<1x3x32x1024xf32, #tpu.memory_space<vmem_shared>> -> memref<3x32x1024xf32, #tpu.memory_space<vmem_shared>>
    %dma_wait3A_2072 = arith.constant 0 : i32
    %dma_wait3A_2073 = arith.constant 0 : i32
    %dma_wait3A_2074 = tpu.memref_slice %dma_wait3A_2071[%dma_wait3A_2064, %dma_wait3A_2072, %dma_wait3A_2073] : memref<3x32x1024xf32, #tpu.memory_space<vmem_shared>> -> memref<1x32x1024xf32, #tpu.memory_space<vmem_shared>>
    %dma_wait3A_2075 = tpu.memref_squeeze %dma_wait3A_2074 : memref<1x32x1024xf32, #tpu.memory_space<vmem_shared>> -> memref<32x1024xf32, #tpu.memory_space<vmem_shared>>
    tpu.wait_dma2 semaphore(%arg15 : memref<!tpu.dma_semaphore, #tpu.memory_space<semaphore_mem>>) src(%dma_wait3A_2075 : memref<32x1024xf32, #tpu.memory_space<vmem_shared>>) dst(%dma_wait3A_2066 : memref<32x1024xf32, #tpu.memory_space<hbm>>)
    %add3A_2076 = arith.constant 352 : i32
    %add3A_2077 = arith.addi %mul3A_2, %add3A_2076 : i32
    %dma_start3A_2078 = arith.constant 2 : i32
    %dma_start3A_2079 = arith.constant 0 : i32
    %dma_start3A_2080 = arith.constant 0 : i32
    %dma_start3A_2081 = arith.constant 0 : i32
    %dma_start3A_2082 = tpu.memref_slice %arg9[%arg1, %dma_start3A_2079, %dma_start3A_2080, %dma_start3A_2081] : memref<16x3x32x1024xf32, #tpu.memory_space<vmem_shared>> -> memref<1x3x32x1024xf32, #tpu.memory_space<vmem_shared>>
    %dma_start3A_2083 = tpu.memref_squeeze %dma_start3A_2082 : memref<1x3x32x1024xf32, #tpu.memory_space<vmem_shared>> -> memref<3x32x1024xf32, #tpu.memory_space<vmem_shared>>
    %dma_start3A_2084 = arith.constant 0 : i32
    %dma_start3A_2085 = arith.constant 0 : i32
    %dma_start3A_2086 = tpu.memref_slice %dma_start3A_2083[%dma_start3A_2078, %dma_start3A_2084, %dma_start3A_2085] : memref<3x32x1024xf32, #tpu.memory_space<vmem_shared>> -> memref<1x32x1024xf32, #tpu.memory_space<vmem_shared>>
    %dma_start3A_2087 = tpu.memref_squeeze %dma_start3A_2086 : memref<1x32x1024xf32, #tpu.memory_space<vmem_shared>> -> memref<32x1024xf32, #tpu.memory_space<vmem_shared>>
    %dma_start3A_2088 = arith.constant 0 : i32
    %dma_start3A_2089 = tpu.memref_slice %arg2[%add3A_2077, %dma_start3A_2088] : memref<32768x1024xf32, #tpu.memory_space<hbm>> -> memref<32x1024xf32, #tpu.memory_space<hbm>>
    tpu.enqueue_dma source(%dma_start3A_2089 : memref<32x1024xf32, #tpu.memory_space<hbm>>) target(%dma_start3A_2087 : memref<32x1024xf32, #tpu.memory_space<vmem_shared>>) target_semaphore(%arg12 : memref<!tpu.dma_semaphore, #tpu.memory_space<semaphore_mem>>)
    %dma_wait3A_2090 = arith.constant 0 : i32
    %dma_wait3A_2091 = arith.constant 0 : i32
    %dma_wait3A_2092 = arith.constant 0 : i32
    %dma_wait3A_2093 = arith.constant 0 : i32
    %dma_wait3A_2094 = tpu.memref_slice %arg9[%arg1, %dma_wait3A_2091, %dma_wait3A_2092, %dma_wait3A_2093] : memref<16x3x32x1024xf32, #tpu.memory_space<vmem_shared>> -> memref<1x3x32x1024xf32, #tpu.memory_space<vmem_shared>>
    %dma_wait3A_2095 = tpu.memref_squeeze %dma_wait3A_2094 : memref<1x3x32x1024xf32, #tpu.memory_space<vmem_shared>> -> memref<3x32x1024xf32, #tpu.memory_space<vmem_shared>>
    %dma_wait3A_2096 = arith.constant 0 : i32
    %dma_wait3A_2097 = arith.constant 0 : i32
    %dma_wait3A_2098 = tpu.memref_slice %dma_wait3A_2095[%dma_wait3A_2090, %dma_wait3A_2096, %dma_wait3A_2097] : memref<3x32x1024xf32, #tpu.memory_space<vmem_shared>> -> memref<1x32x1024xf32, #tpu.memory_space<vmem_shared>>
    %dma_wait3A_2099 = tpu.memref_squeeze %dma_wait3A_2098 : memref<1x32x1024xf32, #tpu.memory_space<vmem_shared>> -> memref<32x1024xf32, #tpu.memory_space<vmem_shared>>
    %dma_wait3A_2100 = arith.constant 0 : i32
    %dma_wait3A_2101 = tpu.memref_slice %arg2[%add3A_1973, %dma_wait3A_2100] : memref<32768x1024xf32, #tpu.memory_space<hbm>> -> memref<32x1024xf32, #tpu.memory_space<hbm>>
    tpu.wait_dma2 semaphore(%arg10 : memref<!tpu.dma_semaphore, #tpu.memory_space<semaphore_mem>>) src(%dma_wait3A_2101 : memref<32x1024xf32, #tpu.memory_space<hbm>>) dst(%dma_wait3A_2099 : memref<32x1024xf32, #tpu.memory_space<vmem_shared>>)
    %add3A_2102 = arith.constant 288 : i32
    %add3A_2103 = arith.addi %mul3A_2, %add3A_2102 : i32
    %dma_start3A_2104 = arith.constant 0 : i32
    %dma_start3A_2105 = arith.constant 0 : i32
    %dma_start3A_2106 = tpu.memref_slice %arg5[%add3A_2103, %dma_start3A_2105] : memref<32768x1024xf32, #tpu.memory_space<hbm>> -> memref<32x1024xf32, #tpu.memory_space<hbm>>
    %dma_start3A_2107 = arith.constant 0 : i32
    %dma_start3A_2108 = arith.constant 0 : i32
    %dma_start3A_2109 = arith.constant 0 : i32
    %dma_start3A_2110 = tpu.memref_slice %arg9[%arg1, %dma_start3A_2107, %dma_start3A_2108, %dma_start3A_2109] : memref<16x3x32x1024xf32, #tpu.memory_space<vmem_shared>> -> memref<1x3x32x1024xf32, #tpu.memory_space<vmem_shared>>
    %dma_start3A_2111 = tpu.memref_squeeze %dma_start3A_2110 : memref<1x3x32x1024xf32, #tpu.memory_space<vmem_shared>> -> memref<3x32x1024xf32, #tpu.memory_space<vmem_shared>>
    %dma_start3A_2112 = arith.constant 0 : i32
    %dma_start3A_2113 = arith.constant 0 : i32
    %dma_start3A_2114 = tpu.memref_slice %dma_start3A_2111[%dma_start3A_2104, %dma_start3A_2112, %dma_start3A_2113] : memref<3x32x1024xf32, #tpu.memory_space<vmem_shared>> -> memref<1x32x1024xf32, #tpu.memory_space<vmem_shared>>
    %dma_start3A_2115 = tpu.memref_squeeze %dma_start3A_2114 : memref<1x32x1024xf32, #tpu.memory_space<vmem_shared>> -> memref<32x1024xf32, #tpu.memory_space<vmem_shared>>
    tpu.enqueue_dma source(%dma_start3A_2115 : memref<32x1024xf32, #tpu.memory_space<vmem_shared>>) target(%dma_start3A_2106 : memref<32x1024xf32, #tpu.memory_space<hbm>>) target_semaphore(%arg13 : memref<!tpu.dma_semaphore, #tpu.memory_space<semaphore_mem>>)
    %dma_wait3A_2116 = arith.constant 0 : i32
    %dma_wait3A_2117 = arith.constant 0 : i32
    %dma_wait3A_2118 = tpu.memref_slice %arg5[%add3A_2103, %dma_wait3A_2117] : memref<32768x1024xf32, #tpu.memory_space<hbm>> -> memref<32x1024xf32, #tpu.memory_space<hbm>>
    %dma_wait3A_2119 = arith.constant 0 : i32
    %dma_wait3A_2120 = arith.constant 0 : i32
    %dma_wait3A_2121 = arith.constant 0 : i32
    %dma_wait3A_2122 = tpu.memref_slice %arg9[%arg1, %dma_wait3A_2119, %dma_wait3A_2120, %dma_wait3A_2121] : memref<16x3x32x1024xf32, #tpu.memory_space<vmem_shared>> -> memref<1x3x32x1024xf32, #tpu.memory_space<vmem_shared>>
    %dma_wait3A_2123 = tpu.memref_squeeze %dma_wait3A_2122 : memref<1x3x32x1024xf32, #tpu.memory_space<vmem_shared>> -> memref<3x32x1024xf32, #tpu.memory_space<vmem_shared>>
    %dma_wait3A_2124 = arith.constant 0 : i32
    %dma_wait3A_2125 = arith.constant 0 : i32
    %dma_wait3A_2126 = tpu.memref_slice %dma_wait3A_2123[%dma_wait3A_2116, %dma_wait3A_2124, %dma_wait3A_2125] : memref<3x32x1024xf32, #tpu.memory_space<vmem_shared>> -> memref<1x32x1024xf32, #tpu.memory_space<vmem_shared>>
    %dma_wait3A_2127 = tpu.memref_squeeze %dma_wait3A_2126 : memref<1x32x1024xf32, #tpu.memory_space<vmem_shared>> -> memref<32x1024xf32, #tpu.memory_space<vmem_shared>>
    tpu.wait_dma2 semaphore(%arg13 : memref<!tpu.dma_semaphore, #tpu.memory_space<semaphore_mem>>) src(%dma_wait3A_2127 : memref<32x1024xf32, #tpu.memory_space<vmem_shared>>) dst(%dma_wait3A_2118 : memref<32x1024xf32, #tpu.memory_space<hbm>>)
    %add3A_2128 = arith.constant 384 : i32
    %add3A_2129 = arith.addi %mul3A_2, %add3A_2128 : i32
    %dma_start3A_2130 = arith.constant 0 : i32
    %dma_start3A_2131 = arith.constant 0 : i32
    %dma_start3A_2132 = arith.constant 0 : i32
    %dma_start3A_2133 = arith.constant 0 : i32
    %dma_start3A_2134 = tpu.memref_slice %arg9[%arg1, %dma_start3A_2131, %dma_start3A_2132, %dma_start3A_2133] : memref<16x3x32x1024xf32, #tpu.memory_space<vmem_shared>> -> memref<1x3x32x1024xf32, #tpu.memory_space<vmem_shared>>
    %dma_start3A_2135 = tpu.memref_squeeze %dma_start3A_2134 : memref<1x3x32x1024xf32, #tpu.memory_space<vmem_shared>> -> memref<3x32x1024xf32, #tpu.memory_space<vmem_shared>>
    %dma_start3A_2136 = arith.constant 0 : i32
    %dma_start3A_2137 = arith.constant 0 : i32
    %dma_start3A_2138 = tpu.memref_slice %dma_start3A_2135[%dma_start3A_2130, %dma_start3A_2136, %dma_start3A_2137] : memref<3x32x1024xf32, #tpu.memory_space<vmem_shared>> -> memref<1x32x1024xf32, #tpu.memory_space<vmem_shared>>
    %dma_start3A_2139 = tpu.memref_squeeze %dma_start3A_2138 : memref<1x32x1024xf32, #tpu.memory_space<vmem_shared>> -> memref<32x1024xf32, #tpu.memory_space<vmem_shared>>
    %dma_start3A_2140 = arith.constant 0 : i32
    %dma_start3A_2141 = tpu.memref_slice %arg2[%add3A_2129, %dma_start3A_2140] : memref<32768x1024xf32, #tpu.memory_space<hbm>> -> memref<32x1024xf32, #tpu.memory_space<hbm>>
    tpu.enqueue_dma source(%dma_start3A_2141 : memref<32x1024xf32, #tpu.memory_space<hbm>>) target(%dma_start3A_2139 : memref<32x1024xf32, #tpu.memory_space<vmem_shared>>) target_semaphore(%arg10 : memref<!tpu.dma_semaphore, #tpu.memory_space<semaphore_mem>>)
    %dma_wait3A_2142 = arith.constant 1 : i32
    %dma_wait3A_2143 = arith.constant 0 : i32
    %dma_wait3A_2144 = arith.constant 0 : i32
    %dma_wait3A_2145 = arith.constant 0 : i32
    %dma_wait3A_2146 = tpu.memref_slice %arg9[%arg1, %dma_wait3A_2143, %dma_wait3A_2144, %dma_wait3A_2145] : memref<16x3x32x1024xf32, #tpu.memory_space<vmem_shared>> -> memref<1x3x32x1024xf32, #tpu.memory_space<vmem_shared>>
    %dma_wait3A_2147 = tpu.memref_squeeze %dma_wait3A_2146 : memref<1x3x32x1024xf32, #tpu.memory_space<vmem_shared>> -> memref<3x32x1024xf32, #tpu.memory_space<vmem_shared>>
    %dma_wait3A_2148 = arith.constant 0 : i32
    %dma_wait3A_2149 = arith.constant 0 : i32
    %dma_wait3A_2150 = tpu.memref_slice %dma_wait3A_2147[%dma_wait3A_2142, %dma_wait3A_2148, %dma_wait3A_2149] : memref<3x32x1024xf32, #tpu.memory_space<vmem_shared>> -> memref<1x32x1024xf32, #tpu.memory_space<vmem_shared>>
    %dma_wait3A_2151 = tpu.memref_squeeze %dma_wait3A_2150 : memref<1x32x1024xf32, #tpu.memory_space<vmem_shared>> -> memref<32x1024xf32, #tpu.memory_space<vmem_shared>>
    %dma_wait3A_2152 = arith.constant 0 : i32
    %dma_wait3A_2153 = tpu.memref_slice %arg2[%add3A_2025, %dma_wait3A_2152] : memref<32768x1024xf32, #tpu.memory_space<hbm>> -> memref<32x1024xf32, #tpu.memory_space<hbm>>
    tpu.wait_dma2 semaphore(%arg11 : memref<!tpu.dma_semaphore, #tpu.memory_space<semaphore_mem>>) src(%dma_wait3A_2153 : memref<32x1024xf32, #tpu.memory_space<hbm>>) dst(%dma_wait3A_2151 : memref<32x1024xf32, #tpu.memory_space<vmem_shared>>)
    %add3A_2154 = arith.constant 320 : i32
    %add3A_2155 = arith.addi %mul3A_2, %add3A_2154 : i32
    %dma_start3A_2156 = arith.constant 1 : i32
    %dma_start3A_2157 = arith.constant 0 : i32
    %dma_start3A_2158 = tpu.memref_slice %arg5[%add3A_2155, %dma_start3A_2157] : memref<32768x1024xf32, #tpu.memory_space<hbm>> -> memref<32x1024xf32, #tpu.memory_space<hbm>>
    %dma_start3A_2159 = arith.constant 0 : i32
    %dma_start3A_2160 = arith.constant 0 : i32
    %dma_start3A_2161 = arith.constant 0 : i32
    %dma_start3A_2162 = tpu.memref_slice %arg9[%arg1, %dma_start3A_2159, %dma_start3A_2160, %dma_start3A_2161] : memref<16x3x32x1024xf32, #tpu.memory_space<vmem_shared>> -> memref<1x3x32x1024xf32, #tpu.memory_space<vmem_shared>>
    %dma_start3A_2163 = tpu.memref_squeeze %dma_start3A_2162 : memref<1x3x32x1024xf32, #tpu.memory_space<vmem_shared>> -> memref<3x32x1024xf32, #tpu.memory_space<vmem_shared>>
    %dma_start3A_2164 = arith.constant 0 : i32
    %dma_start3A_2165 = arith.constant 0 : i32
    %dma_start3A_2166 = tpu.memref_slice %dma_start3A_2163[%dma_start3A_2156, %dma_start3A_2164, %dma_start3A_2165] : memref<3x32x1024xf32, #tpu.memory_space<vmem_shared>> -> memref<1x32x1024xf32, #tpu.memory_space<vmem_shared>>
    %dma_start3A_2167 = tpu.memref_squeeze %dma_start3A_2166 : memref<1x32x1024xf32, #tpu.memory_space<vmem_shared>> -> memref<32x1024xf32, #tpu.memory_space<vmem_shared>>
    tpu.enqueue_dma source(%dma_start3A_2167 : memref<32x1024xf32, #tpu.memory_space<vmem_shared>>) target(%dma_start3A_2158 : memref<32x1024xf32, #tpu.memory_space<hbm>>) target_semaphore(%arg14 : memref<!tpu.dma_semaphore, #tpu.memory_space<semaphore_mem>>)
    %dma_wait3A_2168 = arith.constant 1 : i32
    %dma_wait3A_2169 = arith.constant 0 : i32
    %dma_wait3A_2170 = tpu.memref_slice %arg5[%add3A_2155, %dma_wait3A_2169] : memref<32768x1024xf32, #tpu.memory_space<hbm>> -> memref<32x1024xf32, #tpu.memory_space<hbm>>
    %dma_wait3A_2171 = arith.constant 0 : i32
    %dma_wait3A_2172 = arith.constant 0 : i32
    %dma_wait3A_2173 = arith.constant 0 : i32
    %dma_wait3A_2174 = tpu.memref_slice %arg9[%arg1, %dma_wait3A_2171, %dma_wait3A_2172, %dma_wait3A_2173] : memref<16x3x32x1024xf32, #tpu.memory_space<vmem_shared>> -> memref<1x3x32x1024xf32, #tpu.memory_space<vmem_shared>>
    %dma_wait3A_2175 = tpu.memref_squeeze %dma_wait3A_2174 : memref<1x3x32x1024xf32, #tpu.memory_space<vmem_shared>> -> memref<3x32x1024xf32, #tpu.memory_space<vmem_shared>>
    %dma_wait3A_2176 = arith.constant 0 : i32
    %dma_wait3A_2177 = arith.constant 0 : i32
    %dma_wait3A_2178 = tpu.memref_slice %dma_wait3A_2175[%dma_wait3A_2168, %dma_wait3A_2176, %dma_wait3A_2177] : memref<3x32x1024xf32, #tpu.memory_space<vmem_shared>> -> memref<1x32x1024xf32, #tpu.memory_space<vmem_shared>>
    %dma_wait3A_2179 = tpu.memref_squeeze %dma_wait3A_2178 : memref<1x32x1024xf32, #tpu.memory_space<vmem_shared>> -> memref<32x1024xf32, #tpu.memory_space<vmem_shared>>
    tpu.wait_dma2 semaphore(%arg14 : memref<!tpu.dma_semaphore, #tpu.memory_space<semaphore_mem>>) src(%dma_wait3A_2179 : memref<32x1024xf32, #tpu.memory_space<vmem_shared>>) dst(%dma_wait3A_2170 : memref<32x1024xf32, #tpu.memory_space<hbm>>)
    %add3A_2180 = arith.constant 416 : i32
    %add3A_2181 = arith.addi %mul3A_2, %add3A_2180 : i32
    %dma_start3A_2182 = arith.constant 1 : i32
    %dma_start3A_2183 = arith.constant 0 : i32
    %dma_start3A_2184 = arith.constant 0 : i32
    %dma_start3A_2185 = arith.constant 0 : i32
    %dma_start3A_2186 = tpu.memref_slice %arg9[%arg1, %dma_start3A_2183, %dma_start3A_2184, %dma_start3A_2185] : memref<16x3x32x1024xf32, #tpu.memory_space<vmem_shared>> -> memref<1x3x32x1024xf32, #tpu.memory_space<vmem_shared>>
    %dma_start3A_2187 = tpu.memref_squeeze %dma_start3A_2186 : memref<1x3x32x1024xf32, #tpu.memory_space<vmem_shared>> -> memref<3x32x1024xf32, #tpu.memory_space<vmem_shared>>
    %dma_start3A_2188 = arith.constant 0 : i32
    %dma_start3A_2189 = arith.constant 0 : i32
    %dma_start3A_2190 = tpu.memref_slice %dma_start3A_2187[%dma_start3A_2182, %dma_start3A_2188, %dma_start3A_2189] : memref<3x32x1024xf32, #tpu.memory_space<vmem_shared>> -> memref<1x32x1024xf32, #tpu.memory_space<vmem_shared>>
    %dma_start3A_2191 = tpu.memref_squeeze %dma_start3A_2190 : memref<1x32x1024xf32, #tpu.memory_space<vmem_shared>> -> memref<32x1024xf32, #tpu.memory_space<vmem_shared>>
    %dma_start3A_2192 = arith.constant 0 : i32
    %dma_start3A_2193 = tpu.memref_slice %arg2[%add3A_2181, %dma_start3A_2192] : memref<32768x1024xf32, #tpu.memory_space<hbm>> -> memref<32x1024xf32, #tpu.memory_space<hbm>>
    tpu.enqueue_dma source(%dma_start3A_2193 : memref<32x1024xf32, #tpu.memory_space<hbm>>) target(%dma_start3A_2191 : memref<32x1024xf32, #tpu.memory_space<vmem_shared>>) target_semaphore(%arg11 : memref<!tpu.dma_semaphore, #tpu.memory_space<semaphore_mem>>)
    %dma_wait3A_2194 = arith.constant 2 : i32
    %dma_wait3A_2195 = arith.constant 0 : i32
    %dma_wait3A_2196 = arith.constant 0 : i32
    %dma_wait3A_2197 = arith.constant 0 : i32
    %dma_wait3A_2198 = tpu.memref_slice %arg9[%arg1, %dma_wait3A_2195, %dma_wait3A_2196, %dma_wait3A_2197] : memref<16x3x32x1024xf32, #tpu.memory_space<vmem_shared>> -> memref<1x3x32x1024xf32, #tpu.memory_space<vmem_shared>>
    %dma_wait3A_2199 = tpu.memref_squeeze %dma_wait3A_2198 : memref<1x3x32x1024xf32, #tpu.memory_space<vmem_shared>> -> memref<3x32x1024xf32, #tpu.memory_space<vmem_shared>>
    %dma_wait3A_2200 = arith.constant 0 : i32
    %dma_wait3A_2201 = arith.constant 0 : i32
    %dma_wait3A_2202 = tpu.memref_slice %dma_wait3A_2199[%dma_wait3A_2194, %dma_wait3A_2200, %dma_wait3A_2201] : memref<3x32x1024xf32, #tpu.memory_space<vmem_shared>> -> memref<1x32x1024xf32, #tpu.memory_space<vmem_shared>>
    %dma_wait3A_2203 = tpu.memref_squeeze %dma_wait3A_2202 : memref<1x32x1024xf32, #tpu.memory_space<vmem_shared>> -> memref<32x1024xf32, #tpu.memory_space<vmem_shared>>
    %dma_wait3A_2204 = arith.constant 0 : i32
    %dma_wait3A_2205 = tpu.memref_slice %arg2[%add3A_2077, %dma_wait3A_2204] : memref<32768x1024xf32, #tpu.memory_space<hbm>> -> memref<32x1024xf32, #tpu.memory_space<hbm>>
    tpu.wait_dma2 semaphore(%arg12 : memref<!tpu.dma_semaphore, #tpu.memory_space<semaphore_mem>>) src(%dma_wait3A_2205 : memref<32x1024xf32, #tpu.memory_space<hbm>>) dst(%dma_wait3A_2203 : memref<32x1024xf32, #tpu.memory_space<vmem_shared>>)
    %add3A_2206 = arith.constant 352 : i32
    %add3A_2207 = arith.addi %mul3A_2, %add3A_2206 : i32
    %dma_start3A_2208 = arith.constant 2 : i32
    %dma_start3A_2209 = arith.constant 0 : i32
    %dma_start3A_2210 = tpu.memref_slice %arg5[%add3A_2207, %dma_start3A_2209] : memref<32768x1024xf32, #tpu.memory_space<hbm>> -> memref<32x1024xf32, #tpu.memory_space<hbm>>
    %dma_start3A_2211 = arith.constant 0 : i32
    %dma_start3A_2212 = arith.constant 0 : i32
    %dma_start3A_2213 = arith.constant 0 : i32
    %dma_start3A_2214 = tpu.memref_slice %arg9[%arg1, %dma_start3A_2211, %dma_start3A_2212, %dma_start3A_2213] : memref<16x3x32x1024xf32, #tpu.memory_space<vmem_shared>> -> memref<1x3x32x1024xf32, #tpu.memory_space<vmem_shared>>
    %dma_start3A_2215 = tpu.memref_squeeze %dma_start3A_2214 : memref<1x3x32x1024xf32, #tpu.memory_space<vmem_shared>> -> memref<3x32x1024xf32, #tpu.memory_space<vmem_shared>>
    %dma_start3A_2216 = arith.constant 0 : i32
    %dma_start3A_2217 = arith.constant 0 : i32
    %dma_start3A_2218 = tpu.memref_slice %dma_start3A_2215[%dma_start3A_2208, %dma_start3A_2216, %dma_start3A_2217] : memref<3x32x1024xf32, #tpu.memory_space<vmem_shared>> -> memref<1x32x1024xf32, #tpu.memory_space<vmem_shared>>
    %dma_start3A_2219 = tpu.memref_squeeze %dma_start3A_2218 : memref<1x32x1024xf32, #tpu.memory_space<vmem_shared>> -> memref<32x1024xf32, #tpu.memory_space<vmem_shared>>
    tpu.enqueue_dma source(%dma_start3A_2219 : memref<32x1024xf32, #tpu.memory_space<vmem_shared>>) target(%dma_start3A_2210 : memref<32x1024xf32, #tpu.memory_space<hbm>>) target_semaphore(%arg15 : memref<!tpu.dma_semaphore, #tpu.memory_space<semaphore_mem>>)
    %dma_wait3A_2220 = arith.constant 2 : i32
    %dma_wait3A_2221 = arith.constant 0 : i32
    %dma_wait3A_2222 = tpu.memref_slice %arg5[%add3A_2207, %dma_wait3A_2221] : memref<32768x1024xf32, #tpu.memory_space<hbm>> -> memref<32x1024xf32, #tpu.memory_space<hbm>>
    %dma_wait3A_2223 = arith.constant 0 : i32
    %dma_wait3A_2224 = arith.constant 0 : i32
    %dma_wait3A_2225 = arith.constant 0 : i32
    %dma_wait3A_2226 = tpu.memref_slice %arg9[%arg1, %dma_wait3A_2223, %dma_wait3A_2224, %dma_wait3A_2225] : memref<16x3x32x1024xf32, #tpu.memory_space<vmem_shared>> -> memref<1x3x32x1024xf32, #tpu.memory_space<vmem_shared>>
    %dma_wait3A_2227 = tpu.memref_squeeze %dma_wait3A_2226 : memref<1x3x32x1024xf32, #tpu.memory_space<vmem_shared>> -> memref<3x32x1024xf32, #tpu.memory_space<vmem_shared>>
    %dma_wait3A_2228 = arith.constant 0 : i32
    %dma_wait3A_2229 = arith.constant 0 : i32
    %dma_wait3A_2230 = tpu.memref_slice %dma_wait3A_2227[%dma_wait3A_2220, %dma_wait3A_2228, %dma_wait3A_2229] : memref<3x32x1024xf32, #tpu.memory_space<vmem_shared>> -> memref<1x32x1024xf32, #tpu.memory_space<vmem_shared>>
    %dma_wait3A_2231 = tpu.memref_squeeze %dma_wait3A_2230 : memref<1x32x1024xf32, #tpu.memory_space<vmem_shared>> -> memref<32x1024xf32, #tpu.memory_space<vmem_shared>>
    tpu.wait_dma2 semaphore(%arg15 : memref<!tpu.dma_semaphore, #tpu.memory_space<semaphore_mem>>) src(%dma_wait3A_2231 : memref<32x1024xf32, #tpu.memory_space<vmem_shared>>) dst(%dma_wait3A_2222 : memref<32x1024xf32, #tpu.memory_space<hbm>>)
    %add3A_2232 = arith.constant 448 : i32
    %add3A_2233 = arith.addi %mul3A_2, %add3A_2232 : i32
    %dma_start3A_2234 = arith.constant 2 : i32
    %dma_start3A_2235 = arith.constant 0 : i32
    %dma_start3A_2236 = arith.constant 0 : i32
    %dma_start3A_2237 = arith.constant 0 : i32
    %dma_start3A_2238 = tpu.memref_slice %arg9[%arg1, %dma_start3A_2235, %dma_start3A_2236, %dma_start3A_2237] : memref<16x3x32x1024xf32, #tpu.memory_space<vmem_shared>> -> memref<1x3x32x1024xf32, #tpu.memory_space<vmem_shared>>
    %dma_start3A_2239 = tpu.memref_squeeze %dma_start3A_2238 : memref<1x3x32x1024xf32, #tpu.memory_space<vmem_shared>> -> memref<3x32x1024xf32, #tpu.memory_space<vmem_shared>>
    %dma_start3A_2240 = arith.constant 0 : i32
    %dma_start3A_2241 = arith.constant 0 : i32
    %dma_start3A_2242 = tpu.memref_slice %dma_start3A_2239[%dma_start3A_2234, %dma_start3A_2240, %dma_start3A_2241] : memref<3x32x1024xf32, #tpu.memory_space<vmem_shared>> -> memref<1x32x1024xf32, #tpu.memory_space<vmem_shared>>
    %dma_start3A_2243 = tpu.memref_squeeze %dma_start3A_2242 : memref<1x32x1024xf32, #tpu.memory_space<vmem_shared>> -> memref<32x1024xf32, #tpu.memory_space<vmem_shared>>
    %dma_start3A_2244 = arith.constant 0 : i32
    %dma_start3A_2245 = tpu.memref_slice %arg2[%add3A_2233, %dma_start3A_2244] : memref<32768x1024xf32, #tpu.memory_space<hbm>> -> memref<32x1024xf32, #tpu.memory_space<hbm>>
    tpu.enqueue_dma source(%dma_start3A_2245 : memref<32x1024xf32, #tpu.memory_space<hbm>>) target(%dma_start3A_2243 : memref<32x1024xf32, #tpu.memory_space<vmem_shared>>) target_semaphore(%arg12 : memref<!tpu.dma_semaphore, #tpu.memory_space<semaphore_mem>>)
    %dma_wait3A_2246 = arith.constant 0 : i32
    %dma_wait3A_2247 = arith.constant 0 : i32
    %dma_wait3A_2248 = arith.constant 0 : i32
    %dma_wait3A_2249 = arith.constant 0 : i32
    %dma_wait3A_2250 = tpu.memref_slice %arg9[%arg1, %dma_wait3A_2247, %dma_wait3A_2248, %dma_wait3A_2249] : memref<16x3x32x1024xf32, #tpu.memory_space<vmem_shared>> -> memref<1x3x32x1024xf32, #tpu.memory_space<vmem_shared>>
    %dma_wait3A_2251 = tpu.memref_squeeze %dma_wait3A_2250 : memref<1x3x32x1024xf32, #tpu.memory_space<vmem_shared>> -> memref<3x32x1024xf32, #tpu.memory_space<vmem_shared>>
    %dma_wait3A_2252 = arith.constant 0 : i32
    %dma_wait3A_2253 = arith.constant 0 : i32
    %dma_wait3A_2254 = tpu.memref_slice %dma_wait3A_2251[%dma_wait3A_2246, %dma_wait3A_2252, %dma_wait3A_2253] : memref<3x32x1024xf32, #tpu.memory_space<vmem_shared>> -> memref<1x32x1024xf32, #tpu.memory_space<vmem_shared>>
    %dma_wait3A_2255 = tpu.memref_squeeze %dma_wait3A_2254 : memref<1x32x1024xf32, #tpu.memory_space<vmem_shared>> -> memref<32x1024xf32, #tpu.memory_space<vmem_shared>>
    %dma_wait3A_2256 = arith.constant 0 : i32
    %dma_wait3A_2257 = tpu.memref_slice %arg2[%add3A_2129, %dma_wait3A_2256] : memref<32768x1024xf32, #tpu.memory_space<hbm>> -> memref<32x1024xf32, #tpu.memory_space<hbm>>
    tpu.wait_dma2 semaphore(%arg10 : memref<!tpu.dma_semaphore, #tpu.memory_space<semaphore_mem>>) src(%dma_wait3A_2257 : memref<32x1024xf32, #tpu.memory_space<hbm>>) dst(%dma_wait3A_2255 : memref<32x1024xf32, #tpu.memory_space<vmem_shared>>)
    %add3A_2258 = arith.constant 384 : i32
    %add3A_2259 = arith.addi %mul3A_2, %add3A_2258 : i32
    %dma_start3A_2260 = arith.constant 0 : i32
    %dma_start3A_2261 = arith.constant 0 : i32
    %dma_start3A_2262 = tpu.memref_slice %arg5[%add3A_2259, %dma_start3A_2261] : memref<32768x1024xf32, #tpu.memory_space<hbm>> -> memref<32x1024xf32, #tpu.memory_space<hbm>>
    %dma_start3A_2263 = arith.constant 0 : i32
    %dma_start3A_2264 = arith.constant 0 : i32
    %dma_start3A_2265 = arith.constant 0 : i32
    %dma_start3A_2266 = tpu.memref_slice %arg9[%arg1, %dma_start3A_2263, %dma_start3A_2264, %dma_start3A_2265] : memref<16x3x32x1024xf32, #tpu.memory_space<vmem_shared>> -> memref<1x3x32x1024xf32, #tpu.memory_space<vmem_shared>>
    %dma_start3A_2267 = tpu.memref_squeeze %dma_start3A_2266 : memref<1x3x32x1024xf32, #tpu.memory_space<vmem_shared>> -> memref<3x32x1024xf32, #tpu.memory_space<vmem_shared>>
    %dma_start3A_2268 = arith.constant 0 : i32
    %dma_start3A_2269 = arith.constant 0 : i32
    %dma_start3A_2270 = tpu.memref_slice %dma_start3A_2267[%dma_start3A_2260, %dma_start3A_2268, %dma_start3A_2269] : memref<3x32x1024xf32, #tpu.memory_space<vmem_shared>> -> memref<1x32x1024xf32, #tpu.memory_space<vmem_shared>>
    %dma_start3A_2271 = tpu.memref_squeeze %dma_start3A_2270 : memref<1x32x1024xf32, #tpu.memory_space<vmem_shared>> -> memref<32x1024xf32, #tpu.memory_space<vmem_shared>>
    tpu.enqueue_dma source(%dma_start3A_2271 : memref<32x1024xf32, #tpu.memory_space<vmem_shared>>) target(%dma_start3A_2262 : memref<32x1024xf32, #tpu.memory_space<hbm>>) target_semaphore(%arg13 : memref<!tpu.dma_semaphore, #tpu.memory_space<semaphore_mem>>)
    %dma_wait3A_2272 = arith.constant 0 : i32
    %dma_wait3A_2273 = arith.constant 0 : i32
    %dma_wait3A_2274 = tpu.memref_slice %arg5[%add3A_2259, %dma_wait3A_2273] : memref<32768x1024xf32, #tpu.memory_space<hbm>> -> memref<32x1024xf32, #tpu.memory_space<hbm>>
    %dma_wait3A_2275 = arith.constant 0 : i32
    %dma_wait3A_2276 = arith.constant 0 : i32
    %dma_wait3A_2277 = arith.constant 0 : i32
    %dma_wait3A_2278 = tpu.memref_slice %arg9[%arg1, %dma_wait3A_2275, %dma_wait3A_2276, %dma_wait3A_2277] : memref<16x3x32x1024xf32, #tpu.memory_space<vmem_shared>> -> memref<1x3x32x1024xf32, #tpu.memory_space<vmem_shared>>
    %dma_wait3A_2279 = tpu.memref_squeeze %dma_wait3A_2278 : memref<1x3x32x1024xf32, #tpu.memory_space<vmem_shared>> -> memref<3x32x1024xf32, #tpu.memory_space<vmem_shared>>
    %dma_wait3A_2280 = arith.constant 0 : i32
    %dma_wait3A_2281 = arith.constant 0 : i32
    %dma_wait3A_2282 = tpu.memref_slice %dma_wait3A_2279[%dma_wait3A_2272, %dma_wait3A_2280, %dma_wait3A_2281] : memref<3x32x1024xf32, #tpu.memory_space<vmem_shared>> -> memref<1x32x1024xf32, #tpu.memory_space<vmem_shared>>
    %dma_wait3A_2283 = tpu.memref_squeeze %dma_wait3A_2282 : memref<1x32x1024xf32, #tpu.memory_space<vmem_shared>> -> memref<32x1024xf32, #tpu.memory_space<vmem_shared>>
    tpu.wait_dma2 semaphore(%arg13 : memref<!tpu.dma_semaphore, #tpu.memory_space<semaphore_mem>>) src(%dma_wait3A_2283 : memref<32x1024xf32, #tpu.memory_space<vmem_shared>>) dst(%dma_wait3A_2274 : memref<32x1024xf32, #tpu.memory_space<hbm>>)
    %add3A_2284 = arith.constant 480 : i32
    %add3A_2285 = arith.addi %mul3A_2, %add3A_2284 : i32
    %dma_start3A_2286 = arith.constant 0 : i32
    %dma_start3A_2287 = arith.constant 0 : i32
    %dma_start3A_2288 = arith.constant 0 : i32
    %dma_start3A_2289 = arith.constant 0 : i32
    %dma_start3A_2290 = tpu.memref_slice %arg9[%arg1, %dma_start3A_2287, %dma_start3A_2288, %dma_start3A_2289] : memref<16x3x32x1024xf32, #tpu.memory_space<vmem_shared>> -> memref<1x3x32x1024xf32, #tpu.memory_space<vmem_shared>>
    %dma_start3A_2291 = tpu.memref_squeeze %dma_start3A_2290 : memref<1x3x32x1024xf32, #tpu.memory_space<vmem_shared>> -> memref<3x32x1024xf32, #tpu.memory_space<vmem_shared>>
    %dma_start3A_2292 = arith.constant 0 : i32
    %dma_start3A_2293 = arith.constant 0 : i32
    %dma_start3A_2294 = tpu.memref_slice %dma_start3A_2291[%dma_start3A_2286, %dma_start3A_2292, %dma_start3A_2293] : memref<3x32x1024xf32, #tpu.memory_space<vmem_shared>> -> memref<1x32x1024xf32, #tpu.memory_space<vmem_shared>>
    %dma_start3A_2295 = tpu.memref_squeeze %dma_start3A_2294 : memref<1x32x1024xf32, #tpu.memory_space<vmem_shared>> -> memref<32x1024xf32, #tpu.memory_space<vmem_shared>>
    %dma_start3A_2296 = arith.constant 0 : i32
    %dma_start3A_2297 = tpu.memref_slice %arg2[%add3A_2285, %dma_start3A_2296] : memref<32768x1024xf32, #tpu.memory_space<hbm>> -> memref<32x1024xf32, #tpu.memory_space<hbm>>
    tpu.enqueue_dma source(%dma_start3A_2297 : memref<32x1024xf32, #tpu.memory_space<hbm>>) target(%dma_start3A_2295 : memref<32x1024xf32, #tpu.memory_space<vmem_shared>>) target_semaphore(%arg10 : memref<!tpu.dma_semaphore, #tpu.memory_space<semaphore_mem>>)
    %dma_wait3A_2298 = arith.constant 1 : i32
    %dma_wait3A_2299 = arith.constant 0 : i32
    %dma_wait3A_2300 = arith.constant 0 : i32
    %dma_wait3A_2301 = arith.constant 0 : i32
    %dma_wait3A_2302 = tpu.memref_slice %arg9[%arg1, %dma_wait3A_2299, %dma_wait3A_2300, %dma_wait3A_2301] : memref<16x3x32x1024xf32, #tpu.memory_space<vmem_shared>> -> memref<1x3x32x1024xf32, #tpu.memory_space<vmem_shared>>
    %dma_wait3A_2303 = tpu.memref_squeeze %dma_wait3A_2302 : memref<1x3x32x1024xf32, #tpu.memory_space<vmem_shared>> -> memref<3x32x1024xf32, #tpu.memory_space<vmem_shared>>
    %dma_wait3A_2304 = arith.constant 0 : i32
    %dma_wait3A_2305 = arith.constant 0 : i32
    %dma_wait3A_2306 = tpu.memref_slice %dma_wait3A_2303[%dma_wait3A_2298, %dma_wait3A_2304, %dma_wait3A_2305] : memref<3x32x1024xf32, #tpu.memory_space<vmem_shared>> -> memref<1x32x1024xf32, #tpu.memory_space<vmem_shared>>
    %dma_wait3A_2307 = tpu.memref_squeeze %dma_wait3A_2306 : memref<1x32x1024xf32, #tpu.memory_space<vmem_shared>> -> memref<32x1024xf32, #tpu.memory_space<vmem_shared>>
    %dma_wait3A_2308 = arith.constant 0 : i32
    %dma_wait3A_2309 = tpu.memref_slice %arg2[%add3A_2181, %dma_wait3A_2308] : memref<32768x1024xf32, #tpu.memory_space<hbm>> -> memref<32x1024xf32, #tpu.memory_space<hbm>>
    tpu.wait_dma2 semaphore(%arg11 : memref<!tpu.dma_semaphore, #tpu.memory_space<semaphore_mem>>) src(%dma_wait3A_2309 : memref<32x1024xf32, #tpu.memory_space<hbm>>) dst(%dma_wait3A_2307 : memref<32x1024xf32, #tpu.memory_space<vmem_shared>>)
    %add3A_2310 = arith.constant 416 : i32
    %add3A_2311 = arith.addi %mul3A_2, %add3A_2310 : i32
    %dma_start3A_2312 = arith.constant 1 : i32
    %dma_start3A_2313 = arith.constant 0 : i32
    %dma_start3A_2314 = tpu.memref_slice %arg5[%add3A_2311, %dma_start3A_2313] : memref<32768x1024xf32, #tpu.memory_space<hbm>> -> memref<32x1024xf32, #tpu.memory_space<hbm>>
    %dma_start3A_2315 = arith.constant 0 : i32
    %dma_start3A_2316 = arith.constant 0 : i32
    %dma_start3A_2317 = arith.constant 0 : i32
    %dma_start3A_2318 = tpu.memref_slice %arg9[%arg1, %dma_start3A_2315, %dma_start3A_2316, %dma_start3A_2317] : memref<16x3x32x1024xf32, #tpu.memory_space<vmem_shared>> -> memref<1x3x32x1024xf32, #tpu.memory_space<vmem_shared>>
    %dma_start3A_2319 = tpu.memref_squeeze %dma_start3A_2318 : memref<1x3x32x1024xf32, #tpu.memory_space<vmem_shared>> -> memref<3x32x1024xf32, #tpu.memory_space<vmem_shared>>
    %dma_start3A_2320 = arith.constant 0 : i32
    %dma_start3A_2321 = arith.constant 0 : i32
    %dma_start3A_2322 = tpu.memref_slice %dma_start3A_2319[%dma_start3A_2312, %dma_start3A_2320, %dma_start3A_2321] : memref<3x32x1024xf32, #tpu.memory_space<vmem_shared>> -> memref<1x32x1024xf32, #tpu.memory_space<vmem_shared>>
    %dma_start3A_2323 = tpu.memref_squeeze %dma_start3A_2322 : memref<1x32x1024xf32, #tpu.memory_space<vmem_shared>> -> memref<32x1024xf32, #tpu.memory_space<vmem_shared>>
    tpu.enqueue_dma source(%dma_start3A_2323 : memref<32x1024xf32, #tpu.memory_space<vmem_shared>>) target(%dma_start3A_2314 : memref<32x1024xf32, #tpu.memory_space<hbm>>) target_semaphore(%arg14 : memref<!tpu.dma_semaphore, #tpu.memory_space<semaphore_mem>>)
    %dma_wait3A_2324 = arith.constant 1 : i32
    %dma_wait3A_2325 = arith.constant 0 : i32
    %dma_wait3A_2326 = tpu.memref_slice %arg5[%add3A_2311, %dma_wait3A_2325] : memref<32768x1024xf32, #tpu.memory_space<hbm>> -> memref<32x1024xf32, #tpu.memory_space<hbm>>
    %dma_wait3A_2327 = arith.constant 0 : i32
    %dma_wait3A_2328 = arith.constant 0 : i32
    %dma_wait3A_2329 = arith.constant 0 : i32
    %dma_wait3A_2330 = tpu.memref_slice %arg9[%arg1, %dma_wait3A_2327, %dma_wait3A_2328, %dma_wait3A_2329] : memref<16x3x32x1024xf32, #tpu.memory_space<vmem_shared>> -> memref<1x3x32x1024xf32, #tpu.memory_space<vmem_shared>>
    %dma_wait3A_2331 = tpu.memref_squeeze %dma_wait3A_2330 : memref<1x3x32x1024xf32, #tpu.memory_space<vmem_shared>> -> memref<3x32x1024xf32, #tpu.memory_space<vmem_shared>>
    %dma_wait3A_2332 = arith.constant 0 : i32
    %dma_wait3A_2333 = arith.constant 0 : i32
    %dma_wait3A_2334 = tpu.memref_slice %dma_wait3A_2331[%dma_wait3A_2324, %dma_wait3A_2332, %dma_wait3A_2333] : memref<3x32x1024xf32, #tpu.memory_space<vmem_shared>> -> memref<1x32x1024xf32, #tpu.memory_space<vmem_shared>>
    %dma_wait3A_2335 = tpu.memref_squeeze %dma_wait3A_2334 : memref<1x32x1024xf32, #tpu.memory_space<vmem_shared>> -> memref<32x1024xf32, #tpu.memory_space<vmem_shared>>
    tpu.wait_dma2 semaphore(%arg14 : memref<!tpu.dma_semaphore, #tpu.memory_space<semaphore_mem>>) src(%dma_wait3A_2335 : memref<32x1024xf32, #tpu.memory_space<vmem_shared>>) dst(%dma_wait3A_2326 : memref<32x1024xf32, #tpu.memory_space<hbm>>)
    %add3A_2336 = arith.constant 512 : i32
    %add3A_2337 = arith.addi %mul3A_2, %add3A_2336 : i32
    %dma_start3A_2338 = arith.constant 1 : i32
    %dma_start3A_2339 = arith.constant 0 : i32
    %dma_start3A_2340 = arith.constant 0 : i32
    %dma_start3A_2341 = arith.constant 0 : i32
    %dma_start3A_2342 = tpu.memref_slice %arg9[%arg1, %dma_start3A_2339, %dma_start3A_2340, %dma_start3A_2341] : memref<16x3x32x1024xf32, #tpu.memory_space<vmem_shared>> -> memref<1x3x32x1024xf32, #tpu.memory_space<vmem_shared>>
    %dma_start3A_2343 = tpu.memref_squeeze %dma_start3A_2342 : memref<1x3x32x1024xf32, #tpu.memory_space<vmem_shared>> -> memref<3x32x1024xf32, #tpu.memory_space<vmem_shared>>
    %dma_start3A_2344 = arith.constant 0 : i32
    %dma_start3A_2345 = arith.constant 0 : i32
    %dma_start3A_2346 = tpu.memref_slice %dma_start3A_2343[%dma_start3A_2338, %dma_start3A_2344, %dma_start3A_2345] : memref<3x32x1024xf32, #tpu.memory_space<vmem_shared>> -> memref<1x32x1024xf32, #tpu.memory_space<vmem_shared>>
    %dma_start3A_2347 = tpu.memref_squeeze %dma_start3A_2346 : memref<1x32x1024xf32, #tpu.memory_space<vmem_shared>> -> memref<32x1024xf32, #tpu.memory_space<vmem_shared>>
    %dma_start3A_2348 = arith.constant 0 : i32
    %dma_start3A_2349 = tpu.memref_slice %arg2[%add3A_2337, %dma_start3A_2348] : memref<32768x1024xf32, #tpu.memory_space<hbm>> -> memref<32x1024xf32, #tpu.memory_space<hbm>>
    tpu.enqueue_dma source(%dma_start3A_2349 : memref<32x1024xf32, #tpu.memory_space<hbm>>) target(%dma_start3A_2347 : memref<32x1024xf32, #tpu.memory_space<vmem_shared>>) target_semaphore(%arg11 : memref<!tpu.dma_semaphore, #tpu.memory_space<semaphore_mem>>)
    %dma_wait3A_2350 = arith.constant 2 : i32
    %dma_wait3A_2351 = arith.constant 0 : i32
    %dma_wait3A_2352 = arith.constant 0 : i32
    %dma_wait3A_2353 = arith.constant 0 : i32
    %dma_wait3A_2354 = tpu.memref_slice %arg9[%arg1, %dma_wait3A_2351, %dma_wait3A_2352, %dma_wait3A_2353] : memref<16x3x32x1024xf32, #tpu.memory_space<vmem_shared>> -> memref<1x3x32x1024xf32, #tpu.memory_space<vmem_shared>>
    %dma_wait3A_2355 = tpu.memref_squeeze %dma_wait3A_2354 : memref<1x3x32x1024xf32, #tpu.memory_space<vmem_shared>> -> memref<3x32x1024xf32, #tpu.memory_space<vmem_shared>>
    %dma_wait3A_2356 = arith.constant 0 : i32
    %dma_wait3A_2357 = arith.constant 0 : i32
    %dma_wait3A_2358 = tpu.memref_slice %dma_wait3A_2355[%dma_wait3A_2350, %dma_wait3A_2356, %dma_wait3A_2357] : memref<3x32x1024xf32, #tpu.memory_space<vmem_shared>> -> memref<1x32x1024xf32, #tpu.memory_space<vmem_shared>>
    %dma_wait3A_2359 = tpu.memref_squeeze %dma_wait3A_2358 : memref<1x32x1024xf32, #tpu.memory_space<vmem_shared>> -> memref<32x1024xf32, #tpu.memory_space<vmem_shared>>
    %dma_wait3A_2360 = arith.constant 0 : i32
    %dma_wait3A_2361 = tpu.memref_slice %arg2[%add3A_2233, %dma_wait3A_2360] : memref<32768x1024xf32, #tpu.memory_space<hbm>> -> memref<32x1024xf32, #tpu.memory_space<hbm>>
    tpu.wait_dma2 semaphore(%arg12 : memref<!tpu.dma_semaphore, #tpu.memory_space<semaphore_mem>>) src(%dma_wait3A_2361 : memref<32x1024xf32, #tpu.memory_space<hbm>>) dst(%dma_wait3A_2359 : memref<32x1024xf32, #tpu.memory_space<vmem_shared>>)
    %add3A_2362 = arith.constant 448 : i32
    %add3A_2363 = arith.addi %mul3A_2, %add3A_2362 : i32
    %dma_start3A_2364 = arith.constant 2 : i32
    %dma_start3A_2365 = arith.constant 0 : i32
    %dma_start3A_2366 = tpu.memref_slice %arg5[%add3A_2363, %dma_start3A_2365] : memref<32768x1024xf32, #tpu.memory_space<hbm>> -> memref<32x1024xf32, #tpu.memory_space<hbm>>
    %dma_start3A_2367 = arith.constant 0 : i32
    %dma_start3A_2368 = arith.constant 0 : i32
    %dma_start3A_2369 = arith.constant 0 : i32
    %dma_start3A_2370 = tpu.memref_slice %arg9[%arg1, %dma_start3A_2367, %dma_start3A_2368, %dma_start3A_2369] : memref<16x3x32x1024xf32, #tpu.memory_space<vmem_shared>> -> memref<1x3x32x1024xf32, #tpu.memory_space<vmem_shared>>
    %dma_start3A_2371 = tpu.memref_squeeze %dma_start3A_2370 : memref<1x3x32x1024xf32, #tpu.memory_space<vmem_shared>> -> memref<3x32x1024xf32, #tpu.memory_space<vmem_shared>>
    %dma_start3A_2372 = arith.constant 0 : i32
    %dma_start3A_2373 = arith.constant 0 : i32
    %dma_start3A_2374 = tpu.memref_slice %dma_start3A_2371[%dma_start3A_2364, %dma_start3A_2372, %dma_start3A_2373] : memref<3x32x1024xf32, #tpu.memory_space<vmem_shared>> -> memref<1x32x1024xf32, #tpu.memory_space<vmem_shared>>
    %dma_start3A_2375 = tpu.memref_squeeze %dma_start3A_2374 : memref<1x32x1024xf32, #tpu.memory_space<vmem_shared>> -> memref<32x1024xf32, #tpu.memory_space<vmem_shared>>
    tpu.enqueue_dma source(%dma_start3A_2375 : memref<32x1024xf32, #tpu.memory_space<vmem_shared>>) target(%dma_start3A_2366 : memref<32x1024xf32, #tpu.memory_space<hbm>>) target_semaphore(%arg15 : memref<!tpu.dma_semaphore, #tpu.memory_space<semaphore_mem>>)
    %dma_wait3A_2376 = arith.constant 2 : i32
    %dma_wait3A_2377 = arith.constant 0 : i32
    %dma_wait3A_2378 = tpu.memref_slice %arg5[%add3A_2363, %dma_wait3A_2377] : memref<32768x1024xf32, #tpu.memory_space<hbm>> -> memref<32x1024xf32, #tpu.memory_space<hbm>>
    %dma_wait3A_2379 = arith.constant 0 : i32
    %dma_wait3A_2380 = arith.constant 0 : i32
    %dma_wait3A_2381 = arith.constant 0 : i32
    %dma_wait3A_2382 = tpu.memref_slice %arg9[%arg1, %dma_wait3A_2379, %dma_wait3A_2380, %dma_wait3A_2381] : memref<16x3x32x1024xf32, #tpu.memory_space<vmem_shared>> -> memref<1x3x32x1024xf32, #tpu.memory_space<vmem_shared>>
    %dma_wait3A_2383 = tpu.memref_squeeze %dma_wait3A_2382 : memref<1x3x32x1024xf32, #tpu.memory_space<vmem_shared>> -> memref<3x32x1024xf32, #tpu.memory_space<vmem_shared>>
    %dma_wait3A_2384 = arith.constant 0 : i32
    %dma_wait3A_2385 = arith.constant 0 : i32
    %dma_wait3A_2386 = tpu.memref_slice %dma_wait3A_2383[%dma_wait3A_2376, %dma_wait3A_2384, %dma_wait3A_2385] : memref<3x32x1024xf32, #tpu.memory_space<vmem_shared>> -> memref<1x32x1024xf32, #tpu.memory_space<vmem_shared>>
    %dma_wait3A_2387 = tpu.memref_squeeze %dma_wait3A_2386 : memref<1x32x1024xf32, #tpu.memory_space<vmem_shared>> -> memref<32x1024xf32, #tpu.memory_space<vmem_shared>>
    tpu.wait_dma2 semaphore(%arg15 : memref<!tpu.dma_semaphore, #tpu.memory_space<semaphore_mem>>) src(%dma_wait3A_2387 : memref<32x1024xf32, #tpu.memory_space<vmem_shared>>) dst(%dma_wait3A_2378 : memref<32x1024xf32, #tpu.memory_space<hbm>>)
    %add3A_2388 = arith.constant 544 : i32
    %add3A_2389 = arith.addi %mul3A_2, %add3A_2388 : i32
    %dma_start3A_2390 = arith.constant 2 : i32
    %dma_start3A_2391 = arith.constant 0 : i32
    %dma_start3A_2392 = arith.constant 0 : i32
    %dma_start3A_2393 = arith.constant 0 : i32
    %dma_start3A_2394 = tpu.memref_slice %arg9[%arg1, %dma_start3A_2391, %dma_start3A_2392, %dma_start3A_2393] : memref<16x3x32x1024xf32, #tpu.memory_space<vmem_shared>> -> memref<1x3x32x1024xf32, #tpu.memory_space<vmem_shared>>
    %dma_start3A_2395 = tpu.memref_squeeze %dma_start3A_2394 : memref<1x3x32x1024xf32, #tpu.memory_space<vmem_shared>> -> memref<3x32x1024xf32, #tpu.memory_space<vmem_shared>>
    %dma_start3A_2396 = arith.constant 0 : i32
    %dma_start3A_2397 = arith.constant 0 : i32
    %dma_start3A_2398 = tpu.memref_slice %dma_start3A_2395[%dma_start3A_2390, %dma_start3A_2396, %dma_start3A_2397] : memref<3x32x1024xf32, #tpu.memory_space<vmem_shared>> -> memref<1x32x1024xf32, #tpu.memory_space<vmem_shared>>
    %dma_start3A_2399 = tpu.memref_squeeze %dma_start3A_2398 : memref<1x32x1024xf32, #tpu.memory_space<vmem_shared>> -> memref<32x1024xf32, #tpu.memory_space<vmem_shared>>
    %dma_start3A_2400 = arith.constant 0 : i32
    %dma_start3A_2401 = tpu.memref_slice %arg2[%add3A_2389, %dma_start3A_2400] : memref<32768x1024xf32, #tpu.memory_space<hbm>> -> memref<32x1024xf32, #tpu.memory_space<hbm>>
    tpu.enqueue_dma source(%dma_start3A_2401 : memref<32x1024xf32, #tpu.memory_space<hbm>>) target(%dma_start3A_2399 : memref<32x1024xf32, #tpu.memory_space<vmem_shared>>) target_semaphore(%arg12 : memref<!tpu.dma_semaphore, #tpu.memory_space<semaphore_mem>>)
    %dma_wait3A_2402 = arith.constant 0 : i32
    %dma_wait3A_2403 = arith.constant 0 : i32
    %dma_wait3A_2404 = arith.constant 0 : i32
    %dma_wait3A_2405 = arith.constant 0 : i32
    %dma_wait3A_2406 = tpu.memref_slice %arg9[%arg1, %dma_wait3A_2403, %dma_wait3A_2404, %dma_wait3A_2405] : memref<16x3x32x1024xf32, #tpu.memory_space<vmem_shared>> -> memref<1x3x32x1024xf32, #tpu.memory_space<vmem_shared>>
    %dma_wait3A_2407 = tpu.memref_squeeze %dma_wait3A_2406 : memref<1x3x32x1024xf32, #tpu.memory_space<vmem_shared>> -> memref<3x32x1024xf32, #tpu.memory_space<vmem_shared>>
    %dma_wait3A_2408 = arith.constant 0 : i32
    %dma_wait3A_2409 = arith.constant 0 : i32
    %dma_wait3A_2410 = tpu.memref_slice %dma_wait3A_2407[%dma_wait3A_2402, %dma_wait3A_2408, %dma_wait3A_2409] : memref<3x32x1024xf32, #tpu.memory_space<vmem_shared>> -> memref<1x32x1024xf32, #tpu.memory_space<vmem_shared>>
    %dma_wait3A_2411 = tpu.memref_squeeze %dma_wait3A_2410 : memref<1x32x1024xf32, #tpu.memory_space<vmem_shared>> -> memref<32x1024xf32, #tpu.memory_space<vmem_shared>>
    %dma_wait3A_2412 = arith.constant 0 : i32
    %dma_wait3A_2413 = tpu.memref_slice %arg2[%add3A_2285, %dma_wait3A_2412] : memref<32768x1024xf32, #tpu.memory_space<hbm>> -> memref<32x1024xf32, #tpu.memory_space<hbm>>
    tpu.wait_dma2 semaphore(%arg10 : memref<!tpu.dma_semaphore, #tpu.memory_space<semaphore_mem>>) src(%dma_wait3A_2413 : memref<32x1024xf32, #tpu.memory_space<hbm>>) dst(%dma_wait3A_2411 : memref<32x1024xf32, #tpu.memory_space<vmem_shared>>)
    %add3A_2414 = arith.constant 480 : i32
    %add3A_2415 = arith.addi %mul3A_2, %add3A_2414 : i32
    %dma_start3A_2416 = arith.constant 0 : i32
    %dma_start3A_2417 = arith.constant 0 : i32
    %dma_start3A_2418 = tpu.memref_slice %arg5[%add3A_2415, %dma_start3A_2417] : memref<32768x1024xf32, #tpu.memory_space<hbm>> -> memref<32x1024xf32, #tpu.memory_space<hbm>>
    %dma_start3A_2419 = arith.constant 0 : i32
    %dma_start3A_2420 = arith.constant 0 : i32
    %dma_start3A_2421 = arith.constant 0 : i32
    %dma_start3A_2422 = tpu.memref_slice %arg9[%arg1, %dma_start3A_2419, %dma_start3A_2420, %dma_start3A_2421] : memref<16x3x32x1024xf32, #tpu.memory_space<vmem_shared>> -> memref<1x3x32x1024xf32, #tpu.memory_space<vmem_shared>>
    %dma_start3A_2423 = tpu.memref_squeeze %dma_start3A_2422 : memref<1x3x32x1024xf32, #tpu.memory_space<vmem_shared>> -> memref<3x32x1024xf32, #tpu.memory_space<vmem_shared>>
    %dma_start3A_2424 = arith.constant 0 : i32
    %dma_start3A_2425 = arith.constant 0 : i32
    %dma_start3A_2426 = tpu.memref_slice %dma_start3A_2423[%dma_start3A_2416, %dma_start3A_2424, %dma_start3A_2425] : memref<3x32x1024xf32, #tpu.memory_space<vmem_shared>> -> memref<1x32x1024xf32, #tpu.memory_space<vmem_shared>>
    %dma_start3A_2427 = tpu.memref_squeeze %dma_start3A_2426 : memref<1x32x1024xf32, #tpu.memory_space<vmem_shared>> -> memref<32x1024xf32, #tpu.memory_space<vmem_shared>>
    tpu.enqueue_dma source(%dma_start3A_2427 : memref<32x1024xf32, #tpu.memory_space<vmem_shared>>) target(%dma_start3A_2418 : memref<32x1024xf32, #tpu.memory_space<hbm>>) target_semaphore(%arg13 : memref<!tpu.dma_semaphore, #tpu.memory_space<semaphore_mem>>)
    %dma_wait3A_2428 = arith.constant 0 : i32
    %dma_wait3A_2429 = arith.constant 0 : i32
    %dma_wait3A_2430 = tpu.memref_slice %arg5[%add3A_2415, %dma_wait3A_2429] : memref<32768x1024xf32, #tpu.memory_space<hbm>> -> memref<32x1024xf32, #tpu.memory_space<hbm>>
    %dma_wait3A_2431 = arith.constant 0 : i32
    %dma_wait3A_2432 = arith.constant 0 : i32
    %dma_wait3A_2433 = arith.constant 0 : i32
    %dma_wait3A_2434 = tpu.memref_slice %arg9[%arg1, %dma_wait3A_2431, %dma_wait3A_2432, %dma_wait3A_2433] : memref<16x3x32x1024xf32, #tpu.memory_space<vmem_shared>> -> memref<1x3x32x1024xf32, #tpu.memory_space<vmem_shared>>
    %dma_wait3A_2435 = tpu.memref_squeeze %dma_wait3A_2434 : memref<1x3x32x1024xf32, #tpu.memory_space<vmem_shared>> -> memref<3x32x1024xf32, #tpu.memory_space<vmem_shared>>
    %dma_wait3A_2436 = arith.constant 0 : i32
    %dma_wait3A_2437 = arith.constant 0 : i32
    %dma_wait3A_2438 = tpu.memref_slice %dma_wait3A_2435[%dma_wait3A_2428, %dma_wait3A_2436, %dma_wait3A_2437] : memref<3x32x1024xf32, #tpu.memory_space<vmem_shared>> -> memref<1x32x1024xf32, #tpu.memory_space<vmem_shared>>
    %dma_wait3A_2439 = tpu.memref_squeeze %dma_wait3A_2438 : memref<1x32x1024xf32, #tpu.memory_space<vmem_shared>> -> memref<32x1024xf32, #tpu.memory_space<vmem_shared>>
    tpu.wait_dma2 semaphore(%arg13 : memref<!tpu.dma_semaphore, #tpu.memory_space<semaphore_mem>>) src(%dma_wait3A_2439 : memref<32x1024xf32, #tpu.memory_space<vmem_shared>>) dst(%dma_wait3A_2430 : memref<32x1024xf32, #tpu.memory_space<hbm>>)
    %add3A_2440 = arith.constant 576 : i32
    %add3A_2441 = arith.addi %mul3A_2, %add3A_2440 : i32
    %dma_start3A_2442 = arith.constant 0 : i32
    %dma_start3A_2443 = arith.constant 0 : i32
    %dma_start3A_2444 = arith.constant 0 : i32
    %dma_start3A_2445 = arith.constant 0 : i32
    %dma_start3A_2446 = tpu.memref_slice %arg9[%arg1, %dma_start3A_2443, %dma_start3A_2444, %dma_start3A_2445] : memref<16x3x32x1024xf32, #tpu.memory_space<vmem_shared>> -> memref<1x3x32x1024xf32, #tpu.memory_space<vmem_shared>>
    %dma_start3A_2447 = tpu.memref_squeeze %dma_start3A_2446 : memref<1x3x32x1024xf32, #tpu.memory_space<vmem_shared>> -> memref<3x32x1024xf32, #tpu.memory_space<vmem_shared>>
    %dma_start3A_2448 = arith.constant 0 : i32
    %dma_start3A_2449 = arith.constant 0 : i32
    %dma_start3A_2450 = tpu.memref_slice %dma_start3A_2447[%dma_start3A_2442, %dma_start3A_2448, %dma_start3A_2449] : memref<3x32x1024xf32, #tpu.memory_space<vmem_shared>> -> memref<1x32x1024xf32, #tpu.memory_space<vmem_shared>>
    %dma_start3A_2451 = tpu.memref_squeeze %dma_start3A_2450 : memref<1x32x1024xf32, #tpu.memory_space<vmem_shared>> -> memref<32x1024xf32, #tpu.memory_space<vmem_shared>>
    %dma_start3A_2452 = arith.constant 0 : i32
    %dma_start3A_2453 = tpu.memref_slice %arg2[%add3A_2441, %dma_start3A_2452] : memref<32768x1024xf32, #tpu.memory_space<hbm>> -> memref<32x1024xf32, #tpu.memory_space<hbm>>
    tpu.enqueue_dma source(%dma_start3A_2453 : memref<32x1024xf32, #tpu.memory_space<hbm>>) target(%dma_start3A_2451 : memref<32x1024xf32, #tpu.memory_space<vmem_shared>>) target_semaphore(%arg10 : memref<!tpu.dma_semaphore, #tpu.memory_space<semaphore_mem>>)
    %dma_wait3A_2454 = arith.constant 1 : i32
    %dma_wait3A_2455 = arith.constant 0 : i32
    %dma_wait3A_2456 = arith.constant 0 : i32
    %dma_wait3A_2457 = arith.constant 0 : i32
    %dma_wait3A_2458 = tpu.memref_slice %arg9[%arg1, %dma_wait3A_2455, %dma_wait3A_2456, %dma_wait3A_2457] : memref<16x3x32x1024xf32, #tpu.memory_space<vmem_shared>> -> memref<1x3x32x1024xf32, #tpu.memory_space<vmem_shared>>
    %dma_wait3A_2459 = tpu.memref_squeeze %dma_wait3A_2458 : memref<1x3x32x1024xf32, #tpu.memory_space<vmem_shared>> -> memref<3x32x1024xf32, #tpu.memory_space<vmem_shared>>
    %dma_wait3A_2460 = arith.constant 0 : i32
    %dma_wait3A_2461 = arith.constant 0 : i32
    %dma_wait3A_2462 = tpu.memref_slice %dma_wait3A_2459[%dma_wait3A_2454, %dma_wait3A_2460, %dma_wait3A_2461] : memref<3x32x1024xf32, #tpu.memory_space<vmem_shared>> -> memref<1x32x1024xf32, #tpu.memory_space<vmem_shared>>
    %dma_wait3A_2463 = tpu.memref_squeeze %dma_wait3A_2462 : memref<1x32x1024xf32, #tpu.memory_space<vmem_shared>> -> memref<32x1024xf32, #tpu.memory_space<vmem_shared>>
    %dma_wait3A_2464 = arith.constant 0 : i32
    %dma_wait3A_2465 = tpu.memref_slice %arg2[%add3A_2337, %dma_wait3A_2464] : memref<32768x1024xf32, #tpu.memory_space<hbm>> -> memref<32x1024xf32, #tpu.memory_space<hbm>>
    tpu.wait_dma2 semaphore(%arg11 : memref<!tpu.dma_semaphore, #tpu.memory_space<semaphore_mem>>) src(%dma_wait3A_2465 : memref<32x1024xf32, #tpu.memory_space<hbm>>) dst(%dma_wait3A_2463 : memref<32x1024xf32, #tpu.memory_space<vmem_shared>>)
    %add3A_2466 = arith.constant 512 : i32
    %add3A_2467 = arith.addi %mul3A_2, %add3A_2466 : i32
    %dma_start3A_2468 = arith.constant 1 : i32
    %dma_start3A_2469 = arith.constant 0 : i32
    %dma_start3A_2470 = tpu.memref_slice %arg5[%add3A_2467, %dma_start3A_2469] : memref<32768x1024xf32, #tpu.memory_space<hbm>> -> memref<32x1024xf32, #tpu.memory_space<hbm>>
    %dma_start3A_2471 = arith.constant 0 : i32
    %dma_start3A_2472 = arith.constant 0 : i32
    %dma_start3A_2473 = arith.constant 0 : i32
    %dma_start3A_2474 = tpu.memref_slice %arg9[%arg1, %dma_start3A_2471, %dma_start3A_2472, %dma_start3A_2473] : memref<16x3x32x1024xf32, #tpu.memory_space<vmem_shared>> -> memref<1x3x32x1024xf32, #tpu.memory_space<vmem_shared>>
    %dma_start3A_2475 = tpu.memref_squeeze %dma_start3A_2474 : memref<1x3x32x1024xf32, #tpu.memory_space<vmem_shared>> -> memref<3x32x1024xf32, #tpu.memory_space<vmem_shared>>
    %dma_start3A_2476 = arith.constant 0 : i32
    %dma_start3A_2477 = arith.constant 0 : i32
    %dma_start3A_2478 = tpu.memref_slice %dma_start3A_2475[%dma_start3A_2468, %dma_start3A_2476, %dma_start3A_2477] : memref<3x32x1024xf32, #tpu.memory_space<vmem_shared>> -> memref<1x32x1024xf32, #tpu.memory_space<vmem_shared>>
    %dma_start3A_2479 = tpu.memref_squeeze %dma_start3A_2478 : memref<1x32x1024xf32, #tpu.memory_space<vmem_shared>> -> memref<32x1024xf32, #tpu.memory_space<vmem_shared>>
    tpu.enqueue_dma source(%dma_start3A_2479 : memref<32x1024xf32, #tpu.memory_space<vmem_shared>>) target(%dma_start3A_2470 : memref<32x1024xf32, #tpu.memory_space<hbm>>) target_semaphore(%arg14 : memref<!tpu.dma_semaphore, #tpu.memory_space<semaphore_mem>>)
    %dma_wait3A_2480 = arith.constant 1 : i32
    %dma_wait3A_2481 = arith.constant 0 : i32
    %dma_wait3A_2482 = tpu.memref_slice %arg5[%add3A_2467, %dma_wait3A_2481] : memref<32768x1024xf32, #tpu.memory_space<hbm>> -> memref<32x1024xf32, #tpu.memory_space<hbm>>
    %dma_wait3A_2483 = arith.constant 0 : i32
    %dma_wait3A_2484 = arith.constant 0 : i32
    %dma_wait3A_2485 = arith.constant 0 : i32
    %dma_wait3A_2486 = tpu.memref_slice %arg9[%arg1, %dma_wait3A_2483, %dma_wait3A_2484, %dma_wait3A_2485] : memref<16x3x32x1024xf32, #tpu.memory_space<vmem_shared>> -> memref<1x3x32x1024xf32, #tpu.memory_space<vmem_shared>>
    %dma_wait3A_2487 = tpu.memref_squeeze %dma_wait3A_2486 : memref<1x3x32x1024xf32, #tpu.memory_space<vmem_shared>> -> memref<3x32x1024xf32, #tpu.memory_space<vmem_shared>>
    %dma_wait3A_2488 = arith.constant 0 : i32
    %dma_wait3A_2489 = arith.constant 0 : i32
    %dma_wait3A_2490 = tpu.memref_slice %dma_wait3A_2487[%dma_wait3A_2480, %dma_wait3A_2488, %dma_wait3A_2489] : memref<3x32x1024xf32, #tpu.memory_space<vmem_shared>> -> memref<1x32x1024xf32, #tpu.memory_space<vmem_shared>>
    %dma_wait3A_2491 = tpu.memref_squeeze %dma_wait3A_2490 : memref<1x32x1024xf32, #tpu.memory_space<vmem_shared>> -> memref<32x1024xf32, #tpu.memory_space<vmem_shared>>
    tpu.wait_dma2 semaphore(%arg14 : memref<!tpu.dma_semaphore, #tpu.memory_space<semaphore_mem>>) src(%dma_wait3A_2491 : memref<32x1024xf32, #tpu.memory_space<vmem_shared>>) dst(%dma_wait3A_2482 : memref<32x1024xf32, #tpu.memory_space<hbm>>)
    %add3A_2492 = arith.constant 608 : i32
    %add3A_2493 = arith.addi %mul3A_2, %add3A_2492 : i32
    %dma_start3A_2494 = arith.constant 1 : i32
    %dma_start3A_2495 = arith.constant 0 : i32
    %dma_start3A_2496 = arith.constant 0 : i32
    %dma_start3A_2497 = arith.constant 0 : i32
    %dma_start3A_2498 = tpu.memref_slice %arg9[%arg1, %dma_start3A_2495, %dma_start3A_2496, %dma_start3A_2497] : memref<16x3x32x1024xf32, #tpu.memory_space<vmem_shared>> -> memref<1x3x32x1024xf32, #tpu.memory_space<vmem_shared>>
    %dma_start3A_2499 = tpu.memref_squeeze %dma_start3A_2498 : memref<1x3x32x1024xf32, #tpu.memory_space<vmem_shared>> -> memref<3x32x1024xf32, #tpu.memory_space<vmem_shared>>
    %dma_start3A_2500 = arith.constant 0 : i32
    %dma_start3A_2501 = arith.constant 0 : i32
    %dma_start3A_2502 = tpu.memref_slice %dma_start3A_2499[%dma_start3A_2494, %dma_start3A_2500, %dma_start3A_2501] : memref<3x32x1024xf32, #tpu.memory_space<vmem_shared>> -> memref<1x32x1024xf32, #tpu.memory_space<vmem_shared>>
    %dma_start3A_2503 = tpu.memref_squeeze %dma_start3A_2502 : memref<1x32x1024xf32, #tpu.memory_space<vmem_shared>> -> memref<32x1024xf32, #tpu.memory_space<vmem_shared>>
    %dma_start3A_2504 = arith.constant 0 : i32
    %dma_start3A_2505 = tpu.memref_slice %arg2[%add3A_2493, %dma_start3A_2504] : memref<32768x1024xf32, #tpu.memory_space<hbm>> -> memref<32x1024xf32, #tpu.memory_space<hbm>>
    tpu.enqueue_dma source(%dma_start3A_2505 : memref<32x1024xf32, #tpu.memory_space<hbm>>) target(%dma_start3A_2503 : memref<32x1024xf32, #tpu.memory_space<vmem_shared>>) target_semaphore(%arg11 : memref<!tpu.dma_semaphore, #tpu.memory_space<semaphore_mem>>)
    %dma_wait3A_2506 = arith.constant 2 : i32
    %dma_wait3A_2507 = arith.constant 0 : i32
    %dma_wait3A_2508 = arith.constant 0 : i32
    %dma_wait3A_2509 = arith.constant 0 : i32
    %dma_wait3A_2510 = tpu.memref_slice %arg9[%arg1, %dma_wait3A_2507, %dma_wait3A_2508, %dma_wait3A_2509] : memref<16x3x32x1024xf32, #tpu.memory_space<vmem_shared>> -> memref<1x3x32x1024xf32, #tpu.memory_space<vmem_shared>>
    %dma_wait3A_2511 = tpu.memref_squeeze %dma_wait3A_2510 : memref<1x3x32x1024xf32, #tpu.memory_space<vmem_shared>> -> memref<3x32x1024xf32, #tpu.memory_space<vmem_shared>>
    %dma_wait3A_2512 = arith.constant 0 : i32
    %dma_wait3A_2513 = arith.constant 0 : i32
    %dma_wait3A_2514 = tpu.memref_slice %dma_wait3A_2511[%dma_wait3A_2506, %dma_wait3A_2512, %dma_wait3A_2513] : memref<3x32x1024xf32, #tpu.memory_space<vmem_shared>> -> memref<1x32x1024xf32, #tpu.memory_space<vmem_shared>>
    %dma_wait3A_2515 = tpu.memref_squeeze %dma_wait3A_2514 : memref<1x32x1024xf32, #tpu.memory_space<vmem_shared>> -> memref<32x1024xf32, #tpu.memory_space<vmem_shared>>
    %dma_wait3A_2516 = arith.constant 0 : i32
    %dma_wait3A_2517 = tpu.memref_slice %arg2[%add3A_2389, %dma_wait3A_2516] : memref<32768x1024xf32, #tpu.memory_space<hbm>> -> memref<32x1024xf32, #tpu.memory_space<hbm>>
    tpu.wait_dma2 semaphore(%arg12 : memref<!tpu.dma_semaphore, #tpu.memory_space<semaphore_mem>>) src(%dma_wait3A_2517 : memref<32x1024xf32, #tpu.memory_space<hbm>>) dst(%dma_wait3A_2515 : memref<32x1024xf32, #tpu.memory_space<vmem_shared>>)
    %add3A_2518 = arith.constant 544 : i32
    %add3A_2519 = arith.addi %mul3A_2, %add3A_2518 : i32
    %dma_start3A_2520 = arith.constant 2 : i32
    %dma_start3A_2521 = arith.constant 0 : i32
    %dma_start3A_2522 = tpu.memref_slice %arg5[%add3A_2519, %dma_start3A_2521] : memref<32768x1024xf32, #tpu.memory_space<hbm>> -> memref<32x1024xf32, #tpu.memory_space<hbm>>
    %dma_start3A_2523 = arith.constant 0 : i32
    %dma_start3A_2524 = arith.constant 0 : i32
    %dma_start3A_2525 = arith.constant 0 : i32
    %dma_start3A_2526 = tpu.memref_slice %arg9[%arg1, %dma_start3A_2523, %dma_start3A_2524, %dma_start3A_2525] : memref<16x3x32x1024xf32, #tpu.memory_space<vmem_shared>> -> memref<1x3x32x1024xf32, #tpu.memory_space<vmem_shared>>
    %dma_start3A_2527 = tpu.memref_squeeze %dma_start3A_2526 : memref<1x3x32x1024xf32, #tpu.memory_space<vmem_shared>> -> memref<3x32x1024xf32, #tpu.memory_space<vmem_shared>>
    %dma_start3A_2528 = arith.constant 0 : i32
    %dma_start3A_2529 = arith.constant 0 : i32
    %dma_start3A_2530 = tpu.memref_slice %dma_start3A_2527[%dma_start3A_2520, %dma_start3A_2528, %dma_start3A_2529] : memref<3x32x1024xf32, #tpu.memory_space<vmem_shared>> -> memref<1x32x1024xf32, #tpu.memory_space<vmem_shared>>
    %dma_start3A_2531 = tpu.memref_squeeze %dma_start3A_2530 : memref<1x32x1024xf32, #tpu.memory_space<vmem_shared>> -> memref<32x1024xf32, #tpu.memory_space<vmem_shared>>
    tpu.enqueue_dma source(%dma_start3A_2531 : memref<32x1024xf32, #tpu.memory_space<vmem_shared>>) target(%dma_start3A_2522 : memref<32x1024xf32, #tpu.memory_space<hbm>>) target_semaphore(%arg15 : memref<!tpu.dma_semaphore, #tpu.memory_space<semaphore_mem>>)
    %dma_wait3A_2532 = arith.constant 2 : i32
    %dma_wait3A_2533 = arith.constant 0 : i32
    %dma_wait3A_2534 = tpu.memref_slice %arg5[%add3A_2519, %dma_wait3A_2533] : memref<32768x1024xf32, #tpu.memory_space<hbm>> -> memref<32x1024xf32, #tpu.memory_space<hbm>>
    %dma_wait3A_2535 = arith.constant 0 : i32
    %dma_wait3A_2536 = arith.constant 0 : i32
    %dma_wait3A_2537 = arith.constant 0 : i32
    %dma_wait3A_2538 = tpu.memref_slice %arg9[%arg1, %dma_wait3A_2535, %dma_wait3A_2536, %dma_wait3A_2537] : memref<16x3x32x1024xf32, #tpu.memory_space<vmem_shared>> -> memref<1x3x32x1024xf32, #tpu.memory_space<vmem_shared>>
    %dma_wait3A_2539 = tpu.memref_squeeze %dma_wait3A_2538 : memref<1x3x32x1024xf32, #tpu.memory_space<vmem_shared>> -> memref<3x32x1024xf32, #tpu.memory_space<vmem_shared>>
    %dma_wait3A_2540 = arith.constant 0 : i32
    %dma_wait3A_2541 = arith.constant 0 : i32
    %dma_wait3A_2542 = tpu.memref_slice %dma_wait3A_2539[%dma_wait3A_2532, %dma_wait3A_2540, %dma_wait3A_2541] : memref<3x32x1024xf32, #tpu.memory_space<vmem_shared>> -> memref<1x32x1024xf32, #tpu.memory_space<vmem_shared>>
    %dma_wait3A_2543 = tpu.memref_squeeze %dma_wait3A_2542 : memref<1x32x1024xf32, #tpu.memory_space<vmem_shared>> -> memref<32x1024xf32, #tpu.memory_space<vmem_shared>>
    tpu.wait_dma2 semaphore(%arg15 : memref<!tpu.dma_semaphore, #tpu.memory_space<semaphore_mem>>) src(%dma_wait3A_2543 : memref<32x1024xf32, #tpu.memory_space<vmem_shared>>) dst(%dma_wait3A_2534 : memref<32x1024xf32, #tpu.memory_space<hbm>>)
    %add3A_2544 = arith.constant 640 : i32
    %add3A_2545 = arith.addi %mul3A_2, %add3A_2544 : i32
    %dma_start3A_2546 = arith.constant 2 : i32
    %dma_start3A_2547 = arith.constant 0 : i32
    %dma_start3A_2548 = arith.constant 0 : i32
    %dma_start3A_2549 = arith.constant 0 : i32
    %dma_start3A_2550 = tpu.memref_slice %arg9[%arg1, %dma_start3A_2547, %dma_start3A_2548, %dma_start3A_2549] : memref<16x3x32x1024xf32, #tpu.memory_space<vmem_shared>> -> memref<1x3x32x1024xf32, #tpu.memory_space<vmem_shared>>
    %dma_start3A_2551 = tpu.memref_squeeze %dma_start3A_2550 : memref<1x3x32x1024xf32, #tpu.memory_space<vmem_shared>> -> memref<3x32x1024xf32, #tpu.memory_space<vmem_shared>>
    %dma_start3A_2552 = arith.constant 0 : i32
    %dma_start3A_2553 = arith.constant 0 : i32
    %dma_start3A_2554 = tpu.memref_slice %dma_start3A_2551[%dma_start3A_2546, %dma_start3A_2552, %dma_start3A_2553] : memref<3x32x1024xf32, #tpu.memory_space<vmem_shared>> -> memref<1x32x1024xf32, #tpu.memory_space<vmem_shared>>
    %dma_start3A_2555 = tpu.memref_squeeze %dma_start3A_2554 : memref<1x32x1024xf32, #tpu.memory_space<vmem_shared>> -> memref<32x1024xf32, #tpu.memory_space<vmem_shared>>
    %dma_start3A_2556 = arith.constant 0 : i32
    %dma_start3A_2557 = tpu.memref_slice %arg2[%add3A_2545, %dma_start3A_2556] : memref<32768x1024xf32, #tpu.memory_space<hbm>> -> memref<32x1024xf32, #tpu.memory_space<hbm>>
    tpu.enqueue_dma source(%dma_start3A_2557 : memref<32x1024xf32, #tpu.memory_space<hbm>>) target(%dma_start3A_2555 : memref<32x1024xf32, #tpu.memory_space<vmem_shared>>) target_semaphore(%arg12 : memref<!tpu.dma_semaphore, #tpu.memory_space<semaphore_mem>>)
    %dma_wait3A_2558 = arith.constant 0 : i32
    %dma_wait3A_2559 = arith.constant 0 : i32
    %dma_wait3A_2560 = arith.constant 0 : i32
    %dma_wait3A_2561 = arith.constant 0 : i32
    %dma_wait3A_2562 = tpu.memref_slice %arg9[%arg1, %dma_wait3A_2559, %dma_wait3A_2560, %dma_wait3A_2561] : memref<16x3x32x1024xf32, #tpu.memory_space<vmem_shared>> -> memref<1x3x32x1024xf32, #tpu.memory_space<vmem_shared>>
    %dma_wait3A_2563 = tpu.memref_squeeze %dma_wait3A_2562 : memref<1x3x32x1024xf32, #tpu.memory_space<vmem_shared>> -> memref<3x32x1024xf32, #tpu.memory_space<vmem_shared>>
    %dma_wait3A_2564 = arith.constant 0 : i32
    %dma_wait3A_2565 = arith.constant 0 : i32
    %dma_wait3A_2566 = tpu.memref_slice %dma_wait3A_2563[%dma_wait3A_2558, %dma_wait3A_2564, %dma_wait3A_2565] : memref<3x32x1024xf32, #tpu.memory_space<vmem_shared>> -> memref<1x32x1024xf32, #tpu.memory_space<vmem_shared>>
    %dma_wait3A_2567 = tpu.memref_squeeze %dma_wait3A_2566 : memref<1x32x1024xf32, #tpu.memory_space<vmem_shared>> -> memref<32x1024xf32, #tpu.memory_space<vmem_shared>>
    %dma_wait3A_2568 = arith.constant 0 : i32
    %dma_wait3A_2569 = tpu.memref_slice %arg2[%add3A_2441, %dma_wait3A_2568] : memref<32768x1024xf32, #tpu.memory_space<hbm>> -> memref<32x1024xf32, #tpu.memory_space<hbm>>
    tpu.wait_dma2 semaphore(%arg10 : memref<!tpu.dma_semaphore, #tpu.memory_space<semaphore_mem>>) src(%dma_wait3A_2569 : memref<32x1024xf32, #tpu.memory_space<hbm>>) dst(%dma_wait3A_2567 : memref<32x1024xf32, #tpu.memory_space<vmem_shared>>)
    %add3A_2570 = arith.constant 576 : i32
    %add3A_2571 = arith.addi %mul3A_2, %add3A_2570 : i32
    %dma_start3A_2572 = arith.constant 0 : i32
    %dma_start3A_2573 = arith.constant 0 : i32
    %dma_start3A_2574 = tpu.memref_slice %arg5[%add3A_2571, %dma_start3A_2573] : memref<32768x1024xf32, #tpu.memory_space<hbm>> -> memref<32x1024xf32, #tpu.memory_space<hbm>>
    %dma_start3A_2575 = arith.constant 0 : i32
    %dma_start3A_2576 = arith.constant 0 : i32
    %dma_start3A_2577 = arith.constant 0 : i32
    %dma_start3A_2578 = tpu.memref_slice %arg9[%arg1, %dma_start3A_2575, %dma_start3A_2576, %dma_start3A_2577] : memref<16x3x32x1024xf32, #tpu.memory_space<vmem_shared>> -> memref<1x3x32x1024xf32, #tpu.memory_space<vmem_shared>>
    %dma_start3A_2579 = tpu.memref_squeeze %dma_start3A_2578 : memref<1x3x32x1024xf32, #tpu.memory_space<vmem_shared>> -> memref<3x32x1024xf32, #tpu.memory_space<vmem_shared>>
    %dma_start3A_2580 = arith.constant 0 : i32
    %dma_start3A_2581 = arith.constant 0 : i32
    %dma_start3A_2582 = tpu.memref_slice %dma_start3A_2579[%dma_start3A_2572, %dma_start3A_2580, %dma_start3A_2581] : memref<3x32x1024xf32, #tpu.memory_space<vmem_shared>> -> memref<1x32x1024xf32, #tpu.memory_space<vmem_shared>>
    %dma_start3A_2583 = tpu.memref_squeeze %dma_start3A_2582 : memref<1x32x1024xf32, #tpu.memory_space<vmem_shared>> -> memref<32x1024xf32, #tpu.memory_space<vmem_shared>>
    tpu.enqueue_dma source(%dma_start3A_2583 : memref<32x1024xf32, #tpu.memory_space<vmem_shared>>) target(%dma_start3A_2574 : memref<32x1024xf32, #tpu.memory_space<hbm>>) target_semaphore(%arg13 : memref<!tpu.dma_semaphore, #tpu.memory_space<semaphore_mem>>)
    %dma_wait3A_2584 = arith.constant 0 : i32
    %dma_wait3A_2585 = arith.constant 0 : i32
    %dma_wait3A_2586 = tpu.memref_slice %arg5[%add3A_2571, %dma_wait3A_2585] : memref<32768x1024xf32, #tpu.memory_space<hbm>> -> memref<32x1024xf32, #tpu.memory_space<hbm>>
    %dma_wait3A_2587 = arith.constant 0 : i32
    %dma_wait3A_2588 = arith.constant 0 : i32
    %dma_wait3A_2589 = arith.constant 0 : i32
    %dma_wait3A_2590 = tpu.memref_slice %arg9[%arg1, %dma_wait3A_2587, %dma_wait3A_2588, %dma_wait3A_2589] : memref<16x3x32x1024xf32, #tpu.memory_space<vmem_shared>> -> memref<1x3x32x1024xf32, #tpu.memory_space<vmem_shared>>
    %dma_wait3A_2591 = tpu.memref_squeeze %dma_wait3A_2590 : memref<1x3x32x1024xf32, #tpu.memory_space<vmem_shared>> -> memref<3x32x1024xf32, #tpu.memory_space<vmem_shared>>
    %dma_wait3A_2592 = arith.constant 0 : i32
    %dma_wait3A_2593 = arith.constant 0 : i32
    %dma_wait3A_2594 = tpu.memref_slice %dma_wait3A_2591[%dma_wait3A_2584, %dma_wait3A_2592, %dma_wait3A_2593] : memref<3x32x1024xf32, #tpu.memory_space<vmem_shared>> -> memref<1x32x1024xf32, #tpu.memory_space<vmem_shared>>
    %dma_wait3A_2595 = tpu.memref_squeeze %dma_wait3A_2594 : memref<1x32x1024xf32, #tpu.memory_space<vmem_shared>> -> memref<32x1024xf32, #tpu.memory_space<vmem_shared>>
    tpu.wait_dma2 semaphore(%arg13 : memref<!tpu.dma_semaphore, #tpu.memory_space<semaphore_mem>>) src(%dma_wait3A_2595 : memref<32x1024xf32, #tpu.memory_space<vmem_shared>>) dst(%dma_wait3A_2586 : memref<32x1024xf32, #tpu.memory_space<hbm>>)
    %add3A_2596 = arith.constant 672 : i32
    %add3A_2597 = arith.addi %mul3A_2, %add3A_2596 : i32
    %dma_start3A_2598 = arith.constant 0 : i32
    %dma_start3A_2599 = arith.constant 0 : i32
    %dma_start3A_2600 = arith.constant 0 : i32
    %dma_start3A_2601 = arith.constant 0 : i32
    %dma_start3A_2602 = tpu.memref_slice %arg9[%arg1, %dma_start3A_2599, %dma_start3A_2600, %dma_start3A_2601] : memref<16x3x32x1024xf32, #tpu.memory_space<vmem_shared>> -> memref<1x3x32x1024xf32, #tpu.memory_space<vmem_shared>>
    %dma_start3A_2603 = tpu.memref_squeeze %dma_start3A_2602 : memref<1x3x32x1024xf32, #tpu.memory_space<vmem_shared>> -> memref<3x32x1024xf32, #tpu.memory_space<vmem_shared>>
    %dma_start3A_2604 = arith.constant 0 : i32
    %dma_start3A_2605 = arith.constant 0 : i32
    %dma_start3A_2606 = tpu.memref_slice %dma_start3A_2603[%dma_start3A_2598, %dma_start3A_2604, %dma_start3A_2605] : memref<3x32x1024xf32, #tpu.memory_space<vmem_shared>> -> memref<1x32x1024xf32, #tpu.memory_space<vmem_shared>>
    %dma_start3A_2607 = tpu.memref_squeeze %dma_start3A_2606 : memref<1x32x1024xf32, #tpu.memory_space<vmem_shared>> -> memref<32x1024xf32, #tpu.memory_space<vmem_shared>>
    %dma_start3A_2608 = arith.constant 0 : i32
    %dma_start3A_2609 = tpu.memref_slice %arg2[%add3A_2597, %dma_start3A_2608] : memref<32768x1024xf32, #tpu.memory_space<hbm>> -> memref<32x1024xf32, #tpu.memory_space<hbm>>
    tpu.enqueue_dma source(%dma_start3A_2609 : memref<32x1024xf32, #tpu.memory_space<hbm>>) target(%dma_start3A_2607 : memref<32x1024xf32, #tpu.memory_space<vmem_shared>>) target_semaphore(%arg10 : memref<!tpu.dma_semaphore, #tpu.memory_space<semaphore_mem>>)
    %dma_wait3A_2610 = arith.constant 1 : i32
    %dma_wait3A_2611 = arith.constant 0 : i32
    %dma_wait3A_2612 = arith.constant 0 : i32
    %dma_wait3A_2613 = arith.constant 0 : i32
    %dma_wait3A_2614 = tpu.memref_slice %arg9[%arg1, %dma_wait3A_2611, %dma_wait3A_2612, %dma_wait3A_2613] : memref<16x3x32x1024xf32, #tpu.memory_space<vmem_shared>> -> memref<1x3x32x1024xf32, #tpu.memory_space<vmem_shared>>
    %dma_wait3A_2615 = tpu.memref_squeeze %dma_wait3A_2614 : memref<1x3x32x1024xf32, #tpu.memory_space<vmem_shared>> -> memref<3x32x1024xf32, #tpu.memory_space<vmem_shared>>
    %dma_wait3A_2616 = arith.constant 0 : i32
    %dma_wait3A_2617 = arith.constant 0 : i32
    %dma_wait3A_2618 = tpu.memref_slice %dma_wait3A_2615[%dma_wait3A_2610, %dma_wait3A_2616, %dma_wait3A_2617] : memref<3x32x1024xf32, #tpu.memory_space<vmem_shared>> -> memref<1x32x1024xf32, #tpu.memory_space<vmem_shared>>
    %dma_wait3A_2619 = tpu.memref_squeeze %dma_wait3A_2618 : memref<1x32x1024xf32, #tpu.memory_space<vmem_shared>> -> memref<32x1024xf32, #tpu.memory_space<vmem_shared>>
    %dma_wait3A_2620 = arith.constant 0 : i32
    %dma_wait3A_2621 = tpu.memref_slice %arg2[%add3A_2493, %dma_wait3A_2620] : memref<32768x1024xf32, #tpu.memory_space<hbm>> -> memref<32x1024xf32, #tpu.memory_space<hbm>>
    tpu.wait_dma2 semaphore(%arg11 : memref<!tpu.dma_semaphore, #tpu.memory_space<semaphore_mem>>) src(%dma_wait3A_2621 : memref<32x1024xf32, #tpu.memory_space<hbm>>) dst(%dma_wait3A_2619 : memref<32x1024xf32, #tpu.memory_space<vmem_shared>>)
    %add3A_2622 = arith.constant 608 : i32
    %add3A_2623 = arith.addi %mul3A_2, %add3A_2622 : i32
    %dma_start3A_2624 = arith.constant 1 : i32
    %dma_start3A_2625 = arith.constant 0 : i32
    %dma_start3A_2626 = tpu.memref_slice %arg5[%add3A_2623, %dma_start3A_2625] : memref<32768x1024xf32, #tpu.memory_space<hbm>> -> memref<32x1024xf32, #tpu.memory_space<hbm>>
    %dma_start3A_2627 = arith.constant 0 : i32
    %dma_start3A_2628 = arith.constant 0 : i32
    %dma_start3A_2629 = arith.constant 0 : i32
    %dma_start3A_2630 = tpu.memref_slice %arg9[%arg1, %dma_start3A_2627, %dma_start3A_2628, %dma_start3A_2629] : memref<16x3x32x1024xf32, #tpu.memory_space<vmem_shared>> -> memref<1x3x32x1024xf32, #tpu.memory_space<vmem_shared>>
    %dma_start3A_2631 = tpu.memref_squeeze %dma_start3A_2630 : memref<1x3x32x1024xf32, #tpu.memory_space<vmem_shared>> -> memref<3x32x1024xf32, #tpu.memory_space<vmem_shared>>
    %dma_start3A_2632 = arith.constant 0 : i32
    %dma_start3A_2633 = arith.constant 0 : i32
    %dma_start3A_2634 = tpu.memref_slice %dma_start3A_2631[%dma_start3A_2624, %dma_start3A_2632, %dma_start3A_2633] : memref<3x32x1024xf32, #tpu.memory_space<vmem_shared>> -> memref<1x32x1024xf32, #tpu.memory_space<vmem_shared>>
    %dma_start3A_2635 = tpu.memref_squeeze %dma_start3A_2634 : memref<1x32x1024xf32, #tpu.memory_space<vmem_shared>> -> memref<32x1024xf32, #tpu.memory_space<vmem_shared>>
    tpu.enqueue_dma source(%dma_start3A_2635 : memref<32x1024xf32, #tpu.memory_space<vmem_shared>>) target(%dma_start3A_2626 : memref<32x1024xf32, #tpu.memory_space<hbm>>) target_semaphore(%arg14 : memref<!tpu.dma_semaphore, #tpu.memory_space<semaphore_mem>>)
    %dma_wait3A_2636 = arith.constant 1 : i32
    %dma_wait3A_2637 = arith.constant 0 : i32
    %dma_wait3A_2638 = tpu.memref_slice %arg5[%add3A_2623, %dma_wait3A_2637] : memref<32768x1024xf32, #tpu.memory_space<hbm>> -> memref<32x1024xf32, #tpu.memory_space<hbm>>
    %dma_wait3A_2639 = arith.constant 0 : i32
    %dma_wait3A_2640 = arith.constant 0 : i32
    %dma_wait3A_2641 = arith.constant 0 : i32
    %dma_wait3A_2642 = tpu.memref_slice %arg9[%arg1, %dma_wait3A_2639, %dma_wait3A_2640, %dma_wait3A_2641] : memref<16x3x32x1024xf32, #tpu.memory_space<vmem_shared>> -> memref<1x3x32x1024xf32, #tpu.memory_space<vmem_shared>>
    %dma_wait3A_2643 = tpu.memref_squeeze %dma_wait3A_2642 : memref<1x3x32x1024xf32, #tpu.memory_space<vmem_shared>> -> memref<3x32x1024xf32, #tpu.memory_space<vmem_shared>>
    %dma_wait3A_2644 = arith.constant 0 : i32
    %dma_wait3A_2645 = arith.constant 0 : i32
    %dma_wait3A_2646 = tpu.memref_slice %dma_wait3A_2643[%dma_wait3A_2636, %dma_wait3A_2644, %dma_wait3A_2645] : memref<3x32x1024xf32, #tpu.memory_space<vmem_shared>> -> memref<1x32x1024xf32, #tpu.memory_space<vmem_shared>>
    %dma_wait3A_2647 = tpu.memref_squeeze %dma_wait3A_2646 : memref<1x32x1024xf32, #tpu.memory_space<vmem_shared>> -> memref<32x1024xf32, #tpu.memory_space<vmem_shared>>
    tpu.wait_dma2 semaphore(%arg14 : memref<!tpu.dma_semaphore, #tpu.memory_space<semaphore_mem>>) src(%dma_wait3A_2647 : memref<32x1024xf32, #tpu.memory_space<vmem_shared>>) dst(%dma_wait3A_2638 : memref<32x1024xf32, #tpu.memory_space<hbm>>)
    %add3A_2648 = arith.constant 704 : i32
    %add3A_2649 = arith.addi %mul3A_2, %add3A_2648 : i32
    %dma_start3A_2650 = arith.constant 1 : i32
    %dma_start3A_2651 = arith.constant 0 : i32
    %dma_start3A_2652 = arith.constant 0 : i32
    %dma_start3A_2653 = arith.constant 0 : i32
    %dma_start3A_2654 = tpu.memref_slice %arg9[%arg1, %dma_start3A_2651, %dma_start3A_2652, %dma_start3A_2653] : memref<16x3x32x1024xf32, #tpu.memory_space<vmem_shared>> -> memref<1x3x32x1024xf32, #tpu.memory_space<vmem_shared>>
    %dma_start3A_2655 = tpu.memref_squeeze %dma_start3A_2654 : memref<1x3x32x1024xf32, #tpu.memory_space<vmem_shared>> -> memref<3x32x1024xf32, #tpu.memory_space<vmem_shared>>
    %dma_start3A_2656 = arith.constant 0 : i32
    %dma_start3A_2657 = arith.constant 0 : i32
    %dma_start3A_2658 = tpu.memref_slice %dma_start3A_2655[%dma_start3A_2650, %dma_start3A_2656, %dma_start3A_2657] : memref<3x32x1024xf32, #tpu.memory_space<vmem_shared>> -> memref<1x32x1024xf32, #tpu.memory_space<vmem_shared>>
    %dma_start3A_2659 = tpu.memref_squeeze %dma_start3A_2658 : memref<1x32x1024xf32, #tpu.memory_space<vmem_shared>> -> memref<32x1024xf32, #tpu.memory_space<vmem_shared>>
    %dma_start3A_2660 = arith.constant 0 : i32
    %dma_start3A_2661 = tpu.memref_slice %arg2[%add3A_2649, %dma_start3A_2660] : memref<32768x1024xf32, #tpu.memory_space<hbm>> -> memref<32x1024xf32, #tpu.memory_space<hbm>>
    tpu.enqueue_dma source(%dma_start3A_2661 : memref<32x1024xf32, #tpu.memory_space<hbm>>) target(%dma_start3A_2659 : memref<32x1024xf32, #tpu.memory_space<vmem_shared>>) target_semaphore(%arg11 : memref<!tpu.dma_semaphore, #tpu.memory_space<semaphore_mem>>)
    %dma_wait3A_2662 = arith.constant 2 : i32
    %dma_wait3A_2663 = arith.constant 0 : i32
    %dma_wait3A_2664 = arith.constant 0 : i32
    %dma_wait3A_2665 = arith.constant 0 : i32
    %dma_wait3A_2666 = tpu.memref_slice %arg9[%arg1, %dma_wait3A_2663, %dma_wait3A_2664, %dma_wait3A_2665] : memref<16x3x32x1024xf32, #tpu.memory_space<vmem_shared>> -> memref<1x3x32x1024xf32, #tpu.memory_space<vmem_shared>>
    %dma_wait3A_2667 = tpu.memref_squeeze %dma_wait3A_2666 : memref<1x3x32x1024xf32, #tpu.memory_space<vmem_shared>> -> memref<3x32x1024xf32, #tpu.memory_space<vmem_shared>>
    %dma_wait3A_2668 = arith.constant 0 : i32
    %dma_wait3A_2669 = arith.constant 0 : i32
    %dma_wait3A_2670 = tpu.memref_slice %dma_wait3A_2667[%dma_wait3A_2662, %dma_wait3A_2668, %dma_wait3A_2669] : memref<3x32x1024xf32, #tpu.memory_space<vmem_shared>> -> memref<1x32x1024xf32, #tpu.memory_space<vmem_shared>>
    %dma_wait3A_2671 = tpu.memref_squeeze %dma_wait3A_2670 : memref<1x32x1024xf32, #tpu.memory_space<vmem_shared>> -> memref<32x1024xf32, #tpu.memory_space<vmem_shared>>
    %dma_wait3A_2672 = arith.constant 0 : i32
    %dma_wait3A_2673 = tpu.memref_slice %arg2[%add3A_2545, %dma_wait3A_2672] : memref<32768x1024xf32, #tpu.memory_space<hbm>> -> memref<32x1024xf32, #tpu.memory_space<hbm>>
    tpu.wait_dma2 semaphore(%arg12 : memref<!tpu.dma_semaphore, #tpu.memory_space<semaphore_mem>>) src(%dma_wait3A_2673 : memref<32x1024xf32, #tpu.memory_space<hbm>>) dst(%dma_wait3A_2671 : memref<32x1024xf32, #tpu.memory_space<vmem_shared>>)
    %add3A_2674 = arith.constant 640 : i32
    %add3A_2675 = arith.addi %mul3A_2, %add3A_2674 : i32
    %dma_start3A_2676 = arith.constant 2 : i32
    %dma_start3A_2677 = arith.constant 0 : i32
    %dma_start3A_2678 = tpu.memref_slice %arg5[%add3A_2675, %dma_start3A_2677] : memref<32768x1024xf32, #tpu.memory_space<hbm>> -> memref<32x1024xf32, #tpu.memory_space<hbm>>
    %dma_start3A_2679 = arith.constant 0 : i32
    %dma_start3A_2680 = arith.constant 0 : i32
    %dma_start3A_2681 = arith.constant 0 : i32
    %dma_start3A_2682 = tpu.memref_slice %arg9[%arg1, %dma_start3A_2679, %dma_start3A_2680, %dma_start3A_2681] : memref<16x3x32x1024xf32, #tpu.memory_space<vmem_shared>> -> memref<1x3x32x1024xf32, #tpu.memory_space<vmem_shared>>
    %dma_start3A_2683 = tpu.memref_squeeze %dma_start3A_2682 : memref<1x3x32x1024xf32, #tpu.memory_space<vmem_shared>> -> memref<3x32x1024xf32, #tpu.memory_space<vmem_shared>>
    %dma_start3A_2684 = arith.constant 0 : i32
    %dma_start3A_2685 = arith.constant 0 : i32
    %dma_start3A_2686 = tpu.memref_slice %dma_start3A_2683[%dma_start3A_2676, %dma_start3A_2684, %dma_start3A_2685] : memref<3x32x1024xf32, #tpu.memory_space<vmem_shared>> -> memref<1x32x1024xf32, #tpu.memory_space<vmem_shared>>
    %dma_start3A_2687 = tpu.memref_squeeze %dma_start3A_2686 : memref<1x32x1024xf32, #tpu.memory_space<vmem_shared>> -> memref<32x1024xf32, #tpu.memory_space<vmem_shared>>
    tpu.enqueue_dma source(%dma_start3A_2687 : memref<32x1024xf32, #tpu.memory_space<vmem_shared>>) target(%dma_start3A_2678 : memref<32x1024xf32, #tpu.memory_space<hbm>>) target_semaphore(%arg15 : memref<!tpu.dma_semaphore, #tpu.memory_space<semaphore_mem>>)
    %dma_wait3A_2688 = arith.constant 2 : i32
    %dma_wait3A_2689 = arith.constant 0 : i32
    %dma_wait3A_2690 = tpu.memref_slice %arg5[%add3A_2675, %dma_wait3A_2689] : memref<32768x1024xf32, #tpu.memory_space<hbm>> -> memref<32x1024xf32, #tpu.memory_space<hbm>>
    %dma_wait3A_2691 = arith.constant 0 : i32
    %dma_wait3A_2692 = arith.constant 0 : i32
    %dma_wait3A_2693 = arith.constant 0 : i32
    %dma_wait3A_2694 = tpu.memref_slice %arg9[%arg1, %dma_wait3A_2691, %dma_wait3A_2692, %dma_wait3A_2693] : memref<16x3x32x1024xf32, #tpu.memory_space<vmem_shared>> -> memref<1x3x32x1024xf32, #tpu.memory_space<vmem_shared>>
    %dma_wait3A_2695 = tpu.memref_squeeze %dma_wait3A_2694 : memref<1x3x32x1024xf32, #tpu.memory_space<vmem_shared>> -> memref<3x32x1024xf32, #tpu.memory_space<vmem_shared>>
    %dma_wait3A_2696 = arith.constant 0 : i32
    %dma_wait3A_2697 = arith.constant 0 : i32
    %dma_wait3A_2698 = tpu.memref_slice %dma_wait3A_2695[%dma_wait3A_2688, %dma_wait3A_2696, %dma_wait3A_2697] : memref<3x32x1024xf32, #tpu.memory_space<vmem_shared>> -> memref<1x32x1024xf32, #tpu.memory_space<vmem_shared>>
    %dma_wait3A_2699 = tpu.memref_squeeze %dma_wait3A_2698 : memref<1x32x1024xf32, #tpu.memory_space<vmem_shared>> -> memref<32x1024xf32, #tpu.memory_space<vmem_shared>>
    tpu.wait_dma2 semaphore(%arg15 : memref<!tpu.dma_semaphore, #tpu.memory_space<semaphore_mem>>) src(%dma_wait3A_2699 : memref<32x1024xf32, #tpu.memory_space<vmem_shared>>) dst(%dma_wait3A_2690 : memref<32x1024xf32, #tpu.memory_space<hbm>>)
    %add3A_2700 = arith.constant 736 : i32
    %add3A_2701 = arith.addi %mul3A_2, %add3A_2700 : i32
    %dma_start3A_2702 = arith.constant 2 : i32
    %dma_start3A_2703 = arith.constant 0 : i32
    %dma_start3A_2704 = arith.constant 0 : i32
    %dma_start3A_2705 = arith.constant 0 : i32
    %dma_start3A_2706 = tpu.memref_slice %arg9[%arg1, %dma_start3A_2703, %dma_start3A_2704, %dma_start3A_2705] : memref<16x3x32x1024xf32, #tpu.memory_space<vmem_shared>> -> memref<1x3x32x1024xf32, #tpu.memory_space<vmem_shared>>
    %dma_start3A_2707 = tpu.memref_squeeze %dma_start3A_2706 : memref<1x3x32x1024xf32, #tpu.memory_space<vmem_shared>> -> memref<3x32x1024xf32, #tpu.memory_space<vmem_shared>>
    %dma_start3A_2708 = arith.constant 0 : i32
    %dma_start3A_2709 = arith.constant 0 : i32
    %dma_start3A_2710 = tpu.memref_slice %dma_start3A_2707[%dma_start3A_2702, %dma_start3A_2708, %dma_start3A_2709] : memref<3x32x1024xf32, #tpu.memory_space<vmem_shared>> -> memref<1x32x1024xf32, #tpu.memory_space<vmem_shared>>
    %dma_start3A_2711 = tpu.memref_squeeze %dma_start3A_2710 : memref<1x32x1024xf32, #tpu.memory_space<vmem_shared>> -> memref<32x1024xf32, #tpu.memory_space<vmem_shared>>
    %dma_start3A_2712 = arith.constant 0 : i32
    %dma_start3A_2713 = tpu.memref_slice %arg2[%add3A_2701, %dma_start3A_2712] : memref<32768x1024xf32, #tpu.memory_space<hbm>> -> memref<32x1024xf32, #tpu.memory_space<hbm>>
    tpu.enqueue_dma source(%dma_start3A_2713 : memref<32x1024xf32, #tpu.memory_space<hbm>>) target(%dma_start3A_2711 : memref<32x1024xf32, #tpu.memory_space<vmem_shared>>) target_semaphore(%arg12 : memref<!tpu.dma_semaphore, #tpu.memory_space<semaphore_mem>>)
    %dma_wait3A_2714 = arith.constant 0 : i32
    %dma_wait3A_2715 = arith.constant 0 : i32
    %dma_wait3A_2716 = arith.constant 0 : i32
    %dma_wait3A_2717 = arith.constant 0 : i32
    %dma_wait3A_2718 = tpu.memref_slice %arg9[%arg1, %dma_wait3A_2715, %dma_wait3A_2716, %dma_wait3A_2717] : memref<16x3x32x1024xf32, #tpu.memory_space<vmem_shared>> -> memref<1x3x32x1024xf32, #tpu.memory_space<vmem_shared>>
    %dma_wait3A_2719 = tpu.memref_squeeze %dma_wait3A_2718 : memref<1x3x32x1024xf32, #tpu.memory_space<vmem_shared>> -> memref<3x32x1024xf32, #tpu.memory_space<vmem_shared>>
    %dma_wait3A_2720 = arith.constant 0 : i32
    %dma_wait3A_2721 = arith.constant 0 : i32
    %dma_wait3A_2722 = tpu.memref_slice %dma_wait3A_2719[%dma_wait3A_2714, %dma_wait3A_2720, %dma_wait3A_2721] : memref<3x32x1024xf32, #tpu.memory_space<vmem_shared>> -> memref<1x32x1024xf32, #tpu.memory_space<vmem_shared>>
    %dma_wait3A_2723 = tpu.memref_squeeze %dma_wait3A_2722 : memref<1x32x1024xf32, #tpu.memory_space<vmem_shared>> -> memref<32x1024xf32, #tpu.memory_space<vmem_shared>>
    %dma_wait3A_2724 = arith.constant 0 : i32
    %dma_wait3A_2725 = tpu.memref_slice %arg2[%add3A_2597, %dma_wait3A_2724] : memref<32768x1024xf32, #tpu.memory_space<hbm>> -> memref<32x1024xf32, #tpu.memory_space<hbm>>
    tpu.wait_dma2 semaphore(%arg10 : memref<!tpu.dma_semaphore, #tpu.memory_space<semaphore_mem>>) src(%dma_wait3A_2725 : memref<32x1024xf32, #tpu.memory_space<hbm>>) dst(%dma_wait3A_2723 : memref<32x1024xf32, #tpu.memory_space<vmem_shared>>)
    %add3A_2726 = arith.constant 672 : i32
    %add3A_2727 = arith.addi %mul3A_2, %add3A_2726 : i32
    %dma_start3A_2728 = arith.constant 0 : i32
    %dma_start3A_2729 = arith.constant 0 : i32
    %dma_start3A_2730 = tpu.memref_slice %arg5[%add3A_2727, %dma_start3A_2729] : memref<32768x1024xf32, #tpu.memory_space<hbm>> -> memref<32x1024xf32, #tpu.memory_space<hbm>>
    %dma_start3A_2731 = arith.constant 0 : i32
    %dma_start3A_2732 = arith.constant 0 : i32
    %dma_start3A_2733 = arith.constant 0 : i32
    %dma_start3A_2734 = tpu.memref_slice %arg9[%arg1, %dma_start3A_2731, %dma_start3A_2732, %dma_start3A_2733] : memref<16x3x32x1024xf32, #tpu.memory_space<vmem_shared>> -> memref<1x3x32x1024xf32, #tpu.memory_space<vmem_shared>>
    %dma_start3A_2735 = tpu.memref_squeeze %dma_start3A_2734 : memref<1x3x32x1024xf32, #tpu.memory_space<vmem_shared>> -> memref<3x32x1024xf32, #tpu.memory_space<vmem_shared>>
    %dma_start3A_2736 = arith.constant 0 : i32
    %dma_start3A_2737 = arith.constant 0 : i32
    %dma_start3A_2738 = tpu.memref_slice %dma_start3A_2735[%dma_start3A_2728, %dma_start3A_2736, %dma_start3A_2737] : memref<3x32x1024xf32, #tpu.memory_space<vmem_shared>> -> memref<1x32x1024xf32, #tpu.memory_space<vmem_shared>>
    %dma_start3A_2739 = tpu.memref_squeeze %dma_start3A_2738 : memref<1x32x1024xf32, #tpu.memory_space<vmem_shared>> -> memref<32x1024xf32, #tpu.memory_space<vmem_shared>>
    tpu.enqueue_dma source(%dma_start3A_2739 : memref<32x1024xf32, #tpu.memory_space<vmem_shared>>) target(%dma_start3A_2730 : memref<32x1024xf32, #tpu.memory_space<hbm>>) target_semaphore(%arg13 : memref<!tpu.dma_semaphore, #tpu.memory_space<semaphore_mem>>)
    %dma_wait3A_2740 = arith.constant 0 : i32
    %dma_wait3A_2741 = arith.constant 0 : i32
    %dma_wait3A_2742 = tpu.memref_slice %arg5[%add3A_2727, %dma_wait3A_2741] : memref<32768x1024xf32, #tpu.memory_space<hbm>> -> memref<32x1024xf32, #tpu.memory_space<hbm>>
    %dma_wait3A_2743 = arith.constant 0 : i32
    %dma_wait3A_2744 = arith.constant 0 : i32
    %dma_wait3A_2745 = arith.constant 0 : i32
    %dma_wait3A_2746 = tpu.memref_slice %arg9[%arg1, %dma_wait3A_2743, %dma_wait3A_2744, %dma_wait3A_2745] : memref<16x3x32x1024xf32, #tpu.memory_space<vmem_shared>> -> memref<1x3x32x1024xf32, #tpu.memory_space<vmem_shared>>
    %dma_wait3A_2747 = tpu.memref_squeeze %dma_wait3A_2746 : memref<1x3x32x1024xf32, #tpu.memory_space<vmem_shared>> -> memref<3x32x1024xf32, #tpu.memory_space<vmem_shared>>
    %dma_wait3A_2748 = arith.constant 0 : i32
    %dma_wait3A_2749 = arith.constant 0 : i32
    %dma_wait3A_2750 = tpu.memref_slice %dma_wait3A_2747[%dma_wait3A_2740, %dma_wait3A_2748, %dma_wait3A_2749] : memref<3x32x1024xf32, #tpu.memory_space<vmem_shared>> -> memref<1x32x1024xf32, #tpu.memory_space<vmem_shared>>
    %dma_wait3A_2751 = tpu.memref_squeeze %dma_wait3A_2750 : memref<1x32x1024xf32, #tpu.memory_space<vmem_shared>> -> memref<32x1024xf32, #tpu.memory_space<vmem_shared>>
    tpu.wait_dma2 semaphore(%arg13 : memref<!tpu.dma_semaphore, #tpu.memory_space<semaphore_mem>>) src(%dma_wait3A_2751 : memref<32x1024xf32, #tpu.memory_space<vmem_shared>>) dst(%dma_wait3A_2742 : memref<32x1024xf32, #tpu.memory_space<hbm>>)
    %add3A_2752 = arith.constant 768 : i32
    %add3A_2753 = arith.addi %mul3A_2, %add3A_2752 : i32
    %dma_start3A_2754 = arith.constant 0 : i32
    %dma_start3A_2755 = arith.constant 0 : i32
    %dma_start3A_2756 = arith.constant 0 : i32
    %dma_start3A_2757 = arith.constant 0 : i32
    %dma_start3A_2758 = tpu.memref_slice %arg9[%arg1, %dma_start3A_2755, %dma_start3A_2756, %dma_start3A_2757] : memref<16x3x32x1024xf32, #tpu.memory_space<vmem_shared>> -> memref<1x3x32x1024xf32, #tpu.memory_space<vmem_shared>>
    %dma_start3A_2759 = tpu.memref_squeeze %dma_start3A_2758 : memref<1x3x32x1024xf32, #tpu.memory_space<vmem_shared>> -> memref<3x32x1024xf32, #tpu.memory_space<vmem_shared>>
    %dma_start3A_2760 = arith.constant 0 : i32
    %dma_start3A_2761 = arith.constant 0 : i32
    %dma_start3A_2762 = tpu.memref_slice %dma_start3A_2759[%dma_start3A_2754, %dma_start3A_2760, %dma_start3A_2761] : memref<3x32x1024xf32, #tpu.memory_space<vmem_shared>> -> memref<1x32x1024xf32, #tpu.memory_space<vmem_shared>>
    %dma_start3A_2763 = tpu.memref_squeeze %dma_start3A_2762 : memref<1x32x1024xf32, #tpu.memory_space<vmem_shared>> -> memref<32x1024xf32, #tpu.memory_space<vmem_shared>>
    %dma_start3A_2764 = arith.constant 0 : i32
    %dma_start3A_2765 = tpu.memref_slice %arg2[%add3A_2753, %dma_start3A_2764] : memref<32768x1024xf32, #tpu.memory_space<hbm>> -> memref<32x1024xf32, #tpu.memory_space<hbm>>
    tpu.enqueue_dma source(%dma_start3A_2765 : memref<32x1024xf32, #tpu.memory_space<hbm>>) target(%dma_start3A_2763 : memref<32x1024xf32, #tpu.memory_space<vmem_shared>>) target_semaphore(%arg10 : memref<!tpu.dma_semaphore, #tpu.memory_space<semaphore_mem>>)
    %dma_wait3A_2766 = arith.constant 1 : i32
    %dma_wait3A_2767 = arith.constant 0 : i32
    %dma_wait3A_2768 = arith.constant 0 : i32
    %dma_wait3A_2769 = arith.constant 0 : i32
    %dma_wait3A_2770 = tpu.memref_slice %arg9[%arg1, %dma_wait3A_2767, %dma_wait3A_2768, %dma_wait3A_2769] : memref<16x3x32x1024xf32, #tpu.memory_space<vmem_shared>> -> memref<1x3x32x1024xf32, #tpu.memory_space<vmem_shared>>
    %dma_wait3A_2771 = tpu.memref_squeeze %dma_wait3A_2770 : memref<1x3x32x1024xf32, #tpu.memory_space<vmem_shared>> -> memref<3x32x1024xf32, #tpu.memory_space<vmem_shared>>
    %dma_wait3A_2772 = arith.constant 0 : i32
    %dma_wait3A_2773 = arith.constant 0 : i32
    %dma_wait3A_2774 = tpu.memref_slice %dma_wait3A_2771[%dma_wait3A_2766, %dma_wait3A_2772, %dma_wait3A_2773] : memref<3x32x1024xf32, #tpu.memory_space<vmem_shared>> -> memref<1x32x1024xf32, #tpu.memory_space<vmem_shared>>
    %dma_wait3A_2775 = tpu.memref_squeeze %dma_wait3A_2774 : memref<1x32x1024xf32, #tpu.memory_space<vmem_shared>> -> memref<32x1024xf32, #tpu.memory_space<vmem_shared>>
    %dma_wait3A_2776 = arith.constant 0 : i32
    %dma_wait3A_2777 = tpu.memref_slice %arg2[%add3A_2649, %dma_wait3A_2776] : memref<32768x1024xf32, #tpu.memory_space<hbm>> -> memref<32x1024xf32, #tpu.memory_space<hbm>>
    tpu.wait_dma2 semaphore(%arg11 : memref<!tpu.dma_semaphore, #tpu.memory_space<semaphore_mem>>) src(%dma_wait3A_2777 : memref<32x1024xf32, #tpu.memory_space<hbm>>) dst(%dma_wait3A_2775 : memref<32x1024xf32, #tpu.memory_space<vmem_shared>>)
    %add3A_2778 = arith.constant 704 : i32
    %add3A_2779 = arith.addi %mul3A_2, %add3A_2778 : i32
    %dma_start3A_2780 = arith.constant 1 : i32
    %dma_start3A_2781 = arith.constant 0 : i32
    %dma_start3A_2782 = tpu.memref_slice %arg5[%add3A_2779, %dma_start3A_2781] : memref<32768x1024xf32, #tpu.memory_space<hbm>> -> memref<32x1024xf32, #tpu.memory_space<hbm>>
    %dma_start3A_2783 = arith.constant 0 : i32
    %dma_start3A_2784 = arith.constant 0 : i32
    %dma_start3A_2785 = arith.constant 0 : i32
    %dma_start3A_2786 = tpu.memref_slice %arg9[%arg1, %dma_start3A_2783, %dma_start3A_2784, %dma_start3A_2785] : memref<16x3x32x1024xf32, #tpu.memory_space<vmem_shared>> -> memref<1x3x32x1024xf32, #tpu.memory_space<vmem_shared>>
    %dma_start3A_2787 = tpu.memref_squeeze %dma_start3A_2786 : memref<1x3x32x1024xf32, #tpu.memory_space<vmem_shared>> -> memref<3x32x1024xf32, #tpu.memory_space<vmem_shared>>
    %dma_start3A_2788 = arith.constant 0 : i32
    %dma_start3A_2789 = arith.constant 0 : i32
    %dma_start3A_2790 = tpu.memref_slice %dma_start3A_2787[%dma_start3A_2780, %dma_start3A_2788, %dma_start3A_2789] : memref<3x32x1024xf32, #tpu.memory_space<vmem_shared>> -> memref<1x32x1024xf32, #tpu.memory_space<vmem_shared>>
    %dma_start3A_2791 = tpu.memref_squeeze %dma_start3A_2790 : memref<1x32x1024xf32, #tpu.memory_space<vmem_shared>> -> memref<32x1024xf32, #tpu.memory_space<vmem_shared>>
    tpu.enqueue_dma source(%dma_start3A_2791 : memref<32x1024xf32, #tpu.memory_space<vmem_shared>>) target(%dma_start3A_2782 : memref<32x1024xf32, #tpu.memory_space<hbm>>) target_semaphore(%arg14 : memref<!tpu.dma_semaphore, #tpu.memory_space<semaphore_mem>>)
    %dma_wait3A_2792 = arith.constant 1 : i32
    %dma_wait3A_2793 = arith.constant 0 : i32
    %dma_wait3A_2794 = tpu.memref_slice %arg5[%add3A_2779, %dma_wait3A_2793] : memref<32768x1024xf32, #tpu.memory_space<hbm>> -> memref<32x1024xf32, #tpu.memory_space<hbm>>
    %dma_wait3A_2795 = arith.constant 0 : i32
    %dma_wait3A_2796 = arith.constant 0 : i32
    %dma_wait3A_2797 = arith.constant 0 : i32
    %dma_wait3A_2798 = tpu.memref_slice %arg9[%arg1, %dma_wait3A_2795, %dma_wait3A_2796, %dma_wait3A_2797] : memref<16x3x32x1024xf32, #tpu.memory_space<vmem_shared>> -> memref<1x3x32x1024xf32, #tpu.memory_space<vmem_shared>>
    %dma_wait3A_2799 = tpu.memref_squeeze %dma_wait3A_2798 : memref<1x3x32x1024xf32, #tpu.memory_space<vmem_shared>> -> memref<3x32x1024xf32, #tpu.memory_space<vmem_shared>>
    %dma_wait3A_2800 = arith.constant 0 : i32
    %dma_wait3A_2801 = arith.constant 0 : i32
    %dma_wait3A_2802 = tpu.memref_slice %dma_wait3A_2799[%dma_wait3A_2792, %dma_wait3A_2800, %dma_wait3A_2801] : memref<3x32x1024xf32, #tpu.memory_space<vmem_shared>> -> memref<1x32x1024xf32, #tpu.memory_space<vmem_shared>>
    %dma_wait3A_2803 = tpu.memref_squeeze %dma_wait3A_2802 : memref<1x32x1024xf32, #tpu.memory_space<vmem_shared>> -> memref<32x1024xf32, #tpu.memory_space<vmem_shared>>
    tpu.wait_dma2 semaphore(%arg14 : memref<!tpu.dma_semaphore, #tpu.memory_space<semaphore_mem>>) src(%dma_wait3A_2803 : memref<32x1024xf32, #tpu.memory_space<vmem_shared>>) dst(%dma_wait3A_2794 : memref<32x1024xf32, #tpu.memory_space<hbm>>)
    %add3A_2804 = arith.constant 800 : i32
    %add3A_2805 = arith.addi %mul3A_2, %add3A_2804 : i32
    %dma_start3A_2806 = arith.constant 1 : i32
    %dma_start3A_2807 = arith.constant 0 : i32
    %dma_start3A_2808 = arith.constant 0 : i32
    %dma_start3A_2809 = arith.constant 0 : i32
    %dma_start3A_2810 = tpu.memref_slice %arg9[%arg1, %dma_start3A_2807, %dma_start3A_2808, %dma_start3A_2809] : memref<16x3x32x1024xf32, #tpu.memory_space<vmem_shared>> -> memref<1x3x32x1024xf32, #tpu.memory_space<vmem_shared>>
    %dma_start3A_2811 = tpu.memref_squeeze %dma_start3A_2810 : memref<1x3x32x1024xf32, #tpu.memory_space<vmem_shared>> -> memref<3x32x1024xf32, #tpu.memory_space<vmem_shared>>
    %dma_start3A_2812 = arith.constant 0 : i32
    %dma_start3A_2813 = arith.constant 0 : i32
    %dma_start3A_2814 = tpu.memref_slice %dma_start3A_2811[%dma_start3A_2806, %dma_start3A_2812, %dma_start3A_2813] : memref<3x32x1024xf32, #tpu.memory_space<vmem_shared>> -> memref<1x32x1024xf32, #tpu.memory_space<vmem_shared>>
    %dma_start3A_2815 = tpu.memref_squeeze %dma_start3A_2814 : memref<1x32x1024xf32, #tpu.memory_space<vmem_shared>> -> memref<32x1024xf32, #tpu.memory_space<vmem_shared>>
    %dma_start3A_2816 = arith.constant 0 : i32
    %dma_start3A_2817 = tpu.memref_slice %arg2[%add3A_2805, %dma_start3A_2816] : memref<32768x1024xf32, #tpu.memory_space<hbm>> -> memref<32x1024xf32, #tpu.memory_space<hbm>>
    tpu.enqueue_dma source(%dma_start3A_2817 : memref<32x1024xf32, #tpu.memory_space<hbm>>) target(%dma_start3A_2815 : memref<32x1024xf32, #tpu.memory_space<vmem_shared>>) target_semaphore(%arg11 : memref<!tpu.dma_semaphore, #tpu.memory_space<semaphore_mem>>)
    %dma_wait3A_2818 = arith.constant 2 : i32
    %dma_wait3A_2819 = arith.constant 0 : i32
    %dma_wait3A_2820 = arith.constant 0 : i32
    %dma_wait3A_2821 = arith.constant 0 : i32
    %dma_wait3A_2822 = tpu.memref_slice %arg9[%arg1, %dma_wait3A_2819, %dma_wait3A_2820, %dma_wait3A_2821] : memref<16x3x32x1024xf32, #tpu.memory_space<vmem_shared>> -> memref<1x3x32x1024xf32, #tpu.memory_space<vmem_shared>>
    %dma_wait3A_2823 = tpu.memref_squeeze %dma_wait3A_2822 : memref<1x3x32x1024xf32, #tpu.memory_space<vmem_shared>> -> memref<3x32x1024xf32, #tpu.memory_space<vmem_shared>>
    %dma_wait3A_2824 = arith.constant 0 : i32
    %dma_wait3A_2825 = arith.constant 0 : i32
    %dma_wait3A_2826 = tpu.memref_slice %dma_wait3A_2823[%dma_wait3A_2818, %dma_wait3A_2824, %dma_wait3A_2825] : memref<3x32x1024xf32, #tpu.memory_space<vmem_shared>> -> memref<1x32x1024xf32, #tpu.memory_space<vmem_shared>>
    %dma_wait3A_2827 = tpu.memref_squeeze %dma_wait3A_2826 : memref<1x32x1024xf32, #tpu.memory_space<vmem_shared>> -> memref<32x1024xf32, #tpu.memory_space<vmem_shared>>
    %dma_wait3A_2828 = arith.constant 0 : i32
    %dma_wait3A_2829 = tpu.memref_slice %arg2[%add3A_2701, %dma_wait3A_2828] : memref<32768x1024xf32, #tpu.memory_space<hbm>> -> memref<32x1024xf32, #tpu.memory_space<hbm>>
    tpu.wait_dma2 semaphore(%arg12 : memref<!tpu.dma_semaphore, #tpu.memory_space<semaphore_mem>>) src(%dma_wait3A_2829 : memref<32x1024xf32, #tpu.memory_space<hbm>>) dst(%dma_wait3A_2827 : memref<32x1024xf32, #tpu.memory_space<vmem_shared>>)
    %add3A_2830 = arith.constant 736 : i32
    %add3A_2831 = arith.addi %mul3A_2, %add3A_2830 : i32
    %dma_start3A_2832 = arith.constant 2 : i32
    %dma_start3A_2833 = arith.constant 0 : i32
    %dma_start3A_2834 = tpu.memref_slice %arg5[%add3A_2831, %dma_start3A_2833] : memref<32768x1024xf32, #tpu.memory_space<hbm>> -> memref<32x1024xf32, #tpu.memory_space<hbm>>
    %dma_start3A_2835 = arith.constant 0 : i32
    %dma_start3A_2836 = arith.constant 0 : i32
    %dma_start3A_2837 = arith.constant 0 : i32
    %dma_start3A_2838 = tpu.memref_slice %arg9[%arg1, %dma_start3A_2835, %dma_start3A_2836, %dma_start3A_2837] : memref<16x3x32x1024xf32, #tpu.memory_space<vmem_shared>> -> memref<1x3x32x1024xf32, #tpu.memory_space<vmem_shared>>
    %dma_start3A_2839 = tpu.memref_squeeze %dma_start3A_2838 : memref<1x3x32x1024xf32, #tpu.memory_space<vmem_shared>> -> memref<3x32x1024xf32, #tpu.memory_space<vmem_shared>>
    %dma_start3A_2840 = arith.constant 0 : i32
    %dma_start3A_2841 = arith.constant 0 : i32
    %dma_start3A_2842 = tpu.memref_slice %dma_start3A_2839[%dma_start3A_2832, %dma_start3A_2840, %dma_start3A_2841] : memref<3x32x1024xf32, #tpu.memory_space<vmem_shared>> -> memref<1x32x1024xf32, #tpu.memory_space<vmem_shared>>
    %dma_start3A_2843 = tpu.memref_squeeze %dma_start3A_2842 : memref<1x32x1024xf32, #tpu.memory_space<vmem_shared>> -> memref<32x1024xf32, #tpu.memory_space<vmem_shared>>
    tpu.enqueue_dma source(%dma_start3A_2843 : memref<32x1024xf32, #tpu.memory_space<vmem_shared>>) target(%dma_start3A_2834 : memref<32x1024xf32, #tpu.memory_space<hbm>>) target_semaphore(%arg15 : memref<!tpu.dma_semaphore, #tpu.memory_space<semaphore_mem>>)
    %dma_wait3A_2844 = arith.constant 2 : i32
    %dma_wait3A_2845 = arith.constant 0 : i32
    %dma_wait3A_2846 = tpu.memref_slice %arg5[%add3A_2831, %dma_wait3A_2845] : memref<32768x1024xf32, #tpu.memory_space<hbm>> -> memref<32x1024xf32, #tpu.memory_space<hbm>>
    %dma_wait3A_2847 = arith.constant 0 : i32
    %dma_wait3A_2848 = arith.constant 0 : i32
    %dma_wait3A_2849 = arith.constant 0 : i32
    %dma_wait3A_2850 = tpu.memref_slice %arg9[%arg1, %dma_wait3A_2847, %dma_wait3A_2848, %dma_wait3A_2849] : memref<16x3x32x1024xf32, #tpu.memory_space<vmem_shared>> -> memref<1x3x32x1024xf32, #tpu.memory_space<vmem_shared>>
    %dma_wait3A_2851 = tpu.memref_squeeze %dma_wait3A_2850 : memref<1x3x32x1024xf32, #tpu.memory_space<vmem_shared>> -> memref<3x32x1024xf32, #tpu.memory_space<vmem_shared>>
    %dma_wait3A_2852 = arith.constant 0 : i32
    %dma_wait3A_2853 = arith.constant 0 : i32
    %dma_wait3A_2854 = tpu.memref_slice %dma_wait3A_2851[%dma_wait3A_2844, %dma_wait3A_2852, %dma_wait3A_2853] : memref<3x32x1024xf32, #tpu.memory_space<vmem_shared>> -> memref<1x32x1024xf32, #tpu.memory_space<vmem_shared>>
    %dma_wait3A_2855 = tpu.memref_squeeze %dma_wait3A_2854 : memref<1x32x1024xf32, #tpu.memory_space<vmem_shared>> -> memref<32x1024xf32, #tpu.memory_space<vmem_shared>>
    tpu.wait_dma2 semaphore(%arg15 : memref<!tpu.dma_semaphore, #tpu.memory_space<semaphore_mem>>) src(%dma_wait3A_2855 : memref<32x1024xf32, #tpu.memory_space<vmem_shared>>) dst(%dma_wait3A_2846 : memref<32x1024xf32, #tpu.memory_space<hbm>>)
    %add3A_2856 = arith.constant 832 : i32
    %add3A_2857 = arith.addi %mul3A_2, %add3A_2856 : i32
    %dma_start3A_2858 = arith.constant 2 : i32
    %dma_start3A_2859 = arith.constant 0 : i32
    %dma_start3A_2860 = arith.constant 0 : i32
    %dma_start3A_2861 = arith.constant 0 : i32
    %dma_start3A_2862 = tpu.memref_slice %arg9[%arg1, %dma_start3A_2859, %dma_start3A_2860, %dma_start3A_2861] : memref<16x3x32x1024xf32, #tpu.memory_space<vmem_shared>> -> memref<1x3x32x1024xf32, #tpu.memory_space<vmem_shared>>
    %dma_start3A_2863 = tpu.memref_squeeze %dma_start3A_2862 : memref<1x3x32x1024xf32, #tpu.memory_space<vmem_shared>> -> memref<3x32x1024xf32, #tpu.memory_space<vmem_shared>>
    %dma_start3A_2864 = arith.constant 0 : i32
    %dma_start3A_2865 = arith.constant 0 : i32
    %dma_start3A_2866 = tpu.memref_slice %dma_start3A_2863[%dma_start3A_2858, %dma_start3A_2864, %dma_start3A_2865] : memref<3x32x1024xf32, #tpu.memory_space<vmem_shared>> -> memref<1x32x1024xf32, #tpu.memory_space<vmem_shared>>
    %dma_start3A_2867 = tpu.memref_squeeze %dma_start3A_2866 : memref<1x32x1024xf32, #tpu.memory_space<vmem_shared>> -> memref<32x1024xf32, #tpu.memory_space<vmem_shared>>
    %dma_start3A_2868 = arith.constant 0 : i32
    %dma_start3A_2869 = tpu.memref_slice %arg2[%add3A_2857, %dma_start3A_2868] : memref<32768x1024xf32, #tpu.memory_space<hbm>> -> memref<32x1024xf32, #tpu.memory_space<hbm>>
    tpu.enqueue_dma source(%dma_start3A_2869 : memref<32x1024xf32, #tpu.memory_space<hbm>>) target(%dma_start3A_2867 : memref<32x1024xf32, #tpu.memory_space<vmem_shared>>) target_semaphore(%arg12 : memref<!tpu.dma_semaphore, #tpu.memory_space<semaphore_mem>>)
    %dma_wait3A_2870 = arith.constant 0 : i32
    %dma_wait3A_2871 = arith.constant 0 : i32
    %dma_wait3A_2872 = arith.constant 0 : i32
    %dma_wait3A_2873 = arith.constant 0 : i32
    %dma_wait3A_2874 = tpu.memref_slice %arg9[%arg1, %dma_wait3A_2871, %dma_wait3A_2872, %dma_wait3A_2873] : memref<16x3x32x1024xf32, #tpu.memory_space<vmem_shared>> -> memref<1x3x32x1024xf32, #tpu.memory_space<vmem_shared>>
    %dma_wait3A_2875 = tpu.memref_squeeze %dma_wait3A_2874 : memref<1x3x32x1024xf32, #tpu.memory_space<vmem_shared>> -> memref<3x32x1024xf32, #tpu.memory_space<vmem_shared>>
    %dma_wait3A_2876 = arith.constant 0 : i32
    %dma_wait3A_2877 = arith.constant 0 : i32
    %dma_wait3A_2878 = tpu.memref_slice %dma_wait3A_2875[%dma_wait3A_2870, %dma_wait3A_2876, %dma_wait3A_2877] : memref<3x32x1024xf32, #tpu.memory_space<vmem_shared>> -> memref<1x32x1024xf32, #tpu.memory_space<vmem_shared>>
    %dma_wait3A_2879 = tpu.memref_squeeze %dma_wait3A_2878 : memref<1x32x1024xf32, #tpu.memory_space<vmem_shared>> -> memref<32x1024xf32, #tpu.memory_space<vmem_shared>>
    %dma_wait3A_2880 = arith.constant 0 : i32
    %dma_wait3A_2881 = tpu.memref_slice %arg2[%add3A_2753, %dma_wait3A_2880] : memref<32768x1024xf32, #tpu.memory_space<hbm>> -> memref<32x1024xf32, #tpu.memory_space<hbm>>
    tpu.wait_dma2 semaphore(%arg10 : memref<!tpu.dma_semaphore, #tpu.memory_space<semaphore_mem>>) src(%dma_wait3A_2881 : memref<32x1024xf32, #tpu.memory_space<hbm>>) dst(%dma_wait3A_2879 : memref<32x1024xf32, #tpu.memory_space<vmem_shared>>)
    %add3A_2882 = arith.constant 768 : i32
    %add3A_2883 = arith.addi %mul3A_2, %add3A_2882 : i32
    %dma_start3A_2884 = arith.constant 0 : i32
    %dma_start3A_2885 = arith.constant 0 : i32
    %dma_start3A_2886 = tpu.memref_slice %arg5[%add3A_2883, %dma_start3A_2885] : memref<32768x1024xf32, #tpu.memory_space<hbm>> -> memref<32x1024xf32, #tpu.memory_space<hbm>>
    %dma_start3A_2887 = arith.constant 0 : i32
    %dma_start3A_2888 = arith.constant 0 : i32
    %dma_start3A_2889 = arith.constant 0 : i32
    %dma_start3A_2890 = tpu.memref_slice %arg9[%arg1, %dma_start3A_2887, %dma_start3A_2888, %dma_start3A_2889] : memref<16x3x32x1024xf32, #tpu.memory_space<vmem_shared>> -> memref<1x3x32x1024xf32, #tpu.memory_space<vmem_shared>>
    %dma_start3A_2891 = tpu.memref_squeeze %dma_start3A_2890 : memref<1x3x32x1024xf32, #tpu.memory_space<vmem_shared>> -> memref<3x32x1024xf32, #tpu.memory_space<vmem_shared>>
    %dma_start3A_2892 = arith.constant 0 : i32
    %dma_start3A_2893 = arith.constant 0 : i32
    %dma_start3A_2894 = tpu.memref_slice %dma_start3A_2891[%dma_start3A_2884, %dma_start3A_2892, %dma_start3A_2893] : memref<3x32x1024xf32, #tpu.memory_space<vmem_shared>> -> memref<1x32x1024xf32, #tpu.memory_space<vmem_shared>>
    %dma_start3A_2895 = tpu.memref_squeeze %dma_start3A_2894 : memref<1x32x1024xf32, #tpu.memory_space<vmem_shared>> -> memref<32x1024xf32, #tpu.memory_space<vmem_shared>>
    tpu.enqueue_dma source(%dma_start3A_2895 : memref<32x1024xf32, #tpu.memory_space<vmem_shared>>) target(%dma_start3A_2886 : memref<32x1024xf32, #tpu.memory_space<hbm>>) target_semaphore(%arg13 : memref<!tpu.dma_semaphore, #tpu.memory_space<semaphore_mem>>)
    %dma_wait3A_2896 = arith.constant 0 : i32
    %dma_wait3A_2897 = arith.constant 0 : i32
    %dma_wait3A_2898 = tpu.memref_slice %arg5[%add3A_2883, %dma_wait3A_2897] : memref<32768x1024xf32, #tpu.memory_space<hbm>> -> memref<32x1024xf32, #tpu.memory_space<hbm>>
    %dma_wait3A_2899 = arith.constant 0 : i32
    %dma_wait3A_2900 = arith.constant 0 : i32
    %dma_wait3A_2901 = arith.constant 0 : i32
    %dma_wait3A_2902 = tpu.memref_slice %arg9[%arg1, %dma_wait3A_2899, %dma_wait3A_2900, %dma_wait3A_2901] : memref<16x3x32x1024xf32, #tpu.memory_space<vmem_shared>> -> memref<1x3x32x1024xf32, #tpu.memory_space<vmem_shared>>
    %dma_wait3A_2903 = tpu.memref_squeeze %dma_wait3A_2902 : memref<1x3x32x1024xf32, #tpu.memory_space<vmem_shared>> -> memref<3x32x1024xf32, #tpu.memory_space<vmem_shared>>
    %dma_wait3A_2904 = arith.constant 0 : i32
    %dma_wait3A_2905 = arith.constant 0 : i32
    %dma_wait3A_2906 = tpu.memref_slice %dma_wait3A_2903[%dma_wait3A_2896, %dma_wait3A_2904, %dma_wait3A_2905] : memref<3x32x1024xf32, #tpu.memory_space<vmem_shared>> -> memref<1x32x1024xf32, #tpu.memory_space<vmem_shared>>
    %dma_wait3A_2907 = tpu.memref_squeeze %dma_wait3A_2906 : memref<1x32x1024xf32, #tpu.memory_space<vmem_shared>> -> memref<32x1024xf32, #tpu.memory_space<vmem_shared>>
    tpu.wait_dma2 semaphore(%arg13 : memref<!tpu.dma_semaphore, #tpu.memory_space<semaphore_mem>>) src(%dma_wait3A_2907 : memref<32x1024xf32, #tpu.memory_space<vmem_shared>>) dst(%dma_wait3A_2898 : memref<32x1024xf32, #tpu.memory_space<hbm>>)
    %add3A_2908 = arith.constant 864 : i32
    %add3A_2909 = arith.addi %mul3A_2, %add3A_2908 : i32
    %dma_start3A_2910 = arith.constant 0 : i32
    %dma_start3A_2911 = arith.constant 0 : i32
    %dma_start3A_2912 = arith.constant 0 : i32
    %dma_start3A_2913 = arith.constant 0 : i32
    %dma_start3A_2914 = tpu.memref_slice %arg9[%arg1, %dma_start3A_2911, %dma_start3A_2912, %dma_start3A_2913] : memref<16x3x32x1024xf32, #tpu.memory_space<vmem_shared>> -> memref<1x3x32x1024xf32, #tpu.memory_space<vmem_shared>>
    %dma_start3A_2915 = tpu.memref_squeeze %dma_start3A_2914 : memref<1x3x32x1024xf32, #tpu.memory_space<vmem_shared>> -> memref<3x32x1024xf32, #tpu.memory_space<vmem_shared>>
    %dma_start3A_2916 = arith.constant 0 : i32
    %dma_start3A_2917 = arith.constant 0 : i32
    %dma_start3A_2918 = tpu.memref_slice %dma_start3A_2915[%dma_start3A_2910, %dma_start3A_2916, %dma_start3A_2917] : memref<3x32x1024xf32, #tpu.memory_space<vmem_shared>> -> memref<1x32x1024xf32, #tpu.memory_space<vmem_shared>>
    %dma_start3A_2919 = tpu.memref_squeeze %dma_start3A_2918 : memref<1x32x1024xf32, #tpu.memory_space<vmem_shared>> -> memref<32x1024xf32, #tpu.memory_space<vmem_shared>>
    %dma_start3A_2920 = arith.constant 0 : i32
    %dma_start3A_2921 = tpu.memref_slice %arg2[%add3A_2909, %dma_start3A_2920] : memref<32768x1024xf32, #tpu.memory_space<hbm>> -> memref<32x1024xf32, #tpu.memory_space<hbm>>
    tpu.enqueue_dma source(%dma_start3A_2921 : memref<32x1024xf32, #tpu.memory_space<hbm>>) target(%dma_start3A_2919 : memref<32x1024xf32, #tpu.memory_space<vmem_shared>>) target_semaphore(%arg10 : memref<!tpu.dma_semaphore, #tpu.memory_space<semaphore_mem>>)
    %dma_wait3A_2922 = arith.constant 1 : i32
    %dma_wait3A_2923 = arith.constant 0 : i32
    %dma_wait3A_2924 = arith.constant 0 : i32
    %dma_wait3A_2925 = arith.constant 0 : i32
    %dma_wait3A_2926 = tpu.memref_slice %arg9[%arg1, %dma_wait3A_2923, %dma_wait3A_2924, %dma_wait3A_2925] : memref<16x3x32x1024xf32, #tpu.memory_space<vmem_shared>> -> memref<1x3x32x1024xf32, #tpu.memory_space<vmem_shared>>
    %dma_wait3A_2927 = tpu.memref_squeeze %dma_wait3A_2926 : memref<1x3x32x1024xf32, #tpu.memory_space<vmem_shared>> -> memref<3x32x1024xf32, #tpu.memory_space<vmem_shared>>
    %dma_wait3A_2928 = arith.constant 0 : i32
    %dma_wait3A_2929 = arith.constant 0 : i32
    %dma_wait3A_2930 = tpu.memref_slice %dma_wait3A_2927[%dma_wait3A_2922, %dma_wait3A_2928, %dma_wait3A_2929] : memref<3x32x1024xf32, #tpu.memory_space<vmem_shared>> -> memref<1x32x1024xf32, #tpu.memory_space<vmem_shared>>
    %dma_wait3A_2931 = tpu.memref_squeeze %dma_wait3A_2930 : memref<1x32x1024xf32, #tpu.memory_space<vmem_shared>> -> memref<32x1024xf32, #tpu.memory_space<vmem_shared>>
    %dma_wait3A_2932 = arith.constant 0 : i32
    %dma_wait3A_2933 = tpu.memref_slice %arg2[%add3A_2805, %dma_wait3A_2932] : memref<32768x1024xf32, #tpu.memory_space<hbm>> -> memref<32x1024xf32, #tpu.memory_space<hbm>>
    tpu.wait_dma2 semaphore(%arg11 : memref<!tpu.dma_semaphore, #tpu.memory_space<semaphore_mem>>) src(%dma_wait3A_2933 : memref<32x1024xf32, #tpu.memory_space<hbm>>) dst(%dma_wait3A_2931 : memref<32x1024xf32, #tpu.memory_space<vmem_shared>>)
    %add3A_2934 = arith.constant 800 : i32
    %add3A_2935 = arith.addi %mul3A_2, %add3A_2934 : i32
    %dma_start3A_2936 = arith.constant 1 : i32
    %dma_start3A_2937 = arith.constant 0 : i32
    %dma_start3A_2938 = tpu.memref_slice %arg5[%add3A_2935, %dma_start3A_2937] : memref<32768x1024xf32, #tpu.memory_space<hbm>> -> memref<32x1024xf32, #tpu.memory_space<hbm>>
    %dma_start3A_2939 = arith.constant 0 : i32
    %dma_start3A_2940 = arith.constant 0 : i32
    %dma_start3A_2941 = arith.constant 0 : i32
    %dma_start3A_2942 = tpu.memref_slice %arg9[%arg1, %dma_start3A_2939, %dma_start3A_2940, %dma_start3A_2941] : memref<16x3x32x1024xf32, #tpu.memory_space<vmem_shared>> -> memref<1x3x32x1024xf32, #tpu.memory_space<vmem_shared>>
    %dma_start3A_2943 = tpu.memref_squeeze %dma_start3A_2942 : memref<1x3x32x1024xf32, #tpu.memory_space<vmem_shared>> -> memref<3x32x1024xf32, #tpu.memory_space<vmem_shared>>
    %dma_start3A_2944 = arith.constant 0 : i32
    %dma_start3A_2945 = arith.constant 0 : i32
    %dma_start3A_2946 = tpu.memref_slice %dma_start3A_2943[%dma_start3A_2936, %dma_start3A_2944, %dma_start3A_2945] : memref<3x32x1024xf32, #tpu.memory_space<vmem_shared>> -> memref<1x32x1024xf32, #tpu.memory_space<vmem_shared>>
    %dma_start3A_2947 = tpu.memref_squeeze %dma_start3A_2946 : memref<1x32x1024xf32, #tpu.memory_space<vmem_shared>> -> memref<32x1024xf32, #tpu.memory_space<vmem_shared>>
    tpu.enqueue_dma source(%dma_start3A_2947 : memref<32x1024xf32, #tpu.memory_space<vmem_shared>>) target(%dma_start3A_2938 : memref<32x1024xf32, #tpu.memory_space<hbm>>) target_semaphore(%arg14 : memref<!tpu.dma_semaphore, #tpu.memory_space<semaphore_mem>>)
    %dma_wait3A_2948 = arith.constant 1 : i32
    %dma_wait3A_2949 = arith.constant 0 : i32
    %dma_wait3A_2950 = tpu.memref_slice %arg5[%add3A_2935, %dma_wait3A_2949] : memref<32768x1024xf32, #tpu.memory_space<hbm>> -> memref<32x1024xf32, #tpu.memory_space<hbm>>
    %dma_wait3A_2951 = arith.constant 0 : i32
    %dma_wait3A_2952 = arith.constant 0 : i32
    %dma_wait3A_2953 = arith.constant 0 : i32
    %dma_wait3A_2954 = tpu.memref_slice %arg9[%arg1, %dma_wait3A_2951, %dma_wait3A_2952, %dma_wait3A_2953] : memref<16x3x32x1024xf32, #tpu.memory_space<vmem_shared>> -> memref<1x3x32x1024xf32, #tpu.memory_space<vmem_shared>>
    %dma_wait3A_2955 = tpu.memref_squeeze %dma_wait3A_2954 : memref<1x3x32x1024xf32, #tpu.memory_space<vmem_shared>> -> memref<3x32x1024xf32, #tpu.memory_space<vmem_shared>>
    %dma_wait3A_2956 = arith.constant 0 : i32
    %dma_wait3A_2957 = arith.constant 0 : i32
    %dma_wait3A_2958 = tpu.memref_slice %dma_wait3A_2955[%dma_wait3A_2948, %dma_wait3A_2956, %dma_wait3A_2957] : memref<3x32x1024xf32, #tpu.memory_space<vmem_shared>> -> memref<1x32x1024xf32, #tpu.memory_space<vmem_shared>>
    %dma_wait3A_2959 = tpu.memref_squeeze %dma_wait3A_2958 : memref<1x32x1024xf32, #tpu.memory_space<vmem_shared>> -> memref<32x1024xf32, #tpu.memory_space<vmem_shared>>
    tpu.wait_dma2 semaphore(%arg14 : memref<!tpu.dma_semaphore, #tpu.memory_space<semaphore_mem>>) src(%dma_wait3A_2959 : memref<32x1024xf32, #tpu.memory_space<vmem_shared>>) dst(%dma_wait3A_2950 : memref<32x1024xf32, #tpu.memory_space<hbm>>)
    %add3A_2960 = arith.constant 896 : i32
    %add3A_2961 = arith.addi %mul3A_2, %add3A_2960 : i32
    %dma_start3A_2962 = arith.constant 1 : i32
    %dma_start3A_2963 = arith.constant 0 : i32
    %dma_start3A_2964 = arith.constant 0 : i32
    %dma_start3A_2965 = arith.constant 0 : i32
    %dma_start3A_2966 = tpu.memref_slice %arg9[%arg1, %dma_start3A_2963, %dma_start3A_2964, %dma_start3A_2965] : memref<16x3x32x1024xf32, #tpu.memory_space<vmem_shared>> -> memref<1x3x32x1024xf32, #tpu.memory_space<vmem_shared>>
    %dma_start3A_2967 = tpu.memref_squeeze %dma_start3A_2966 : memref<1x3x32x1024xf32, #tpu.memory_space<vmem_shared>> -> memref<3x32x1024xf32, #tpu.memory_space<vmem_shared>>
    %dma_start3A_2968 = arith.constant 0 : i32
    %dma_start3A_2969 = arith.constant 0 : i32
    %dma_start3A_2970 = tpu.memref_slice %dma_start3A_2967[%dma_start3A_2962, %dma_start3A_2968, %dma_start3A_2969] : memref<3x32x1024xf32, #tpu.memory_space<vmem_shared>> -> memref<1x32x1024xf32, #tpu.memory_space<vmem_shared>>
    %dma_start3A_2971 = tpu.memref_squeeze %dma_start3A_2970 : memref<1x32x1024xf32, #tpu.memory_space<vmem_shared>> -> memref<32x1024xf32, #tpu.memory_space<vmem_shared>>
    %dma_start3A_2972 = arith.constant 0 : i32
    %dma_start3A_2973 = tpu.memref_slice %arg2[%add3A_2961, %dma_start3A_2972] : memref<32768x1024xf32, #tpu.memory_space<hbm>> -> memref<32x1024xf32, #tpu.memory_space<hbm>>
    tpu.enqueue_dma source(%dma_start3A_2973 : memref<32x1024xf32, #tpu.memory_space<hbm>>) target(%dma_start3A_2971 : memref<32x1024xf32, #tpu.memory_space<vmem_shared>>) target_semaphore(%arg11 : memref<!tpu.dma_semaphore, #tpu.memory_space<semaphore_mem>>)
    %dma_wait3A_2974 = arith.constant 2 : i32
    %dma_wait3A_2975 = arith.constant 0 : i32
    %dma_wait3A_2976 = arith.constant 0 : i32
    %dma_wait3A_2977 = arith.constant 0 : i32
    %dma_wait3A_2978 = tpu.memref_slice %arg9[%arg1, %dma_wait3A_2975, %dma_wait3A_2976, %dma_wait3A_2977] : memref<16x3x32x1024xf32, #tpu.memory_space<vmem_shared>> -> memref<1x3x32x1024xf32, #tpu.memory_space<vmem_shared>>
    %dma_wait3A_2979 = tpu.memref_squeeze %dma_wait3A_2978 : memref<1x3x32x1024xf32, #tpu.memory_space<vmem_shared>> -> memref<3x32x1024xf32, #tpu.memory_space<vmem_shared>>
    %dma_wait3A_2980 = arith.constant 0 : i32
    %dma_wait3A_2981 = arith.constant 0 : i32
    %dma_wait3A_2982 = tpu.memref_slice %dma_wait3A_2979[%dma_wait3A_2974, %dma_wait3A_2980, %dma_wait3A_2981] : memref<3x32x1024xf32, #tpu.memory_space<vmem_shared>> -> memref<1x32x1024xf32, #tpu.memory_space<vmem_shared>>
    %dma_wait3A_2983 = tpu.memref_squeeze %dma_wait3A_2982 : memref<1x32x1024xf32, #tpu.memory_space<vmem_shared>> -> memref<32x1024xf32, #tpu.memory_space<vmem_shared>>
    %dma_wait3A_2984 = arith.constant 0 : i32
    %dma_wait3A_2985 = tpu.memref_slice %arg2[%add3A_2857, %dma_wait3A_2984] : memref<32768x1024xf32, #tpu.memory_space<hbm>> -> memref<32x1024xf32, #tpu.memory_space<hbm>>
    tpu.wait_dma2 semaphore(%arg12 : memref<!tpu.dma_semaphore, #tpu.memory_space<semaphore_mem>>) src(%dma_wait3A_2985 : memref<32x1024xf32, #tpu.memory_space<hbm>>) dst(%dma_wait3A_2983 : memref<32x1024xf32, #tpu.memory_space<vmem_shared>>)
    %add3A_2986 = arith.constant 832 : i32
    %add3A_2987 = arith.addi %mul3A_2, %add3A_2986 : i32
    %dma_start3A_2988 = arith.constant 2 : i32
    %dma_start3A_2989 = arith.constant 0 : i32
    %dma_start3A_2990 = tpu.memref_slice %arg5[%add3A_2987, %dma_start3A_2989] : memref<32768x1024xf32, #tpu.memory_space<hbm>> -> memref<32x1024xf32, #tpu.memory_space<hbm>>
    %dma_start3A_2991 = arith.constant 0 : i32
    %dma_start3A_2992 = arith.constant 0 : i32
    %dma_start3A_2993 = arith.constant 0 : i32
    %dma_start3A_2994 = tpu.memref_slice %arg9[%arg1, %dma_start3A_2991, %dma_start3A_2992, %dma_start3A_2993] : memref<16x3x32x1024xf32, #tpu.memory_space<vmem_shared>> -> memref<1x3x32x1024xf32, #tpu.memory_space<vmem_shared>>
    %dma_start3A_2995 = tpu.memref_squeeze %dma_start3A_2994 : memref<1x3x32x1024xf32, #tpu.memory_space<vmem_shared>> -> memref<3x32x1024xf32, #tpu.memory_space<vmem_shared>>
    %dma_start3A_2996 = arith.constant 0 : i32
    %dma_start3A_2997 = arith.constant 0 : i32
    %dma_start3A_2998 = tpu.memref_slice %dma_start3A_2995[%dma_start3A_2988, %dma_start3A_2996, %dma_start3A_2997] : memref<3x32x1024xf32, #tpu.memory_space<vmem_shared>> -> memref<1x32x1024xf32, #tpu.memory_space<vmem_shared>>
    %dma_start3A_2999 = tpu.memref_squeeze %dma_start3A_2998 : memref<1x32x1024xf32, #tpu.memory_space<vmem_shared>> -> memref<32x1024xf32, #tpu.memory_space<vmem_shared>>
    tpu.enqueue_dma source(%dma_start3A_2999 : memref<32x1024xf32, #tpu.memory_space<vmem_shared>>) target(%dma_start3A_2990 : memref<32x1024xf32, #tpu.memory_space<hbm>>) target_semaphore(%arg15 : memref<!tpu.dma_semaphore, #tpu.memory_space<semaphore_mem>>)
    %dma_wait3A_3000 = arith.constant 2 : i32
    %dma_wait3A_3001 = arith.constant 0 : i32
    %dma_wait3A_3002 = tpu.memref_slice %arg5[%add3A_2987, %dma_wait3A_3001] : memref<32768x1024xf32, #tpu.memory_space<hbm>> -> memref<32x1024xf32, #tpu.memory_space<hbm>>
    %dma_wait3A_3003 = arith.constant 0 : i32
    %dma_wait3A_3004 = arith.constant 0 : i32
    %dma_wait3A_3005 = arith.constant 0 : i32
    %dma_wait3A_3006 = tpu.memref_slice %arg9[%arg1, %dma_wait3A_3003, %dma_wait3A_3004, %dma_wait3A_3005] : memref<16x3x32x1024xf32, #tpu.memory_space<vmem_shared>> -> memref<1x3x32x1024xf32, #tpu.memory_space<vmem_shared>>
    %dma_wait3A_3007 = tpu.memref_squeeze %dma_wait3A_3006 : memref<1x3x32x1024xf32, #tpu.memory_space<vmem_shared>> -> memref<3x32x1024xf32, #tpu.memory_space<vmem_shared>>
    %dma_wait3A_3008 = arith.constant 0 : i32
    %dma_wait3A_3009 = arith.constant 0 : i32
    %dma_wait3A_3010 = tpu.memref_slice %dma_wait3A_3007[%dma_wait3A_3000, %dma_wait3A_3008, %dma_wait3A_3009] : memref<3x32x1024xf32, #tpu.memory_space<vmem_shared>> -> memref<1x32x1024xf32, #tpu.memory_space<vmem_shared>>
    %dma_wait3A_3011 = tpu.memref_squeeze %dma_wait3A_3010 : memref<1x32x1024xf32, #tpu.memory_space<vmem_shared>> -> memref<32x1024xf32, #tpu.memory_space<vmem_shared>>
    tpu.wait_dma2 semaphore(%arg15 : memref<!tpu.dma_semaphore, #tpu.memory_space<semaphore_mem>>) src(%dma_wait3A_3011 : memref<32x1024xf32, #tpu.memory_space<vmem_shared>>) dst(%dma_wait3A_3002 : memref<32x1024xf32, #tpu.memory_space<hbm>>)
    %add3A_3012 = arith.constant 928 : i32
    %add3A_3013 = arith.addi %mul3A_2, %add3A_3012 : i32
    %dma_start3A_3014 = arith.constant 2 : i32
    %dma_start3A_3015 = arith.constant 0 : i32
    %dma_start3A_3016 = arith.constant 0 : i32
    %dma_start3A_3017 = arith.constant 0 : i32
    %dma_start3A_3018 = tpu.memref_slice %arg9[%arg1, %dma_start3A_3015, %dma_start3A_3016, %dma_start3A_3017] : memref<16x3x32x1024xf32, #tpu.memory_space<vmem_shared>> -> memref<1x3x32x1024xf32, #tpu.memory_space<vmem_shared>>
    %dma_start3A_3019 = tpu.memref_squeeze %dma_start3A_3018 : memref<1x3x32x1024xf32, #tpu.memory_space<vmem_shared>> -> memref<3x32x1024xf32, #tpu.memory_space<vmem_shared>>
    %dma_start3A_3020 = arith.constant 0 : i32
    %dma_start3A_3021 = arith.constant 0 : i32
    %dma_start3A_3022 = tpu.memref_slice %dma_start3A_3019[%dma_start3A_3014, %dma_start3A_3020, %dma_start3A_3021] : memref<3x32x1024xf32, #tpu.memory_space<vmem_shared>> -> memref<1x32x1024xf32, #tpu.memory_space<vmem_shared>>
    %dma_start3A_3023 = tpu.memref_squeeze %dma_start3A_3022 : memref<1x32x1024xf32, #tpu.memory_space<vmem_shared>> -> memref<32x1024xf32, #tpu.memory_space<vmem_shared>>
    %dma_start3A_3024 = arith.constant 0 : i32
    %dma_start3A_3025 = tpu.memref_slice %arg2[%add3A_3013, %dma_start3A_3024] : memref<32768x1024xf32, #tpu.memory_space<hbm>> -> memref<32x1024xf32, #tpu.memory_space<hbm>>
    tpu.enqueue_dma source(%dma_start3A_3025 : memref<32x1024xf32, #tpu.memory_space<hbm>>) target(%dma_start3A_3023 : memref<32x1024xf32, #tpu.memory_space<vmem_shared>>) target_semaphore(%arg12 : memref<!tpu.dma_semaphore, #tpu.memory_space<semaphore_mem>>)
    %dma_wait3A_3026 = arith.constant 0 : i32
    %dma_wait3A_3027 = arith.constant 0 : i32
    %dma_wait3A_3028 = arith.constant 0 : i32
    %dma_wait3A_3029 = arith.constant 0 : i32
    %dma_wait3A_3030 = tpu.memref_slice %arg9[%arg1, %dma_wait3A_3027, %dma_wait3A_3028, %dma_wait3A_3029] : memref<16x3x32x1024xf32, #tpu.memory_space<vmem_shared>> -> memref<1x3x32x1024xf32, #tpu.memory_space<vmem_shared>>
    %dma_wait3A_3031 = tpu.memref_squeeze %dma_wait3A_3030 : memref<1x3x32x1024xf32, #tpu.memory_space<vmem_shared>> -> memref<3x32x1024xf32, #tpu.memory_space<vmem_shared>>
    %dma_wait3A_3032 = arith.constant 0 : i32
    %dma_wait3A_3033 = arith.constant 0 : i32
    %dma_wait3A_3034 = tpu.memref_slice %dma_wait3A_3031[%dma_wait3A_3026, %dma_wait3A_3032, %dma_wait3A_3033] : memref<3x32x1024xf32, #tpu.memory_space<vmem_shared>> -> memref<1x32x1024xf32, #tpu.memory_space<vmem_shared>>
    %dma_wait3A_3035 = tpu.memref_squeeze %dma_wait3A_3034 : memref<1x32x1024xf32, #tpu.memory_space<vmem_shared>> -> memref<32x1024xf32, #tpu.memory_space<vmem_shared>>
    %dma_wait3A_3036 = arith.constant 0 : i32
    %dma_wait3A_3037 = tpu.memref_slice %arg2[%add3A_2909, %dma_wait3A_3036] : memref<32768x1024xf32, #tpu.memory_space<hbm>> -> memref<32x1024xf32, #tpu.memory_space<hbm>>
    tpu.wait_dma2 semaphore(%arg10 : memref<!tpu.dma_semaphore, #tpu.memory_space<semaphore_mem>>) src(%dma_wait3A_3037 : memref<32x1024xf32, #tpu.memory_space<hbm>>) dst(%dma_wait3A_3035 : memref<32x1024xf32, #tpu.memory_space<vmem_shared>>)
    %add3A_3038 = arith.constant 864 : i32
    %add3A_3039 = arith.addi %mul3A_2, %add3A_3038 : i32
    %dma_start3A_3040 = arith.constant 0 : i32
    %dma_start3A_3041 = arith.constant 0 : i32
    %dma_start3A_3042 = tpu.memref_slice %arg5[%add3A_3039, %dma_start3A_3041] : memref<32768x1024xf32, #tpu.memory_space<hbm>> -> memref<32x1024xf32, #tpu.memory_space<hbm>>
    %dma_start3A_3043 = arith.constant 0 : i32
    %dma_start3A_3044 = arith.constant 0 : i32
    %dma_start3A_3045 = arith.constant 0 : i32
    %dma_start3A_3046 = tpu.memref_slice %arg9[%arg1, %dma_start3A_3043, %dma_start3A_3044, %dma_start3A_3045] : memref<16x3x32x1024xf32, #tpu.memory_space<vmem_shared>> -> memref<1x3x32x1024xf32, #tpu.memory_space<vmem_shared>>
    %dma_start3A_3047 = tpu.memref_squeeze %dma_start3A_3046 : memref<1x3x32x1024xf32, #tpu.memory_space<vmem_shared>> -> memref<3x32x1024xf32, #tpu.memory_space<vmem_shared>>
    %dma_start3A_3048 = arith.constant 0 : i32
    %dma_start3A_3049 = arith.constant 0 : i32
    %dma_start3A_3050 = tpu.memref_slice %dma_start3A_3047[%dma_start3A_3040, %dma_start3A_3048, %dma_start3A_3049] : memref<3x32x1024xf32, #tpu.memory_space<vmem_shared>> -> memref<1x32x1024xf32, #tpu.memory_space<vmem_shared>>
    %dma_start3A_3051 = tpu.memref_squeeze %dma_start3A_3050 : memref<1x32x1024xf32, #tpu.memory_space<vmem_shared>> -> memref<32x1024xf32, #tpu.memory_space<vmem_shared>>
    tpu.enqueue_dma source(%dma_start3A_3051 : memref<32x1024xf32, #tpu.memory_space<vmem_shared>>) target(%dma_start3A_3042 : memref<32x1024xf32, #tpu.memory_space<hbm>>) target_semaphore(%arg13 : memref<!tpu.dma_semaphore, #tpu.memory_space<semaphore_mem>>)
    %dma_wait3A_3052 = arith.constant 0 : i32
    %dma_wait3A_3053 = arith.constant 0 : i32
    %dma_wait3A_3054 = tpu.memref_slice %arg5[%add3A_3039, %dma_wait3A_3053] : memref<32768x1024xf32, #tpu.memory_space<hbm>> -> memref<32x1024xf32, #tpu.memory_space<hbm>>
    %dma_wait3A_3055 = arith.constant 0 : i32
    %dma_wait3A_3056 = arith.constant 0 : i32
    %dma_wait3A_3057 = arith.constant 0 : i32
    %dma_wait3A_3058 = tpu.memref_slice %arg9[%arg1, %dma_wait3A_3055, %dma_wait3A_3056, %dma_wait3A_3057] : memref<16x3x32x1024xf32, #tpu.memory_space<vmem_shared>> -> memref<1x3x32x1024xf32, #tpu.memory_space<vmem_shared>>
    %dma_wait3A_3059 = tpu.memref_squeeze %dma_wait3A_3058 : memref<1x3x32x1024xf32, #tpu.memory_space<vmem_shared>> -> memref<3x32x1024xf32, #tpu.memory_space<vmem_shared>>
    %dma_wait3A_3060 = arith.constant 0 : i32
    %dma_wait3A_3061 = arith.constant 0 : i32
    %dma_wait3A_3062 = tpu.memref_slice %dma_wait3A_3059[%dma_wait3A_3052, %dma_wait3A_3060, %dma_wait3A_3061] : memref<3x32x1024xf32, #tpu.memory_space<vmem_shared>> -> memref<1x32x1024xf32, #tpu.memory_space<vmem_shared>>
    %dma_wait3A_3063 = tpu.memref_squeeze %dma_wait3A_3062 : memref<1x32x1024xf32, #tpu.memory_space<vmem_shared>> -> memref<32x1024xf32, #tpu.memory_space<vmem_shared>>
    tpu.wait_dma2 semaphore(%arg13 : memref<!tpu.dma_semaphore, #tpu.memory_space<semaphore_mem>>) src(%dma_wait3A_3063 : memref<32x1024xf32, #tpu.memory_space<vmem_shared>>) dst(%dma_wait3A_3054 : memref<32x1024xf32, #tpu.memory_space<hbm>>)
    %add3A_3064 = arith.constant 960 : i32
    %add3A_3065 = arith.addi %mul3A_2, %add3A_3064 : i32
    %dma_start3A_3066 = arith.constant 0 : i32
    %dma_start3A_3067 = arith.constant 0 : i32
    %dma_start3A_3068 = arith.constant 0 : i32
    %dma_start3A_3069 = arith.constant 0 : i32
    %dma_start3A_3070 = tpu.memref_slice %arg9[%arg1, %dma_start3A_3067, %dma_start3A_3068, %dma_start3A_3069] : memref<16x3x32x1024xf32, #tpu.memory_space<vmem_shared>> -> memref<1x3x32x1024xf32, #tpu.memory_space<vmem_shared>>
    %dma_start3A_3071 = tpu.memref_squeeze %dma_start3A_3070 : memref<1x3x32x1024xf32, #tpu.memory_space<vmem_shared>> -> memref<3x32x1024xf32, #tpu.memory_space<vmem_shared>>
    %dma_start3A_3072 = arith.constant 0 : i32
    %dma_start3A_3073 = arith.constant 0 : i32
    %dma_start3A_3074 = tpu.memref_slice %dma_start3A_3071[%dma_start3A_3066, %dma_start3A_3072, %dma_start3A_3073] : memref<3x32x1024xf32, #tpu.memory_space<vmem_shared>> -> memref<1x32x1024xf32, #tpu.memory_space<vmem_shared>>
    %dma_start3A_3075 = tpu.memref_squeeze %dma_start3A_3074 : memref<1x32x1024xf32, #tpu.memory_space<vmem_shared>> -> memref<32x1024xf32, #tpu.memory_space<vmem_shared>>
    %dma_start3A_3076 = arith.constant 0 : i32
    %dma_start3A_3077 = tpu.memref_slice %arg2[%add3A_3065, %dma_start3A_3076] : memref<32768x1024xf32, #tpu.memory_space<hbm>> -> memref<32x1024xf32, #tpu.memory_space<hbm>>
    tpu.enqueue_dma source(%dma_start3A_3077 : memref<32x1024xf32, #tpu.memory_space<hbm>>) target(%dma_start3A_3075 : memref<32x1024xf32, #tpu.memory_space<vmem_shared>>) target_semaphore(%arg10 : memref<!tpu.dma_semaphore, #tpu.memory_space<semaphore_mem>>)
    %dma_wait3A_3078 = arith.constant 1 : i32
    %dma_wait3A_3079 = arith.constant 0 : i32
    %dma_wait3A_3080 = arith.constant 0 : i32
    %dma_wait3A_3081 = arith.constant 0 : i32
    %dma_wait3A_3082 = tpu.memref_slice %arg9[%arg1, %dma_wait3A_3079, %dma_wait3A_3080, %dma_wait3A_3081] : memref<16x3x32x1024xf32, #tpu.memory_space<vmem_shared>> -> memref<1x3x32x1024xf32, #tpu.memory_space<vmem_shared>>
    %dma_wait3A_3083 = tpu.memref_squeeze %dma_wait3A_3082 : memref<1x3x32x1024xf32, #tpu.memory_space<vmem_shared>> -> memref<3x32x1024xf32, #tpu.memory_space<vmem_shared>>
    %dma_wait3A_3084 = arith.constant 0 : i32
    %dma_wait3A_3085 = arith.constant 0 : i32
    %dma_wait3A_3086 = tpu.memref_slice %dma_wait3A_3083[%dma_wait3A_3078, %dma_wait3A_3084, %dma_wait3A_3085] : memref<3x32x1024xf32, #tpu.memory_space<vmem_shared>> -> memref<1x32x1024xf32, #tpu.memory_space<vmem_shared>>
    %dma_wait3A_3087 = tpu.memref_squeeze %dma_wait3A_3086 : memref<1x32x1024xf32, #tpu.memory_space<vmem_shared>> -> memref<32x1024xf32, #tpu.memory_space<vmem_shared>>
    %dma_wait3A_3088 = arith.constant 0 : i32
    %dma_wait3A_3089 = tpu.memref_slice %arg2[%add3A_2961, %dma_wait3A_3088] : memref<32768x1024xf32, #tpu.memory_space<hbm>> -> memref<32x1024xf32, #tpu.memory_space<hbm>>
    tpu.wait_dma2 semaphore(%arg11 : memref<!tpu.dma_semaphore, #tpu.memory_space<semaphore_mem>>) src(%dma_wait3A_3089 : memref<32x1024xf32, #tpu.memory_space<hbm>>) dst(%dma_wait3A_3087 : memref<32x1024xf32, #tpu.memory_space<vmem_shared>>)
    %add3A_3090 = arith.constant 896 : i32
    %add3A_3091 = arith.addi %mul3A_2, %add3A_3090 : i32
    %dma_start3A_3092 = arith.constant 1 : i32
    %dma_start3A_3093 = arith.constant 0 : i32
    %dma_start3A_3094 = tpu.memref_slice %arg5[%add3A_3091, %dma_start3A_3093] : memref<32768x1024xf32, #tpu.memory_space<hbm>> -> memref<32x1024xf32, #tpu.memory_space<hbm>>
    %dma_start3A_3095 = arith.constant 0 : i32
    %dma_start3A_3096 = arith.constant 0 : i32
    %dma_start3A_3097 = arith.constant 0 : i32
    %dma_start3A_3098 = tpu.memref_slice %arg9[%arg1, %dma_start3A_3095, %dma_start3A_3096, %dma_start3A_3097] : memref<16x3x32x1024xf32, #tpu.memory_space<vmem_shared>> -> memref<1x3x32x1024xf32, #tpu.memory_space<vmem_shared>>
    %dma_start3A_3099 = tpu.memref_squeeze %dma_start3A_3098 : memref<1x3x32x1024xf32, #tpu.memory_space<vmem_shared>> -> memref<3x32x1024xf32, #tpu.memory_space<vmem_shared>>
    %dma_start3A_3100 = arith.constant 0 : i32
    %dma_start3A_3101 = arith.constant 0 : i32
    %dma_start3A_3102 = tpu.memref_slice %dma_start3A_3099[%dma_start3A_3092, %dma_start3A_3100, %dma_start3A_3101] : memref<3x32x1024xf32, #tpu.memory_space<vmem_shared>> -> memref<1x32x1024xf32, #tpu.memory_space<vmem_shared>>
    %dma_start3A_3103 = tpu.memref_squeeze %dma_start3A_3102 : memref<1x32x1024xf32, #tpu.memory_space<vmem_shared>> -> memref<32x1024xf32, #tpu.memory_space<vmem_shared>>
    tpu.enqueue_dma source(%dma_start3A_3103 : memref<32x1024xf32, #tpu.memory_space<vmem_shared>>) target(%dma_start3A_3094 : memref<32x1024xf32, #tpu.memory_space<hbm>>) target_semaphore(%arg14 : memref<!tpu.dma_semaphore, #tpu.memory_space<semaphore_mem>>)
    %dma_wait3A_3104 = arith.constant 1 : i32
    %dma_wait3A_3105 = arith.constant 0 : i32
    %dma_wait3A_3106 = tpu.memref_slice %arg5[%add3A_3091, %dma_wait3A_3105] : memref<32768x1024xf32, #tpu.memory_space<hbm>> -> memref<32x1024xf32, #tpu.memory_space<hbm>>
    %dma_wait3A_3107 = arith.constant 0 : i32
    %dma_wait3A_3108 = arith.constant 0 : i32
    %dma_wait3A_3109 = arith.constant 0 : i32
    %dma_wait3A_3110 = tpu.memref_slice %arg9[%arg1, %dma_wait3A_3107, %dma_wait3A_3108, %dma_wait3A_3109] : memref<16x3x32x1024xf32, #tpu.memory_space<vmem_shared>> -> memref<1x3x32x1024xf32, #tpu.memory_space<vmem_shared>>
    %dma_wait3A_3111 = tpu.memref_squeeze %dma_wait3A_3110 : memref<1x3x32x1024xf32, #tpu.memory_space<vmem_shared>> -> memref<3x32x1024xf32, #tpu.memory_space<vmem_shared>>
    %dma_wait3A_3112 = arith.constant 0 : i32
    %dma_wait3A_3113 = arith.constant 0 : i32
    %dma_wait3A_3114 = tpu.memref_slice %dma_wait3A_3111[%dma_wait3A_3104, %dma_wait3A_3112, %dma_wait3A_3113] : memref<3x32x1024xf32, #tpu.memory_space<vmem_shared>> -> memref<1x32x1024xf32, #tpu.memory_space<vmem_shared>>
    %dma_wait3A_3115 = tpu.memref_squeeze %dma_wait3A_3114 : memref<1x32x1024xf32, #tpu.memory_space<vmem_shared>> -> memref<32x1024xf32, #tpu.memory_space<vmem_shared>>
    tpu.wait_dma2 semaphore(%arg14 : memref<!tpu.dma_semaphore, #tpu.memory_space<semaphore_mem>>) src(%dma_wait3A_3115 : memref<32x1024xf32, #tpu.memory_space<vmem_shared>>) dst(%dma_wait3A_3106 : memref<32x1024xf32, #tpu.memory_space<hbm>>)
    %add3A_3116 = arith.constant 992 : i32
    %add3A_3117 = arith.addi %mul3A_2, %add3A_3116 : i32
    %dma_start3A_3118 = arith.constant 1 : i32
    %dma_start3A_3119 = arith.constant 0 : i32
    %dma_start3A_3120 = arith.constant 0 : i32
    %dma_start3A_3121 = arith.constant 0 : i32
    %dma_start3A_3122 = tpu.memref_slice %arg9[%arg1, %dma_start3A_3119, %dma_start3A_3120, %dma_start3A_3121] : memref<16x3x32x1024xf32, #tpu.memory_space<vmem_shared>> -> memref<1x3x32x1024xf32, #tpu.memory_space<vmem_shared>>
    %dma_start3A_3123 = tpu.memref_squeeze %dma_start3A_3122 : memref<1x3x32x1024xf32, #tpu.memory_space<vmem_shared>> -> memref<3x32x1024xf32, #tpu.memory_space<vmem_shared>>
    %dma_start3A_3124 = arith.constant 0 : i32
    %dma_start3A_3125 = arith.constant 0 : i32
    %dma_start3A_3126 = tpu.memref_slice %dma_start3A_3123[%dma_start3A_3118, %dma_start3A_3124, %dma_start3A_3125] : memref<3x32x1024xf32, #tpu.memory_space<vmem_shared>> -> memref<1x32x1024xf32, #tpu.memory_space<vmem_shared>>
    %dma_start3A_3127 = tpu.memref_squeeze %dma_start3A_3126 : memref<1x32x1024xf32, #tpu.memory_space<vmem_shared>> -> memref<32x1024xf32, #tpu.memory_space<vmem_shared>>
    %dma_start3A_3128 = arith.constant 0 : i32
    %dma_start3A_3129 = tpu.memref_slice %arg2[%add3A_3117, %dma_start3A_3128] : memref<32768x1024xf32, #tpu.memory_space<hbm>> -> memref<32x1024xf32, #tpu.memory_space<hbm>>
    tpu.enqueue_dma source(%dma_start3A_3129 : memref<32x1024xf32, #tpu.memory_space<hbm>>) target(%dma_start3A_3127 : memref<32x1024xf32, #tpu.memory_space<vmem_shared>>) target_semaphore(%arg11 : memref<!tpu.dma_semaphore, #tpu.memory_space<semaphore_mem>>)
    %dma_wait3A_3130 = arith.constant 2 : i32
    %dma_wait3A_3131 = arith.constant 0 : i32
    %dma_wait3A_3132 = arith.constant 0 : i32
    %dma_wait3A_3133 = arith.constant 0 : i32
    %dma_wait3A_3134 = tpu.memref_slice %arg9[%arg1, %dma_wait3A_3131, %dma_wait3A_3132, %dma_wait3A_3133] : memref<16x3x32x1024xf32, #tpu.memory_space<vmem_shared>> -> memref<1x3x32x1024xf32, #tpu.memory_space<vmem_shared>>
    %dma_wait3A_3135 = tpu.memref_squeeze %dma_wait3A_3134 : memref<1x3x32x1024xf32, #tpu.memory_space<vmem_shared>> -> memref<3x32x1024xf32, #tpu.memory_space<vmem_shared>>
    %dma_wait3A_3136 = arith.constant 0 : i32
    %dma_wait3A_3137 = arith.constant 0 : i32
    %dma_wait3A_3138 = tpu.memref_slice %dma_wait3A_3135[%dma_wait3A_3130, %dma_wait3A_3136, %dma_wait3A_3137] : memref<3x32x1024xf32, #tpu.memory_space<vmem_shared>> -> memref<1x32x1024xf32, #tpu.memory_space<vmem_shared>>
    %dma_wait3A_3139 = tpu.memref_squeeze %dma_wait3A_3138 : memref<1x32x1024xf32, #tpu.memory_space<vmem_shared>> -> memref<32x1024xf32, #tpu.memory_space<vmem_shared>>
    %dma_wait3A_3140 = arith.constant 0 : i32
    %dma_wait3A_3141 = tpu.memref_slice %arg2[%add3A_3013, %dma_wait3A_3140] : memref<32768x1024xf32, #tpu.memory_space<hbm>> -> memref<32x1024xf32, #tpu.memory_space<hbm>>
    tpu.wait_dma2 semaphore(%arg12 : memref<!tpu.dma_semaphore, #tpu.memory_space<semaphore_mem>>) src(%dma_wait3A_3141 : memref<32x1024xf32, #tpu.memory_space<hbm>>) dst(%dma_wait3A_3139 : memref<32x1024xf32, #tpu.memory_space<vmem_shared>>)
    %add3A_3142 = arith.constant 928 : i32
    %add3A_3143 = arith.addi %mul3A_2, %add3A_3142 : i32
    %dma_start3A_3144 = arith.constant 2 : i32
    %dma_start3A_3145 = arith.constant 0 : i32
    %dma_start3A_3146 = tpu.memref_slice %arg5[%add3A_3143, %dma_start3A_3145] : memref<32768x1024xf32, #tpu.memory_space<hbm>> -> memref<32x1024xf32, #tpu.memory_space<hbm>>
    %dma_start3A_3147 = arith.constant 0 : i32
    %dma_start3A_3148 = arith.constant 0 : i32
    %dma_start3A_3149 = arith.constant 0 : i32
    %dma_start3A_3150 = tpu.memref_slice %arg9[%arg1, %dma_start3A_3147, %dma_start3A_3148, %dma_start3A_3149] : memref<16x3x32x1024xf32, #tpu.memory_space<vmem_shared>> -> memref<1x3x32x1024xf32, #tpu.memory_space<vmem_shared>>
    %dma_start3A_3151 = tpu.memref_squeeze %dma_start3A_3150 : memref<1x3x32x1024xf32, #tpu.memory_space<vmem_shared>> -> memref<3x32x1024xf32, #tpu.memory_space<vmem_shared>>
    %dma_start3A_3152 = arith.constant 0 : i32
    %dma_start3A_3153 = arith.constant 0 : i32
    %dma_start3A_3154 = tpu.memref_slice %dma_start3A_3151[%dma_start3A_3144, %dma_start3A_3152, %dma_start3A_3153] : memref<3x32x1024xf32, #tpu.memory_space<vmem_shared>> -> memref<1x32x1024xf32, #tpu.memory_space<vmem_shared>>
    %dma_start3A_3155 = tpu.memref_squeeze %dma_start3A_3154 : memref<1x32x1024xf32, #tpu.memory_space<vmem_shared>> -> memref<32x1024xf32, #tpu.memory_space<vmem_shared>>
    tpu.enqueue_dma source(%dma_start3A_3155 : memref<32x1024xf32, #tpu.memory_space<vmem_shared>>) target(%dma_start3A_3146 : memref<32x1024xf32, #tpu.memory_space<hbm>>) target_semaphore(%arg15 : memref<!tpu.dma_semaphore, #tpu.memory_space<semaphore_mem>>)
    %dma_wait3A_3156 = arith.constant 0 : i32
    %dma_wait3A_3157 = arith.constant 0 : i32
    %dma_wait3A_3158 = arith.constant 0 : i32
    %dma_wait3A_3159 = arith.constant 0 : i32
    %dma_wait3A_3160 = tpu.memref_slice %arg9[%arg1, %dma_wait3A_3157, %dma_wait3A_3158, %dma_wait3A_3159] : memref<16x3x32x1024xf32, #tpu.memory_space<vmem_shared>> -> memref<1x3x32x1024xf32, #tpu.memory_space<vmem_shared>>
    %dma_wait3A_3161 = tpu.memref_squeeze %dma_wait3A_3160 : memref<1x3x32x1024xf32, #tpu.memory_space<vmem_shared>> -> memref<3x32x1024xf32, #tpu.memory_space<vmem_shared>>
    %dma_wait3A_3162 = arith.constant 0 : i32
    %dma_wait3A_3163 = arith.constant 0 : i32
    %dma_wait3A_3164 = tpu.memref_slice %dma_wait3A_3161[%dma_wait3A_3156, %dma_wait3A_3162, %dma_wait3A_3163] : memref<3x32x1024xf32, #tpu.memory_space<vmem_shared>> -> memref<1x32x1024xf32, #tpu.memory_space<vmem_shared>>
    %dma_wait3A_3165 = tpu.memref_squeeze %dma_wait3A_3164 : memref<1x32x1024xf32, #tpu.memory_space<vmem_shared>> -> memref<32x1024xf32, #tpu.memory_space<vmem_shared>>
    %dma_wait3A_3166 = arith.constant 0 : i32
    %dma_wait3A_3167 = tpu.memref_slice %arg2[%add3A_3065, %dma_wait3A_3166] : memref<32768x1024xf32, #tpu.memory_space<hbm>> -> memref<32x1024xf32, #tpu.memory_space<hbm>>
    tpu.wait_dma2 semaphore(%arg10 : memref<!tpu.dma_semaphore, #tpu.memory_space<semaphore_mem>>) src(%dma_wait3A_3167 : memref<32x1024xf32, #tpu.memory_space<hbm>>) dst(%dma_wait3A_3165 : memref<32x1024xf32, #tpu.memory_space<vmem_shared>>)
    %add3A_3168 = arith.constant 960 : i32
    %add3A_3169 = arith.addi %mul3A_2, %add3A_3168 : i32
    %dma_start3A_3170 = arith.constant 0 : i32
    %dma_start3A_3171 = arith.constant 0 : i32
    %dma_start3A_3172 = tpu.memref_slice %arg5[%add3A_3169, %dma_start3A_3171] : memref<32768x1024xf32, #tpu.memory_space<hbm>> -> memref<32x1024xf32, #tpu.memory_space<hbm>>
    %dma_start3A_3173 = arith.constant 0 : i32
    %dma_start3A_3174 = arith.constant 0 : i32
    %dma_start3A_3175 = arith.constant 0 : i32
    %dma_start3A_3176 = tpu.memref_slice %arg9[%arg1, %dma_start3A_3173, %dma_start3A_3174, %dma_start3A_3175] : memref<16x3x32x1024xf32, #tpu.memory_space<vmem_shared>> -> memref<1x3x32x1024xf32, #tpu.memory_space<vmem_shared>>
    %dma_start3A_3177 = tpu.memref_squeeze %dma_start3A_3176 : memref<1x3x32x1024xf32, #tpu.memory_space<vmem_shared>> -> memref<3x32x1024xf32, #tpu.memory_space<vmem_shared>>
    %dma_start3A_3178 = arith.constant 0 : i32
    %dma_start3A_3179 = arith.constant 0 : i32
    %dma_start3A_3180 = tpu.memref_slice %dma_start3A_3177[%dma_start3A_3170, %dma_start3A_3178, %dma_start3A_3179] : memref<3x32x1024xf32, #tpu.memory_space<vmem_shared>> -> memref<1x32x1024xf32, #tpu.memory_space<vmem_shared>>
    %dma_start3A_3181 = tpu.memref_squeeze %dma_start3A_3180 : memref<1x32x1024xf32, #tpu.memory_space<vmem_shared>> -> memref<32x1024xf32, #tpu.memory_space<vmem_shared>>
    tpu.enqueue_dma source(%dma_start3A_3181 : memref<32x1024xf32, #tpu.memory_space<vmem_shared>>) target(%dma_start3A_3172 : memref<32x1024xf32, #tpu.memory_space<hbm>>) target_semaphore(%arg13 : memref<!tpu.dma_semaphore, #tpu.memory_space<semaphore_mem>>)
    %dma_wait3A_3182 = arith.constant 1 : i32
    %dma_wait3A_3183 = arith.constant 0 : i32
    %dma_wait3A_3184 = arith.constant 0 : i32
    %dma_wait3A_3185 = arith.constant 0 : i32
    %dma_wait3A_3186 = tpu.memref_slice %arg9[%arg1, %dma_wait3A_3183, %dma_wait3A_3184, %dma_wait3A_3185] : memref<16x3x32x1024xf32, #tpu.memory_space<vmem_shared>> -> memref<1x3x32x1024xf32, #tpu.memory_space<vmem_shared>>
    %dma_wait3A_3187 = tpu.memref_squeeze %dma_wait3A_3186 : memref<1x3x32x1024xf32, #tpu.memory_space<vmem_shared>> -> memref<3x32x1024xf32, #tpu.memory_space<vmem_shared>>
    %dma_wait3A_3188 = arith.constant 0 : i32
    %dma_wait3A_3189 = arith.constant 0 : i32
    %dma_wait3A_3190 = tpu.memref_slice %dma_wait3A_3187[%dma_wait3A_3182, %dma_wait3A_3188, %dma_wait3A_3189] : memref<3x32x1024xf32, #tpu.memory_space<vmem_shared>> -> memref<1x32x1024xf32, #tpu.memory_space<vmem_shared>>
    %dma_wait3A_3191 = tpu.memref_squeeze %dma_wait3A_3190 : memref<1x32x1024xf32, #tpu.memory_space<vmem_shared>> -> memref<32x1024xf32, #tpu.memory_space<vmem_shared>>
    %dma_wait3A_3192 = arith.constant 0 : i32
    %dma_wait3A_3193 = tpu.memref_slice %arg2[%add3A_3117, %dma_wait3A_3192] : memref<32768x1024xf32, #tpu.memory_space<hbm>> -> memref<32x1024xf32, #tpu.memory_space<hbm>>
    tpu.wait_dma2 semaphore(%arg11 : memref<!tpu.dma_semaphore, #tpu.memory_space<semaphore_mem>>) src(%dma_wait3A_3193 : memref<32x1024xf32, #tpu.memory_space<hbm>>) dst(%dma_wait3A_3191 : memref<32x1024xf32, #tpu.memory_space<vmem_shared>>)
    %add3A_3194 = arith.constant 992 : i32
    %add3A_3195 = arith.addi %mul3A_2, %add3A_3194 : i32
    %dma_start3A_3196 = arith.constant 1 : i32
    %dma_start3A_3197 = arith.constant 0 : i32
    %dma_start3A_3198 = tpu.memref_slice %arg5[%add3A_3195, %dma_start3A_3197] : memref<32768x1024xf32, #tpu.memory_space<hbm>> -> memref<32x1024xf32, #tpu.memory_space<hbm>>
    %dma_start3A_3199 = arith.constant 0 : i32
    %dma_start3A_3200 = arith.constant 0 : i32
    %dma_start3A_3201 = arith.constant 0 : i32
    %dma_start3A_3202 = tpu.memref_slice %arg9[%arg1, %dma_start3A_3199, %dma_start3A_3200, %dma_start3A_3201] : memref<16x3x32x1024xf32, #tpu.memory_space<vmem_shared>> -> memref<1x3x32x1024xf32, #tpu.memory_space<vmem_shared>>
    %dma_start3A_3203 = tpu.memref_squeeze %dma_start3A_3202 : memref<1x3x32x1024xf32, #tpu.memory_space<vmem_shared>> -> memref<3x32x1024xf32, #tpu.memory_space<vmem_shared>>
    %dma_start3A_3204 = arith.constant 0 : i32
    %dma_start3A_3205 = arith.constant 0 : i32
    %dma_start3A_3206 = tpu.memref_slice %dma_start3A_3203[%dma_start3A_3196, %dma_start3A_3204, %dma_start3A_3205] : memref<3x32x1024xf32, #tpu.memory_space<vmem_shared>> -> memref<1x32x1024xf32, #tpu.memory_space<vmem_shared>>
    %dma_start3A_3207 = tpu.memref_squeeze %dma_start3A_3206 : memref<1x32x1024xf32, #tpu.memory_space<vmem_shared>> -> memref<32x1024xf32, #tpu.memory_space<vmem_shared>>
    tpu.enqueue_dma source(%dma_start3A_3207 : memref<32x1024xf32, #tpu.memory_space<vmem_shared>>) target(%dma_start3A_3198 : memref<32x1024xf32, #tpu.memory_space<hbm>>) target_semaphore(%arg14 : memref<!tpu.dma_semaphore, #tpu.memory_space<semaphore_mem>>)
    %dma_wait3A_3208 = arith.constant 2 : i32
    %dma_wait3A_3209 = arith.constant 0 : i32
    %dma_wait3A_3210 = tpu.memref_slice %arg5[%add3A_3143, %dma_wait3A_3209] : memref<32768x1024xf32, #tpu.memory_space<hbm>> -> memref<32x1024xf32, #tpu.memory_space<hbm>>
    %dma_wait3A_3211 = arith.constant 0 : i32
    %dma_wait3A_3212 = arith.constant 0 : i32
    %dma_wait3A_3213 = arith.constant 0 : i32
    %dma_wait3A_3214 = tpu.memref_slice %arg9[%arg1, %dma_wait3A_3211, %dma_wait3A_3212, %dma_wait3A_3213] : memref<16x3x32x1024xf32, #tpu.memory_space<vmem_shared>> -> memref<1x3x32x1024xf32, #tpu.memory_space<vmem_shared>>
    %dma_wait3A_3215 = tpu.memref_squeeze %dma_wait3A_3214 : memref<1x3x32x1024xf32, #tpu.memory_space<vmem_shared>> -> memref<3x32x1024xf32, #tpu.memory_space<vmem_shared>>
    %dma_wait3A_3216 = arith.constant 0 : i32
    %dma_wait3A_3217 = arith.constant 0 : i32
    %dma_wait3A_3218 = tpu.memref_slice %dma_wait3A_3215[%dma_wait3A_3208, %dma_wait3A_3216, %dma_wait3A_3217] : memref<3x32x1024xf32, #tpu.memory_space<vmem_shared>> -> memref<1x32x1024xf32, #tpu.memory_space<vmem_shared>>
    %dma_wait3A_3219 = tpu.memref_squeeze %dma_wait3A_3218 : memref<1x32x1024xf32, #tpu.memory_space<vmem_shared>> -> memref<32x1024xf32, #tpu.memory_space<vmem_shared>>
    tpu.wait_dma2 semaphore(%arg15 : memref<!tpu.dma_semaphore, #tpu.memory_space<semaphore_mem>>) src(%dma_wait3A_3219 : memref<32x1024xf32, #tpu.memory_space<vmem_shared>>) dst(%dma_wait3A_3210 : memref<32x1024xf32, #tpu.memory_space<hbm>>)
    %dma_wait3A_3220 = arith.constant 0 : i32
    %dma_wait3A_3221 = arith.constant 0 : i32
    %dma_wait3A_3222 = tpu.memref_slice %arg5[%add3A_3169, %dma_wait3A_3221] : memref<32768x1024xf32, #tpu.memory_space<hbm>> -> memref<32x1024xf32, #tpu.memory_space<hbm>>
    %dma_wait3A_3223 = arith.constant 0 : i32
    %dma_wait3A_3224 = arith.constant 0 : i32
    %dma_wait3A_3225 = arith.constant 0 : i32
    %dma_wait3A_3226 = tpu.memref_slice %arg9[%arg1, %dma_wait3A_3223, %dma_wait3A_3224, %dma_wait3A_3225] : memref<16x3x32x1024xf32, #tpu.memory_space<vmem_shared>> -> memref<1x3x32x1024xf32, #tpu.memory_space<vmem_shared>>
    %dma_wait3A_3227 = tpu.memref_squeeze %dma_wait3A_3226 : memref<1x3x32x1024xf32, #tpu.memory_space<vmem_shared>> -> memref<3x32x1024xf32, #tpu.memory_space<vmem_shared>>
    %dma_wait3A_3228 = arith.constant 0 : i32
    %dma_wait3A_3229 = arith.constant 0 : i32
    %dma_wait3A_3230 = tpu.memref_slice %dma_wait3A_3227[%dma_wait3A_3220, %dma_wait3A_3228, %dma_wait3A_3229] : memref<3x32x1024xf32, #tpu.memory_space<vmem_shared>> -> memref<1x32x1024xf32, #tpu.memory_space<vmem_shared>>
    %dma_wait3A_3231 = tpu.memref_squeeze %dma_wait3A_3230 : memref<1x32x1024xf32, #tpu.memory_space<vmem_shared>> -> memref<32x1024xf32, #tpu.memory_space<vmem_shared>>
    tpu.wait_dma2 semaphore(%arg13 : memref<!tpu.dma_semaphore, #tpu.memory_space<semaphore_mem>>) src(%dma_wait3A_3231 : memref<32x1024xf32, #tpu.memory_space<vmem_shared>>) dst(%dma_wait3A_3222 : memref<32x1024xf32, #tpu.memory_space<hbm>>)
    %dma_wait3A_3232 = arith.constant 1 : i32
    %dma_wait3A_3233 = arith.constant 0 : i32
    %dma_wait3A_3234 = tpu.memref_slice %arg5[%add3A_3195, %dma_wait3A_3233] : memref<32768x1024xf32, #tpu.memory_space<hbm>> -> memref<32x1024xf32, #tpu.memory_space<hbm>>
    %dma_wait3A_3235 = arith.constant 0 : i32
    %dma_wait3A_3236 = arith.constant 0 : i32
    %dma_wait3A_3237 = arith.constant 0 : i32
    %dma_wait3A_3238 = tpu.memref_slice %arg9[%arg1, %dma_wait3A_3235, %dma_wait3A_3236, %dma_wait3A_3237] : memref<16x3x32x1024xf32, #tpu.memory_space<vmem_shared>> -> memref<1x3x32x1024xf32, #tpu.memory_space<vmem_shared>>
    %dma_wait3A_3239 = tpu.memref_squeeze %dma_wait3A_3238 : memref<1x3x32x1024xf32, #tpu.memory_space<vmem_shared>> -> memref<3x32x1024xf32, #tpu.memory_space<vmem_shared>>
    %dma_wait3A_3240 = arith.constant 0 : i32
    %dma_wait3A_3241 = arith.constant 0 : i32
    %dma_wait3A_3242 = tpu.memref_slice %dma_wait3A_3239[%dma_wait3A_3232, %dma_wait3A_3240, %dma_wait3A_3241] : memref<3x32x1024xf32, #tpu.memory_space<vmem_shared>> -> memref<1x32x1024xf32, #tpu.memory_space<vmem_shared>>
    %dma_wait3A_3243 = tpu.memref_squeeze %dma_wait3A_3242 : memref<1x32x1024xf32, #tpu.memory_space<vmem_shared>> -> memref<32x1024xf32, #tpu.memory_space<vmem_shared>>
    tpu.wait_dma2 semaphore(%arg14 : memref<!tpu.dma_semaphore, #tpu.memory_space<semaphore_mem>>) src(%dma_wait3A_3243 : memref<32x1024xf32, #tpu.memory_space<vmem_shared>>) dst(%dma_wait3A_3234 : memref<32x1024xf32, #tpu.memory_space<hbm>>)
    %dma_wait3A_3244 = arith.constant 0 : i32
    %dma_wait3A_3245 = arith.constant 0 : i32
    %dma_wait3A_3246 = tpu.memref_slice %arg7[%dma_wait3A_3244, %dma_wait3A_3245] : memref<16x1024xf32, #tpu.memory_space<vmem>> -> memref<1x1024xf32, #tpu.memory_space<vmem>>
    %dma_wait3A_3247 = tpu.memref_squeeze %dma_wait3A_3246 : memref<1x1024xf32, #tpu.memory_space<vmem>> -> memref<1024xf32, #tpu.memory_space<vmem>>
    %dma_wait3A_3248 = arith.constant 0 : i32
    %dma_wait3A_3249 = tpu.memref_slice %arg7[%dma_wait3A_3244, %dma_wait3A_3248] : memref<16x1024xf32, #tpu.memory_space<vmem>> -> memref<1x1024xf32, #tpu.memory_space<vmem>>
    %dma_wait3A_3250 = tpu.memref_squeeze %dma_wait3A_3249 : memref<1x1024xf32, #tpu.memory_space<vmem>> -> memref<1024xf32, #tpu.memory_space<vmem>>
    tpu.wait_dma2 semaphore(%arg16 : memref<!tpu.dma_semaphore, #tpu.memory_space<semaphore_mem>>) src(%arg4 : memref<1024xf32, #tpu.memory_space<hbm>>) dst(%dma_wait3A_3250 : memref<1024xf32, #tpu.memory_space<vmem>>)
    %dma_wait3A_3251 = arith.constant 1 : i32
    %dma_wait3A_3252 = arith.constant 0 : i32
    %dma_wait3A_3253 = tpu.memref_slice %arg7[%dma_wait3A_3251, %dma_wait3A_3252] : memref<16x1024xf32, #tpu.memory_space<vmem>> -> memref<1x1024xf32, #tpu.memory_space<vmem>>
    %dma_wait3A_3254 = tpu.memref_squeeze %dma_wait3A_3253 : memref<1x1024xf32, #tpu.memory_space<vmem>> -> memref<1024xf32, #tpu.memory_space<vmem>>
    %dma_wait3A_3255 = arith.constant 0 : i32
    %dma_wait3A_3256 = tpu.memref_slice %arg7[%dma_wait3A_3251, %dma_wait3A_3255] : memref<16x1024xf32, #tpu.memory_space<vmem>> -> memref<1x1024xf32, #tpu.memory_space<vmem>>
    %dma_wait3A_3257 = tpu.memref_squeeze %dma_wait3A_3256 : memref<1x1024xf32, #tpu.memory_space<vmem>> -> memref<1024xf32, #tpu.memory_space<vmem>>
    tpu.wait_dma2 semaphore(%arg16 : memref<!tpu.dma_semaphore, #tpu.memory_space<semaphore_mem>>) src(%arg4 : memref<1024xf32, #tpu.memory_space<hbm>>) dst(%dma_wait3A_3257 : memref<1024xf32, #tpu.memory_space<vmem>>)
    %dma_wait3A_3258 = arith.constant 2 : i32
    %dma_wait3A_3259 = arith.constant 0 : i32
    %dma_wait3A_3260 = tpu.memref_slice %arg7[%dma_wait3A_3258, %dma_wait3A_3259] : memref<16x1024xf32, #tpu.memory_space<vmem>> -> memref<1x1024xf32, #tpu.memory_space<vmem>>
    %dma_wait3A_3261 = tpu.memref_squeeze %dma_wait3A_3260 : memref<1x1024xf32, #tpu.memory_space<vmem>> -> memref<1024xf32, #tpu.memory_space<vmem>>
    %dma_wait3A_3262 = arith.constant 0 : i32
    %dma_wait3A_3263 = tpu.memref_slice %arg7[%dma_wait3A_3258, %dma_wait3A_3262] : memref<16x1024xf32, #tpu.memory_space<vmem>> -> memref<1x1024xf32, #tpu.memory_space<vmem>>
    %dma_wait3A_3264 = tpu.memref_squeeze %dma_wait3A_3263 : memref<1x1024xf32, #tpu.memory_space<vmem>> -> memref<1024xf32, #tpu.memory_space<vmem>>
    tpu.wait_dma2 semaphore(%arg16 : memref<!tpu.dma_semaphore, #tpu.memory_space<semaphore_mem>>) src(%arg4 : memref<1024xf32, #tpu.memory_space<hbm>>) dst(%dma_wait3A_3264 : memref<1024xf32, #tpu.memory_space<vmem>>)
    %dma_wait3A_3265 = arith.constant 3 : i32
    %dma_wait3A_3266 = arith.constant 0 : i32
    %dma_wait3A_3267 = tpu.memref_slice %arg7[%dma_wait3A_3265, %dma_wait3A_3266] : memref<16x1024xf32, #tpu.memory_space<vmem>> -> memref<1x1024xf32, #tpu.memory_space<vmem>>
    %dma_wait3A_3268 = tpu.memref_squeeze %dma_wait3A_3267 : memref<1x1024xf32, #tpu.memory_space<vmem>> -> memref<1024xf32, #tpu.memory_space<vmem>>
    %dma_wait3A_3269 = arith.constant 0 : i32
    %dma_wait3A_3270 = tpu.memref_slice %arg7[%dma_wait3A_3265, %dma_wait3A_3269] : memref<16x1024xf32, #tpu.memory_space<vmem>> -> memref<1x1024xf32, #tpu.memory_space<vmem>>
    %dma_wait3A_3271 = tpu.memref_squeeze %dma_wait3A_3270 : memref<1x1024xf32, #tpu.memory_space<vmem>> -> memref<1024xf32, #tpu.memory_space<vmem>>
    tpu.wait_dma2 semaphore(%arg16 : memref<!tpu.dma_semaphore, #tpu.memory_space<semaphore_mem>>) src(%arg4 : memref<1024xf32, #tpu.memory_space<hbm>>) dst(%dma_wait3A_3271 : memref<1024xf32, #tpu.memory_space<vmem>>)
    %dma_wait3A_3272 = arith.constant 4 : i32
    %dma_wait3A_3273 = arith.constant 0 : i32
    %dma_wait3A_3274 = tpu.memref_slice %arg7[%dma_wait3A_3272, %dma_wait3A_3273] : memref<16x1024xf32, #tpu.memory_space<vmem>> -> memref<1x1024xf32, #tpu.memory_space<vmem>>
    %dma_wait3A_3275 = tpu.memref_squeeze %dma_wait3A_3274 : memref<1x1024xf32, #tpu.memory_space<vmem>> -> memref<1024xf32, #tpu.memory_space<vmem>>
    %dma_wait3A_3276 = arith.constant 0 : i32
    %dma_wait3A_3277 = tpu.memref_slice %arg7[%dma_wait3A_3272, %dma_wait3A_3276] : memref<16x1024xf32, #tpu.memory_space<vmem>> -> memref<1x1024xf32, #tpu.memory_space<vmem>>
    %dma_wait3A_3278 = tpu.memref_squeeze %dma_wait3A_3277 : memref<1x1024xf32, #tpu.memory_space<vmem>> -> memref<1024xf32, #tpu.memory_space<vmem>>
    tpu.wait_dma2 semaphore(%arg16 : memref<!tpu.dma_semaphore, #tpu.memory_space<semaphore_mem>>) src(%arg4 : memref<1024xf32, #tpu.memory_space<hbm>>) dst(%dma_wait3A_3278 : memref<1024xf32, #tpu.memory_space<vmem>>)
    %dma_wait3A_3279 = arith.constant 5 : i32
    %dma_wait3A_3280 = arith.constant 0 : i32
    %dma_wait3A_3281 = tpu.memref_slice %arg7[%dma_wait3A_3279, %dma_wait3A_3280] : memref<16x1024xf32, #tpu.memory_space<vmem>> -> memref<1x1024xf32, #tpu.memory_space<vmem>>
    %dma_wait3A_3282 = tpu.memref_squeeze %dma_wait3A_3281 : memref<1x1024xf32, #tpu.memory_space<vmem>> -> memref<1024xf32, #tpu.memory_space<vmem>>
    %dma_wait3A_3283 = arith.constant 0 : i32
    %dma_wait3A_3284 = tpu.memref_slice %arg7[%dma_wait3A_3279, %dma_wait3A_3283] : memref<16x1024xf32, #tpu.memory_space<vmem>> -> memref<1x1024xf32, #tpu.memory_space<vmem>>
    %dma_wait3A_3285 = tpu.memref_squeeze %dma_wait3A_3284 : memref<1x1024xf32, #tpu.memory_space<vmem>> -> memref<1024xf32, #tpu.memory_space<vmem>>
    tpu.wait_dma2 semaphore(%arg16 : memref<!tpu.dma_semaphore, #tpu.memory_space<semaphore_mem>>) src(%arg4 : memref<1024xf32, #tpu.memory_space<hbm>>) dst(%dma_wait3A_3285 : memref<1024xf32, #tpu.memory_space<vmem>>)
    %dma_wait3A_3286 = arith.constant 6 : i32
    %dma_wait3A_3287 = arith.constant 0 : i32
    %dma_wait3A_3288 = tpu.memref_slice %arg7[%dma_wait3A_3286, %dma_wait3A_3287] : memref<16x1024xf32, #tpu.memory_space<vmem>> -> memref<1x1024xf32, #tpu.memory_space<vmem>>
    %dma_wait3A_3289 = tpu.memref_squeeze %dma_wait3A_3288 : memref<1x1024xf32, #tpu.memory_space<vmem>> -> memref<1024xf32, #tpu.memory_space<vmem>>
    %dma_wait3A_3290 = arith.constant 0 : i32
    %dma_wait3A_3291 = tpu.memref_slice %arg7[%dma_wait3A_3286, %dma_wait3A_3290] : memref<16x1024xf32, #tpu.memory_space<vmem>> -> memref<1x1024xf32, #tpu.memory_space<vmem>>
    %dma_wait3A_3292 = tpu.memref_squeeze %dma_wait3A_3291 : memref<1x1024xf32, #tpu.memory_space<vmem>> -> memref<1024xf32, #tpu.memory_space<vmem>>
    tpu.wait_dma2 semaphore(%arg16 : memref<!tpu.dma_semaphore, #tpu.memory_space<semaphore_mem>>) src(%arg4 : memref<1024xf32, #tpu.memory_space<hbm>>) dst(%dma_wait3A_3292 : memref<1024xf32, #tpu.memory_space<vmem>>)
    %dma_wait3A_3293 = arith.constant 7 : i32
    %dma_wait3A_3294 = arith.constant 0 : i32
    %dma_wait3A_3295 = tpu.memref_slice %arg7[%dma_wait3A_3293, %dma_wait3A_3294] : memref<16x1024xf32, #tpu.memory_space<vmem>> -> memref<1x1024xf32, #tpu.memory_space<vmem>>
    %dma_wait3A_3296 = tpu.memref_squeeze %dma_wait3A_3295 : memref<1x1024xf32, #tpu.memory_space<vmem>> -> memref<1024xf32, #tpu.memory_space<vmem>>
    %dma_wait3A_3297 = arith.constant 0 : i32
    %dma_wait3A_3298 = tpu.memref_slice %arg7[%dma_wait3A_3293, %dma_wait3A_3297] : memref<16x1024xf32, #tpu.memory_space<vmem>> -> memref<1x1024xf32, #tpu.memory_space<vmem>>
    %dma_wait3A_3299 = tpu.memref_squeeze %dma_wait3A_3298 : memref<1x1024xf32, #tpu.memory_space<vmem>> -> memref<1024xf32, #tpu.memory_space<vmem>>
    tpu.wait_dma2 semaphore(%arg16 : memref<!tpu.dma_semaphore, #tpu.memory_space<semaphore_mem>>) src(%arg4 : memref<1024xf32, #tpu.memory_space<hbm>>) dst(%dma_wait3A_3299 : memref<1024xf32, #tpu.memory_space<vmem>>)
    %dma_wait3A_3300 = arith.constant 8 : i32
    %dma_wait3A_3301 = arith.constant 0 : i32
    %dma_wait3A_3302 = tpu.memref_slice %arg7[%dma_wait3A_3300, %dma_wait3A_3301] : memref<16x1024xf32, #tpu.memory_space<vmem>> -> memref<1x1024xf32, #tpu.memory_space<vmem>>
    %dma_wait3A_3303 = tpu.memref_squeeze %dma_wait3A_3302 : memref<1x1024xf32, #tpu.memory_space<vmem>> -> memref<1024xf32, #tpu.memory_space<vmem>>
    %dma_wait3A_3304 = arith.constant 0 : i32
    %dma_wait3A_3305 = tpu.memref_slice %arg7[%dma_wait3A_3300, %dma_wait3A_3304] : memref<16x1024xf32, #tpu.memory_space<vmem>> -> memref<1x1024xf32, #tpu.memory_space<vmem>>
    %dma_wait3A_3306 = tpu.memref_squeeze %dma_wait3A_3305 : memref<1x1024xf32, #tpu.memory_space<vmem>> -> memref<1024xf32, #tpu.memory_space<vmem>>
    tpu.wait_dma2 semaphore(%arg16 : memref<!tpu.dma_semaphore, #tpu.memory_space<semaphore_mem>>) src(%arg4 : memref<1024xf32, #tpu.memory_space<hbm>>) dst(%dma_wait3A_3306 : memref<1024xf32, #tpu.memory_space<vmem>>)
    %dma_wait3A_3307 = arith.constant 9 : i32
    %dma_wait3A_3308 = arith.constant 0 : i32
    %dma_wait3A_3309 = tpu.memref_slice %arg7[%dma_wait3A_3307, %dma_wait3A_3308] : memref<16x1024xf32, #tpu.memory_space<vmem>> -> memref<1x1024xf32, #tpu.memory_space<vmem>>
    %dma_wait3A_3310 = tpu.memref_squeeze %dma_wait3A_3309 : memref<1x1024xf32, #tpu.memory_space<vmem>> -> memref<1024xf32, #tpu.memory_space<vmem>>
    %dma_wait3A_3311 = arith.constant 0 : i32
    %dma_wait3A_3312 = tpu.memref_slice %arg7[%dma_wait3A_3307, %dma_wait3A_3311] : memref<16x1024xf32, #tpu.memory_space<vmem>> -> memref<1x1024xf32, #tpu.memory_space<vmem>>
    %dma_wait3A_3313 = tpu.memref_squeeze %dma_wait3A_3312 : memref<1x1024xf32, #tpu.memory_space<vmem>> -> memref<1024xf32, #tpu.memory_space<vmem>>
    tpu.wait_dma2 semaphore(%arg16 : memref<!tpu.dma_semaphore, #tpu.memory_space<semaphore_mem>>) src(%arg4 : memref<1024xf32, #tpu.memory_space<hbm>>) dst(%dma_wait3A_3313 : memref<1024xf32, #tpu.memory_space<vmem>>)
    %dma_wait3A_3314 = arith.constant 10 : i32
    %dma_wait3A_3315 = arith.constant 0 : i32
    %dma_wait3A_3316 = tpu.memref_slice %arg7[%dma_wait3A_3314, %dma_wait3A_3315] : memref<16x1024xf32, #tpu.memory_space<vmem>> -> memref<1x1024xf32, #tpu.memory_space<vmem>>
    %dma_wait3A_3317 = tpu.memref_squeeze %dma_wait3A_3316 : memref<1x1024xf32, #tpu.memory_space<vmem>> -> memref<1024xf32, #tpu.memory_space<vmem>>
    %dma_wait3A_3318 = arith.constant 0 : i32
    %dma_wait3A_3319 = tpu.memref_slice %arg7[%dma_wait3A_3314, %dma_wait3A_3318] : memref<16x1024xf32, #tpu.memory_space<vmem>> -> memref<1x1024xf32, #tpu.memory_space<vmem>>
    %dma_wait3A_3320 = tpu.memref_squeeze %dma_wait3A_3319 : memref<1x1024xf32, #tpu.memory_space<vmem>> -> memref<1024xf32, #tpu.memory_space<vmem>>
    tpu.wait_dma2 semaphore(%arg16 : memref<!tpu.dma_semaphore, #tpu.memory_space<semaphore_mem>>) src(%arg4 : memref<1024xf32, #tpu.memory_space<hbm>>) dst(%dma_wait3A_3320 : memref<1024xf32, #tpu.memory_space<vmem>>)
    %dma_wait3A_3321 = arith.constant 11 : i32
    %dma_wait3A_3322 = arith.constant 0 : i32
    %dma_wait3A_3323 = tpu.memref_slice %arg7[%dma_wait3A_3321, %dma_wait3A_3322] : memref<16x1024xf32, #tpu.memory_space<vmem>> -> memref<1x1024xf32, #tpu.memory_space<vmem>>
    %dma_wait3A_3324 = tpu.memref_squeeze %dma_wait3A_3323 : memref<1x1024xf32, #tpu.memory_space<vmem>> -> memref<1024xf32, #tpu.memory_space<vmem>>
    %dma_wait3A_3325 = arith.constant 0 : i32
    %dma_wait3A_3326 = tpu.memref_slice %arg7[%dma_wait3A_3321, %dma_wait3A_3325] : memref<16x1024xf32, #tpu.memory_space<vmem>> -> memref<1x1024xf32, #tpu.memory_space<vmem>>
    %dma_wait3A_3327 = tpu.memref_squeeze %dma_wait3A_3326 : memref<1x1024xf32, #tpu.memory_space<vmem>> -> memref<1024xf32, #tpu.memory_space<vmem>>
    tpu.wait_dma2 semaphore(%arg16 : memref<!tpu.dma_semaphore, #tpu.memory_space<semaphore_mem>>) src(%arg4 : memref<1024xf32, #tpu.memory_space<hbm>>) dst(%dma_wait3A_3327 : memref<1024xf32, #tpu.memory_space<vmem>>)
    %dma_wait3A_3328 = arith.constant 12 : i32
    %dma_wait3A_3329 = arith.constant 0 : i32
    %dma_wait3A_3330 = tpu.memref_slice %arg7[%dma_wait3A_3328, %dma_wait3A_3329] : memref<16x1024xf32, #tpu.memory_space<vmem>> -> memref<1x1024xf32, #tpu.memory_space<vmem>>
    %dma_wait3A_3331 = tpu.memref_squeeze %dma_wait3A_3330 : memref<1x1024xf32, #tpu.memory_space<vmem>> -> memref<1024xf32, #tpu.memory_space<vmem>>
    %dma_wait3A_3332 = arith.constant 0 : i32
    %dma_wait3A_3333 = tpu.memref_slice %arg7[%dma_wait3A_3328, %dma_wait3A_3332] : memref<16x1024xf32, #tpu.memory_space<vmem>> -> memref<1x1024xf32, #tpu.memory_space<vmem>>
    %dma_wait3A_3334 = tpu.memref_squeeze %dma_wait3A_3333 : memref<1x1024xf32, #tpu.memory_space<vmem>> -> memref<1024xf32, #tpu.memory_space<vmem>>
    tpu.wait_dma2 semaphore(%arg16 : memref<!tpu.dma_semaphore, #tpu.memory_space<semaphore_mem>>) src(%arg4 : memref<1024xf32, #tpu.memory_space<hbm>>) dst(%dma_wait3A_3334 : memref<1024xf32, #tpu.memory_space<vmem>>)
    %dma_wait3A_3335 = arith.constant 13 : i32
    %dma_wait3A_3336 = arith.constant 0 : i32
    %dma_wait3A_3337 = tpu.memref_slice %arg7[%dma_wait3A_3335, %dma_wait3A_3336] : memref<16x1024xf32, #tpu.memory_space<vmem>> -> memref<1x1024xf32, #tpu.memory_space<vmem>>
    %dma_wait3A_3338 = tpu.memref_squeeze %dma_wait3A_3337 : memref<1x1024xf32, #tpu.memory_space<vmem>> -> memref<1024xf32, #tpu.memory_space<vmem>>
    %dma_wait3A_3339 = arith.constant 0 : i32
    %dma_wait3A_3340 = tpu.memref_slice %arg7[%dma_wait3A_3335, %dma_wait3A_3339] : memref<16x1024xf32, #tpu.memory_space<vmem>> -> memref<1x1024xf32, #tpu.memory_space<vmem>>
    %dma_wait3A_3341 = tpu.memref_squeeze %dma_wait3A_3340 : memref<1x1024xf32, #tpu.memory_space<vmem>> -> memref<1024xf32, #tpu.memory_space<vmem>>
    tpu.wait_dma2 semaphore(%arg16 : memref<!tpu.dma_semaphore, #tpu.memory_space<semaphore_mem>>) src(%arg4 : memref<1024xf32, #tpu.memory_space<hbm>>) dst(%dma_wait3A_3341 : memref<1024xf32, #tpu.memory_space<vmem>>)
    %dma_wait3A_3342 = arith.constant 14 : i32
    %dma_wait3A_3343 = arith.constant 0 : i32
    %dma_wait3A_3344 = tpu.memref_slice %arg7[%dma_wait3A_3342, %dma_wait3A_3343] : memref<16x1024xf32, #tpu.memory_space<vmem>> -> memref<1x1024xf32, #tpu.memory_space<vmem>>
    %dma_wait3A_3345 = tpu.memref_squeeze %dma_wait3A_3344 : memref<1x1024xf32, #tpu.memory_space<vmem>> -> memref<1024xf32, #tpu.memory_space<vmem>>
    %dma_wait3A_3346 = arith.constant 0 : i32
    %dma_wait3A_3347 = tpu.memref_slice %arg7[%dma_wait3A_3342, %dma_wait3A_3346] : memref<16x1024xf32, #tpu.memory_space<vmem>> -> memref<1x1024xf32, #tpu.memory_space<vmem>>
    %dma_wait3A_3348 = tpu.memref_squeeze %dma_wait3A_3347 : memref<1x1024xf32, #tpu.memory_space<vmem>> -> memref<1024xf32, #tpu.memory_space<vmem>>
    tpu.wait_dma2 semaphore(%arg16 : memref<!tpu.dma_semaphore, #tpu.memory_space<semaphore_mem>>) src(%arg4 : memref<1024xf32, #tpu.memory_space<hbm>>) dst(%dma_wait3A_3348 : memref<1024xf32, #tpu.memory_space<vmem>>)
    %dma_wait3A_3349 = arith.constant 15 : i32
    %dma_wait3A_3350 = arith.constant 0 : i32
    %dma_wait3A_3351 = tpu.memref_slice %arg7[%dma_wait3A_3349, %dma_wait3A_3350] : memref<16x1024xf32, #tpu.memory_space<vmem>> -> memref<1x1024xf32, #tpu.memory_space<vmem>>
    %dma_wait3A_3352 = tpu.memref_squeeze %dma_wait3A_3351 : memref<1x1024xf32, #tpu.memory_space<vmem>> -> memref<1024xf32, #tpu.memory_space<vmem>>
    %dma_wait3A_3353 = arith.constant 0 : i32
    %dma_wait3A_3354 = tpu.memref_slice %arg7[%dma_wait3A_3349, %dma_wait3A_3353] : memref<16x1024xf32, #tpu.memory_space<vmem>> -> memref<1x1024xf32, #tpu.memory_space<vmem>>
    %dma_wait3A_3355 = tpu.memref_squeeze %dma_wait3A_3354 : memref<1x1024xf32, #tpu.memory_space<vmem>> -> memref<1024xf32, #tpu.memory_space<vmem>>
    tpu.wait_dma2 semaphore(%arg16 : memref<!tpu.dma_semaphore, #tpu.memory_space<semaphore_mem>>) src(%arg4 : memref<1024xf32, #tpu.memory_space<hbm>>) dst(%dma_wait3A_3355 : memref<1024xf32, #tpu.memory_space<vmem>>)
    %gt3A = arith.constant 0 : i32
    %gt3A_3356 = arith.cmpi sgt, %add3A_1580, %gt3A : i32
    %convert_element_type3A_3357 = arith.extui %gt3A_3356 : i1 to i32
    %cond3A = arith.constant 0 : i32
    %cond3A_3358 = arith.cmpi ne, %convert_element_type3A_3357, %cond3A : i32
    scf.if %cond3A_3358 {
      %get3A_3359 = arith.constant 0 : index
      %get3A_3360 = tpu.vector_load %arg8[%get3A_3359] {strides = array<i32>} : memref<1040xi32, #tpu.memory_space<vmem>>, vector<16xi32>,
      %slice3A = vector.extract_strided_slice %get3A_3360 {offsets = [0], sizes = [1], strides = [1]} : vector<16xi32> to vector<1xi32>
      %squeeze3A = vector.extract %slice3A[0] : i32 from vector<1xi32>
      %add3A_3361 = arith.constant 16 : i32
      %add3A_3362 = arith.addi %add3A_1580, %add3A_3361 : i32
      %sub3A_3363 = arith.constant 1 : i32
      %sub3A_3364 = arith.subi %add3A_3362, %sub3A_3363 : i32
      %jit3A = arith.constant 16 : i32
      %div3A = arith.divsi %sub3A_3364, %jit3A : i32
      %sign3A = arith.constant 0 : i32
      %sign3A_3365 = arith.cmpi sgt, %sub3A_3364, %sign3A : i32
      %sign3A_3366 = arith.extui %sign3A_3365 : i1 to i32
      %sign3A_3367 = arith.constant 0 : i32
      %sign3A_3368 = arith.cmpi slt, %sub3A_3364, %sign3A_3367 : i32
      %sign3A_3369 = arith.extui %sign3A_3368 : i1 to i32
      %sign3A_3370 = arith.subi %sign3A_3366, %sign3A_3369 : i32
      %sign3A_3371 = arith.constant 0 : i32
      %sign3A_3372 = arith.cmpi sgt, %jit3A, %sign3A_3371 : i32
      %sign3A_3373 = arith.extui %sign3A_3372 : i1 to i32
      %sign3A_3374 = arith.constant 0 : i32
      %sign3A_3375 = arith.cmpi slt, %jit3A, %sign3A_3374 : i32
      %sign3A_3376 = arith.extui %sign3A_3375 : i1 to i32
      %sign3A_3377 = arith.subi %sign3A_3373, %sign3A_3376 : i32
      %ne3A = arith.cmpi ne, %sign3A_3370, %sign3A_3377 : i32
      %rem3A = arith.remsi %sub3A_3364, %jit3A : i32
      %ne3A_3378 = arith.constant 0 : i32
      %ne3A_3379 = arith.cmpi ne, %rem3A, %ne3A_3378 : i32
      %and3A = arith.andi %ne3A, %ne3A_3379 : i1
      %sub3A_3380 = arith.constant 1 : i32
      %sub3A_3381 = arith.subi %div3A, %sub3A_3380 : i32
      %select_n3A = arith.select %and3A, %sub3A_3381, %div3A : i32
      %while3A = arith.constant 0 : i32
      %while3A_3382 = arith.constant 0 : i32
      %while3A_3383 = arith.subi %select_n3A, %while3A_3382 : i32
      %while3A_3384 = arith.addi %while3A_3382, %while3A_3383 : i32
      %while3A_3385 = arith.constant 1 : i32
      %while3A_3386 = arith.divsi %while3A_3383, %while3A_3385 : i32
      %while3A_3387 = arith.muli %while3A_3386, %while3A_3385 : i32
      %while3A_3388 = arith.addi %while3A_3382, %while3A_3387 : i32
      %while3A_3389 = arith.constant 1 : i32
      scf.for %while3A_3391 = %while3A_3382 to %while3A_3388 step %while3A_3389  : i32 {
        %mul3A_3392 = arith.constant 16 : i32
        %mul3A_3393 = arith.muli %while3A_3391, %mul3A_3392 : i32
        %get3A_3394 = arith.index_cast %mul3A_3393 : i32 to index
        %get3A_3395 = tpu.vector_load %arg8[%get3A_3394] {strides = array<i32>} : memref<1040xi32, #tpu.memory_space<vmem>>, vector<16xi32>,
        %mul3A_3396 = arith.constant 16 : i32
        %mul3A_3397 = arith.muli %while3A_3391, %mul3A_3396 : i32
        %add3A_3398 = vector.broadcast %mul3A_3397 : i32 to vector<16xi32>
        %add3A_3399 = arith.addi %add3A_3398, %iota3A : vector<16xi32>
        %lt3A_3400 = vector.broadcast %add3A_1580 : i32 to vector<16xi32>
        %lt3A_3401 = arith.cmpi slt, %add3A_3399, %lt3A_3400 : vector<16xi32>
        %broadcast_in_dim3A_3402 = vector.broadcast %squeeze3A : i32 to vector<16xi32>
        %select_n3A_3403 = arith.select %lt3A_3401, %get3A_3395, %broadcast_in_dim3A_3402 : vector<16xi1>, vector<16xi32>
        "tpu.region"() ({
          %run_scoped3A = tpu.sem_alloc : memref<!tpu.dma_semaphore, #tpu.memory_space<semaphore_mem>>
          %dma_start3A_3404 = arith.constant 0 : i32
          %dma_start3A_3405 = arith.constant 0 : i32
          %dma_start3A_3406 = tpu.memref_slice %arg5[%dma_start3A_3404, %dma_start3A_3405] : memref<32768x1024xf32, #tpu.memory_space<hbm>> -> memref<32768x1024xf32, #tpu.memory_space<hbm>>
          tpu.enqueue_indirect_dma source(%arg7 : memref<16x1024xf32, #tpu.memory_space<vmem>>) target(%dma_start3A_3406 : memref<32768x1024xf32, #tpu.memory_space<hbm>>) offsets(%select_n3A_3403 : vector<16xi32>) semaphore(%run_scoped3A : memref<!tpu.dma_semaphore, #tpu.memory_space<semaphore_mem>>)
          %dma_wait3A_3407 = arith.constant 0 : i32
          %dma_wait3A_3408 = arith.constant 0 : i32
          %dma_wait3A_3409 = tpu.memref_slice %arg5[%dma_wait3A_3407, %dma_wait3A_3408] : memref<32768x1024xf32, #tpu.memory_space<hbm>> -> memref<32768x1024xf32, #tpu.memory_space<hbm>>
          tpu.wait_indirect_dma semaphore(%run_scoped3A : memref<!tpu.dma_semaphore, #tpu.memory_space<semaphore_mem>>) src(%arg7 : memref<16x1024xf32, #tpu.memory_space<vmem>>) dst(%dma_wait3A_3409 : memref<32768x1024xf32, #tpu.memory_space<hbm>>)
          tpu.yield
        }) : () -> ()
      }
      %while3A_3390 = arith.constant 1 : i32
      scf.for %while3A_3391 = %while3A_3388 to %while3A_3384 step %while3A_3390  : i32 {
        %mul3A_3392 = arith.constant 16 : i32
        %mul3A_3393 = arith.muli %while3A_3391, %mul3A_3392 : i32
        %get3A_3394 = arith.index_cast %mul3A_3393 : i32 to index
        %get3A_3395 = tpu.vector_load %arg8[%get3A_3394] {strides = array<i32>} : memref<1040xi32, #tpu.memory_space<vmem>>, vector<16xi32>,
        %mul3A_3396 = arith.constant 16 : i32
        %mul3A_3397 = arith.muli %while3A_3391, %mul3A_3396 : i32
        %add3A_3398 = vector.broadcast %mul3A_3397 : i32 to vector<16xi32>
        %add3A_3399 = arith.addi %add3A_3398, %iota3A : vector<16xi32>
        %lt3A_3400 = vector.broadcast %add3A_1580 : i32 to vector<16xi32>
        %lt3A_3401 = arith.cmpi slt, %add3A_3399, %lt3A_3400 : vector<16xi32>
        %broadcast_in_dim3A_3402 = vector.broadcast %squeeze3A : i32 to vector<16xi32>
        %select_n3A_3403 = arith.select %lt3A_3401, %get3A_3395, %broadcast_in_dim3A_3402 : vector<16xi1>, vector<16xi32>
        "tpu.region"() ({
          %run_scoped3A = tpu.sem_alloc : memref<!tpu.dma_semaphore, #tpu.memory_space<semaphore_mem>>
          %dma_start3A_3404 = arith.constant 0 : i32
          %dma_start3A_3405 = arith.constant 0 : i32
          %dma_start3A_3406 = tpu.memref_slice %arg5[%dma_start3A_3404, %dma_start3A_3405] : memref<32768x1024xf32, #tpu.memory_space<hbm>> -> memref<32768x1024xf32, #tpu.memory_space<hbm>>
          tpu.enqueue_indirect_dma source(%arg7 : memref<16x1024xf32, #tpu.memory_space<vmem>>) target(%dma_start3A_3406 : memref<32768x1024xf32, #tpu.memory_space<hbm>>) offsets(%select_n3A_3403 : vector<16xi32>) semaphore(%run_scoped3A : memref<!tpu.dma_semaphore, #tpu.memory_space<semaphore_mem>>)
          %dma_wait3A_3407 = arith.constant 0 : i32
          %dma_wait3A_3408 = arith.constant 0 : i32
          %dma_wait3A_3409 = tpu.memref_slice %arg5[%dma_wait3A_3407, %dma_wait3A_3408] : memref<32768x1024xf32, #tpu.memory_space<hbm>> -> memref<32768x1024xf32, #tpu.memory_space<hbm>>
          tpu.wait_indirect_dma semaphore(%run_scoped3A : memref<!tpu.dma_semaphore, #tpu.memory_space<semaphore_mem>>) src(%arg7 : memref<16x1024xf32, #tpu.memory_space<vmem>>) dst(%dma_wait3A_3409 : memref<32768x1024xf32, #tpu.memory_space<hbm>>)
          tpu.yield
        }) : () -> ()
      }
    } else {
    }
    return
  }
}

</mosaic_0001>

<sc_bundles>
// kernel: kernel.3.cloned.1.call-start
scs
__scs_entry_jumppad:
0x0: {  	(pc) =	sbr.rel $0x88, $3  }
0x1: {  	(tag) =	ssettag $0x0;
	lr =	simm.s32 $0x1  }
0x2: {  	[smem:$0x3F9E] =	sst lr;
	_ =	strace $0xD0000000  }
0x3: {  	_ = 	snop  }
0x4: {  	_ = 	snop  }
0x5: {  	_ = 	snop  }
0x6: {  	_ = 	snop  }
0x7: {  	_ = 	snop  }
__scs_overlays_trampoline_lowered:
0x8: {  	[smem:$0x3FAD] =	sst s0  }
0x9: {  	[smem:$0x3FAE] =	sst s1  }
0xa: {  	[smem:$0x3FAF] =	sst s2  }
0xb: {  	[smem:$0x3FB0] =	sst s3  }
0xc: {  	[smem:$0x3FB1] =	sst s4  }
0xd: {  	[smem:$0x3FB2] =	sst s5  }
0xe: {  	[smem:$0x3FB3] =	sst s6  }
0xf: {  	[smem:$0x3FB4] =	sst s7  }
0x10: {  	[smem:$0x3FB5] =	sst s8  }
0x11: {  	[smem:$0x3FB6] =	sst s9;
	s0 =	simm.s32 @!p0 $0x0  }
0x12: {  	s1 =	sld [smem:$0x3F9C];
	s0 =	simm.s32 @p0 $0x1  }
0x13: {  	[smem:$0x3FB7] =	sst s0;
	s0 =	simm.s32 @!p1 $0x0  }
0x14: {  	s2 =	sld [smem:$0x3F9B];
	s0 =	simm.s32 @p1 $0x1  }
0x15: {  	[smem:$0x3FB8] =	sst s0;
	s0 =	simm.s32 @!p2 $0x0  }
0x16: {  	s3 =	sld [smem:$0x3FDB];
	s0 =	simm.s32 @p2 $0x1  }
0x17: {  	s4 =	simm.s32 $0x1BF5;
	[smem:$0x3FBA] =	sst s0  }
0x18: {  	s0 =	sld [smem:$0x3F9D];
	_ =	swait.ge [sflag:s4], $0x0  }
0x19: {  	s7 =	sld [smem:$0x3F9E]  }
0x1a: {  	s8 =	sadd.s32 $0xFFFFE003, lr  }
0x1b: {  	s9 =	sadd.s32 $0xFFFFFEF7, lr;
	s5 =	simm.s32 $0xFFFFFFFF;
	p2 =	slt.u32 s8, $0xFFFFF086  }
0x1c: {  	p1 =	slt.u32 s9, $0xF7A;
	s5 =	simm.s32 @!p2 $0x0  }
0x1d: {  	s5 =	simm.s32 @p1 $0x1;
	p0 =	seq.s32 s7, s2  }
0x1e: {  	s7 =	smul.u32 @!p0 $0xF7A, s2;
	p2 =	seq.s32 @!p0 s5, $0x0  }
0x1f: {  	s9 =	smul.u32 $0xF7A, s1;
	s8 =	simm.s32 @!p0 $0x1BF5;
	p2 =	por !p2, p0  }
0x20: {  	[sflag:s8] =	ssyncset.s32 @!p0 $0xFFFFF086;
	s6 =	sadd.s32 @!p0 s3, s7;
	s7 =	simm.s32 @!p0 $0x108  }
0x21: {  	s3 =	sadd.s32 s3, s9;
	s6 =	sadd.s32 @!p0 $0x88, s6;
	s7 =	simm.s32 @p2 $0x1082  }
0x22: {  	[simem:s7], [sflag:s8] =	dma.local @!p0 [hbm:s6], $0xF7A  }
0x23: {  	s9 =	sor.u32 $0xD0000000, s2;
	s6 =	simm.s32 $0x108;
	_ =	swait.ge @!p0 [sflag:s8], $0x0  }
0x24: {  	s3 =	sadd.s32 $0x88, s3;
	s6 =	simm.s32 @!p1 $0x1082;
	[sflag:s4] =	ssyncset.s32 $0xFFFFF086  }
0x25: {  	[simem:s6], [sflag:s4] =	dma.local [hbm:s3], $0xF7A  }
0x26: {  	[smem:$0x3F9E] =	sst s1;
	(tag) =	ssettag s2;
	_ =	strace s9  }
0x27: {  	s1 =	sld [smem:$0x3FAE]  }
0x28: {  	s2 =	sld [smem:$0x3FAF]  }
0x29: {  	s4 =	sld [smem:$0x3FB1]  }
0x2a: {  	p0 =	seq.s32 s5, $0x0;
	s5 =	sld [smem:$0x3FB2]  }
0x2b: {  	s6 =	sld [smem:$0x3FB3]  }
0x2c: {  	s7 =	sld [smem:$0x3FB4]  }
0x2d: {  	s3 =	simm.s32 $0x108;
	s8 =	sld [smem:$0x3FB5]  }
0x2e: {  	s3 =	simm.s32 @!p0 $0x1082;
	s9 =	sld [smem:$0x3FB6]  }
0x2f: {  	lr =	sadd.s32 s0, s3;
	s0 =	sld [smem:$0x3FAD]  }
0x30: {  	s3 =	sld [smem:$0x3FB0]  }
0x31: {  	[smem:$0x3FB9] =	sst s10  }
0x32: {  	s10 =	sld [smem:$0x3FB7];
	_ =	sdelay $0x3  }
0x33: {  	p0 =	seq.s32 s10, $0x1;
	s10 =	sld [smem:$0x3FB9];
	_ =	sdelay $0x3  }
0x34: {  	[smem:$0x3FB9] =	sst s10  }
0x35: {  	s10 =	sld [smem:$0x3FB8];
	_ =	sdelay $0x3  }
0x36: {  	p1 =	seq.s32 s10, $0x1;
	s10 =	sld [smem:$0x3FB9];
	_ =	sdelay $0x3  }
0x37: {  	[smem:$0x3FB9] =	sst s10  }
0x38: {  	s10 =	sld [smem:$0x3FBA]  }
0x39: {  	_ = 	snop;
	(pc) =	sbr.ind lr, $3  }
0x3a: {  	_ = 	snop  }
0x3b: {  	_ = 	snop  }
0x3c: {  	p2 =	seq.s32 s10, $0x1;
	s10 =	sld [smem:$0x3FB9]  }
0x3d: {  	_ =	shalt  }
0x3e: {  	_ =	shalt  }
0x3f: {  	_ =	shalt  }
0x40: {  	_ =	shalt  }
0x41: {  	_ =	shalt  }
0x42: {  	_ =	shalt  }
0x43: {  	_ =	shalt  }
0x44: {  	_ =	shalt  }
0x45: {  	_ =	shalt  }
0x46: {  	_ =	shalt  }
0x47: {  	_ =	shalt  }
0x48: {  	_ =	shalt  }
0x49: {  	_ =	shalt  }
0x4a: {  	_ =	shalt  }
0x4b: {  	_ =	shalt  }
0x4c: {  	_ =	shalt  }
0x4d: {  	_ =	shalt  }
0x4e: {  	_ =	shalt  }
0x4f: {  	_ =	shalt  }
0x50: {  	_ =	shalt  }
0x51: {  	_ =	shalt  }
0x52: {  	_ =	shalt  }
0x53: {  	_ =	shalt  }
0x54: {  	_ =	shalt  }
0x55: {  	_ =	shalt  }
0x56: {  	_ =	shalt  }
0x57: {  	_ =	shalt  }
0x58: {  	_ =	shalt  }
0x59: {  	_ =	shalt  }
0x5a: {  	_ =	shalt  }
0x5b: {  	_ =	shalt  }
0x5c: {  	_ =	shalt  }
0x5d: {  	_ =	shalt  }
0x5e: {  	_ =	shalt  }
0x5f: {  	_ =	shalt  }
0x60: {  	_ =	shalt  }
0x61: {  	_ =	shalt  }
0x62: {  	_ =	shalt  }
0x63: {  	_ =	shalt  }
0x64: {  	_ =	shalt  }
0x65: {  	_ =	shalt  }
0x66: {  	_ =	shalt  }
0x67: {  	_ =	shalt  }
0x68: {  	_ =	shalt  }
0x69: {  	_ =	shalt  }
0x6a: {  	_ =	shalt  }
0x6b: {  	_ =	shalt  }
0x6c: {  	_ =	shalt  }
0x6d: {  	_ =	shalt  }
0x6e: {  	_ =	shalt  }
0x6f: {  	_ =	shalt  }
0x70: {  	_ =	shalt  }
0x71: {  	_ =	shalt  }
0x72: {  	_ =	shalt  }
0x73: {  	_ =	shalt  }
0x74: {  	_ =	shalt  }
0x75: {  	_ =	shalt  }
0x76: {  	_ =	shalt  }
0x77: {  	_ =	shalt  }
0x78: {  	_ =	shalt  }
0x79: {  	_ =	shalt  }
0x7a: {  	_ =	shalt  }
0x7b: {  	_ =	shalt  }
0x7c: {  	_ =	shalt  }
0x7d: {  	_ =	shalt  }
0x7e: {  	_ =	shalt  }
0x7f: {  	_ =	shalt  }
0x80: {  	_ =	shalt  }
0x81: {  	_ =	shalt  }
0x82: {  	_ =	shalt  }
0x83: {  	_ =	shalt  }
0x84: {  	_ =	shalt  }
0x85: {  	_ =	shalt  }
0x86: {  	_ =	shalt  }
0x87: {  	_ =	shalt  }
.Lfunc_end0:
.L_simem_size_0:
called_computation_lowered:
.L_overlay_start_0:
0x88: {  	s2 =	sld [smem:$0x3FD9]  }
0x89: {  	s3 =	sld [smem:$0x3FFE];
	_ =	sdelay $0x1  }
0x8a: {  	s1 =	srdreg.scid  }
0x8b: {  	s0 =	sand.u32 $0x1, s1  }
0x8c: {  	s18 =	sshll.u32 s0, $0xA;
	s2 =	sadd.s32 s3, s2  }
0x8d: {  	s2 =	sadd.s32 s2, s18  }
0x8e: {  	[smem:$0x3FC5] =	sst s2  }
0x8f: {  	_ = 	snop  }
0x90: {  	s2 =	sld [smem:$0x3FC9]  }
0x91: {  	s19 =	sld [smem:$0x3FC8]  }
0x92: {  	s4 =	sld [smem:$0x3FC7]  }
0x93: {  	s5 =	sld [smem:$0x3FD0];
	(tm) =	ssettm $0x1  }
0x94: {  	s6 =	sld [smem:$0x3FFB];
	_ =	sdelay $0x3  }
0x95: {  	_ =	strace s6  }
0x96: {  	s6 =	sld [smem:$0x3FFC];
	_ =	sdelay $0x3  }
0x97: {  	_ =	strace s6  }
0x98: {  	s6 =	sld [smem:$0x3FFD];
	_ =	sdelay $0x3  }
0x99: {  	_ =	strace s6  }
0x9a: {  	_ =	strace $0x8FFFFFFF  }
0x9b: {  	s20 =	sld [smem:$0x3FDB];
	_ =	sdelay $0x1  }
0x9c: {  	s7 =	simm.s32 $_scs_section_size  }
0x9d: {  	s8 =	simm.s32 $_size__tile_overlayer_lowered;
	s9 =	simm.s32 $_tile_overlayer_lowered  }
0x9e: {  	s23 =	simm.s32 $0x1BFF;
	s22 =	sshll.u32 s9, $0x1;
	s6 =	sadd.s32 s7, s20  }
0x9f: {  	s10 =	simm.s32 $0x0;
	s21 =	sshll.u32 s8, $0x1;
	s8 =	sadd.s32 s22, s6  }
0xa0: {  	[timem:s10], [sflag:s23] =	dma.local [hbm:s8], s21  }
0xa1: {  	_ =	swait.ge [sflag:s23], s21  }
0xa2: {  	s7 =	ssub.s32 $0x0, s21;
	[sflag:s23] =	ssyncset.done $0x0  }
0xa3: {  	[sflag:s23] =	ssyncadd.s32 s7;
	_ =	sdelay $0x1  }
0xa4: {  	s24 =	simm.s32 $0x1B8B  }
0xa5: {  	_ =	swait.ge [sflag:s24], $0x1  }
0xa6: {  	[sflag:s24] =	ssyncset.done $0x0  }
0xa7: {  	s25 =	simm.s32 $0x1B8E;
	[sflag:s24] =	ssyncadd.s32 $0xFFFFFFFF  }
0xa8: {  	s26 =	simm.s32 $execute0_lowered;
	[smem:$0x3FD2] =	sst s25  }
0xa9: {  	s7 =	sshll.u32 s26, $0x1;
	_ =	strace $0x80000046;
	[dreg:$0x1] =	wrdreg $0xFFFFFFFF  }
0xaa: {  	s28 =	simm.s32 $_size_execute0_lowered;
	s6 =	sadd.s32 s6, s7;
	[dreg:$0x0] =	wrdreg $0x0  }
0xab: {  	s7 =	sshll.u32 s28, $0x1;
	[dreg:$0x2] =	wrdreg s6  }
0xac: {  	[dreg:$0x3] =	wrdreg s7  }
0xad: {  	[dreg:$0x4] =	wrdreg $0xC0  }
0xae: {  	_ =	task [dreg:s10], $0x5FFFF  }
0xaf: {  	[dreg:$0x1] =	wrdreg $0xFFFFFFFF  }
0xb0: {  	[dreg:$0x0] =	wrdreg $0x60  }
0xb1: {  	[dreg:$0x2] =	wrdreg s2  }
0xb2: {  	[dreg:$0x3] =	wrdreg s19  }
0xb3: {  	[dreg:$0x4] =	wrdreg s4  }
0xb4: {  	[dreg:$0x5] =	wrdreg s5  }
0xb5: {  	[dreg:$0x6] =	wrdreg $0x48800  }
0xb6: {  	[dreg:$0x7] =	wrdreg $0x9  }
0xb7: {  	_ =	task.clear_ibuf [dreg:s10], $0x8FFFF;
	_ =	strace $0x90000046  }
0xb8: {  	s29 =	simm.s32 $0x9;
	_ =	strace $0x80000048  }
0xb9: {  	_ =	swait.ge [sflag:s29], $0x1  }
0xba: {  	[sflag:s29] =	ssyncadd.s32 $0xFFFFFFFF  }
0xbb: {  	_ =	strace $0x90000048  }
0xbc: {  	_ =	sfence  }
0xbd: {  	s30 =	sld [smem:$0x0];
	_ =	sdelay $0x2  }
0xbe: {  	s31 =	sshll.u32 s1, $0xD;
	s1 =	sshrl.u32 s1, $0x2  }
0xbf: {  	s3 =	sand.u32 $0x4000, s31;
	s1 =	sadd.s32 s1, s30  }
0xc0: {  	s0 =	sor.u32 s3, s0;
	s1 =	sshll.u32 s1, $0x11  }
0xc1: {  	s0 =	sor.u32 s1, s0  }
0xc2: {  	s0 =	sadd.s32 $0x8F2B, s0  }
0xc3: {  	[sflag:s0] =	ssyncadd.remote.s32 $0x1  }
0xc4: {  	_ =	sfence.sel $0xFFFF  }
0xc5: {  	[dreg:$0x0] =	wrdreg $0xFFFFFFFF;
	(pc) =	sbr.abs _section_cstart, $3  }
0xc6: {  	[dreg:$0x1] =	wrdreg $0xFFFFFFFF  }
0xc7: {  	_ =	task.clear_ibuf [dreg:s10], $0x2FFFF;
	_ =	strace $0x9FFFFFFF  }
0xc8: {  	(tm) =	ssettm $0x7FFFFFFF  }
0xc9: {  	_ =	shalt  }
tec
execute0_lowered:
.L_overlay_start_1:
0x0: {  	(tag) =	ssettag $0x1  }
0x1: {  	s0 =	rddreg [dreg:$0x0]  }
0x2: {  	s3 =	rddreg [dreg:$0x1]  }
0x3: {  	s9 =	rddreg [dreg:$0x2]  }
0x4: {  	s2 =	rddreg [dreg:$0x3]  }
0x5: {  	s5 =	rddreg [dreg:$0x4];
	s1 =	srdreg.scid  }
0x6: {  	s4 =	simm.s32 $0x0;
	s10 =	stileid.u32;
	s1 =	sand.u32 $0x1, s1  }
0x7: {  	s7 =	sshll.u32 s10, $0xB;
	s6 =	ssub.s32 $0x2, s1;
	s1 =	sshll.u32 s1, $0xA  }
0x8: {  	[smem:$0x7FF] =	sst s4;
	s14 =	sor.u32 s1, s7  }
0x9: {  	s16 =	smul.u32 $0x60000, s10;
	_ =	strace $0x80000047;
	s17 =	sor.u32 $0x20, s14  }
0xa: {  	s8 =	sshrl.u32 s6, $0x1;
	s12 =	sor.u32 $0x40, s14;
	[smem:$0x7D0] =	sst s17  }
0xb: {  	s21 =	sshrl.u32 s16, $0x2;
	s20 =	sor.u32 $0x60, s14;
	[smem:$0x7D1] =	sst s12  }
0xc: {  	s1 =	ssub.s32 s6, s8;
	s11 =	sor.u32 $0xA0, s14;
	[smem:$0x7D2] =	sst s20  }
0xd: {  	s8 =	sadd.s32 s21, s5;
	s21 =	sor.u32 $0xE0, s14;
	[smem:$0x7D3] =	sst s11  }
0xe: {  	s15 =	sshrl.u32 s14, $0x3;
	[smem:$0x7D4] =	sst s21  }
0xf: {  	s22 =	sshll.u32 s14, $0x7;
	s3 =	sadd.s32 s3, s15;
	[dreg:$0x7] =	wrdreg s8  }
0x10: {  	s25 =	sadd.s32 s0, s22;
	[dreg:$0x6] =	wrdreg s3  }
0x11: {  	s23 =	sshll.u32 s17, $0x7;
	s1 =	smax.u32 s1, $0x1;
	[dreg:$0x8] =	wrdreg s25  }
0x12: {  	s24 =	sshll.u32 s12, $0x7;
	s26 =	sadd.s32 s0, s23;
	[smem:$0x7C6] =	sst s1  }
0x13: {  	s28 =	sadd.s32 s0, s24;
	[dreg:$0x9] =	wrdreg s26  }
0x14: {  	s29 =	sshll.u32 s20, $0x7;
	s3 =	sadd.s32 s2, s22;
	[dreg:$0xa] =	wrdreg s28  }
0x15: {  	s19 =	sor.u32 $0x80, s14;
	s10 =	sadd.s32 s0, s29;
	[dreg:$0xb] =	wrdreg s3  }
0x16: {  	s30 =	sshll.u32 s19, $0x7;
	s5 =	sadd.s32 s2, s23;
	[dreg:$0xc] =	wrdreg s10  }
0x17: {  	s12 =	sadd.s32 s0, s30;
	[dreg:$0xd] =	wrdreg s5  }
0x18: {  	s18 =	sor.u32 $0xC0, s14;
	s13 =	sadd.s32 s2, s24;
	[dreg:$0xe] =	wrdreg s12  }
0x19: {  	s15 =	sshll.u32 s11, $0x7;
	s16 =	sadd.s32 s2, s30;
	[dreg:$0xf] =	wrdreg s13  }
0x1a: {  	s20 =	sshll.u32 s18, $0x7;
	s17 =	sadd.s32 s0, s15;
	[dreg:$0x11] =	wrdreg s16  }
0x1b: {  	s22 =	sadd.s32 s0, s20;
	[dreg:$0x12] =	wrdreg s17  }
0x1c: {  	s23 =	sadd.s32 s2, s20;
	[dreg:$0x14] =	wrdreg s22  }
0x1d: {  	s24 =	sor.u32 $0x100, s14;
	[dreg:$0x15] =	wrdreg s23  }
0x1e: {  	s3 =	sadd.s32 s2, s29;
	[smem:$0x7D5] =	sst s24  }
0x1f: {  	s25 =	sshll.u32 s21, $0x7;
	s26 =	sor.u32 $0x120, s14;
	[dreg:$0x10] =	wrdreg s3  }
0x20: {  	s28 =	sadd.s32 s0, s25;
	[smem:$0x7D6] =	sst s26  }
0x21: {  	s10 =	sor.u32 $0x140, s14;
	[dreg:$0x16] =	wrdreg s28  }
0x22: {  	s12 =	sor.u32 $0x160, s14;
	[smem:$0x7D7] =	sst s10  }
0x23: {  	s22 =	sor.u32 $0x1A0, s14;
	[smem:$0x7D8] =	sst s12  }
0x24: {  	s29 =	sshll.u32 s24, $0x7;
	s24 =	sor.u32 $0x1C0, s14;
	[smem:$0x7DA] =	sst s22  }
0x25: {  	v0 =	vlaneseq.u32;
	[smem:$0x7DB] =	sst s24  }
0x26: {  	v13 =	vor.u32 s18, v0;
	s3 =	sadd.s32 s2, s15;
	s18 =	sld [smem:$0x7D5]  }
0x27: {  	s30 =	sadd.s32 s0, s29;
	[dreg:$0x13] =	wrdreg s3  }
0x28: {  	s5 =	sadd.s32 s2, s29;
	[dreg:$0x18] =	wrdreg s30  }
0x29: {  	s15 =	sor.u32 $0x180, s14;
	[dreg:$0x19] =	wrdreg s5  }
0x2a: {  	s7 =	sshll.u32 s26, $0x7;
	s26 =	sor.u32 $0x1E0, s14;
	[smem:$0x7D9] =	sst s15  }
0x2b: {  	s13 =	sshll.u32 s10, $0x7;
	s10 =	sor.u32 $0x200, s14;
	[smem:$0x7DD] =	sst s26  }
0x2c: {  	s17 =	sshll.u32 s12, $0x7;
	s12 =	sor.u32 $0x220, s14;
	[smem:$0x7DF] =	sst s10  }
0x2d: {  	s29 =	sshll.u32 s24, $0x7;
	s24 =	sor.u32 $0x280, s14;
	[smem:$0x7E1] =	sst s12  }
0x2e: {  	s3 =	sadd.s32 s2, s25;
	[smem:$0x7E7] =	sst s24  }
0x2f: {  	s11 =	sadd.s32 s0, s7;
	[dreg:$0x17] =	wrdreg s3  }
0x30: {  	s16 =	sadd.s32 s0, s13;
	[dreg:$0x1a] =	wrdreg s11  }
0x31: {  	s20 =	sadd.s32 s0, s17;
	[dreg:$0x1c] =	wrdreg s16  }
0x32: {  	s5 =	sadd.s32 s2, s17;
	[dreg:$0x1e] =	wrdreg s20  }
0x33: {  	s30 =	sadd.s32 s0, s29;
	[dreg:$0x1f] =	wrdreg s5  }
0x34: {  	s21 =	sshll.u32 s15, $0x7;
	s15 =	sor.u32 $0x240, s14;
	[smem:$0x7A2] =	sst s30  }
0x35: {  	s25 =	sshll.u32 s22, $0x7;
	s22 =	sor.u32 $0x260, s14;
	[smem:$0x7E3] =	sst s15  }
0x36: {  	s3 =	sadd.s32 s2, s7;
	[smem:$0x7E5] =	sst s22  }
0x37: {  	s23 =	sadd.s32 s0, s21;
	[dreg:$0x1b] =	wrdreg s3  }
0x38: {  	s28 =	sadd.s32 s0, s25;
	[smem:$0x79E] =	sst s23  }
0x39: {  	s17 =	sshll.u32 s12, $0x7;
	s5 =	sadd.s32 s2, s29;
	[smem:$0x7A0] =	sst s28  }
0x3a: {  	s20 =	sadd.s32 s0, s17;
	[smem:$0x7A3] =	sst s5  }
0x3b: {  	s7 =	sshll.u32 s26, $0x7;
	s26 =	sor.u32 $0x2A0, s14;
	[smem:$0x7A8] =	sst s20  }
0x3c: {  	[smem:$0x7E9] =	sst s26  }
0x3d: {  	s3 =	sadd.s32 s2, s13;
	v17 =	vor.u32 s18, v0;
	s18 =	sld [smem:$0x7E5]  }
0x3e: {  	s11 =	sadd.s32 s0, s7;
	[dreg:$0x1d] =	wrdreg s3  }
0x3f: {  	s29 =	sshll.u32 s24, $0x7;
	s5 =	sadd.s32 s2, s17;
	[smem:$0x7A4] =	sst s11  }
0x40: {  	s30 =	sadd.s32 s0, s29;
	[smem:$0x7A9] =	sst s5  }
0x41: {  	s13 =	sshll.u32 s10, $0x7;
	s3 =	sadd.s32 s2, s21;
	[smem:$0x7AE] =	sst s30  }
0x42: {  	s16 =	sadd.s32 s0, s13;
	[smem:$0x79F] =	sst s3  }
0x43: {  	s6 =	sshll.u32 s26, $0x7;
	s5 =	sadd.s32 s2, s29;
	[smem:$0x7A6] =	sst s16  }
0x44: {  	s10 =	sadd.s32 s0, s6;
	[smem:$0x7AF] =	sst s5  }
0x45: {  	s11 =	sor.u32 $0x2E0, s14;
	[smem:$0x7B0] =	sst s10  }
0x46: {  	s29 =	sor.u32 $0x380, s14;
	[smem:$0x7ED] =	sst s11  }
0x47: {  	s21 =	sshll.u32 s15, $0x7;
	s3 =	sadd.s32 s2, s25;
	[smem:$0x7F7] =	sst s29  }
0x48: {  	s23 =	sadd.s32 s0, s21;
	[smem:$0x7A1] =	sst s3  }
0x49: {  	s25 =	sshll.u32 s22, $0x7;
	s3 =	sadd.s32 s2, s7;
	[smem:$0x7AA] =	sst s23  }
0x4a: {  	s28 =	sadd.s32 s0, s25;
	[smem:$0x7A5] =	sst s3  }
0x4b: {  	s16 =	sshll.u32 s11, $0x7;
	s7 =	sor.u32 $0x2C0, s14;
	[smem:$0x7AC] =	sst s28  }
0x4c: {  	s17 =	sadd.s32 s0, s16;
	[smem:$0x7EB] =	sst s7  }
0x4d: {  	s5 =	sadd.s32 s2, s16;
	[smem:$0x7B4] =	sst s17  }
0x4e: {  	s23 =	sor.u32 $0x340, s14;
	[smem:$0x7B5] =	sst s5  }
0x4f: {  	s16 =	sor.u32 $0x3C0, s14;
	[smem:$0x7F3] =	sst s23  }
0x50: {  	s3 =	sadd.s32 s2, s13;
	[smem:$0x7FA] =	sst s16  }
0x51: {  	s13 =	sor.u32 $0x300, s14;
	[smem:$0x7A7] =	sst s3  }
0x52: {  	s28 =	sor.u32 $0x360, s14;
	[smem:$0x7EF] =	sst s13  }
0x53: {  	s17 =	sor.u32 $0x3E0, s14;
	[smem:$0x7F5] =	sst s28  }
0x54: {  	s12 =	sshll.u32 s7, $0x7;
	s7 =	sor.u32 $0x1F0, s14;
	[smem:$0x7FC] =	sst s17  }
0x55: {  	s5 =	sshll.u32 s16, $0x7;
	s16 =	sor.u32 $0xD0, s14;
	[smem:$0x7DE] =	sst s7  }
0x56: {  	s11 =	sshll.u32 s29, $0x7;
	s3 =	sadd.s32 s2, s21;
	v14 =	vor.u32 s16, v0;
	s16 =	sld [smem:$0x7D4]  }
0x57: {  	s29 =	sadd.s32 $0x10000, s8;
	s15 =	sadd.s32 s0, s12;
	[smem:$0x7AB] =	sst s3  }
0x58: {  	s26 =	sshll.u32 s23, $0x7;
	s21 =	sor.u32 $0x320, s14;
	[smem:$0x7B2] =	sst s15  }
0x59: {  	s20 =	sshll.u32 s13, $0x7;
	s30 =	sadd.s32 s0, s26;
	[smem:$0x7F1] =	sst s21  }
0x5a: {  	s10 =	sshll.u32 s28, $0x7;
	s13 =	sadd.s32 s0, s11;
	[smem:$0x7BA] =	sst s30  }
0x5b: {  	s28 =	sadd.s32 $0x8000, s8;
	s8 =	sor.u32 $0x210, s14;
	[smem:$0x7BE] =	sst s13  }
0x5c: {  	s7 =	sor.u32 $0x2F0, s14;
	[smem:$0x7E0] =	sst s8  }
0x5d: {  	[smem:$0x7EE] =	sst s7  }
0x5e: {  	v39 =	vor.u32 s18, v0;
	s3 =	sadd.s32 s2, s25;
	s18 =	sld [smem:$0x7F5]  }
0x5f: {  	s22 =	sadd.s32 s0, s20;
	[smem:$0x7AD] =	sst s3  }
0x60: {  	s15 =	sadd.s32 s2, s11;
	[smem:$0x7B6] =	sst s22  }
0x61: {  	s8 =	sor.u32 $0x310, s14;
	[smem:$0x7BF] =	sst s15  }
0x62: {  	s7 =	sor.u32 $0x3F0, s14;
	[smem:$0x7F0] =	sst s8  }
0x63: {  	s13 =	sor.u32 $0x90, s14;
	[smem:$0x7FD] =	sst s7  }
0x64: {  	s24 =	sshll.u32 s21, $0x7;
	s3 =	sadd.s32 s2, s6;
	v10 =	vor.u32 s13, v0;
	s13 =	sld [smem:$0x7E0]  }
0x65: {  	s25 =	sadd.s32 s0, s24;
	[smem:$0x7B1] =	sst s3  }
0x66: {  	s22 =	sadd.s32 s0, s5;
	[smem:$0x7B8] =	sst s25  }
0x67: {  	s6 =	sor.u32 $0x1D0, s14;
	[smem:$0x7C1] =	sst s22  }
0x68: {  	s8 =	sadd.s32 $0x10, s9;
	[smem:$0x7DC] =	sst s6  }
0x69: {  	s7 =	sadd.s32 $0x50, s9;
	[smem:$0x7C9] =	sst s8  }
0x6a: {  	[smem:$0x7CD] =	sst s7  }
0x6b: {  	s3 =	sadd.s32 s2, s12;
	v15 =	vor.u32 s16, v0;
	s16 =	sld [smem:$0x7E3]  }
0x6c: {  	s12 =	sadd.s32 s0, s10;
	[smem:$0x7B3] =	sst s3  }
0x6d: {  	s25 =	sadd.s32 s2, s5;
	[smem:$0x7BC] =	sst s12  }
0x6e: {  	s5 =	sshrl.u32 s29, $0x3;
	[smem:$0x7C4] =	sst s25  }
0x6f: {  	s22 =	sor.u32 $0x270, s14;
	[smem:$0x7C8] =	sst s5  }
0x70: {  	s6 =	sor.u32 $0x2D0, s14;
	[smem:$0x7E6] =	sst s22  }
0x71: {  	s8 =	sadd.s32 $0x60, s9;
	[smem:$0x7EC] =	sst s6  }
0x72: {  	s29 =	sor.u32 $0x1B0, s14;
	[smem:$0x7CE] =	sst s8  }
0x73: {  	s30 =	sor.u32 $0x3A0, s14;
	v28 =	vor.u32 s29, v0;
	s29 =	sld [smem:$0x7DC]  }
0x74: {  	v59 =	vor.u32 s30, v0;
	s3 =	sadd.s32 s2, s20;
	s20 =	sshll.u32 s30, $0x7;
	s30 =	sld [smem:$0x7FD]  }
0x75: {  	s5 =	sor.u32 $0x2B0, s14;
	[smem:$0x7B7] =	sst s3  }
0x76: {  	s22 =	sor.u32 $0x370, s14;
	[smem:$0x7EA] =	sst s5  }
0x77: {  	s6 =	sor.u32 $0x3D0, s14;
	[smem:$0x7F6] =	sst s22  }
0x78: {  	s25 =	sor.u32 $0x150, s14;
	[smem:$0x7FB] =	sst s6  }
0x79: {  	v22 =	vor.u32 s25, v0;
	s25 =	sld [smem:$0x7D9]  }
0x7a: {  	s3 =	sadd.s32 s2, s24;
	v34 =	vor.u32 s13, v0;
	s13 =	sld [smem:$0x7F0]  }
0x7b: {  	s23 =	sshll.u32 s17, $0x7;
	s21 =	sadd.s32 s0, s20;
	[smem:$0x7B9] =	sst s3  }
0x7c: {  	s0 =	sadd.s32 s0, s23;
	[smem:$0x7C0] =	sst s21  }
0x7d: {  	s24 =	sadd.s32 s2, s20;
	[smem:$0x7C2] =	sst s0  }
0x7e: {  	s20 =	sor.u32 $0x230, s14;
	[smem:$0x7C3] =	sst s24  }
0x7f: {  	s5 =	sor.u32 $0x3B0, s14;
	[smem:$0x7E2] =	sst s20  }
0x80: {  	s6 =	sadd.s32 $0x40, s9;
	[smem:$0x7F9] =	sst s5  }
0x81: {  	[smem:$0x7CC] =	sst s6  }
0x82: {  	s3 =	sadd.s32 s2, s26;
	v37 =	vor.u32 s16, v0;
	s16 =	sld [smem:$0x7F3]  }
0x83: {  	s26 =	sadd.s32 s2, s23;
	[smem:$0x7BB] =	sst s3  }
0x84: {  	s0 =	sshrl.u32 s28, $0x3;
	[smem:$0x7C5] =	sst s26  }
0x85: {  	s21 =	sor.u32 $0x250, s14;
	[smem:$0x7C7] =	sst s0  }
0x86: {  	s20 =	sor.u32 $0x330, s14;
	[smem:$0x7E4] =	sst s21  }
0x87: {  	s5 =	sadd.s32 $0x30, s9;
	[smem:$0x7F2] =	sst s20  }
0x88: {  	s23 =	sor.u32 $0x110, s14;
	[smem:$0x7CB] =	sst s5  }
0x89: {  	s24 =	sor.u32 $0x130, s14;
	v18 =	vor.u32 s23, v0;
	s23 =	sld [smem:$0x7D7]  }
0x8a: {  	s28 =	sor.u32 $0x190, s14;
	v20 =	vor.u32 s24, v0;
	s24 =	sld [smem:$0x7D8]  }
0x8b: {  	s15 =	sor.u32 $0xB0, s14;
	v26 =	vor.u32 s28, v0;
	s28 =	sld [smem:$0x7DB]  }
0x8c: {  	v12 =	vor.u32 s15, v0;
	s15 =	sld [smem:$0x7E2]  }
0x8d: {  	s3 =	sadd.s32 s2, s10;
	v30 =	vor.u32 s29, v0;
	s29 =	sld [smem:$0x7EC]  }
0x8e: {  	s21 =	sor.u32 $0x350, s14;
	[smem:$0x7BD] =	sst s3  }
0x8f: {  	s26 =	sor.u32 $0x170, s14;
	[smem:$0x7F4] =	sst s21  }
0x90: {  	s17 =	sor.u32 $0xF0, s14;
	v24 =	vor.u32 s26, v0;
	s26 =	sld [smem:$0x7DA]  }
0x91: {  	v16 =	vor.u32 s17, v0;
	s17 =	sld [smem:$0x7E4]  }
0x92: {  	s1 =	sor.u32 $0x10, s14;
	s3 =	sor.u32 $0x290, s14;
	v25 =	vor.u32 s25, v0;
	s25 =	sld [smem:$0x7E9]  }
0x93: {  	s11 =	sor.u32 $0x50, s14;
	s12 =	sor.u32 $0x70, s14;
	[smem:$0x7E8] =	sst s3  }
0x94: {  	v1 =	vor.u32 s14, v0;
	s10 =	sor.u32 $0x30, s14;
	s3 =	sor.u32 $0x390, s14;
	s14 =	sld [smem:$0x7D0]  }
0x95: {  	[smem:$0x7F8] =	sst s3  }
0x96: {  	v21 =	vor.u32 s23, v0;
	s23 =	sld [smem:$0x7E7]  }
0x97: {  	v23 =	vor.u32 s24, v0;
	s24 =	sld [smem:$0x7E8]  }
0x98: {  	v29 =	vor.u32 s28, v0;
	s28 =	sld [smem:$0x7EB]  }
0x99: {  	v36 =	vor.u32 s15, v0;
	s15 =	sld [smem:$0x7F2]  }
0x9a: {  	s3 =	sadd.s32 $0x20, s9;
	v46 =	vor.u32 s29, v0;
	s29 =	sld [smem:$0x7FC]  }
0x9b: {  	[smem:$0x7CA] =	sst s3  }
0x9c: {  	v27 =	vor.u32 s26, v0;
	s26 =	sld [smem:$0x7EA]  }
0x9d: {  	v38 =	vor.u32 s17, v0;
	s17 =	sld [smem:$0x7F4]  }
0x9e: {  	[tilespmem:$0x1FF70] =	vst v1;
	v1 =	vor.u32 s1, v0;
	v43 =	vor.u32 s25, v0;
	s25 =	sld [smem:$0x7F9]  }
0x9f: {  	[tilespmem:$0x1FF80] =	vst v1;
	v1 =	vor.u32 s14, v0;
	s14 =	sld [smem:$0x7D3]  }
0xa0: {  	[tilespmem:$0x1FF90] =	vst v1;
	v1 =	vor.u32 s10, v0;
	s10 =	sld [smem:$0x7D1]  }
0xa1: {  	v41 =	vor.u32 s23, v0;
	s23 =	sld [smem:$0x7F7]  }
0xa2: {  	v42 =	vor.u32 s24, v0;
	s24 =	sld [smem:$0x7F8]  }
0xa3: {  	v45 =	vor.u32 s28, v0;
	s28 =	sld [smem:$0x7FB]  }
0xa4: {  	[tilespmem:$0x1FFA0] =	vst v1;
	v11 =	vor.u32 s14, v0;
	s14 =	sld [smem:$0x7E1];
	v1 =	vor.u32 s10, v0  }
0xa5: {  	[tilespmem:$0x1FFB0] =	vst v1;
	v1 =	vor.u32 s11, v0;
	s11 =	sld [smem:$0x7D2]  }
0xa6: {  	s10 =	sld [smem:$0x7DD]  }
0xa7: {  	v44 =	vor.u32 s26, v0;
	s26 =	sld [smem:$0x7FA]  }
0xa8: {  	[tilespmem:$0x1FFC0] =	vst v1;
	v35 =	vor.u32 s14, v0;
	s14 =	sld [smem:$0x7F1];
	v1 =	vor.u32 s11, v0  }
0xa9: {  	v31 =	vor.u32 s10, v0;
	s10 =	sld [smem:$0x7ED];
	[tilespmem:$0x1FFD0] =	vst v1;
	v1 =	vor.u32 s12, v0  }
0xaa: {  	[tilespmem:$0x1FFE0] =	vst v1;
	v1 =	vor.u32 s19, v0;
	s19 =	sld [smem:$0x7D6]  }
0xab: {  	s31 =	simm.s32 $0x400;
	s11 =	sld [smem:$0x7DE]  }
0xac: {  	v2 =	vimm.s32 $0x0;
	s1 =	simm.s32 $0x0;
	s7 =	simm.s32 $0x2C00;
	s12 =	sld [smem:$0x7DF]  }
0xad: {  	s8 =	simm.s32 $0x3400;
	v55 =	vor.u32 s18, v0;
	s22 =	sadd.s32 $0x300, s2;
	v50 =	vor.u32 s13, v0;
	v19 =	vor.u32 s19, v0;
	s19 =	sld [smem:$0x7E6]  }
0xae: {  	s6 =	simm.s32 $0x1C00;
	s20 =	sadd.s32 $0x100, s2;
	v53 =	vor.u32 s16, v0;
	v52 =	vor.u32 s15, v0;
	v32 =	vor.u32 s11, v0;
	s11 =	sld [smem:$0x7EE]  }
.Ltmp0:
0xaf: {  	s0 =	simm.s32 $0xC00;
	v63 =	vor.u32 s29, v0;
	v54 =	vor.u32 s17, v0;
	v33 =	vor.u32 s12, v0;
	s12 =	sld [smem:$0x7EF];
	(pc) =	sbr.rel .LBB2_1-.Ltmp0, $4  }
0xb0: {  	s5 =	simm.s32 $0x2400;
	s9 =	sadd.s32 $0x70, s9;
	v60 =	vor.u32 s25, v0;
	v57 =	vor.u32 s23, v0;
	v40 =	vor.u32 s19, v0;
	s19 =	sld [smem:$0x7F6]  }
0xb1: {  	s21 =	sadd.s32 $0x200, s2;
	[smem:$0x7CF] =	sst s9;
	s3 =	simm.s32 $0x1400;
	v58 =	vor.u32 s24, v0;
	v62 =	vor.u32 s28, v0;
	v61 =	vor.u32 s26, v0  }
0xb2: {  	s9 =	simm.s32 $0x3C00;
	s15 =	simm.s32 $0x2;
	v51 =	vor.u32 s14, v0;
	s14 =	simm.s32 $0x4;
	v47 =	vor.u32 s10, v0;
	[tilespmem:$0x1FFF0] =	vst v1;
	v1 =	vor.u32 s30, v0  }
0xb3: {  	s10 =	simm.s32 $0x8;
	v48 =	vor.u32 s11, v0;
	s11 =	simm.s32 $0x4400;
	v49 =	vor.u32 s12, v0;
	v56 =	vor.u32 s19, v0;
	s19 =	simm.s32 $0x5  }
.LBB2_4:
0xb4: {  	[sflag:s10] =	ssyncadd.s32 $0xFFFFC000  }
.LBB2_5:
0xb5: {  	s16 =	sld [smem:$0x7C6];
	_ =	sdelay $0x1  }
0xb6: {  	s1 =	sadd.s32 $0x1, s1  }
0xb7: {  	p0 =	sne.s32 s1, s16  }
.Ltmp1:
0xb8: {  	_ = 	snop;
	(pc) =	sbr.rel @!p0 .LBB2_6-.Ltmp1, $1  }
0xb9: {  	_ =	sdelay $0x3  }
.LBB2_1:
0xba: {  	s23 =	rddreg [dreg:$0x2]  }
0xbb: {  	s16 =	sld [smem:$0x7C9]  }
0xbc: {  	[tilespmem:s31], [sflag:$0x7] =	stream.linear.gather [hbm4b:s23+s4], $0x80, $0x38;
	[tilespmem:$0x1C880] =	vst v63  }
0xbd: {  	s24 =	simm.s32 $0x800  }
0xbe: {  	[tilespmem:s24], [sflag:$0x7] =	stream.linear.gather [hbm4b:s16+s4], $0x80, $0x38;
	[tilespmem:$0x1C880] =	vst v63  }
0xbf: {  	s24 =	sld [smem:$0x7CA];
	_ =	sdelay $0x1  }
0xc0: {  	s25 =	sld [smem:$0x7CB]  }
0xc1: {  	[tilespmem:s0], [sflag:$0x7] =	stream.linear.gather [hbm4b:s24+s4], $0x80, $0x38;
	[tilespmem:$0x1C880] =	vst v63  }
0xc2: {  	s26 =	simm.s32 $0x1000  }
0xc3: {  	[tilespmem:s26], [sflag:$0x7] =	stream.linear.gather [hbm4b:s25+s4], $0x80, $0x38;
	[tilespmem:$0x1C880] =	vst v63  }
0xc4: {  	s26 =	sld [smem:$0x7CC];
	_ =	sdelay $0x1  }
0xc5: {  	s28 =	sld [smem:$0x7CD]  }
0xc6: {  	[tilespmem:s3], [sflag:$0x7] =	stream.linear.gather [hbm4b:s26+s4], $0x80, $0x38;
	[tilespmem:$0x1C880] =	vst v63  }
0xc7: {  	s29 =	simm.s32 $0x1800  }
0xc8: {  	[tilespmem:s29], [sflag:$0x7] =	stream.linear.gather [hbm4b:s28+s4], $0x80, $0x38;
	[tilespmem:$0x1C880] =	vst v63  }
0xc9: {  	s29 =	sld [smem:$0x7CE];
	_ =	sdelay $0x1  }
0xca: {  	s30 =	sld [smem:$0x7CF]  }
0xcb: {  	[tilespmem:s6], [sflag:$0x7] =	stream.linear.gather [hbm4b:s29+s4], $0x80, $0x38;
	[tilespmem:$0x1C880] =	vst v63  }
0xcc: {  	s17 =	simm.s32 $0x2000  }
0xcd: {  	[tilespmem:s17], [sflag:$0x7] =	stream.linear.gather [hbm4b:s30+s4], $0x80, $0x38;
	[tilespmem:$0x1C880] =	vst v63  }
0xce: {  	s12 =	simm.s32 $0x480  }
0xcf: {  	[tilespmem:s12], [sflag:$0x7] =	stream.linear.gather [hbm4b:s23+s4], $0x80, $0x38;
	[tilespmem:$0x1C880] =	vst v63  }
0xd0: {  	s13 =	simm.s32 $0x880  }
0xd1: {  	[tilespmem:s13], [sflag:$0x7] =	stream.linear.gather [hbm4b:s16+s4], $0x80, $0x38;
	[tilespmem:$0x1C880] =	vst v63  }
0xd2: {  	s18 =	simm.s32 $0xC80  }
0xd3: {  	[tilespmem:s18], [sflag:$0x7] =	stream.linear.gather [hbm4b:s24+s4], $0x80, $0x38;
	[tilespmem:$0x1C880] =	vst v63  }
0xd4: {  	[smem:$0x79D] =	sst s1;
	s1 =	simm.s32 $0x1080  }
0xd5: {  	[tilespmem:s1], [sflag:$0x7] =	stream.linear.gather [hbm4b:s25+s4], $0x80, $0x38;
	[tilespmem:$0x1C880] =	vst v63  }
0xd6: {  	s12 =	simm.s32 $0x1480  }
0xd7: {  	[tilespmem:s12], [sflag:$0x7] =	stream.linear.gather [hbm4b:s26+s4], $0x80, $0x38;
	[tilespmem:$0x1C880] =	vst v63  }
0xd8: {  	s13 =	simm.s32 $0x1880  }
0xd9: {  	[tilespmem:s13], [sflag:$0x7] =	stream.linear.gather [hbm4b:s28+s4], $0x80, $0x38;
	[tilespmem:$0x1C880] =	vst v63  }
0xda: {  	s18 =	simm.s32 $0x1C80  }
0xdb: {  	[tilespmem:s18], [sflag:$0x7] =	stream.linear.gather [hbm4b:s29+s4], $0x80, $0x38;
	[tilespmem:$0x1C880] =	vst v63  }
0xdc: {  	s1 =	simm.s32 $0x2080  }
0xdd: {  	[tilespmem:s1], [sflag:$0x7] =	stream.linear.gather [hbm4b:s30+s4], $0x80, $0x38;
	[tilespmem:$0x1C880] =	vst v63  }
0xde: {  	s12 =	simm.s32 $0x500  }
0xdf: {  	[tilespmem:s12], [sflag:$0x7] =	stream.linear.gather [hbm4b:s23+s4], $0x80, $0x38;
	[tilespmem:$0x1C880] =	vst v63  }
0xe0: {  	s13 =	simm.s32 $0x900  }
0xe1: {  	[tilespmem:s13], [sflag:$0x7] =	stream.linear.gather [hbm4b:s16+s4], $0x80, $0x38;
	[tilespmem:$0x1C880] =	vst v63  }
0xe2: {  	s18 =	simm.s32 $0xD00  }
0xe3: {  	[tilespmem:s18], [sflag:$0x7] =	stream.linear.gather [hbm4b:s24+s4], $0x80, $0x38;
	[tilespmem:$0x1C880] =	vst v63  }
0xe4: {  	s1 =	simm.s32 $0x1100  }
0xe5: {  	[tilespmem:s1], [sflag:$0x7] =	stream.linear.gather [hbm4b:s25+s4], $0x80, $0x38;
	[tilespmem:$0x1C880] =	vst v63  }
0xe6: {  	s12 =	simm.s32 $0x1500  }
0xe7: {  	[tilespmem:s12], [sflag:$0x7] =	stream.linear.gather [hbm4b:s26+s4], $0x80, $0x38;
	[tilespmem:$0x1C880] =	vst v63  }
0xe8: {  	s13 =	simm.s32 $0x1900  }
0xe9: {  	[tilespmem:s13], [sflag:$0x7] =	stream.linear.gather [hbm4b:s28+s4], $0x80, $0x38;
	[tilespmem:$0x1C880] =	vst v63  }
0xea: {  	s18 =	simm.s32 $0x1D00  }
0xeb: {  	[tilespmem:s18], [sflag:$0x7] =	stream.linear.gather [hbm4b:s29+s4], $0x80, $0x38;
	[tilespmem:$0x1C880] =	vst v63  }
0xec: {  	s1 =	simm.s32 $0x2100  }
0xed: {  	[tilespmem:s1], [sflag:$0x7] =	stream.linear.gather [hbm4b:s30+s4], $0x80, $0x38;
	[tilespmem:$0x1C880] =	vst v63  }
0xee: {  	s12 =	simm.s32 $0x580  }
0xef: {  	[tilespmem:s12], [sflag:$0x7] =	stream.linear.gather [hbm4b:s23+s4], $0x80, $0x38;
	[tilespmem:$0x1C880] =	vst v63  }
0xf0: {  	s13 =	simm.s32 $0x980  }
0xf1: {  	[tilespmem:s13], [sflag:$0x7] =	stream.linear.gather [hbm4b:s16+s4], $0x80, $0x38;
	[tilespmem:$0x1C880] =	vst v63  }
0xf2: {  	s18 =	simm.s32 $0xD80  }
0xf3: {  	[tilespmem:s18], [sflag:$0x7] =	stream.linear.gather [hbm4b:s24+s4], $0x80, $0x38;
	[tilespmem:$0x1C880] =	vst v63  }
0xf4: {  	s1 =	simm.s32 $0x1180  }
0xf5: {  	[tilespmem:s1], [sflag:$0x7] =	stream.linear.gather [hbm4b:s25+s4], $0x80, $0x38;
	[tilespmem:$0x1C880] =	vst v63  }
0xf6: {  	s12 =	simm.s32 $0x1580  }
0xf7: {  	[tilespmem:s12], [sflag:$0x7] =	stream.linear.gather [hbm4b:s26+s4], $0x80, $0x38;
	[tilespmem:$0x1C880] =	vst v63  }
0xf8: {  	s13 =	simm.s32 $0x1980  }
0xf9: {  	[tilespmem:s13], [sflag:$0x7] =	stream.linear.gather [hbm4b:s28+s4], $0x80, $0x38;
	[tilespmem:$0x1C880] =	vst v63  }
0xfa: {  	s18 =	simm.s32 $0x1D80  }
0xfb: {  	[tilespmem:s18], [sflag:$0x7] =	stream.linear.gather [hbm4b:s29+s4], $0x80, $0x38;
	[tilespmem:$0x1C880] =	vst v63  }
0xfc: {  	s1 =	simm.s32 $0x2180  }
0xfd: {  	[tilespmem:s1], [sflag:$0x7] =	stream.linear.gather [hbm4b:s30+s4], $0x80, $0x38;
	[tilespmem:$0x1C880] =	vst v63  }
0xfe: {  	s12 =	simm.s32 $0x600  }
0xff: {  	[tilespmem:s12], [sflag:$0x7] =	stream.linear.gather [hbm4b:s23+s4], $0x80, $0x38;
	[tilespmem:$0x1C880] =	vst v63  }
0x100: {  	s13 =	simm.s32 $0xA00  }
0x101: {  	[tilespmem:s13], [sflag:$0x7] =	stream.linear.gather [hbm4b:s16+s4], $0x80, $0x38;
	[tilespmem:$0x1C880] =	vst v63  }
0x102: {  	s18 =	simm.s32 $0xE00  }
0x103: {  	[tilespmem:s18], [sflag:$0x7] =	stream.linear.gather [hbm4b:s24+s4], $0x80, $0x38;
	[tilespmem:$0x1C880] =	vst v63  }
0x104: {  	s1 =	simm.s32 $0x1200  }
0x105: {  	[tilespmem:s1], [sflag:$0x7] =	stream.linear.gather [hbm4b:s25+s4], $0x80, $0x38;
	[tilespmem:$0x1C880] =	vst v63  }
0x106: {  	s12 =	simm.s32 $0x1600  }
0x107: {  	[tilespmem:s12], [sflag:$0x7] =	stream.linear.gather [hbm4b:s26+s4], $0x80, $0x38;
	[tilespmem:$0x1C880] =	vst v63  }
0x108: {  	s13 =	simm.s32 $0x1A00  }
0x109: {  	[tilespmem:s13], [sflag:$0x7] =	stream.linear.gather [hbm4b:s28+s4], $0x80, $0x38;
	[tilespmem:$0x1C880] =	vst v63  }
0x10a: {  	s18 =	simm.s32 $0x1E00  }
0x10b: {  	[tilespmem:s18], [sflag:$0x7] =	stream.linear.gather [hbm4b:s29+s4], $0x80, $0x38;
	[tilespmem:$0x1C880] =	vst v63  }
0x10c: {  	s1 =	simm.s32 $0x2200  }
0x10d: {  	[tilespmem:s1], [sflag:$0x7] =	stream.linear.gather [hbm4b:s30+s4], $0x80, $0x38;
	[tilespmem:$0x1C880] =	vst v63  }
0x10e: {  	s12 =	simm.s32 $0x680  }
0x10f: {  	[tilespmem:s12], [sflag:$0x7] =	stream.linear.gather [hbm4b:s23+s4], $0x80, $0x38;
	[tilespmem:$0x1C880] =	vst v63  }
0x110: {  	s13 =	simm.s32 $0xA80  }
0x111: {  	[tilespmem:s13], [sflag:$0x7] =	stream.linear.gather [hbm4b:s16+s4], $0x80, $0x38;
	[tilespmem:$0x1C880] =	vst v63  }
0x112: {  	s18 =	simm.s32 $0xE80  }
0x113: {  	[tilespmem:s18], [sflag:$0x7] =	stream.linear.gather [hbm4b:s24+s4], $0x80, $0x38;
	[tilespmem:$0x1C880] =	vst v63  }
0x114: {  	s1 =	simm.s32 $0x1280  }
0x115: {  	[tilespmem:s1], [sflag:$0x7] =	stream.linear.gather [hbm4b:s25+s4], $0x80, $0x38;
	[tilespmem:$0x1C880] =	vst v63  }
0x116: {  	s12 =	simm.s32 $0x1680  }
0x117: {  	[tilespmem:s12], [sflag:$0x7] =	stream.linear.gather [hbm4b:s26+s4], $0x80, $0x38;
	[tilespmem:$0x1C880] =	vst v63  }
0x118: {  	s13 =	simm.s32 $0x1A80  }
0x119: {  	[tilespmem:s13], [sflag:$0x7] =	stream.linear.gather [hbm4b:s28+s4], $0x80, $0x38;
	[tilespmem:$0x1C880] =	vst v63  }
0x11a: {  	s18 =	simm.s32 $0x1E80  }
0x11b: {  	[tilespmem:s18], [sflag:$0x7] =	stream.linear.gather [hbm4b:s29+s4], $0x80, $0x38;
	[tilespmem:$0x1C880] =	vst v63  }
0x11c: {  	s1 =	simm.s32 $0x2280  }
0x11d: {  	[tilespmem:s1], [sflag:$0x7] =	stream.linear.gather [hbm4b:s30+s4], $0x80, $0x38;
	[tilespmem:$0x1C880] =	vst v63  }
0x11e: {  	s12 =	simm.s32 $0x700  }
0x11f: {  	[tilespmem:s12], [sflag:$0x7] =	stream.linear.gather [hbm4b:s23+s4], $0x80, $0x38;
	[tilespmem:$0x1C880] =	vst v63  }
0x120: {  	s13 =	simm.s32 $0xB00  }
0x121: {  	[tilespmem:s13], [sflag:$0x7] =	stream.linear.gather [hbm4b:s16+s4], $0x80, $0x38;
	[tilespmem:$0x1C880] =	vst v63  }
0x122: {  	s18 =	simm.s32 $0xF00  }
0x123: {  	[tilespmem:s18], [sflag:$0x7] =	stream.linear.gather [hbm4b:s24+s4], $0x80, $0x38;
	[tilespmem:$0x1C880] =	vst v63  }
0x124: {  	s1 =	simm.s32 $0x1300  }
0x125: {  	[tilespmem:s1], [sflag:$0x7] =	stream.linear.gather [hbm4b:s25+s4], $0x80, $0x38;
	[tilespmem:$0x1C880] =	vst v63  }
0x126: {  	s12 =	simm.s32 $0x1700  }
0x127: {  	[tilespmem:s12], [sflag:$0x7] =	stream.linear.gather [hbm4b:s26+s4], $0x80, $0x38;
	[tilespmem:$0x1C880] =	vst v63  }
0x128: {  	s13 =	simm.s32 $0x1B00  }
0x129: {  	[tilespmem:s13], [sflag:$0x7] =	stream.linear.gather [hbm4b:s28+s4], $0x80, $0x38;
	[tilespmem:$0x1C880] =	vst v63  }
0x12a: {  	s18 =	simm.s32 $0x1F00  }
0x12b: {  	[tilespmem:s18], [sflag:$0x7] =	stream.linear.gather [hbm4b:s29+s4], $0x80, $0x38;
	[tilespmem:$0x1C880] =	vst v63  }
0x12c: {  	s1 =	simm.s32 $0x2300  }
0x12d: {  	[tilespmem:s1], [sflag:$0x7] =	stream.linear.gather [hbm4b:s30+s4], $0x80, $0x38;
	[tilespmem:$0x1C880] =	vst v63  }
0x12e: {  	s12 =	simm.s32 $0x780  }
0x12f: {  	[tilespmem:s12], [sflag:$0x7] =	stream.linear.gather [hbm4b:s23+s4], $0x80, $0x38;
	[tilespmem:$0x1C880] =	vst v63  }
0x130: {  	s13 =	simm.s32 $0xB80  }
0x131: {  	[tilespmem:s13], [sflag:$0x7] =	stream.linear.gather [hbm4b:s16+s4], $0x80, $0x38;
	[tilespmem:$0x1C880] =	vst v63  }
0x132: {  	s18 =	simm.s32 $0xF80  }
0x133: {  	[tilespmem:s18], [sflag:$0x7] =	stream.linear.gather [hbm4b:s24+s4], $0x80, $0x38;
	[tilespmem:$0x1C880] =	vst v63  }
0x134: {  	s1 =	simm.s32 $0x1380  }
0x135: {  	[tilespmem:s1], [sflag:$0x7] =	stream.linear.gather [hbm4b:s25+s4], $0x80, $0x38;
	[tilespmem:$0x1C880] =	vst v63  }
0x136: {  	s12 =	simm.s32 $0x1780  }
0x137: {  	[tilespmem:s12], [sflag:$0x7] =	stream.linear.gather [hbm4b:s26+s4], $0x80, $0x38;
	[tilespmem:$0x1C880] =	vst v63  }
0x138: {  	s13 =	simm.s32 $0x1B80  }
0x139: {  	[tilespmem:s13], [sflag:$0x7] =	stream.linear.gather [hbm4b:s28+s4], $0x80, $0x38;
	[tilespmem:$0x1C880] =	vst v63  }
0x13a: {  	s18 =	simm.s32 $0x1F80  }
0x13b: {  	[tilespmem:s18], [sflag:$0x7] =	stream.linear.gather [hbm4b:s29+s4], $0x80, $0x38;
	[tilespmem:$0x1C880] =	vst v63  }
0x13c: {  	s1 =	simm.s32 $0x2380  }
0x13d: {  	[tilespmem:s1], [sflag:$0x7] =	stream.linear.gather [hbm4b:s30+s4], $0x80, $0x38;
	[tilespmem:$0x1C880] =	vst v63  }
0x13e: {  	_ = 	snop  }
0x13f: {  	[tilespmem:s5], [sflag:$0x7] =	stream.linear.gather [hbm4b:s23+s4], $0x80, $0x38;
	[tilespmem:$0x1C880] =	vst v63  }
0x140: {  	s12 =	simm.s32 $0x2800  }
0x141: {  	[tilespmem:s12], [sflag:$0x7] =	stream.linear.gather [hbm4b:s16+s4], $0x80, $0x38;
	[tilespmem:$0x1C880] =	vst v63  }
0x142: {  	_ = 	snop  }
0x143: {  	[tilespmem:s7], [sflag:$0x7] =	stream.linear.gather [hbm4b:s24+s4], $0x80, $0x38;
	[tilespmem:$0x1C880] =	vst v63  }
0x144: {  	s13 =	simm.s32 $0x3000  }
0x145: {  	[tilespmem:s13], [sflag:$0x7] =	stream.linear.gather [hbm4b:s25+s4], $0x80, $0x38;
	[tilespmem:$0x1C880] =	vst v63  }
0x146: {  	_ = 	snop  }
0x147: {  	[tilespmem:s8], [sflag:$0x7] =	stream.linear.gather [hbm4b:s26+s4], $0x80, $0x38;
	[tilespmem:$0x1C880] =	vst v63  }
0x148: {  	s18 =	simm.s32 $0x3800  }
0x149: {  	[tilespmem:s18], [sflag:$0x7] =	stream.linear.gather [hbm4b:s28+s4], $0x80, $0x38;
	[tilespmem:$0x1C880] =	vst v63  }
0x14a: {  	_ = 	snop  }
0x14b: {  	[tilespmem:s9], [sflag:$0x7] =	stream.linear.gather [hbm4b:s29+s4], $0x80, $0x38;
	[tilespmem:$0x1C880] =	vst v63  }
0x14c: {  	s1 =	simm.s32 $0x4000  }
0x14d: {  	[tilespmem:s1], [sflag:$0x7] =	stream.linear.gather [hbm4b:s30+s4], $0x80, $0x38;
	[tilespmem:$0x1C880] =	vst v63  }
0x14e: {  	s12 =	simm.s32 $0x2480  }
0x14f: {  	[tilespmem:s12], [sflag:$0x7] =	stream.linear.gather [hbm4b:s23+s4], $0x80, $0x38;
	[tilespmem:$0x1C880] =	vst v63  }
0x150: {  	s13 =	simm.s32 $0x2880  }
0x151: {  	[tilespmem:s13], [sflag:$0x7] =	stream.linear.gather [hbm4b:s16+s4], $0x80, $0x38;
	[tilespmem:$0x1C880] =	vst v63  }
0x152: {  	s18 =	simm.s32 $0x2C80  }
0x153: {  	[tilespmem:s18], [sflag:$0x7] =	stream.linear.gather [hbm4b:s24+s4], $0x80, $0x38;
	[tilespmem:$0x1C880] =	vst v63  }
0x154: {  	s1 =	simm.s32 $0x3080  }
0x155: {  	[tilespmem:s1], [sflag:$0x7] =	stream.linear.gather [hbm4b:s25+s4], $0x80, $0x38;
	[tilespmem:$0x1C880] =	vst v63  }
0x156: {  	s12 =	simm.s32 $0x3480  }
0x157: {  	[tilespmem:s12], [sflag:$0x7] =	stream.linear.gather [hbm4b:s26+s4], $0x80, $0x38;
	[tilespmem:$0x1C880] =	vst v63  }
0x158: {  	s13 =	simm.s32 $0x3880  }
0x159: {  	[tilespmem:s13], [sflag:$0x7] =	stream.linear.gather [hbm4b:s28+s4], $0x80, $0x38;
	[tilespmem:$0x1C880] =	vst v63  }
0x15a: {  	s18 =	simm.s32 $0x3C80  }
0x15b: {  	[tilespmem:s18], [sflag:$0x7] =	stream.linear.gather [hbm4b:s29+s4], $0x80, $0x38;
	[tilespmem:$0x1C880] =	vst v63  }
0x15c: {  	s1 =	simm.s32 $0x4080  }
0x15d: {  	[tilespmem:s1], [sflag:$0x7] =	stream.linear.gather [hbm4b:s30+s4], $0x80, $0x38;
	[tilespmem:$0x1C880] =	vst v63  }
0x15e: {  	s12 =	simm.s32 $0x2500  }
0x15f: {  	[tilespmem:s12], [sflag:$0x7] =	stream.linear.gather [hbm4b:s23+s4], $0x80, $0x38;
	[tilespmem:$0x1C880] =	vst v63  }
0x160: {  	s13 =	simm.s32 $0x2900  }
0x161: {  	[tilespmem:s13], [sflag:$0x7] =	stream.linear.gather [hbm4b:s16+s4], $0x80, $0x38;
	[tilespmem:$0x1C880] =	vst v63  }
0x162: {  	s18 =	simm.s32 $0x2D00  }
0x163: {  	[tilespmem:s18], [sflag:$0x7] =	stream.linear.gather [hbm4b:s24+s4], $0x80, $0x38;
	[tilespmem:$0x1C880] =	vst v63  }
0x164: {  	s1 =	simm.s32 $0x3100  }
0x165: {  	[tilespmem:s1], [sflag:$0x7] =	stream.linear.gather [hbm4b:s25+s4], $0x80, $0x38;
	[tilespmem:$0x1C880] =	vst v63  }
0x166: {  	s12 =	simm.s32 $0x3500  }
0x167: {  	[tilespmem:s12], [sflag:$0x7] =	stream.linear.gather [hbm4b:s26+s4], $0x80, $0x38;
	[tilespmem:$0x1C880] =	vst v63  }
0x168: {  	s13 =	simm.s32 $0x3900  }
0x169: {  	[tilespmem:s13], [sflag:$0x7] =	stream.linear.gather [hbm4b:s28+s4], $0x80, $0x38;
	[tilespmem:$0x1C880] =	vst v63  }
0x16a: {  	s18 =	simm.s32 $0x3D00  }
0x16b: {  	[tilespmem:s18], [sflag:$0x7] =	stream.linear.gather [hbm4b:s29+s4], $0x80, $0x38;
	[tilespmem:$0x1C880] =	vst v63  }
0x16c: {  	s1 =	simm.s32 $0x4100  }
0x16d: {  	[tilespmem:s1], [sflag:$0x7] =	stream.linear.gather [hbm4b:s30+s4], $0x80, $0x38;
	[tilespmem:$0x1C880] =	vst v63  }
0x16e: {  	s12 =	simm.s32 $0x2580  }
0x16f: {  	[tilespmem:s12], [sflag:$0x7] =	stream.linear.gather [hbm4b:s23+s4], $0x80, $0x38;
	[tilespmem:$0x1C880] =	vst v63  }
0x170: {  	s13 =	simm.s32 $0x2980  }
0x171: {  	[tilespmem:s13], [sflag:$0x7] =	stream.linear.gather [hbm4b:s16+s4], $0x80, $0x38;
	[tilespmem:$0x1C880] =	vst v63  }
0x172: {  	s18 =	simm.s32 $0x2D80  }
0x173: {  	[tilespmem:s18], [sflag:$0x7] =	stream.linear.gather [hbm4b:s24+s4], $0x80, $0x38;
	[tilespmem:$0x1C880] =	vst v63  }
0x174: {  	s1 =	simm.s32 $0x3180  }
0x175: {  	[tilespmem:s1], [sflag:$0x7] =	stream.linear.gather [hbm4b:s25+s4], $0x80, $0x38;
	[tilespmem:$0x1C880] =	vst v63  }
0x176: {  	s12 =	simm.s32 $0x3580  }
0x177: {  	[tilespmem:s12], [sflag:$0x7] =	stream.linear.gather [hbm4b:s26+s4], $0x80, $0x38;
	[tilespmem:$0x1C880] =	vst v63  }
0x178: {  	s13 =	simm.s32 $0x3980  }
0x179: {  	[tilespmem:s13], [sflag:$0x7] =	stream.linear.gather [hbm4b:s28+s4], $0x80, $0x38;
	[tilespmem:$0x1C880] =	vst v63  }
0x17a: {  	s18 =	simm.s32 $0x3D80  }
0x17b: {  	[tilespmem:s18], [sflag:$0x7] =	stream.linear.gather [hbm4b:s29+s4], $0x80, $0x38;
	[tilespmem:$0x1C880] =	vst v63  }
0x17c: {  	s1 =	simm.s32 $0x4180  }
0x17d: {  	[tilespmem:s1], [sflag:$0x7] =	stream.linear.gather [hbm4b:s30+s4], $0x80, $0x38;
	[tilespmem:$0x1C880] =	vst v63  }
0x17e: {  	s12 =	simm.s32 $0x2600  }
0x17f: {  	[tilespmem:s12], [sflag:$0x7] =	stream.linear.gather [hbm4b:s23+s4], $0x80, $0x38;
	[tilespmem:$0x1C880] =	vst v63  }
0x180: {  	s13 =	simm.s32 $0x2A00  }
0x181: {  	[tilespmem:s13], [sflag:$0x7] =	stream.linear.gather [hbm4b:s16+s4], $0x80, $0x38;
	[tilespmem:$0x1C880] =	vst v63  }
0x182: {  	s18 =	simm.s32 $0x2E00  }
0x183: {  	[tilespmem:s18], [sflag:$0x7] =	stream.linear.gather [hbm4b:s24+s4], $0x80, $0x38;
	[tilespmem:$0x1C880] =	vst v63  }
0x184: {  	s1 =	simm.s32 $0x3200  }
0x185: {  	[tilespmem:s1], [sflag:$0x7] =	stream.linear.gather [hbm4b:s25+s4], $0x80, $0x38;
	[tilespmem:$0x1C880] =	vst v63  }
0x186: {  	s12 =	simm.s32 $0x3600  }
0x187: {  	[tilespmem:s12], [sflag:$0x7] =	stream.linear.gather [hbm4b:s26+s4], $0x80, $0x38;
	[tilespmem:$0x1C880] =	vst v63  }
0x188: {  	s13 =	simm.s32 $0x3A00  }
0x189: {  	[tilespmem:s13], [sflag:$0x7] =	stream.linear.gather [hbm4b:s28+s4], $0x80, $0x38;
	[tilespmem:$0x1C880] =	vst v63  }
0x18a: {  	s18 =	simm.s32 $0x3E00  }
0x18b: {  	[tilespmem:s18], [sflag:$0x7] =	stream.linear.gather [hbm4b:s29+s4], $0x80, $0x38;
	[tilespmem:$0x1C880] =	vst v63  }
0x18c: {  	s1 =	simm.s32 $0x4200  }
0x18d: {  	[tilespmem:s1], [sflag:$0x7] =	stream.linear.gather [hbm4b:s30+s4], $0x80, $0x38;
	[tilespmem:$0x1C880] =	vst v63  }
0x18e: {  	s12 =	simm.s32 $0x2680  }
0x18f: {  	[tilespmem:s12], [sflag:$0x7] =	stream.linear.gather [hbm4b:s23+s4], $0x80, $0x38;
	[tilespmem:$0x1C880] =	vst v63  }
0x190: {  	s13 =	simm.s32 $0x2A80  }
0x191: {  	[tilespmem:s13], [sflag:$0x7] =	stream.linear.gather [hbm4b:s16+s4], $0x80, $0x38;
	[tilespmem:$0x1C880] =	vst v63  }
0x192: {  	s18 =	simm.s32 $0x2E80  }
0x193: {  	[tilespmem:s18], [sflag:$0x7] =	stream.linear.gather [hbm4b:s24+s4], $0x80, $0x38;
	[tilespmem:$0x1C880] =	vst v63  }
0x194: {  	s1 =	simm.s32 $0x3280  }
0x195: {  	[tilespmem:s1], [sflag:$0x7] =	stream.linear.gather [hbm4b:s25+s4], $0x80, $0x38;
	[tilespmem:$0x1C880] =	vst v63  }
0x196: {  	s12 =	simm.s32 $0x3680  }
0x197: {  	[tilespmem:s12], [sflag:$0x7] =	stream.linear.gather [hbm4b:s26+s4], $0x80, $0x38;
	[tilespmem:$0x1C880] =	vst v63  }
0x198: {  	s13 =	simm.s32 $0x3A80  }
0x199: {  	[tilespmem:s13], [sflag:$0x7] =	stream.linear.gather [hbm4b:s28+s4], $0x80, $0x38;
	[tilespmem:$0x1C880] =	vst v63  }
0x19a: {  	s18 =	simm.s32 $0x3E80  }
0x19b: {  	[tilespmem:s18], [sflag:$0x7] =	stream.linear.gather [hbm4b:s29+s4], $0x80, $0x38;
	[tilespmem:$0x1C880] =	vst v63  }
0x19c: {  	s1 =	simm.s32 $0x4280  }
0x19d: {  	[tilespmem:s1], [sflag:$0x7] =	stream.linear.gather [hbm4b:s30+s4], $0x80, $0x38;
	[tilespmem:$0x1C880] =	vst v63  }
0x19e: {  	s12 =	simm.s32 $0x2700  }
0x19f: {  	[tilespmem:s12], [sflag:$0x7] =	stream.linear.gather [hbm4b:s23+s4], $0x80, $0x38;
	[tilespmem:$0x1C880] =	vst v63  }
0x1a0: {  	s13 =	simm.s32 $0x2B00  }
0x1a1: {  	[tilespmem:s13], [sflag:$0x7] =	stream.linear.gather [hbm4b:s16+s4], $0x80, $0x38;
	[tilespmem:$0x1C880] =	vst v63  }
0x1a2: {  	s18 =	simm.s32 $0x2F00  }
0x1a3: {  	[tilespmem:s18], [sflag:$0x7] =	stream.linear.gather [hbm4b:s24+s4], $0x80, $0x38;
	[tilespmem:$0x1C880] =	vst v63  }
0x1a4: {  	s1 =	simm.s32 $0x3300  }
0x1a5: {  	[tilespmem:s1], [sflag:$0x7] =	stream.linear.gather [hbm4b:s25+s4], $0x80, $0x38;
	[tilespmem:$0x1C880] =	vst v63  }
0x1a6: {  	s12 =	simm.s32 $0x3700  }
0x1a7: {  	[tilespmem:s12], [sflag:$0x7] =	stream.linear.gather [hbm4b:s26+s4], $0x80, $0x38;
	[tilespmem:$0x1C880] =	vst v63  }
0x1a8: {  	s13 =	simm.s32 $0x3B00  }
0x1a9: {  	[tilespmem:s13], [sflag:$0x7] =	stream.linear.gather [hbm4b:s28+s4], $0x80, $0x38;
	[tilespmem:$0x1C880] =	vst v63  }
0x1aa: {  	s18 =	simm.s32 $0x3F00  }
0x1ab: {  	[tilespmem:s18], [sflag:$0x7] =	stream.linear.gather [hbm4b:s29+s4], $0x80, $0x38;
	[tilespmem:$0x1C880] =	vst v63  }
0x1ac: {  	s1 =	simm.s32 $0x4300  }
0x1ad: {  	[tilespmem:s1], [sflag:$0x7] =	stream.linear.gather [hbm4b:s30+s4], $0x80, $0x38;
	[tilespmem:$0x1C880] =	vst v63  }
0x1ae: {  	s12 =	simm.s32 $0x2780  }
0x1af: {  	[tilespmem:s12], [sflag:$0x7] =	stream.linear.gather [hbm4b:s23+s4], $0x80, $0x38;
	[tilespmem:$0x1C880] =	vst v63  }
0x1b0: {  	s13 =	simm.s32 $0x2B80  }
0x1b1: {  	[tilespmem:s13], [sflag:$0x7] =	stream.linear.gather [hbm4b:s16+s4], $0x80, $0x38;
	[tilespmem:$0x1C880] =	vst v63  }
0x1b2: {  	s18 =	simm.s32 $0x2F80  }
0x1b3: {  	[tilespmem:s18], [sflag:$0x7] =	stream.linear.gather [hbm4b:s24+s4], $0x80, $0x38;
	[tilespmem:$0x1C880] =	vst v63  }
0x1b4: {  	s23 =	simm.s32 $0x3380  }
0x1b5: {  	[tilespmem:s23], [sflag:$0x7] =	stream.linear.gather [hbm4b:s25+s4], $0x80, $0x38;
	[tilespmem:$0x1C880] =	vst v63  }
0x1b6: {  	s24 =	simm.s32 $0x3780  }
0x1b7: {  	[tilespmem:s24], [sflag:$0x7] =	stream.linear.gather [hbm4b:s26+s4], $0x80, $0x38;
	[tilespmem:$0x1C880] =	vst v63  }
0x1b8: {  	s25 =	simm.s32 $0x3B80  }
0x1b9: {  	[tilespmem:s25], [sflag:$0x7] =	stream.linear.gather [hbm4b:s28+s4], $0x80, $0x38;
	[tilespmem:$0x1C880] =	vst v63  }
0x1ba: {  	s26 =	simm.s32 $0x3F80  }
0x1bb: {  	[tilespmem:s26], [sflag:$0x7] =	stream.linear.gather [hbm4b:s29+s4], $0x80, $0x38;
	[tilespmem:$0x1C880] =	vst v63  }
0x1bc: {  	s28 =	simm.s32 $0x4380  }
0x1bd: {  	[tilespmem:s28], [sflag:$0x7] =	stream.linear.gather [hbm4b:s30+s4], $0x80, $0x38;
	[tilespmem:$0x1C880] =	vst v63  }
0x1be: {  	s29 =	rddreg [dreg:$0x6]  }
0x1bf: {  	[tilespmem:s4], [sflag:$0x8] =	stream.linear.gather [hbm4b:s29+s4], $0x400, $0x38;
	[tilespmem:$0x1C880] =	vst v63  }
0x1c0: {  	_ =	swait.ge [sflag:s10], $0x400  }
0x1c1: {  	[sflag:s10] =	ssyncset.done $0x0  }
0x1c2: {  	[sflag:s10] =	ssyncadd.s32 $0xFFFFFC00  }
0x1c3: {  	v3 =	vld [tilespmem:$0x0];
	_ =	sdelay $0x4  }
0x1c4: {  	vm0 =	vlt.f32 v3, $1.000000010e-01  }
0x1c5: {  	v3 =	vsel vm0, $0x1, v2  }
0x1c6: {  	(xrf0) =	vadd.scan.msk.s32 $0xffff, v3;
	_ =	sdelay $0x5  }
0x1c7: {  	v3, _, _ =	vpop (xrf0)  }
0x1c8: {  	v5 =	vld [tilespmem:$0x1FF70];
	v4 =	vadd.s32 $0xFFFFFFFF, v3;
	_ =	sdelay $0x4  }
0x1c9: {  	[tilespmem:v4+s11+$0x0] =	vst.idx.msk vm0, v5  }
0x1ca: {  	v5 =	vld [tilespmem:$0x10];
	_ =	sdelay $0x4  }
0x1cb: {  	vm13 =	vlt.f32 v5, $1.000000010e-01  }
0x1cc: {  	v5 =	vsel vm13, $0x1, v2  }
0x1cd: {  	(xrf0) =	vadd.scan.msk.s32 $0xffff, v5;
	_ =	sdelay $0x5  }
0x1ce: {  	(v2sf) =	vpush v3, $0xF;
	v4 =	vbroadcast v4, $0xF;
	v3, _, _ =	vpop (xrf0)  }
0x1cf: {  	(v2sf) =	vpush v3, $0xF  }
0x1d0: {  	v3 =	vadd.s32 v3, v4;
	v4 =	vld [tilespmem:$0x1FF80];
	_ =	sdelay $0x4  }
0x1d1: {  	[tilespmem:v3+s11+$0x0] =	vst.idx.msk vm13, v4  }
0x1d2: {  	v3 =	vld [tilespmem:$0x20];
	_ =	sdelay $0x4  }
0x1d3: {  	vm14 =	vlt.f32 v3, $1.000000010e-01  }
0x1d4: {  	v3 =	vsel vm14, $0x1, v2  }
0x1d5: {  	s30 =	spop (v2sf);
	(xrf0) =	vadd.scan.msk.s32 $0xffff, v3  }
0x1d6: {  	s1 =	spop (v2sf)  }
0x1d7: {  	s23 =	sadd.s32 s30, s1  }
0x1d8: {  	v3 =	vmov s23  }
0x1d9: {  	v3 =	vadd.s32 $0xFFFFFFFF, v3  }
0x1da: {  	v3 =	vbroadcast v3, $0x0  }
0x1db: {  	v4, _, _ =	vpop (xrf0)  }
0x1dc: {  	(v2sf) =	vpush v4, $0xF;
	v3 =	vadd.s32 v4, v3;
	v4 =	vld [tilespmem:$0x1FF90];
	_ =	sdelay $0x4  }
0x1dd: {  	[tilespmem:v3+s11+$0x0] =	vst.idx.msk vm14, v4  }
0x1de: {  	v3 =	vld [tilespmem:$0x30];
	_ =	sdelay $0x4  }
0x1df: {  	vm15 =	vlt.f32 v3, $1.000000010e-01  }
0x1e0: {  	v3 =	vsel vm15, $0x1, v2  }
0x1e1: {  	(xrf0) =	vadd.scan.msk.s32 $0xffff, v3;
	_ =	sdelay $0x1  }
0x1e2: {  	s12 =	spop (v2sf)  }
0x1e3: {  	s23 =	sadd.s32 s23, s12  }
0x1e4: {  	v3 =	vmov s23  }
0x1e5: {  	v3 =	vadd.s32 $0xFFFFFFFF, v3  }
0x1e6: {  	v3 =	vbroadcast v3, $0x0;
	v4, _, _ =	vpop (xrf0)  }
0x1e7: {  	(v2sf) =	vpush v4, $0xF  }
0x1e8: {  	v3 =	vadd.s32 v4, v3;
	v4 =	vld [tilespmem:$0x1FFA0];
	_ =	sdelay $0x4  }
0x1e9: {  	[tilespmem:v3+s11+$0x0] =	vst.idx.msk vm15, v4  }
0x1ea: {  	v3 =	vld [tilespmem:$0x40];
	_ =	sdelay $0x4  }
0x1eb: {  	vm4 =	vlt.f32 v3, $1.000000010e-01  }
0x1ec: {  	v3 =	vsel vm4, $0x1, v2  }
0x1ed: {  	(xrf0) =	vadd.scan.msk.s32 $0xffff, v3  }
0x1ee: {  	s13 =	spop (v2sf)  }
0x1ef: {  	s23 =	sadd.s32 s23, s13  }
0x1f0: {  	v3 =	vmov s23  }
0x1f1: {  	v3 =	vadd.s32 $0xFFFFFFFF, v3  }
0x1f2: {  	v3 =	vbroadcast v3, $0x0  }
0x1f3: {  	v4, _, _ =	vpop (xrf0)  }
0x1f4: {  	(v2sf) =	vpush v4, $0xF;
	v3 =	vadd.s32 v4, v3;
	v4 =	vld [tilespmem:$0x1FFB0];
	_ =	sdelay $0x4  }
0x1f5: {  	[tilespmem:v3+s11+$0x0] =	vst.idx.msk vm4, v4  }
0x1f6: {  	v3 =	vld [tilespmem:$0x50];
	_ =	sdelay $0x4  }
0x1f7: {  	vm5 =	vlt.f32 v3, $1.000000010e-01  }
0x1f8: {  	v3 =	vsel vm5, $0x1, v2  }
0x1f9: {  	(xrf0) =	vadd.scan.msk.s32 $0xffff, v3;
	_ =	sdelay $0x1  }
0x1fa: {  	s16 =	spop (v2sf)  }
0x1fb: {  	s23 =	sadd.s32 s23, s16  }
0x1fc: {  	v3 =	vmov s23  }
0x1fd: {  	v3 =	vadd.s32 $0xFFFFFFFF, v3  }
0x1fe: {  	v3 =	vbroadcast v3, $0x0;
	v4, _, _ =	vpop (xrf0)  }
0x1ff: {  	(v2sf) =	vpush v4, $0xF  }
0x200: {  	v3 =	vadd.s32 v4, v3;
	v4 =	vld [tilespmem:$0x1FFC0];
	_ =	sdelay $0x4  }
0x201: {  	[tilespmem:v3+s11+$0x0] =	vst.idx.msk vm5, v4  }
0x202: {  	v3 =	vld [tilespmem:$0x60];
	_ =	sdelay $0x4  }
0x203: {  	vm6 =	vlt.f32 v3, $1.000000010e-01  }
0x204: {  	v3 =	vsel vm6, $0x1, v2  }
0x205: {  	(xrf0) =	vadd.scan.msk.s32 $0xffff, v3  }
0x206: {  	s17 =	spop (v2sf)  }
0x207: {  	s23 =	sadd.s32 s23, s17  }
0x208: {  	v3 =	vmov s23  }
0x209: {  	v3 =	vadd.s32 $0xFFFFFFFF, v3  }
0x20a: {  	v3 =	vbroadcast v3, $0x0  }
0x20b: {  	v4, _, _ =	vpop (xrf0)  }
0x20c: {  	(v2sf) =	vpush v4, $0xF;
	v3 =	vadd.s32 v4, v3;
	v4 =	vld [tilespmem:$0x1FFD0];
	_ =	sdelay $0x4  }
0x20d: {  	[tilespmem:v3+s11+$0x0] =	vst.idx.msk vm6, v4  }
0x20e: {  	v3 =	vld [tilespmem:$0x70];
	_ =	sdelay $0x4  }
0x20f: {  	vm7 =	vlt.f32 v3, $1.000000010e-01  }
0x210: {  	v3 =	vsel vm7, $0x1, v2  }
0x211: {  	(xrf0) =	vadd.scan.msk.s32 $0xffff, v3;
	_ =	sdelay $0x1  }
0x212: {  	s18 =	spop (v2sf)  }
0x213: {  	s23 =	sadd.s32 s23, s18  }
0x214: {  	v3 =	vmov s23  }
0x215: {  	v3 =	vadd.s32 $0xFFFFFFFF, v3  }
0x216: {  	v3 =	vbroadcast v3, $0x0;
	v4, _, _ =	vpop (xrf0)  }
0x217: {  	(v2sf) =	vpush v4, $0xF  }
0x218: {  	v3 =	vadd.s32 v4, v3;
	v4 =	vld [tilespmem:$0x1FFE0];
	_ =	sdelay $0x4  }
0x219: {  	[tilespmem:v3+s11+$0x0] =	vst.idx.msk vm7, v4  }
0x21a: {  	v3 =	vld [tilespmem:$0x80];
	_ =	sdelay $0x4  }
0x21b: {  	vm8 =	vlt.f32 v3, $1.000000010e-01  }
0x21c: {  	v3 =	vsel vm8, $0x1, v2  }
0x21d: {  	(xrf0) =	vadd.scan.msk.s32 $0xffff, v3  }
0x21e: {  	s25 =	spop (v2sf)  }
0x21f: {  	s23 =	sadd.s32 s23, s25  }
0x220: {  	v3 =	vmov s23  }
0x221: {  	v3 =	vadd.s32 $0xFFFFFFFF, v3  }
0x222: {  	v3 =	vbroadcast v3, $0x0  }
0x223: {  	v4, _, _ =	vpop (xrf0)  }
0x224: {  	(v2sf) =	vpush v4, $0xF;
	v3 =	vadd.s32 v4, v3;
	v4 =	vld [tilespmem:$0x1FFF0];
	_ =	sdelay $0x4  }
0x225: {  	[tilespmem:v3+s11+$0x0] =	vst.idx.msk vm8, v4  }
0x226: {  	v3 =	vld [tilespmem:$0x90];
	_ =	sdelay $0x4  }
0x227: {  	vm9 =	vlt.f32 v3, $1.000000010e-01  }
0x228: {  	v3 =	vsel vm9, $0x1, v2  }
0x229: {  	(xrf0) =	vadd.scan.msk.s32 $0xffff, v3;
	_ =	sdelay $0x1  }
0x22a: {  	s26 =	spop (v2sf)  }
0x22b: {  	s23 =	sadd.s32 s23, s26  }
0x22c: {  	v3 =	vmov s23  }
0x22d: {  	v3 =	vadd.s32 $0xFFFFFFFF, v3  }
0x22e: {  	v3 =	vbroadcast v3, $0x0;
	v4, _, _ =	vpop (xrf0)  }
0x22f: {  	(v2sf) =	vpush v4, $0xF  }
0x230: {  	v3 =	vadd.s32 v4, v3;
	_ =	sdelay $0x4  }
0x231: {  	[tilespmem:v3+s11+$0x0] =	vst.idx.msk vm9, v10  }
0x232: {  	v3 =	vld [tilespmem:$0xA0];
	_ =	sdelay $0x4  }
0x233: {  	vm10 =	vlt.f32 v3, $1.000000010e-01  }
0x234: {  	v3 =	vsel vm10, $0x1, v2  }
0x235: {  	(xrf0) =	vadd.scan.msk.s32 $0xffff, v3  }
0x236: {  	s28 =	spop (v2sf)  }
0x237: {  	s23 =	sadd.s32 s23, s28  }
0x238: {  	v3 =	vmov s23  }
0x239: {  	v3 =	vadd.s32 $0xFFFFFFFF, v3  }
0x23a: {  	v3 =	vbroadcast v3, $0x0  }
0x23b: {  	v4, _, _ =	vpop (xrf0)  }
0x23c: {  	(v2sf) =	vpush v4, $0xF;
	v3 =	vadd.s32 v4, v3;
	_ =	sdelay $0x4  }
0x23d: {  	[tilespmem:v3+s11+$0x0] =	vst.idx.msk vm10, v11  }
0x23e: {  	v3 =	vld [tilespmem:$0xB0];
	_ =	sdelay $0x4  }
0x23f: {  	vm11 =	vlt.f32 v3, $1.000000010e-01  }
0x240: {  	v3 =	vsel vm11, $0x1, v2  }
0x241: {  	(xrf0) =	vadd.scan.msk.s32 $0xffff, v3;
	_ =	sdelay $0x1  }
0x242: {  	s29 =	spop (v2sf)  }
0x243: {  	s23 =	sadd.s32 s23, s29  }
0x244: {  	v3 =	vmov s23  }
0x245: {  	v3 =	vadd.s32 $0xFFFFFFFF, v3  }
0x246: {  	v3 =	vbroadcast v3, $0x0;
	v4, _, _ =	vpop (xrf0)  }
0x247: {  	(v2sf) =	vpush v4, $0xF  }
0x248: {  	v3 =	vadd.s32 v4, v3;
	_ =	sdelay $0x4  }
0x249: {  	[tilespmem:v3+s11+$0x0] =	vst.idx.msk vm11, v12  }
0x24a: {  	v3 =	vld [tilespmem:$0xC0];
	_ =	sdelay $0x4  }
0x24b: {  	vm12 =	vlt.f32 v3, $1.000000010e-01  }
0x24c: {  	v3 =	vsel vm12, $0x1, v2  }
0x24d: {  	(xrf0) =	vadd.scan.msk.s32 $0xffff, v3  }
0x24e: {  	s30 =	spop (v2sf)  }
0x24f: {  	s23 =	sadd.s32 s23, s30  }
0x250: {  	v3 =	vmov s23  }
0x251: {  	v3 =	vadd.s32 $0xFFFFFFFF, v3  }
0x252: {  	v3 =	vbroadcast v3, $0x0  }
0x253: {  	v4, _, _ =	vpop (xrf0)  }
0x254: {  	(v2sf) =	vpush v4, $0xF;
	v3 =	vadd.s32 v4, v3;
	_ =	sdelay $0x4  }
0x255: {  	[tilespmem:v3+s11+$0x0] =	vst.idx.msk vm12, v13  }
0x256: {  	v3 =	vld [tilespmem:$0xD0];
	_ =	sdelay $0x4  }
0x257: {  	vm13 =	vlt.f32 v3, $1.000000010e-01  }
0x258: {  	v3 =	vsel vm13, $0x1, v2  }
0x259: {  	(xrf0) =	vadd.scan.msk.s32 $0xffff, v3;
	_ =	sdelay $0x1  }
0x25a: {  	s1 =	spop (v2sf)  }
0x25b: {  	s23 =	sadd.s32 s23, s1  }
0x25c: {  	v3 =	vmov s23  }
0x25d: {  	v3 =	vadd.s32 $0xFFFFFFFF, v3  }
0x25e: {  	v3 =	vbroadcast v3, $0x0;
	v4, _, _ =	vpop (xrf0)  }
0x25f: {  	(v2sf) =	vpush v4, $0xF  }
0x260: {  	v3 =	vadd.s32 v4, v3;
	_ =	sdelay $0x4  }
0x261: {  	[tilespmem:v3+s11+$0x0] =	vst.idx.msk vm13, v14  }
0x262: {  	v3 =	vld [tilespmem:$0xE0];
	_ =	sdelay $0x4  }
0x263: {  	vm14 =	vlt.f32 v3, $1.000000010e-01  }
0x264: {  	v3 =	vsel vm14, $0x1, v2  }
0x265: {  	(xrf0) =	vadd.scan.msk.s32 $0xffff, v3  }
0x266: {  	s12 =	spop (v2sf)  }
0x267: {  	s23 =	sadd.s32 s23, s12  }
0x268: {  	v3 =	vmov s23  }
0x269: {  	v3 =	vadd.s32 $0xFFFFFFFF, v3  }
0x26a: {  	v3 =	vbroadcast v3, $0x0  }
0x26b: {  	v4, _, _ =	vpop (xrf0)  }
0x26c: {  	(v2sf) =	vpush v4, $0xF;
	v3 =	vadd.s32 v4, v3;
	_ =	sdelay $0x4  }
0x26d: {  	[tilespmem:v3+s11+$0x0] =	vst.idx.msk vm14, v15  }
0x26e: {  	v3 =	vld [tilespmem:$0xF0];
	_ =	sdelay $0x4  }
0x26f: {  	vm15 =	vlt.f32 v3, $1.000000010e-01  }
0x270: {  	v3 =	vsel vm15, $0x1, v2  }
0x271: {  	(xrf0) =	vadd.scan.msk.s32 $0xffff, v3;
	_ =	sdelay $0x1  }
0x272: {  	s13 =	spop (v2sf)  }
0x273: {  	s23 =	sadd.s32 s23, s13  }
0x274: {  	v3 =	vmov s23  }
0x275: {  	v3 =	vadd.s32 $0xFFFFFFFF, v3  }
0x276: {  	v3 =	vbroadcast v3, $0x0;
	v4, _, _ =	vpop (xrf0)  }
0x277: {  	(v2sf) =	vpush v4, $0xF  }
0x278: {  	v3 =	vadd.s32 v4, v3;
	_ =	sdelay $0x4  }
0x279: {  	[tilespmem:v3+s11+$0x0] =	vst.idx.msk vm15, v16  }
0x27a: {  	v3 =	vld [tilespmem:$0x100];
	_ =	sdelay $0x4  }
0x27b: {  	vm4 =	vlt.f32 v3, $1.000000010e-01  }
0x27c: {  	v3 =	vsel vm4, $0x1, v2  }
0x27d: {  	(xrf0) =	vadd.scan.msk.s32 $0xffff, v3  }
0x27e: {  	s16 =	spop (v2sf)  }
0x27f: {  	s23 =	sadd.s32 s23, s16  }
0x280: {  	v3 =	vmov s23  }
0x281: {  	v3 =	vadd.s32 $0xFFFFFFFF, v3  }
0x282: {  	v3 =	vbroadcast v3, $0x0  }
0x283: {  	v4, _, _ =	vpop (xrf0)  }
0x284: {  	(v2sf) =	vpush v4, $0xF;
	v3 =	vadd.s32 v4, v3;
	_ =	sdelay $0x4  }
0x285: {  	[tilespmem:v3+s11+$0x0] =	vst.idx.msk vm4, v17  }
0x286: {  	v3 =	vld [tilespmem:$0x110];
	_ =	sdelay $0x4  }
0x287: {  	vm5 =	vlt.f32 v3, $1.000000010e-01  }
0x288: {  	v3 =	vsel vm5, $0x1, v2  }
0x289: {  	(xrf0) =	vadd.scan.msk.s32 $0xffff, v3;
	_ =	sdelay $0x1  }
0x28a: {  	s17 =	spop (v2sf)  }
0x28b: {  	s23 =	sadd.s32 s23, s17  }
0x28c: {  	v3 =	vmov s23  }
0x28d: {  	v3 =	vadd.s32 $0xFFFFFFFF, v3  }
0x28e: {  	v3 =	vbroadcast v3, $0x0;
	v4, _, _ =	vpop (xrf0)  }
0x28f: {  	(v2sf) =	vpush v4, $0xF  }
0x290: {  	v3 =	vadd.s32 v4, v3;
	_ =	sdelay $0x4  }
0x291: {  	[tilespmem:v3+s11+$0x0] =	vst.idx.msk vm5, v18  }
0x292: {  	v3 =	vld [tilespmem:$0x120];
	_ =	sdelay $0x4  }
0x293: {  	vm6 =	vlt.f32 v3, $1.000000010e-01  }
0x294: {  	v3 =	vsel vm6, $0x1, v2  }
0x295: {  	(xrf0) =	vadd.scan.msk.s32 $0xffff, v3  }
0x296: {  	s18 =	spop (v2sf)  }
0x297: {  	s23 =	sadd.s32 s23, s18  }
0x298: {  	v3 =	vmov s23  }
0x299: {  	v3 =	vadd.s32 $0xFFFFFFFF, v3  }
0x29a: {  	v3 =	vbroadcast v3, $0x0  }
0x29b: {  	v4, _, _ =	vpop (xrf0)  }
0x29c: {  	(v2sf) =	vpush v4, $0xF;
	v3 =	vadd.s32 v4, v3;
	_ =	sdelay $0x4  }
0x29d: {  	[tilespmem:v3+s11+$0x0] =	vst.idx.msk vm6, v19  }
0x29e: {  	v3 =	vld [tilespmem:$0x130];
	_ =	sdelay $0x4  }
0x29f: {  	vm7 =	vlt.f32 v3, $1.000000010e-01  }
0x2a0: {  	v3 =	vsel vm7, $0x1, v2  }
0x2a1: {  	(xrf0) =	vadd.scan.msk.s32 $0xffff, v3;
	_ =	sdelay $0x1  }
0x2a2: {  	s25 =	spop (v2sf)  }
0x2a3: {  	s23 =	sadd.s32 s23, s25  }
0x2a4: {  	v3 =	vmov s23  }
0x2a5: {  	v3 =	vadd.s32 $0xFFFFFFFF, v3  }
0x2a6: {  	v3 =	vbroadcast v3, $0x0;
	v4, _, _ =	vpop (xrf0)  }
0x2a7: {  	(v2sf) =	vpush v4, $0xF  }
0x2a8: {  	v3 =	vadd.s32 v4, v3;
	_ =	sdelay $0x4  }
0x2a9: {  	[tilespmem:v3+s11+$0x0] =	vst.idx.msk vm7, v20  }
0x2aa: {  	v3 =	vld [tilespmem:$0x140];
	_ =	sdelay $0x4  }
0x2ab: {  	vm8 =	vlt.f32 v3, $1.000000010e-01  }
0x2ac: {  	v3 =	vsel vm8, $0x1, v2  }
0x2ad: {  	(xrf0) =	vadd.scan.msk.s32 $0xffff, v3  }
0x2ae: {  	s26 =	spop (v2sf)  }
0x2af: {  	s23 =	sadd.s32 s23, s26  }
0x2b0: {  	v3 =	vmov s23  }
0x2b1: {  	v3 =	vadd.s32 $0xFFFFFFFF, v3  }
0x2b2: {  	v3 =	vbroadcast v3, $0x0  }
0x2b3: {  	v4, _, _ =	vpop (xrf0)  }
0x2b4: {  	(v2sf) =	vpush v4, $0xF;
	v3 =	vadd.s32 v4, v3;
	_ =	sdelay $0x4  }
0x2b5: {  	[tilespmem:v3+s11+$0x0] =	vst.idx.msk vm8, v21  }
0x2b6: {  	v3 =	vld [tilespmem:$0x150];
	_ =	sdelay $0x4  }
0x2b7: {  	vm9 =	vlt.f32 v3, $1.000000010e-01  }
0x2b8: {  	v3 =	vsel vm9, $0x1, v2  }
0x2b9: {  	(xrf0) =	vadd.scan.msk.s32 $0xffff, v3;
	_ =	sdelay $0x1  }
0x2ba: {  	s28 =	spop (v2sf)  }
0x2bb: {  	s23 =	sadd.s32 s23, s28  }
0x2bc: {  	v3 =	vmov s23  }
0x2bd: {  	v3 =	vadd.s32 $0xFFFFFFFF, v3  }
0x2be: {  	v3 =	vbroadcast v3, $0x0;
	v4, _, _ =	vpop (xrf0)  }
0x2bf: {  	(v2sf) =	vpush v4, $0xF  }
0x2c0: {  	v3 =	vadd.s32 v4, v3;
	_ =	sdelay $0x4  }
0x2c1: {  	[tilespmem:v3+s11+$0x0] =	vst.idx.msk vm9, v22  }
0x2c2: {  	v3 =	vld [tilespmem:$0x160];
	_ =	sdelay $0x4  }
0x2c3: {  	vm10 =	vlt.f32 v3, $1.000000010e-01  }
0x2c4: {  	v3 =	vsel vm10, $0x1, v2  }
0x2c5: {  	(xrf0) =	vadd.scan.msk.s32 $0xffff, v3  }
0x2c6: {  	s29 =	spop (v2sf)  }
0x2c7: {  	s23 =	sadd.s32 s23, s29  }
0x2c8: {  	v3 =	vmov s23  }
0x2c9: {  	v3 =	vadd.s32 $0xFFFFFFFF, v3  }
0x2ca: {  	v3 =	vbroadcast v3, $0x0  }
0x2cb: {  	v4, _, _ =	vpop (xrf0)  }
0x2cc: {  	(v2sf) =	vpush v4, $0xF;
	v3 =	vadd.s32 v4, v3;
	_ =	sdelay $0x4  }
0x2cd: {  	[tilespmem:v3+s11+$0x0] =	vst.idx.msk vm10, v23  }
0x2ce: {  	v3 =	vld [tilespmem:$0x170];
	_ =	sdelay $0x4  }
0x2cf: {  	vm11 =	vlt.f32 v3, $1.000000010e-01  }
0x2d0: {  	v3 =	vsel vm11, $0x1, v2  }
0x2d1: {  	(xrf0) =	vadd.scan.msk.s32 $0xffff, v3;
	_ =	sdelay $0x1  }
0x2d2: {  	s30 =	spop (v2sf)  }
0x2d3: {  	s23 =	sadd.s32 s23, s30  }
0x2d4: {  	v3 =	vmov s23  }
0x2d5: {  	v3 =	vadd.s32 $0xFFFFFFFF, v3  }
0x2d6: {  	v3 =	vbroadcast v3, $0x0;
	v4, _, _ =	vpop (xrf0)  }
0x2d7: {  	(v2sf) =	vpush v4, $0xF  }
0x2d8: {  	v3 =	vadd.s32 v4, v3;
	_ =	sdelay $0x4  }
0x2d9: {  	[tilespmem:v3+s11+$0x0] =	vst.idx.msk vm11, v24  }
0x2da: {  	v3 =	vld [tilespmem:$0x180];
	_ =	sdelay $0x4  }
0x2db: {  	vm12 =	vlt.f32 v3, $1.000000010e-01  }
0x2dc: {  	v3 =	vsel vm12, $0x1, v2  }
0x2dd: {  	(xrf0) =	vadd.scan.msk.s32 $0xffff, v3  }
0x2de: {  	s1 =	spop (v2sf)  }
0x2df: {  	s23 =	sadd.s32 s23, s1  }
0x2e0: {  	v3 =	vmov s23  }
0x2e1: {  	v3 =	vadd.s32 $0xFFFFFFFF, v3  }
0x2e2: {  	v3 =	vbroadcast v3, $0x0  }
0x2e3: {  	v4, _, _ =	vpop (xrf0)  }
0x2e4: {  	(v2sf) =	vpush v4, $0xF;
	v3 =	vadd.s32 v4, v3;
	_ =	sdelay $0x4  }
0x2e5: {  	[tilespmem:v3+s11+$0x0] =	vst.idx.msk vm12, v25  }
0x2e6: {  	v3 =	vld [tilespmem:$0x190];
	_ =	sdelay $0x4  }
0x2e7: {  	vm13 =	vlt.f32 v3, $1.000000010e-01  }
0x2e8: {  	v3 =	vsel vm13, $0x1, v2  }
0x2e9: {  	(xrf0) =	vadd.scan.msk.s32 $0xffff, v3;
	_ =	sdelay $0x1  }
0x2ea: {  	s12 =	spop (v2sf)  }
0x2eb: {  	s23 =	sadd.s32 s23, s12  }
0x2ec: {  	v3 =	vmov s23  }
0x2ed: {  	v3 =	vadd.s32 $0xFFFFFFFF, v3  }
0x2ee: {  	v3 =	vbroadcast v3, $0x0;
	v4, _, _ =	vpop (xrf0)  }
0x2ef: {  	(v2sf) =	vpush v4, $0xF  }
0x2f0: {  	v3 =	vadd.s32 v4, v3;
	_ =	sdelay $0x4  }
0x2f1: {  	[tilespmem:v3+s11+$0x0] =	vst.idx.msk vm13, v26  }
0x2f2: {  	v3 =	vld [tilespmem:$0x1A0];
	_ =	sdelay $0x4  }
0x2f3: {  	vm14 =	vlt.f32 v3, $1.000000010e-01  }
0x2f4: {  	v3 =	vsel vm14, $0x1, v2  }
0x2f5: {  	(xrf0) =	vadd.scan.msk.s32 $0xffff, v3  }
0x2f6: {  	s13 =	spop (v2sf)  }
0x2f7: {  	s23 =	sadd.s32 s23, s13  }
0x2f8: {  	v3 =	vmov s23  }
0x2f9: {  	v3 =	vadd.s32 $0xFFFFFFFF, v3  }
0x2fa: {  	v3 =	vbroadcast v3, $0x0  }
0x2fb: {  	v4, _, _ =	vpop (xrf0)  }
0x2fc: {  	(v2sf) =	vpush v4, $0xF;
	v3 =	vadd.s32 v4, v3;
	_ =	sdelay $0x4  }
0x2fd: {  	[tilespmem:v3+s11+$0x0] =	vst.idx.msk vm14, v27  }
0x2fe: {  	v3 =	vld [tilespmem:$0x1B0];
	_ =	sdelay $0x4  }
0x2ff: {  	vm15 =	vlt.f32 v3, $1.000000010e-01  }
0x300: {  	v3 =	vsel vm15, $0x1, v2  }
0x301: {  	(xrf0) =	vadd.scan.msk.s32 $0xffff, v3;
	_ =	sdelay $0x1  }
0x302: {  	s16 =	spop (v2sf)  }
0x303: {  	s23 =	sadd.s32 s23, s16  }
0x304: {  	v3 =	vmov s23  }
0x305: {  	v3 =	vadd.s32 $0xFFFFFFFF, v3  }
0x306: {  	v3 =	vbroadcast v3, $0x0;
	v4, _, _ =	vpop (xrf0)  }
0x307: {  	(v2sf) =	vpush v4, $0xF  }
0x308: {  	v3 =	vadd.s32 v4, v3;
	_ =	sdelay $0x4  }
0x309: {  	[tilespmem:v3+s11+$0x0] =	vst.idx.msk vm15, v28  }
0x30a: {  	v3 =	vld [tilespmem:$0x1C0];
	_ =	sdelay $0x4  }
0x30b: {  	vm4 =	vlt.f32 v3, $1.000000010e-01  }
0x30c: {  	v3 =	vsel vm4, $0x1, v2  }
0x30d: {  	(xrf0) =	vadd.scan.msk.s32 $0xffff, v3  }
0x30e: {  	s17 =	spop (v2sf)  }
0x30f: {  	s23 =	sadd.s32 s23, s17  }
0x310: {  	v3 =	vmov s23  }
0x311: {  	v3 =	vadd.s32 $0xFFFFFFFF, v3  }
0x312: {  	v3 =	vbroadcast v3, $0x0  }
0x313: {  	v4, _, _ =	vpop (xrf0)  }
0x314: {  	(v2sf) =	vpush v4, $0xF;
	v3 =	vadd.s32 v4, v3;
	_ =	sdelay $0x4  }
0x315: {  	[tilespmem:v3+s11+$0x0] =	vst.idx.msk vm4, v29  }
0x316: {  	v3 =	vld [tilespmem:$0x1D0];
	_ =	sdelay $0x4  }
0x317: {  	vm5 =	vlt.f32 v3, $1.000000010e-01  }
0x318: {  	v3 =	vsel vm5, $0x1, v2  }
0x319: {  	(xrf0) =	vadd.scan.msk.s32 $0xffff, v3;
	_ =	sdelay $0x1  }
0x31a: {  	s18 =	spop (v2sf)  }
0x31b: {  	s23 =	sadd.s32 s23, s18  }
0x31c: {  	v3 =	vmov s23  }
0x31d: {  	v3 =	vadd.s32 $0xFFFFFFFF, v3  }
0x31e: {  	v3 =	vbroadcast v3, $0x0;
	v4, _, _ =	vpop (xrf0)  }
0x31f: {  	(v2sf) =	vpush v4, $0xF  }
0x320: {  	v3 =	vadd.s32 v4, v3;
	_ =	sdelay $0x4  }
0x321: {  	[tilespmem:v3+s11+$0x0] =	vst.idx.msk vm5, v30  }
0x322: {  	v3 =	vld [tilespmem:$0x1E0];
	_ =	sdelay $0x4  }
0x323: {  	vm6 =	vlt.f32 v3, $1.000000010e-01  }
0x324: {  	v3 =	vsel vm6, $0x1, v2  }
0x325: {  	(xrf0) =	vadd.scan.msk.s32 $0xffff, v3  }
0x326: {  	s25 =	spop (v2sf)  }
0x327: {  	s23 =	sadd.s32 s23, s25  }
0x328: {  	v3 =	vmov s23  }
0x329: {  	v3 =	vadd.s32 $0xFFFFFFFF, v3  }
0x32a: {  	v3 =	vbroadcast v3, $0x0  }
0x32b: {  	v4, _, _ =	vpop (xrf0)  }
0x32c: {  	(v2sf) =	vpush v4, $0xF;
	v3 =	vadd.s32 v4, v3;
	_ =	sdelay $0x4  }
0x32d: {  	[tilespmem:v3+s11+$0x0] =	vst.idx.msk vm6, v31  }
0x32e: {  	v3 =	vld [tilespmem:$0x1F0];
	_ =	sdelay $0x4  }
0x32f: {  	vm7 =	vlt.f32 v3, $1.000000010e-01  }
0x330: {  	v3 =	vsel vm7, $0x1, v2  }
0x331: {  	(xrf0) =	vadd.scan.msk.s32 $0xffff, v3;
	_ =	sdelay $0x1  }
0x332: {  	s26 =	spop (v2sf)  }
0x333: {  	s23 =	sadd.s32 s23, s26  }
0x334: {  	v3 =	vmov s23  }
0x335: {  	v3 =	vadd.s32 $0xFFFFFFFF, v3  }
0x336: {  	v3 =	vbroadcast v3, $0x0;
	v4, _, _ =	vpop (xrf0)  }
0x337: {  	(v2sf) =	vpush v4, $0xF  }
0x338: {  	v3 =	vadd.s32 v4, v3;
	_ =	sdelay $0x4  }
0x339: {  	[tilespmem:v3+s11+$0x0] =	vst.idx.msk vm7, v32  }
0x33a: {  	v3 =	vld [tilespmem:$0x200];
	_ =	sdelay $0x4  }
0x33b: {  	vm8 =	vlt.f32 v3, $1.000000010e-01  }
0x33c: {  	v3 =	vsel vm8, $0x1, v2  }
0x33d: {  	(xrf0) =	vadd.scan.msk.s32 $0xffff, v3  }
0x33e: {  	s28 =	spop (v2sf)  }
0x33f: {  	s23 =	sadd.s32 s23, s28  }
0x340: {  	v3 =	vmov s23  }
0x341: {  	v3 =	vadd.s32 $0xFFFFFFFF, v3  }
0x342: {  	v3 =	vbroadcast v3, $0x0  }
0x343: {  	v4, _, _ =	vpop (xrf0)  }
0x344: {  	(v2sf) =	vpush v4, $0xF;
	v3 =	vadd.s32 v4, v3;
	_ =	sdelay $0x4  }
0x345: {  	[tilespmem:v3+s11+$0x0] =	vst.idx.msk vm8, v33  }
0x346: {  	v3 =	vld [tilespmem:$0x210];
	_ =	sdelay $0x4  }
0x347: {  	vm9 =	vlt.f32 v3, $1.000000010e-01  }
0x348: {  	v3 =	vsel vm9, $0x1, v2  }
0x349: {  	(xrf0) =	vadd.scan.msk.s32 $0xffff, v3;
	_ =	sdelay $0x1  }
0x34a: {  	s29 =	spop (v2sf)  }
0x34b: {  	s23 =	sadd.s32 s23, s29  }
0x34c: {  	v3 =	vmov s23  }
0x34d: {  	v3 =	vadd.s32 $0xFFFFFFFF, v3  }
0x34e: {  	v3 =	vbroadcast v3, $0x0;
	v4, _, _ =	vpop (xrf0)  }
0x34f: {  	(v2sf) =	vpush v4, $0xF  }
0x350: {  	v3 =	vadd.s32 v4, v3;
	_ =	sdelay $0x4  }
0x351: {  	[tilespmem:v3+s11+$0x0] =	vst.idx.msk vm9, v34  }
0x352: {  	v3 =	vld [tilespmem:$0x220];
	_ =	sdelay $0x4  }
0x353: {  	vm10 =	vlt.f32 v3, $1.000000010e-01  }
0x354: {  	v3 =	vsel vm10, $0x1, v2  }
0x355: {  	(xrf0) =	vadd.scan.msk.s32 $0xffff, v3  }
0x356: {  	s30 =	spop (v2sf)  }
0x357: {  	s23 =	sadd.s32 s23, s30  }
0x358: {  	v3 =	vmov s23  }
0x359: {  	v3 =	vadd.s32 $0xFFFFFFFF, v3  }
0x35a: {  	v3 =	vbroadcast v3, $0x0  }
0x35b: {  	v4, _, _ =	vpop (xrf0)  }
0x35c: {  	(v2sf) =	vpush v4, $0xF;
	v3 =	vadd.s32 v4, v3;
	_ =	sdelay $0x4  }
0x35d: {  	[tilespmem:v3+s11+$0x0] =	vst.idx.msk vm10, v35  }
0x35e: {  	v3 =	vld [tilespmem:$0x230];
	_ =	sdelay $0x4  }
0x35f: {  	vm11 =	vlt.f32 v3, $1.000000010e-01  }
0x360: {  	v3 =	vsel vm11, $0x1, v2  }
0x361: {  	(xrf0) =	vadd.scan.msk.s32 $0xffff, v3;
	_ =	sdelay $0x1  }
0x362: {  	s1 =	spop (v2sf)  }
0x363: {  	s23 =	sadd.s32 s23, s1  }
0x364: {  	v3 =	vmov s23  }
0x365: {  	v3 =	vadd.s32 $0xFFFFFFFF, v3  }
0x366: {  	v3 =	vbroadcast v3, $0x0;
	v4, _, _ =	vpop (xrf0)  }
0x367: {  	(v2sf) =	vpush v4, $0xF  }
0x368: {  	v3 =	vadd.s32 v4, v3;
	_ =	sdelay $0x4  }
0x369: {  	[tilespmem:v3+s11+$0x0] =	vst.idx.msk vm11, v36  }
0x36a: {  	v3 =	vld [tilespmem:$0x240];
	_ =	sdelay $0x4  }
0x36b: {  	vm12 =	vlt.f32 v3, $1.000000010e-01  }
0x36c: {  	v3 =	vsel vm12, $0x1, v2  }
0x36d: {  	(xrf0) =	vadd.scan.msk.s32 $0xffff, v3  }
0x36e: {  	s12 =	spop (v2sf)  }
0x36f: {  	s23 =	sadd.s32 s23, s12  }
0x370: {  	v3 =	vmov s23  }
0x371: {  	v3 =	vadd.s32 $0xFFFFFFFF, v3  }
0x372: {  	v3 =	vbroadcast v3, $0x0  }
0x373: {  	v4, _, _ =	vpop (xrf0)  }
0x374: {  	(v2sf) =	vpush v4, $0xF;
	v3 =	vadd.s32 v4, v3;
	_ =	sdelay $0x4  }
0x375: {  	[tilespmem:v3+s11+$0x0] =	vst.idx.msk vm12, v37  }
0x376: {  	v3 =	vld [tilespmem:$0x250];
	_ =	sdelay $0x4  }
0x377: {  	vm13 =	vlt.f32 v3, $1.000000010e-01  }
0x378: {  	v3 =	vsel vm13, $0x1, v2  }
0x379: {  	(xrf0) =	vadd.scan.msk.s32 $0xffff, v3;
	_ =	sdelay $0x1  }
0x37a: {  	s13 =	spop (v2sf)  }
0x37b: {  	s23 =	sadd.s32 s23, s13  }
0x37c: {  	v3 =	vmov s23  }
0x37d: {  	v3 =	vadd.s32 $0xFFFFFFFF, v3  }
0x37e: {  	v3 =	vbroadcast v3, $0x0;
	v4, _, _ =	vpop (xrf0)  }
0x37f: {  	(v2sf) =	vpush v4, $0xF  }
0x380: {  	v3 =	vadd.s32 v4, v3;
	_ =	sdelay $0x4  }
0x381: {  	[tilespmem:v3+s11+$0x0] =	vst.idx.msk vm13, v38  }
0x382: {  	v3 =	vld [tilespmem:$0x260];
	_ =	sdelay $0x4  }
0x383: {  	vm14 =	vlt.f32 v3, $1.000000010e-01  }
0x384: {  	v3 =	vsel vm14, $0x1, v2  }
0x385: {  	(xrf0) =	vadd.scan.msk.s32 $0xffff, v3  }
0x386: {  	s16 =	spop (v2sf)  }
0x387: {  	s23 =	sadd.s32 s23, s16  }
0x388: {  	v3 =	vmov s23  }
0x389: {  	v3 =	vadd.s32 $0xFFFFFFFF, v3  }
0x38a: {  	v3 =	vbroadcast v3, $0x0  }
0x38b: {  	v4, _, _ =	vpop (xrf0)  }
0x38c: {  	(v2sf) =	vpush v4, $0xF;
	v3 =	vadd.s32 v4, v3;
	_ =	sdelay $0x4  }
0x38d: {  	[tilespmem:v3+s11+$0x0] =	vst.idx.msk vm14, v39  }
0x38e: {  	v3 =	vld [tilespmem:$0x270];
	_ =	sdelay $0x4  }
0x38f: {  	vm15 =	vlt.f32 v3, $1.000000010e-01  }
0x390: {  	v3 =	vsel vm15, $0x1, v2  }
0x391: {  	(xrf0) =	vadd.scan.msk.s32 $0xffff, v3;
	_ =	sdelay $0x1  }
0x392: {  	s17 =	spop (v2sf)  }
0x393: {  	s23 =	sadd.s32 s23, s17  }
0x394: {  	v3 =	vmov s23  }
0x395: {  	v3 =	vadd.s32 $0xFFFFFFFF, v3  }
0x396: {  	v3 =	vbroadcast v3, $0x0;
	v4, _, _ =	vpop (xrf0)  }
0x397: {  	(v2sf) =	vpush v4, $0xF  }
0x398: {  	v3 =	vadd.s32 v4, v3;
	_ =	sdelay $0x4  }
0x399: {  	[tilespmem:v3+s11+$0x0] =	vst.idx.msk vm15, v40  }
0x39a: {  	v3 =	vld [tilespmem:$0x280];
	_ =	sdelay $0x4  }
0x39b: {  	vm4 =	vlt.f32 v3, $1.000000010e-01  }
0x39c: {  	v3 =	vsel vm4, $0x1, v2  }
0x39d: {  	(xrf0) =	vadd.scan.msk.s32 $0xffff, v3  }
0x39e: {  	s18 =	spop (v2sf)  }
0x39f: {  	s23 =	sadd.s32 s23, s18  }
0x3a0: {  	v3 =	vmov s23  }
0x3a1: {  	v3 =	vadd.s32 $0xFFFFFFFF, v3  }
0x3a2: {  	v3 =	vbroadcast v3, $0x0  }
0x3a3: {  	v4, _, _ =	vpop (xrf0)  }
0x3a4: {  	(v2sf) =	vpush v4, $0xF;
	v3 =	vadd.s32 v4, v3;
	_ =	sdelay $0x4  }
0x3a5: {  	[tilespmem:v3+s11+$0x0] =	vst.idx.msk vm4, v41  }
0x3a6: {  	v3 =	vld [tilespmem:$0x290];
	_ =	sdelay $0x4  }
0x3a7: {  	vm5 =	vlt.f32 v3, $1.000000010e-01  }
0x3a8: {  	v3 =	vsel vm5, $0x1, v2  }
0x3a9: {  	(xrf0) =	vadd.scan.msk.s32 $0xffff, v3;
	_ =	sdelay $0x1  }
0x3aa: {  	s25 =	spop (v2sf)  }
0x3ab: {  	s23 =	sadd.s32 s23, s25  }
0x3ac: {  	v3 =	vmov s23  }
0x3ad: {  	v3 =	vadd.s32 $0xFFFFFFFF, v3  }
0x3ae: {  	v3 =	vbroadcast v3, $0x0;
	v4, _, _ =	vpop (xrf0)  }
0x3af: {  	(v2sf) =	vpush v4, $0xF  }
0x3b0: {  	v3 =	vadd.s32 v4, v3;
	_ =	sdelay $0x4  }
0x3b1: {  	[tilespmem:v3+s11+$0x0] =	vst.idx.msk vm5, v42  }
0x3b2: {  	v3 =	vld [tilespmem:$0x2A0];
	_ =	sdelay $0x4  }
0x3b3: {  	vm6 =	vlt.f32 v3, $1.000000010e-01  }
0x3b4: {  	v3 =	vsel vm6, $0x1, v2  }
0x3b5: {  	(xrf0) =	vadd.scan.msk.s32 $0xffff, v3  }
0x3b6: {  	s26 =	spop (v2sf)  }
0x3b7: {  	s23 =	sadd.s32 s23, s26  }
0x3b8: {  	v3 =	vmov s23  }
0x3b9: {  	v3 =	vadd.s32 $0xFFFFFFFF, v3  }
0x3ba: {  	v3 =	vbroadcast v3, $0x0  }
0x3bb: {  	v4, _, _ =	vpop (xrf0)  }
0x3bc: {  	(v2sf) =	vpush v4, $0xF;
	v3 =	vadd.s32 v4, v3;
	_ =	sdelay $0x4  }
0x3bd: {  	[tilespmem:v3+s11+$0x0] =	vst.idx.msk vm6, v43  }
0x3be: {  	v3 =	vld [tilespmem:$0x2B0];
	_ =	sdelay $0x4  }
0x3bf: {  	vm7 =	vlt.f32 v3, $1.000000010e-01  }
0x3c0: {  	v3 =	vsel vm7, $0x1, v2  }
0x3c1: {  	(xrf0) =	vadd.scan.msk.s32 $0xffff, v3;
	_ =	sdelay $0x1  }
0x3c2: {  	s28 =	spop (v2sf)  }
0x3c3: {  	s23 =	sadd.s32 s23, s28  }
0x3c4: {  	v3 =	vmov s23  }
0x3c5: {  	v3 =	vadd.s32 $0xFFFFFFFF, v3  }
0x3c6: {  	v3 =	vbroadcast v3, $0x0;
	v4, _, _ =	vpop (xrf0)  }
0x3c7: {  	(v2sf) =	vpush v4, $0xF  }
0x3c8: {  	v3 =	vadd.s32 v4, v3;
	_ =	sdelay $0x4  }
0x3c9: {  	[tilespmem:v3+s11+$0x0] =	vst.idx.msk vm7, v44  }
0x3ca: {  	v3 =	vld [tilespmem:$0x2C0];
	_ =	sdelay $0x4  }
0x3cb: {  	vm8 =	vlt.f32 v3, $1.000000010e-01  }
0x3cc: {  	v3 =	vsel vm8, $0x1, v2  }
0x3cd: {  	(xrf0) =	vadd.scan.msk.s32 $0xffff, v3  }
0x3ce: {  	s29 =	spop (v2sf)  }
0x3cf: {  	s23 =	sadd.s32 s23, s29  }
0x3d0: {  	v3 =	vmov s23  }
0x3d1: {  	v3 =	vadd.s32 $0xFFFFFFFF, v3  }
0x3d2: {  	v3 =	vbroadcast v3, $0x0  }
0x3d3: {  	v4, _, _ =	vpop (xrf0)  }
0x3d4: {  	(v2sf) =	vpush v4, $0xF;
	v3 =	vadd.s32 v4, v3;
	_ =	sdelay $0x4  }
0x3d5: {  	[tilespmem:v3+s11+$0x0] =	vst.idx.msk vm8, v45  }
0x3d6: {  	v3 =	vld [tilespmem:$0x2D0];
	_ =	sdelay $0x4  }
0x3d7: {  	vm9 =	vlt.f32 v3, $1.000000010e-01  }
0x3d8: {  	v3 =	vsel vm9, $0x1, v2  }
0x3d9: {  	(xrf0) =	vadd.scan.msk.s32 $0xffff, v3;
	_ =	sdelay $0x1  }
0x3da: {  	s30 =	spop (v2sf)  }
0x3db: {  	s23 =	sadd.s32 s23, s30  }
0x3dc: {  	v3 =	vmov s23  }
0x3dd: {  	v3 =	vadd.s32 $0xFFFFFFFF, v3  }
0x3de: {  	v3 =	vbroadcast v3, $0x0;
	v4, _, _ =	vpop (xrf0)  }
0x3df: {  	(v2sf) =	vpush v4, $0xF  }
0x3e0: {  	v3 =	vadd.s32 v4, v3;
	_ =	sdelay $0x4  }
0x3e1: {  	[tilespmem:v3+s11+$0x0] =	vst.idx.msk vm9, v46  }
0x3e2: {  	v3 =	vld [tilespmem:$0x2E0];
	_ =	sdelay $0x4  }
0x3e3: {  	vm10 =	vlt.f32 v3, $1.000000010e-01  }
0x3e4: {  	v3 =	vsel vm10, $0x1, v2  }
0x3e5: {  	(xrf0) =	vadd.scan.msk.s32 $0xffff, v3  }
0x3e6: {  	s1 =	spop (v2sf)  }
0x3e7: {  	s23 =	sadd.s32 s23, s1  }
0x3e8: {  	v3 =	vmov s23  }
0x3e9: {  	v3 =	vadd.s32 $0xFFFFFFFF, v3  }
0x3ea: {  	v3 =	vbroadcast v3, $0x0  }
0x3eb: {  	v4, _, _ =	vpop (xrf0)  }
0x3ec: {  	(v2sf) =	vpush v4, $0xF;
	v3 =	vadd.s32 v4, v3;
	_ =	sdelay $0x4  }
0x3ed: {  	[tilespmem:v3+s11+$0x0] =	vst.idx.msk vm10, v47  }
0x3ee: {  	v3 =	vld [tilespmem:$0x2F0];
	_ =	sdelay $0x4  }
0x3ef: {  	vm11 =	vlt.f32 v3, $1.000000010e-01  }
0x3f0: {  	v3 =	vsel vm11, $0x1, v2  }
0x3f1: {  	(xrf0) =	vadd.scan.msk.s32 $0xffff, v3;
	_ =	sdelay $0x1  }
0x3f2: {  	s12 =	spop (v2sf)  }
0x3f3: {  	s23 =	sadd.s32 s23, s12  }
0x3f4: {  	v3 =	vmov s23  }
0x3f5: {  	v3 =	vadd.s32 $0xFFFFFFFF, v3  }
0x3f6: {  	v3 =	vbroadcast v3, $0x0;
	v4, _, _ =	vpop (xrf0)  }
0x3f7: {  	(v2sf) =	vpush v4, $0xF  }
0x3f8: {  	v3 =	vadd.s32 v4, v3;
	_ =	sdelay $0x4  }
0x3f9: {  	[tilespmem:v3+s11+$0x0] =	vst.idx.msk vm11, v48  }
0x3fa: {  	v3 =	vld [tilespmem:$0x300];
	_ =	sdelay $0x4  }
0x3fb: {  	vm12 =	vlt.f32 v3, $1.000000010e-01  }
0x3fc: {  	v3 =	vsel vm12, $0x1, v2  }
0x3fd: {  	(xrf0) =	vadd.scan.msk.s32 $0xffff, v3  }
0x3fe: {  	s13 =	spop (v2sf)  }
0x3ff: {  	s23 =	sadd.s32 s23, s13  }
0x400: {  	v3 =	vmov s23  }
0x401: {  	v3 =	vadd.s32 $0xFFFFFFFF, v3  }
0x402: {  	v3 =	vbroadcast v3, $0x0  }
0x403: {  	v4, _, _ =	vpop (xrf0)  }
0x404: {  	(v2sf) =	vpush v4, $0xF;
	v3 =	vadd.s32 v4, v3;
	_ =	sdelay $0x4  }
0x405: {  	[tilespmem:v3+s11+$0x0] =	vst.idx.msk vm12, v49  }
0x406: {  	v3 =	vld [tilespmem:$0x310];
	_ =	sdelay $0x4  }
0x407: {  	vm13 =	vlt.f32 v3, $1.000000010e-01  }
0x408: {  	v3 =	vsel vm13, $0x1, v2  }
0x409: {  	(xrf0) =	vadd.scan.msk.s32 $0xffff, v3;
	_ =	sdelay $0x1  }
0x40a: {  	s16 =	spop (v2sf)  }
0x40b: {  	s23 =	sadd.s32 s23, s16  }
0x40c: {  	v3 =	vmov s23  }
0x40d: {  	v3 =	vadd.s32 $0xFFFFFFFF, v3  }
0x40e: {  	v3 =	vbroadcast v3, $0x0;
	v4, _, _ =	vpop (xrf0)  }
0x40f: {  	(v2sf) =	vpush v4, $0xF  }
0x410: {  	v3 =	vadd.s32 v4, v3;
	_ =	sdelay $0x4  }
0x411: {  	[tilespmem:v3+s11+$0x0] =	vst.idx.msk vm13, v50  }
0x412: {  	v3 =	vld [tilespmem:$0x320];
	_ =	sdelay $0x4  }
0x413: {  	vm14 =	vlt.f32 v3, $1.000000010e-01  }
0x414: {  	v3 =	vsel vm14, $0x1, v2  }
0x415: {  	(xrf0) =	vadd.scan.msk.s32 $0xffff, v3  }
0x416: {  	s17 =	spop (v2sf)  }
0x417: {  	s23 =	sadd.s32 s23, s17  }
0x418: {  	v3 =	vmov s23  }
0x419: {  	v3 =	vadd.s32 $0xFFFFFFFF, v3  }
0x41a: {  	v3 =	vbroadcast v3, $0x0  }
0x41b: {  	v4, _, _ =	vpop (xrf0)  }
0x41c: {  	(v2sf) =	vpush v4, $0xF;
	v3 =	vadd.s32 v4, v3;
	_ =	sdelay $0x4  }
0x41d: {  	[tilespmem:v3+s11+$0x0] =	vst.idx.msk vm14, v51  }
0x41e: {  	v3 =	vld [tilespmem:$0x330];
	_ =	sdelay $0x4  }
0x41f: {  	vm15 =	vlt.f32 v3, $1.000000010e-01  }
0x420: {  	v3 =	vsel vm15, $0x1, v2  }
0x421: {  	(xrf0) =	vadd.scan.msk.s32 $0xffff, v3;
	_ =	sdelay $0x1  }
0x422: {  	s18 =	spop (v2sf)  }
0x423: {  	s23 =	sadd.s32 s23, s18  }
0x424: {  	v3 =	vmov s23  }
0x425: {  	v3 =	vadd.s32 $0xFFFFFFFF, v3  }
0x426: {  	v3 =	vbroadcast v3, $0x0;
	v4, _, _ =	vpop (xrf0)  }
0x427: {  	(v2sf) =	vpush v4, $0xF  }
0x428: {  	v3 =	vadd.s32 v4, v3;
	_ =	sdelay $0x4  }
0x429: {  	[tilespmem:v3+s11+$0x0] =	vst.idx.msk vm15, v52  }
0x42a: {  	v3 =	vld [tilespmem:$0x340];
	_ =	sdelay $0x4  }
0x42b: {  	vm4 =	vlt.f32 v3, $1.000000010e-01  }
0x42c: {  	v3 =	vsel vm4, $0x1, v2  }
0x42d: {  	(xrf0) =	vadd.scan.msk.s32 $0xffff, v3  }
0x42e: {  	s25 =	spop (v2sf)  }
0x42f: {  	s23 =	sadd.s32 s23, s25  }
0x430: {  	v3 =	vmov s23  }
0x431: {  	v3 =	vadd.s32 $0xFFFFFFFF, v3  }
0x432: {  	v3 =	vbroadcast v3, $0x0  }
0x433: {  	v4, _, _ =	vpop (xrf0)  }
0x434: {  	(v2sf) =	vpush v4, $0xF;
	v3 =	vadd.s32 v4, v3;
	_ =	sdelay $0x4  }
0x435: {  	[tilespmem:v3+s11+$0x0] =	vst.idx.msk vm4, v53  }
0x436: {  	v3 =	vld [tilespmem:$0x350];
	_ =	sdelay $0x4  }
0x437: {  	vm5 =	vlt.f32 v3, $1.000000010e-01  }
0x438: {  	v3 =	vsel vm5, $0x1, v2  }
0x439: {  	(xrf0) =	vadd.scan.msk.s32 $0xffff, v3;
	_ =	sdelay $0x1  }
0x43a: {  	s26 =	spop (v2sf)  }
0x43b: {  	s23 =	sadd.s32 s23, s26  }
0x43c: {  	v3 =	vmov s23  }
0x43d: {  	v3 =	vadd.s32 $0xFFFFFFFF, v3  }
0x43e: {  	v3 =	vbroadcast v3, $0x0;
	v4, _, _ =	vpop (xrf0)  }
0x43f: {  	(v2sf) =	vpush v4, $0xF  }
0x440: {  	v3 =	vadd.s32 v4, v3;
	_ =	sdelay $0x4  }
0x441: {  	[tilespmem:v3+s11+$0x0] =	vst.idx.msk vm5, v54  }
0x442: {  	v3 =	vld [tilespmem:$0x360];
	_ =	sdelay $0x4  }
0x443: {  	vm6 =	vlt.f32 v3, $1.000000010e-01  }
0x444: {  	v3 =	vsel vm6, $0x1, v2  }
0x445: {  	(xrf0) =	vadd.scan.msk.s32 $0xffff, v3  }
0x446: {  	s28 =	spop (v2sf)  }
0x447: {  	s23 =	sadd.s32 s23, s28  }
0x448: {  	v3 =	vmov s23  }
0x449: {  	v3 =	vadd.s32 $0xFFFFFFFF, v3  }
0x44a: {  	v3 =	vbroadcast v3, $0x0  }
0x44b: {  	v4, _, _ =	vpop (xrf0)  }
0x44c: {  	(v2sf) =	vpush v4, $0xF;
	v3 =	vadd.s32 v4, v3;
	_ =	sdelay $0x4  }
0x44d: {  	[tilespmem:v3+s11+$0x0] =	vst.idx.msk vm6, v55  }
0x44e: {  	v3 =	vld [tilespmem:$0x370];
	_ =	sdelay $0x4  }
0x44f: {  	vm7 =	vlt.f32 v3, $1.000000010e-01  }
0x450: {  	v3 =	vsel vm7, $0x1, v2  }
0x451: {  	(xrf0) =	vadd.scan.msk.s32 $0xffff, v3;
	_ =	sdelay $0x1  }
0x452: {  	s29 =	spop (v2sf)  }
0x453: {  	s23 =	sadd.s32 s23, s29  }
0x454: {  	v3 =	vmov s23  }
0x455: {  	v3 =	vadd.s32 $0xFFFFFFFF, v3  }
0x456: {  	v3 =	vbroadcast v3, $0x0;
	v4, _, _ =	vpop (xrf0)  }
0x457: {  	(v2sf) =	vpush v4, $0xF  }
0x458: {  	v3 =	vadd.s32 v4, v3;
	_ =	sdelay $0x4  }
0x459: {  	[tilespmem:v3+s11+$0x0] =	vst.idx.msk vm7, v56  }
0x45a: {  	v3 =	vld [tilespmem:$0x380];
	_ =	sdelay $0x4  }
0x45b: {  	vm8 =	vlt.f32 v3, $1.000000010e-01  }
0x45c: {  	v3 =	vsel vm8, $0x1, v2  }
0x45d: {  	(xrf0) =	vadd.scan.msk.s32 $0xffff, v3  }
0x45e: {  	s30 =	spop (v2sf)  }
0x45f: {  	s23 =	sadd.s32 s23, s30  }
0x460: {  	v3 =	vmov s23  }
0x461: {  	v3 =	vadd.s32 $0xFFFFFFFF, v3  }
0x462: {  	v3 =	vbroadcast v3, $0x0  }
0x463: {  	v4, _, _ =	vpop (xrf0)  }
0x464: {  	(v2sf) =	vpush v4, $0xF;
	v3 =	vadd.s32 v4, v3;
	_ =	sdelay $0x4  }
0x465: {  	[tilespmem:v3+s11+$0x0] =	vst.idx.msk vm8, v57  }
0x466: {  	v3 =	vld [tilespmem:$0x390];
	_ =	sdelay $0x4  }
0x467: {  	vm9 =	vlt.f32 v3, $1.000000010e-01  }
0x468: {  	v3 =	vsel vm9, $0x1, v2  }
0x469: {  	(xrf0) =	vadd.scan.msk.s32 $0xffff, v3;
	_ =	sdelay $0x1  }
0x46a: {  	s1 =	spop (v2sf)  }
0x46b: {  	s23 =	sadd.s32 s23, s1  }
0x46c: {  	v3 =	vmov s23  }
0x46d: {  	v3 =	vadd.s32 $0xFFFFFFFF, v3  }
0x46e: {  	v3 =	vbroadcast v3, $0x0;
	v4, _, _ =	vpop (xrf0)  }
0x46f: {  	(v2sf) =	vpush v4, $0xF  }
0x470: {  	v3 =	vadd.s32 v4, v3;
	_ =	sdelay $0x4  }
0x471: {  	[tilespmem:v3+s11+$0x0] =	vst.idx.msk vm9, v58  }
0x472: {  	v3 =	vld [tilespmem:$0x3A0];
	_ =	sdelay $0x4  }
0x473: {  	vm10 =	vlt.f32 v3, $1.000000010e-01  }
0x474: {  	v3 =	vsel vm10, $0x1, v2  }
0x475: {  	(xrf0) =	vadd.scan.msk.s32 $0xffff, v3  }
0x476: {  	s12 =	spop (v2sf)  }
0x477: {  	s23 =	sadd.s32 s23, s12  }
0x478: {  	v3 =	vmov s23  }
0x479: {  	v3 =	vadd.s32 $0xFFFFFFFF, v3  }
0x47a: {  	v3 =	vbroadcast v3, $0x0  }
0x47b: {  	v4, _, _ =	vpop (xrf0)  }
0x47c: {  	(v2sf) =	vpush v4, $0xF;
	v3 =	vadd.s32 v4, v3;
	_ =	sdelay $0x4  }
0x47d: {  	[tilespmem:v3+s11+$0x0] =	vst.idx.msk vm10, v59  }
0x47e: {  	v3 =	vld [tilespmem:$0x3B0];
	_ =	sdelay $0x4  }
0x47f: {  	vm11 =	vlt.f32 v3, $1.000000010e-01  }
0x480: {  	v3 =	vsel vm11, $0x1, v2  }
0x481: {  	(xrf0) =	vadd.scan.msk.s32 $0xffff, v3;
	_ =	sdelay $0x1  }
0x482: {  	s13 =	spop (v2sf)  }
0x483: {  	s23 =	sadd.s32 s23, s13  }
0x484: {  	v3 =	vmov s23  }
0x485: {  	v3 =	vadd.s32 $0xFFFFFFFF, v3  }
0x486: {  	v3 =	vbroadcast v3, $0x0;
	v4, _, _ =	vpop (xrf0)  }
0x487: {  	(v2sf) =	vpush v4, $0xF  }
0x488: {  	v3 =	vadd.s32 v4, v3;
	_ =	sdelay $0x4  }
0x489: {  	[tilespmem:v3+s11+$0x0] =	vst.idx.msk vm11, v60  }
0x48a: {  	v3 =	vld [tilespmem:$0x3C0];
	_ =	sdelay $0x4  }
0x48b: {  	vm12 =	vlt.f32 v3, $1.000000010e-01  }
0x48c: {  	v3 =	vsel vm12, $0x1, v2  }
0x48d: {  	(xrf0) =	vadd.scan.msk.s32 $0xffff, v3  }
0x48e: {  	s16 =	spop (v2sf)  }
0x48f: {  	s23 =	sadd.s32 s23, s16  }
0x490: {  	v3 =	vmov s23  }
0x491: {  	v3 =	vadd.s32 $0xFFFFFFFF, v3  }
0x492: {  	v3 =	vbroadcast v3, $0x0  }
0x493: {  	v4, _, _ =	vpop (xrf0)  }
0x494: {  	(v2sf) =	vpush v4, $0xF;
	v3 =	vadd.s32 v4, v3;
	_ =	sdelay $0x4  }
0x495: {  	[tilespmem:v3+s11+$0x0] =	vst.idx.msk vm12, v61  }
0x496: {  	v3 =	vld [tilespmem:$0x3D0];
	_ =	sdelay $0x4  }
0x497: {  	vm13 =	vlt.f32 v3, $1.000000010e-01  }
0x498: {  	v3 =	vsel vm13, $0x1, v2  }
0x499: {  	(xrf0) =	vadd.scan.msk.s32 $0xffff, v3;
	_ =	sdelay $0x1  }
0x49a: {  	s17 =	spop (v2sf)  }
0x49b: {  	s23 =	sadd.s32 s23, s17  }
0x49c: {  	v3 =	vmov s23  }
0x49d: {  	v3 =	vadd.s32 $0xFFFFFFFF, v3  }
0x49e: {  	v3 =	vbroadcast v3, $0x0;
	v4, _, _ =	vpop (xrf0)  }
0x49f: {  	(v2sf) =	vpush v4, $0xF  }
0x4a0: {  	v3 =	vadd.s32 v4, v3;
	_ =	sdelay $0x4  }
0x4a1: {  	[tilespmem:v3+s11+$0x0] =	vst.idx.msk vm13, v62  }
0x4a2: {  	v3 =	vld [tilespmem:$0x3E0];
	_ =	sdelay $0x4  }
0x4a3: {  	vm14 =	vlt.f32 v3, $1.000000010e-01  }
0x4a4: {  	v3 =	vsel vm14, $0x1, v2  }
0x4a5: {  	(xrf0) =	vadd.scan.msk.s32 $0xffff, v3  }
0x4a6: {  	s18 =	spop (v2sf)  }
0x4a7: {  	s23 =	sadd.s32 s23, s18  }
0x4a8: {  	v3 =	vmov s23  }
0x4a9: {  	v3 =	vadd.s32 $0xFFFFFFFF, v3  }
0x4aa: {  	v3 =	vbroadcast v3, $0x0  }
0x4ab: {  	v4, _, _ =	vpop (xrf0)  }
0x4ac: {  	v3 =	vadd.s32 v4, v3;
	_ =	sdelay $0x4  }
0x4ad: {  	[tilespmem:v3+s11+$0x0] =	vst.idx.msk vm14, v63  }
0x4ae: {  	v3 =	vld [tilespmem:$0x3F0];
	_ =	sdelay $0x3  }
0x4af: {  	(v2sf) =	vpush v4, $0xF  }
0x4b0: {  	vm15 =	vlt.f32 v3, $1.000000010e-01  }
0x4b1: {  	v3 =	vsel vm15, $0x1, v2  }
0x4b2: {  	(xrf0) =	vadd.scan.msk.s32 $0xffff, v3;
	_ =	sdelay $0x5  }
0x4b3: {  	v3, _, _ =	vpop (xrf0)  }
0x4b4: {  	(v2sf) =	vpush v3, $0xF;
	_ =	sdelay $0x4  }
0x4b5: {  	s25 =	spop (v2sf)  }
0x4b6: {  	s26 =	sadd.s32 s23, s25  }
0x4b7: {  	v4 =	vmov s26  }
0x4b8: {  	v4 =	vadd.s32 $0xFFFFFFFF, v4  }
0x4b9: {  	v4 =	vbroadcast v4, $0x0;
	_ =	sdelay $0x1  }
0x4ba: {  	v3 =	vadd.s32 v3, v4;
	_ =	sdelay $0x1  }
0x4bb: {  	s12 =	rddreg [dreg:$0x7]  }
0x4bc: {  	s28 =	stileid.u32;
	s13 =	rddreg [dreg:$0x8]  }
0x4bd: {  	s30 =	sshll.u32 s28, $0x6;
	[smem:$0x79B] =	sst s26;
	s29 =	spop (v2sf)  }
0x4be: {  	s28 =	sor.u32 $0x1C01, s30;
	s23 =	sshrl.u32 s12, $0x3;
	[tilespmem:v3+s11+$0x0] =	vst.idx.msk vm15, v1;
	[smem:$0x79C] =	sst s29  }
0x4bf: {  	[spmem:s23], [sflag:s28] =	dma.local [hbm:s13], $0x1000  }
0x4c0: {  	s1 =	sld [smem:$0x7C7];
	_ =	sdelay $0x1  }
0x4c1: {  	s25 =	sor.u32 $0x1C02, s30;
	s24 =	rddreg [dreg:$0x9]  }
0x4c2: {  	[spmem:s1], [sflag:s25] =	dma.local [hbm:s24], $0x1000  }
0x4c3: {  	s18 =	sld [smem:$0x7C8];
	_ =	sdelay $0x1  }
0x4c4: {  	s29 =	sor.u32 $0x1C03, s30;
	s13 =	simm.s32 $0x1;
	s24 =	rddreg [dreg:$0xa]  }
0x4c5: {  	[spmem:s18], [sflag:s29] =	dma.local [hbm:s24], $0x1000  }
0x4c6: {  	_ =	swait.ge [sflag:s13], $0x1000  }
0x4c7: {  	[sflag:s13] =	ssyncset.done $0x0  }
0x4c8: {  	s24 =	sor.u32 $0x1C04, s30;
	s16 =	rddreg [dreg:$0xb];
	[sflag:s13] =	ssyncadd.s32 $0xFFFFF000  }
0x4c9: {  	[hbm:s16], [sflag:s24] =	dma.local [spmem:s23], $0x1000  }
0x4ca: {  	_ =	swait.ge [sflag:s14], $0x1000  }
0x4cb: {  	[sflag:s14] =	ssyncset.done $0x0  }
0x4cc: {  	s17 =	rddreg [dreg:$0xc];
	[sflag:s14] =	ssyncadd.s32 $0xFFFFF000  }
0x4cd: {  	[spmem:s23], [sflag:s28] =	dma.local [hbm:s17], $0x1000  }
0x4ce: {  	_ =	swait.ge [sflag:s15], $0x1000  }
0x4cf: {  	[sflag:s15] =	ssyncset.done $0x0  }
0x4d0: {  	s26 =	sor.u32 $0x1C05, s30;
	s12 =	rddreg [dreg:$0xd];
	[sflag:s15] =	ssyncadd.s32 $0xFFFFF000  }
0x4d1: {  	[hbm:s12], [sflag:s26] =	dma.local [spmem:s1], $0x1000  }
0x4d2: {  	_ =	swait.ge [sflag:s19], $0x1000  }
0x4d3: {  	[sflag:s19] =	ssyncset.done $0x0  }
0x4d4: {  	s17 =	rddreg [dreg:$0xe];
	[sflag:s19] =	ssyncadd.s32 $0xFFFFF000  }
0x4d5: {  	[spmem:s1], [sflag:s25] =	dma.local [hbm:s17], $0x1000  }
0x4d6: {  	s17 =	simm.s32 $0x3  }
0x4d7: {  	_ =	swait.ge [sflag:s17], $0x1000  }
0x4d8: {  	[sflag:s17] =	ssyncset.done $0x0  }
0x4d9: {  	s30 =	sor.u32 $0x1C06, s30;
	s12 =	rddreg [dreg:$0xf];
	[sflag:s17] =	ssyncadd.s32 $0xFFFFF000  }
0x4da: {  	[hbm:s12], [sflag:s30] =	dma.local [spmem:s18], $0x1000  }
0x4db: {  	s12 =	simm.s32 $0x6  }
0x4dc: {  	_ =	swait.ge [sflag:s12], $0x1000  }
0x4dd: {  	[sflag:s12] =	ssyncset.done $0x0  }
0x4de: {  	s16 =	rddreg [dreg:$0x12];
	[sflag:s12] =	ssyncadd.s32 $0xFFFFF000  }
0x4df: {  	[spmem:s18], [sflag:s29] =	dma.local [hbm:s16], $0x1000  }
0x4e0: {  	_ =	swait.ge [sflag:s13], $0x1000  }
0x4e1: {  	[sflag:s13] =	ssyncset.done $0x0  }
0x4e2: {  	s16 =	rddreg [dreg:$0x10];
	[sflag:s13] =	ssyncadd.s32 $0xFFFFF000  }
0x4e3: {  	[hbm:s16], [sflag:s24] =	dma.local [spmem:s23], $0x1000  }
0x4e4: {  	_ =	swait.ge [sflag:s14], $0x1000  }
0x4e5: {  	[sflag:s14] =	ssyncset.done $0x0  }
0x4e6: {  	s16 =	rddreg [dreg:$0x14];
	[sflag:s14] =	ssyncadd.s32 $0xFFFFF000  }
0x4e7: {  	[spmem:s23], [sflag:s28] =	dma.local [hbm:s16], $0x1000  }
0x4e8: {  	_ =	swait.ge [sflag:s15], $0x1000  }
0x4e9: {  	[sflag:s15] =	ssyncset.done $0x0  }
0x4ea: {  	s16 =	rddreg [dreg:$0x11];
	[sflag:s15] =	ssyncadd.s32 $0xFFFFF000  }
0x4eb: {  	[hbm:s16], [sflag:s26] =	dma.local [spmem:s1], $0x1000  }
0x4ec: {  	_ =	swait.ge [sflag:s19], $0x1000  }
0x4ed: {  	[sflag:s19] =	ssyncset.done $0x0  }
0x4ee: {  	s16 =	rddreg [dreg:$0x16];
	[sflag:s19] =	ssyncadd.s32 $0xFFFFF000  }
0x4ef: {  	[spmem:s1], [sflag:s25] =	dma.local [hbm:s16], $0x1000  }
0x4f0: {  	_ =	swait.ge [sflag:s17], $0x1000  }
0x4f1: {  	[sflag:s17] =	ssyncset.done $0x0  }
0x4f2: {  	s16 =	rddreg [dreg:$0x13];
	[sflag:s17] =	ssyncadd.s32 $0xFFFFF000  }
0x4f3: {  	[hbm:s16], [sflag:s30] =	dma.local [spmem:s18], $0x1000  }
0x4f4: {  	_ =	swait.ge [sflag:s12], $0x1000  }
0x4f5: {  	[sflag:s12] =	ssyncset.done $0x0  }
0x4f6: {  	s16 =	rddreg [dreg:$0x18];
	[sflag:s12] =	ssyncadd.s32 $0xFFFFF000  }
0x4f7: {  	[spmem:s18], [sflag:s29] =	dma.local [hbm:s16], $0x1000  }
0x4f8: {  	_ =	swait.ge [sflag:s13], $0x1000  }
0x4f9: {  	[sflag:s13] =	ssyncset.done $0x0  }
0x4fa: {  	s16 =	rddreg [dreg:$0x15];
	[sflag:s13] =	ssyncadd.s32 $0xFFFFF000  }
0x4fb: {  	[hbm:s16], [sflag:s24] =	dma.local [spmem:s23], $0x1000  }
0x4fc: {  	_ =	swait.ge [sflag:s14], $0x1000  }
0x4fd: {  	[sflag:s14] =	ssyncset.done $0x0  }
0x4fe: {  	s16 =	rddreg [dreg:$0x1a];
	[sflag:s14] =	ssyncadd.s32 $0xFFFFF000  }
0x4ff: {  	[spmem:s23], [sflag:s28] =	dma.local [hbm:s16], $0x1000  }
0x500: {  	_ =	swait.ge [sflag:s15], $0x1000  }
0x501: {  	[sflag:s15] =	ssyncset.done $0x0  }
0x502: {  	s16 =	rddreg [dreg:$0x17];
	[sflag:s15] =	ssyncadd.s32 $0xFFFFF000  }
0x503: {  	[hbm:s16], [sflag:s26] =	dma.local [spmem:s1], $0x1000  }
0x504: {  	_ =	swait.ge [sflag:s19], $0x1000  }
0x505: {  	[sflag:s19] =	ssyncset.done $0x0  }
0x506: {  	s16 =	rddreg [dreg:$0x1c];
	[sflag:s19] =	ssyncadd.s32 $0xFFFFF000  }
0x507: {  	[spmem:s1], [sflag:s25] =	dma.local [hbm:s16], $0x1000  }
0x508: {  	_ =	swait.ge [sflag:s17], $0x1000  }
0x509: {  	[sflag:s17] =	ssyncset.done $0x0  }
0x50a: {  	s16 =	rddreg [dreg:$0x19];
	[sflag:s17] =	ssyncadd.s32 $0xFFFFF000  }
0x50b: {  	[hbm:s16], [sflag:s30] =	dma.local [spmem:s18], $0x1000  }
0x50c: {  	_ =	swait.ge [sflag:s12], $0x1000  }
0x50d: {  	[sflag:s12] =	ssyncset.done $0x0  }
0x50e: {  	s16 =	rddreg [dreg:$0x1e];
	[sflag:s12] =	ssyncadd.s32 $0xFFFFF000  }
0x50f: {  	[spmem:s18], [sflag:s29] =	dma.local [hbm:s16], $0x1000  }
0x510: {  	_ =	swait.ge [sflag:s13], $0x1000  }
0x511: {  	[sflag:s13] =	ssyncset.done $0x0  }
0x512: {  	s16 =	rddreg [dreg:$0x1b];
	[sflag:s13] =	ssyncadd.s32 $0xFFFFF000  }
0x513: {  	[hbm:s16], [sflag:s24] =	dma.local [spmem:s23], $0x1000  }
0x514: {  	_ =	swait.ge [sflag:s14], $0x1000  }
0x515: {  	s16 =	sld [smem:$0x79E]  }
0x516: {  	[sflag:s14] =	ssyncset.done $0x0  }
0x517: {  	[sflag:s14] =	ssyncadd.s32 $0xFFFFF000  }
0x518: {  	[spmem:s23], [sflag:s28] =	dma.local [hbm:s16], $0x1000  }
0x519: {  	_ =	swait.ge [sflag:s15], $0x1000  }
0x51a: {  	[sflag:s15] =	ssyncset.done $0x0  }
0x51b: {  	s16 =	rddreg [dreg:$0x1d];
	[sflag:s15] =	ssyncadd.s32 $0xFFFFF000  }
0x51c: {  	[hbm:s16], [sflag:s26] =	dma.local [spmem:s1], $0x1000  }
0x51d: {  	_ =	swait.ge [sflag:s19], $0x1000  }
0x51e: {  	s16 =	sld [smem:$0x7A0]  }
0x51f: {  	[sflag:s19] =	ssyncset.done $0x0  }
0x520: {  	[sflag:s19] =	ssyncadd.s32 $0xFFFFF000  }
0x521: {  	[spmem:s1], [sflag:s25] =	dma.local [hbm:s16], $0x1000  }
0x522: {  	_ =	swait.ge [sflag:s17], $0x1000  }
0x523: {  	[sflag:s17] =	ssyncset.done $0x0  }
0x524: {  	s16 =	rddreg [dreg:$0x1f];
	[sflag:s17] =	ssyncadd.s32 $0xFFFFF000  }
0x525: {  	[hbm:s16], [sflag:s30] =	dma.local [spmem:s18], $0x1000  }
0x526: {  	_ =	swait.ge [sflag:s12], $0x1000  }
0x527: {  	s16 =	sld [smem:$0x7A2]  }
0x528: {  	[sflag:s12] =	ssyncset.done $0x0  }
0x529: {  	[sflag:s12] =	ssyncadd.s32 $0xFFFFF000  }
0x52a: {  	[spmem:s18], [sflag:s29] =	dma.local [hbm:s16], $0x1000  }
0x52b: {  	_ =	swait.ge [sflag:s13], $0x1000  }
0x52c: {  	s16 =	sld [smem:$0x79F]  }
0x52d: {  	[sflag:s13] =	ssyncset.done $0x0  }
0x52e: {  	[sflag:s13] =	ssyncadd.s32 $0xFFFFF000  }
0x52f: {  	[hbm:s16], [sflag:s24] =	dma.local [spmem:s23], $0x1000  }
0x530: {  	_ =	swait.ge [sflag:s14], $0x1000  }
0x531: {  	s16 =	sld [smem:$0x7A4]  }
0x532: {  	[sflag:s14] =	ssyncset.done $0x0  }
0x533: {  	[sflag:s14] =	ssyncadd.s32 $0xFFFFF000  }
0x534: {  	[spmem:s23], [sflag:s28] =	dma.local [hbm:s16], $0x1000  }
0x535: {  	_ =	swait.ge [sflag:s15], $0x1000  }
0x536: {  	s16 =	sld [smem:$0x7A1]  }
0x537: {  	[sflag:s15] =	ssyncset.done $0x0  }
0x538: {  	[sflag:s15] =	ssyncadd.s32 $0xFFFFF000  }
0x539: {  	[hbm:s16], [sflag:s26] =	dma.local [spmem:s1], $0x1000  }
0x53a: {  	_ =	swait.ge [sflag:s19], $0x1000  }
0x53b: {  	s16 =	sld [smem:$0x7A6]  }
0x53c: {  	[sflag:s19] =	ssyncset.done $0x0  }
0x53d: {  	[sflag:s19] =	ssyncadd.s32 $0xFFFFF000  }
0x53e: {  	[spmem:s1], [sflag:s25] =	dma.local [hbm:s16], $0x1000  }
0x53f: {  	_ =	swait.ge [sflag:s17], $0x1000  }
0x540: {  	s16 =	sld [smem:$0x7A3]  }
0x541: {  	[sflag:s17] =	ssyncset.done $0x0  }
0x542: {  	[sflag:s17] =	ssyncadd.s32 $0xFFFFF000  }
0x543: {  	[hbm:s16], [sflag:s30] =	dma.local [spmem:s18], $0x1000  }
0x544: {  	_ =	swait.ge [sflag:s12], $0x1000  }
0x545: {  	s16 =	sld [smem:$0x7A8]  }
0x546: {  	[sflag:s12] =	ssyncset.done $0x0  }
0x547: {  	[sflag:s12] =	ssyncadd.s32 $0xFFFFF000  }
0x548: {  	[spmem:s18], [sflag:s29] =	dma.local [hbm:s16], $0x1000  }
0x549: {  	_ =	swait.ge [sflag:s13], $0x1000  }
0x54a: {  	s16 =	sld [smem:$0x7A5]  }
0x54b: {  	[sflag:s13] =	ssyncset.done $0x0  }
0x54c: {  	[sflag:s13] =	ssyncadd.s32 $0xFFFFF000  }
0x54d: {  	[hbm:s16], [sflag:s24] =	dma.local [spmem:s23], $0x1000  }
0x54e: {  	_ =	swait.ge [sflag:s14], $0x1000  }
0x54f: {  	s16 =	sld [smem:$0x7AA]  }
0x550: {  	[sflag:s14] =	ssyncset.done $0x0  }
0x551: {  	[sflag:s14] =	ssyncadd.s32 $0xFFFFF000  }
0x552: {  	[spmem:s23], [sflag:s28] =	dma.local [hbm:s16], $0x1000  }
0x553: {  	_ =	swait.ge [sflag:s15], $0x1000  }
0x554: {  	s16 =	sld [smem:$0x7A7]  }
0x555: {  	[sflag:s15] =	ssyncset.done $0x0  }
0x556: {  	[sflag:s15] =	ssyncadd.s32 $0xFFFFF000  }
0x557: {  	[hbm:s16], [sflag:s26] =	dma.local [spmem:s1], $0x1000  }
0x558: {  	_ =	swait.ge [sflag:s19], $0x1000  }
0x559: {  	s16 =	sld [smem:$0x7AC]  }
0x55a: {  	[sflag:s19] =	ssyncset.done $0x0  }
0x55b: {  	[sflag:s19] =	ssyncadd.s32 $0xFFFFF000  }
0x55c: {  	[spmem:s1], [sflag:s25] =	dma.local [hbm:s16], $0x1000  }
0x55d: {  	_ =	swait.ge [sflag:s17], $0x1000  }
0x55e: {  	s16 =	sld [smem:$0x7A9]  }
0x55f: {  	[sflag:s17] =	ssyncset.done $0x0  }
0x560: {  	[sflag:s17] =	ssyncadd.s32 $0xFFFFF000  }
0x561: {  	[hbm:s16], [sflag:s30] =	dma.local [spmem:s18], $0x1000  }
0x562: {  	_ =	swait.ge [sflag:s12], $0x1000  }
0x563: {  	s16 =	sld [smem:$0x7AE]  }
0x564: {  	[sflag:s12] =	ssyncset.done $0x0  }
0x565: {  	[sflag:s12] =	ssyncadd.s32 $0xFFFFF000  }
0x566: {  	[spmem:s18], [sflag:s29] =	dma.local [hbm:s16], $0x1000  }
0x567: {  	_ =	swait.ge [sflag:s13], $0x1000  }
0x568: {  	s16 =	sld [smem:$0x7AB]  }
0x569: {  	[sflag:s13] =	ssyncset.done $0x0  }
0x56a: {  	[sflag:s13] =	ssyncadd.s32 $0xFFFFF000  }
0x56b: {  	[hbm:s16], [sflag:s24] =	dma.local [spmem:s23], $0x1000  }
0x56c: {  	_ =	swait.ge [sflag:s14], $0x1000  }
0x56d: {  	s16 =	sld [smem:$0x7B0]  }
0x56e: {  	[sflag:s14] =	ssyncset.done $0x0  }
0x56f: {  	[sflag:s14] =	ssyncadd.s32 $0xFFFFF000  }
0x570: {  	[spmem:s23], [sflag:s28] =	dma.local [hbm:s16], $0x1000  }
0x571: {  	_ =	swait.ge [sflag:s15], $0x1000  }
0x572: {  	s16 =	sld [smem:$0x7AD]  }
0x573: {  	[sflag:s15] =	ssyncset.done $0x0  }
0x574: {  	[sflag:s15] =	ssyncadd.s32 $0xFFFFF000  }
0x575: {  	[hbm:s16], [sflag:s26] =	dma.local [spmem:s1], $0x1000  }
0x576: {  	_ =	swait.ge [sflag:s19], $0x1000  }
0x577: {  	s16 =	sld [smem:$0x7B2]  }
0x578: {  	[sflag:s19] =	ssyncset.done $0x0  }
0x579: {  	[sflag:s19] =	ssyncadd.s32 $0xFFFFF000  }
0x57a: {  	[spmem:s1], [sflag:s25] =	dma.local [hbm:s16], $0x1000  }
0x57b: {  	_ =	swait.ge [sflag:s17], $0x1000  }
0x57c: {  	s16 =	sld [smem:$0x7AF]  }
0x57d: {  	[sflag:s17] =	ssyncset.done $0x0  }
0x57e: {  	[sflag:s17] =	ssyncadd.s32 $0xFFFFF000  }
0x57f: {  	[hbm:s16], [sflag:s30] =	dma.local [spmem:s18], $0x1000  }
0x580: {  	_ =	swait.ge [sflag:s12], $0x1000  }
0x581: {  	s16 =	sld [smem:$0x7B4]  }
0x582: {  	[sflag:s12] =	ssyncset.done $0x0  }
0x583: {  	[sflag:s12] =	ssyncadd.s32 $0xFFFFF000  }
0x584: {  	[spmem:s18], [sflag:s29] =	dma.local [hbm:s16], $0x1000  }
0x585: {  	_ =	swait.ge [sflag:s13], $0x1000  }
0x586: {  	s16 =	sld [smem:$0x7B1]  }
0x587: {  	[sflag:s13] =	ssyncset.done $0x0  }
0x588: {  	[sflag:s13] =	ssyncadd.s32 $0xFFFFF000  }
0x589: {  	[hbm:s16], [sflag:s24] =	dma.local [spmem:s23], $0x1000  }
0x58a: {  	_ =	swait.ge [sflag:s14], $0x1000  }
0x58b: {  	s16 =	sld [smem:$0x7B6]  }
0x58c: {  	[sflag:s14] =	ssyncset.done $0x0  }
0x58d: {  	[sflag:s14] =	ssyncadd.s32 $0xFFFFF000  }
0x58e: {  	[spmem:s23], [sflag:s28] =	dma.local [hbm:s16], $0x1000  }
0x58f: {  	_ =	swait.ge [sflag:s15], $0x1000  }
0x590: {  	s16 =	sld [smem:$0x7B3]  }
0x591: {  	[sflag:s15] =	ssyncset.done $0x0  }
0x592: {  	[sflag:s15] =	ssyncadd.s32 $0xFFFFF000  }
0x593: {  	[hbm:s16], [sflag:s26] =	dma.local [spmem:s1], $0x1000  }
0x594: {  	_ =	swait.ge [sflag:s19], $0x1000  }
0x595: {  	s16 =	sld [smem:$0x7B8]  }
0x596: {  	[sflag:s19] =	ssyncset.done $0x0  }
0x597: {  	[sflag:s19] =	ssyncadd.s32 $0xFFFFF000  }
0x598: {  	[spmem:s1], [sflag:s25] =	dma.local [hbm:s16], $0x1000  }
0x599: {  	_ =	swait.ge [sflag:s17], $0x1000  }
0x59a: {  	s16 =	sld [smem:$0x7B5]  }
0x59b: {  	[sflag:s17] =	ssyncset.done $0x0  }
0x59c: {  	[sflag:s17] =	ssyncadd.s32 $0xFFFFF000  }
0x59d: {  	[hbm:s16], [sflag:s30] =	dma.local [spmem:s18], $0x1000  }
0x59e: {  	_ =	swait.ge [sflag:s12], $0x1000  }
0x59f: {  	s16 =	sld [smem:$0x7BA]  }
0x5a0: {  	[sflag:s12] =	ssyncset.done $0x0  }
0x5a1: {  	[sflag:s12] =	ssyncadd.s32 $0xFFFFF000  }
0x5a2: {  	[spmem:s18], [sflag:s29] =	dma.local [hbm:s16], $0x1000  }
0x5a3: {  	_ =	swait.ge [sflag:s13], $0x1000  }
0x5a4: {  	s16 =	sld [smem:$0x7B7]  }
0x5a5: {  	[sflag:s13] =	ssyncset.done $0x0  }
0x5a6: {  	[sflag:s13] =	ssyncadd.s32 $0xFFFFF000  }
0x5a7: {  	[hbm:s16], [sflag:s24] =	dma.local [spmem:s23], $0x1000  }
0x5a8: {  	_ =	swait.ge [sflag:s14], $0x1000  }
0x5a9: {  	s16 =	sld [smem:$0x7BC]  }
0x5aa: {  	[sflag:s14] =	ssyncset.done $0x0  }
0x5ab: {  	[sflag:s14] =	ssyncadd.s32 $0xFFFFF000  }
0x5ac: {  	[spmem:s23], [sflag:s28] =	dma.local [hbm:s16], $0x1000  }
0x5ad: {  	_ =	swait.ge [sflag:s15], $0x1000  }
0x5ae: {  	s16 =	sld [smem:$0x7B9]  }
0x5af: {  	[sflag:s15] =	ssyncset.done $0x0  }
0x5b0: {  	[sflag:s15] =	ssyncadd.s32 $0xFFFFF000  }
0x5b1: {  	[hbm:s16], [sflag:s26] =	dma.local [spmem:s1], $0x1000  }
0x5b2: {  	_ =	swait.ge [sflag:s19], $0x1000  }
0x5b3: {  	s16 =	sld [smem:$0x7BE]  }
0x5b4: {  	[sflag:s19] =	ssyncset.done $0x0  }
0x5b5: {  	[sflag:s19] =	ssyncadd.s32 $0xFFFFF000  }
0x5b6: {  	[spmem:s1], [sflag:s25] =	dma.local [hbm:s16], $0x1000  }
0x5b7: {  	_ =	swait.ge [sflag:s17], $0x1000  }
0x5b8: {  	s16 =	sld [smem:$0x7BB]  }
0x5b9: {  	[sflag:s17] =	ssyncset.done $0x0  }
0x5ba: {  	[sflag:s17] =	ssyncadd.s32 $0xFFFFF000  }
0x5bb: {  	[hbm:s16], [sflag:s30] =	dma.local [spmem:s18], $0x1000  }
0x5bc: {  	_ =	swait.ge [sflag:s12], $0x1000  }
0x5bd: {  	s16 =	sld [smem:$0x7C0]  }
0x5be: {  	[sflag:s12] =	ssyncset.done $0x0  }
0x5bf: {  	[sflag:s12] =	ssyncadd.s32 $0xFFFFF000  }
0x5c0: {  	[spmem:s18], [sflag:s29] =	dma.local [hbm:s16], $0x1000  }
0x5c1: {  	_ =	swait.ge [sflag:s13], $0x1000  }
0x5c2: {  	s29 =	sld [smem:$0x7BD]  }
0x5c3: {  	[sflag:s13] =	ssyncset.done $0x0  }
0x5c4: {  	[sflag:s13] =	ssyncadd.s32 $0xFFFFF000  }
0x5c5: {  	[hbm:s29], [sflag:s24] =	dma.local [spmem:s23], $0x1000  }
0x5c6: {  	_ =	swait.ge [sflag:s14], $0x1000  }
0x5c7: {  	s29 =	sld [smem:$0x7C1]  }
0x5c8: {  	[sflag:s14] =	ssyncset.done $0x0  }
0x5c9: {  	[sflag:s14] =	ssyncadd.s32 $0xFFFFF000  }
0x5ca: {  	[spmem:s23], [sflag:s28] =	dma.local [hbm:s29], $0x1000  }
0x5cb: {  	_ =	swait.ge [sflag:s15], $0x1000  }
0x5cc: {  	s28 =	sld [smem:$0x7BF]  }
0x5cd: {  	[sflag:s15] =	ssyncset.done $0x0  }
0x5ce: {  	[sflag:s15] =	ssyncadd.s32 $0xFFFFF000  }
0x5cf: {  	[hbm:s28], [sflag:s26] =	dma.local [spmem:s1], $0x1000  }
0x5d0: {  	_ =	swait.ge [sflag:s19], $0x1000  }
0x5d1: {  	s29 =	sld [smem:$0x7C2]  }
0x5d2: {  	[sflag:s19] =	ssyncset.done $0x0  }
0x5d3: {  	[sflag:s19] =	ssyncadd.s32 $0xFFFFF000  }
0x5d4: {  	[spmem:s1], [sflag:s25] =	dma.local [hbm:s29], $0x1000  }
0x5d5: {  	_ =	swait.ge [sflag:s17], $0x1000  }
0x5d6: {  	[sflag:s17] =	ssyncset.done $0x0  }
0x5d7: {  	[sflag:s17] =	ssyncadd.s32 $0xFFFFF000;
	s17 =	sld [smem:$0x7C3];
	_ =	sdelay $0x2  }
0x5d8: {  	[hbm:s17], [sflag:s30] =	dma.local [spmem:s18], $0x1000  }
0x5d9: {  	_ =	swait.ge [sflag:s13], $0x1000  }
0x5da: {  	s18 =	sld [smem:$0x7C4]  }
0x5db: {  	[sflag:s13] =	ssyncset.done $0x0  }
0x5dc: {  	[sflag:s13] =	ssyncadd.s32 $0xFFFFF000  }
0x5dd: {  	[hbm:s18], [sflag:s24] =	dma.local [spmem:s23], $0x1000  }
0x5de: {  	_ =	swait.ge [sflag:s15], $0x1000  }
0x5df: {  	s25 =	sld [smem:$0x7C5]  }
0x5e0: {  	[sflag:s15] =	ssyncset.done $0x0  }
0x5e1: {  	[sflag:s15] =	ssyncadd.s32 $0xFFFFF000  }
0x5e2: {  	[hbm:s25], [sflag:s26] =	dma.local [spmem:s1], $0x1000  }
0x5e3: {  	_ =	swait.ge [sflag:s12], $0x1000  }
0x5e4: {  	[sflag:s12] =	ssyncset.done $0x0  }
0x5e5: {  	[sflag:s12] =	ssyncadd.s32 $0xFFFFF000  }
0x5e6: {  	_ =	swait.ge [sflag:s14], $0x1000  }
0x5e7: {  	[sflag:s14] =	ssyncset.done $0x0  }
0x5e8: {  	[sflag:s14] =	ssyncadd.s32 $0xFFFFF000  }
0x5e9: {  	_ =	swait.ge [sflag:s19], $0x1000  }
0x5ea: {  	[sflag:s19] =	ssyncset.done $0x0  }
0x5eb: {  	s28 =	simm.s32 $0x7;
	[sflag:s19] =	ssyncadd.s32 $0xFFFFF000  }
0x5ec: {  	_ =	swait.ge [sflag:s28], $0x400  }
0x5ed: {  	[sflag:s28] =	ssyncset.done $0x0  }
0x5ee: {  	[sflag:s28] =	ssyncadd.s32 $0xFFFFFC00  }
0x5ef: {  	_ =	swait.ge [sflag:s28], $0x400  }
0x5f0: {  	[sflag:s28] =	ssyncset.done $0x0  }
0x5f1: {  	[sflag:s28] =	ssyncadd.s32 $0xFFFFFC00  }
0x5f2: {  	_ =	swait.ge [sflag:s28], $0x400  }
0x5f3: {  	[sflag:s28] =	ssyncset.done $0x0  }
0x5f4: {  	[sflag:s28] =	ssyncadd.s32 $0xFFFFFC00  }
0x5f5: {  	_ =	swait.ge [sflag:s28], $0x400  }
0x5f6: {  	[sflag:s28] =	ssyncset.done $0x0  }
0x5f7: {  	[sflag:s28] =	ssyncadd.s32 $0xFFFFFC00  }
0x5f8: {  	_ =	swait.ge [sflag:s28], $0x400  }
0x5f9: {  	[sflag:s28] =	ssyncset.done $0x0  }
0x5fa: {  	[sflag:s28] =	ssyncadd.s32 $0xFFFFFC00  }
0x5fb: {  	_ =	swait.ge [sflag:s28], $0x400  }
0x5fc: {  	[sflag:s28] =	ssyncset.done $0x0  }
0x5fd: {  	[sflag:s28] =	ssyncadd.s32 $0xFFFFFC00  }
0x5fe: {  	_ =	swait.ge [sflag:s28], $0x400  }
0x5ff: {  	[sflag:s28] =	ssyncset.done $0x0  }
0x600: {  	[sflag:s28] =	ssyncadd.s32 $0xFFFFFC00  }
0x601: {  	_ =	swait.ge [sflag:s28], $0x400  }
0x602: {  	[sflag:s28] =	ssyncset.done $0x0  }
0x603: {  	[sflag:s28] =	ssyncadd.s32 $0xFFFFFC00  }
0x604: {  	_ =	swait.ge [sflag:s28], $0x400  }
0x605: {  	[sflag:s28] =	ssyncset.done $0x0  }
0x606: {  	[sflag:s28] =	ssyncadd.s32 $0xFFFFFC00  }
0x607: {  	_ =	swait.ge [sflag:s28], $0x400  }
0x608: {  	[sflag:s28] =	ssyncset.done $0x0  }
0x609: {  	[sflag:s28] =	ssyncadd.s32 $0xFFFFFC00  }
0x60a: {  	_ =	swait.ge [sflag:s28], $0x400  }
0x60b: {  	[sflag:s28] =	ssyncset.done $0x0  }
0x60c: {  	[sflag:s28] =	ssyncadd.s32 $0xFFFFFC00  }
0x60d: {  	_ =	swait.ge [sflag:s28], $0x400  }
0x60e: {  	s29 =	sld [smem:$0x79B]  }
0x60f: {  	s30 =	sld [smem:$0x79C];
	_ =	sdelay $0x2  }
0x610: {  	s26 =	sadd.s32 s29, s30  }
0x611: {  	p0 =	slt.s32 s26, $0x1  }
0x612: {  	[sflag:s28] =	ssyncset.done $0x0;
	s23 =	sadd.s32 @!p0 $0xF, s26  }
0x613: {  	[sflag:s28] =	ssyncadd.s32 $0xFFFFFC00;
	s24 =	sand.u32 @!p0 $0xF, s23  }
0x614: {  	_ =	swait.ge [sflag:s28], $0x400;
	p1 =	slt.s32 @!p0 s23, $0x0;
	p2 =	sne.s32 @!p0 s24, $0x0  }
0x615: {  	[sflag:s28] =	ssyncset.done $0x0;
	s24 =	sshra.s32 @!p0 s23, $0x1F;
	p1 =	por @!p0 !p1, !p2  }
0x616: {  	[sflag:s28] =	ssyncadd.s32 $0xFFFFFC00;
	s24 =	sshrl.u32 @!p0 s24, $0x1C;
	p1 =	por @!p0 !p1, !p1  }
0x617: {  	s23 =	sadd.s32 @!p0 s24, s23;
	s24 =	simm.s32 @!p0 $0x1;
	p1 =	por !p1, p0  }
0x618: {  	_ =	swait.ge [sflag:s28], $0x400;
	s23 =	sshra.s32 @!p0 s23, $0x4;
	s24 =	simm.s32 @p1 $0x0  }
0x619: {  	[sflag:s28] =	ssyncset.done $0x0;
	s25 =	ssub.s32 @!p0 s23, s24  }
0x61a: {  	[sflag:s28] =	ssyncadd.s32 $0xFFFFFC00;
	p1 =	slt.s32 @!p0 s25, $0x1  }
0x61b: {  	_ =	swait.ge [sflag:s28], $0x400;
	p0 =	por p0, p1  }
.Ltmp2:
0x61c: {  	[sflag:s28] =	ssyncset.done $0x0;
	(pc) =	sbr.rel @p0 .LBB2_5-.Ltmp2, $4  }
0x61d: {  	[sflag:s28] =	ssyncadd.s32 $0xFFFFFC00  }
0x61e: {  	_ =	swait.ge [sflag:s28], $0x400  }
0x61f: {  	[sflag:s28] =	ssyncset.done $0x0  }
0x620: {  	s1 =	sld [smem:$0x79D];
	[sflag:s28] =	ssyncadd.s32 $0xFFFFFC00  }
0x621: {  	s23 =	simm.s32 $0x4400;
	v3 =	vld.msk [tilespmem:$0x4400 ss:$0x0], $0xffff  }
0x622: {  	v5 =	vld [tilespmem:s23+$0x0];
	_ =	sdelay $0x1  }
0x623: {  	s24 =	simm.s32 $0x0  }
0x624: {  	v4 =	vmov s26;
	v6 =	vor.u32 s24, v0  }
0x625: {  	vm0 =	vlt.s32 v6, v4  }
0x626: {  	v5 =	vsel vm0, v5, v3  }
0x627: {  	v6 =	vshll.u32 v5, $0x3  }
0x628: {  	v5 =	vand.u32 $0x7, v5;
	v6 =	vand.u32 $0xFFFFFFC0, v6  }
0x629: {  	v8 =	vor.u32 v5, v6;
	v5 =	vand.u32 $0x7, v0;
	v6 =	vshrl.u32 v0, $0x3  }
0x62a: {  	v7 =	vperm.xlane v8, v5;
	v6 =	vmul.u32 $0x8, v6;
	_ =	sdelay $0x1  }
0x62b: {  	v9 =	vadd.s32 v6, v7;
	_ =	sdelay $0x3  }
0x62c: {  	vm0 =	vmmov $0xffff  }
0x62d: {  	v7 =	vor.u32 $0x8, v0;
	[hbm4b:s2+s4] =	stream.indirect_vreg.scatter [tilespmem:s31], [sflag:$0x8], $0x80, v9, vm0, $0xb8;
	[tilespmem:$0x1C880] =	vst v63  }
0x62e: {  	v8 =	vperm.xlane v8, v7  }
0x62f: {  	[hbm4b:s20+s4] =	stream.indirect_vreg.scatter [tilespmem:s0], [sflag:$0x8], $0x80, v9, vm0, $0xb8;
	[tilespmem:$0x1C880] =	vst v63  }
0x630: {  	v8 =	vadd.s32 v6, v8  }
0x631: {  	[hbm4b:s21+s4] =	stream.indirect_vreg.scatter [tilespmem:s3], [sflag:$0x8], $0x80, v9, vm0, $0xb8;
	[tilespmem:$0x1C880] =	vst v63  }
0x632: {  	_ = 	snop  }
0x633: {  	[hbm4b:s22+s4] =	stream.indirect_vreg.scatter [tilespmem:s6], [sflag:$0x8], $0x80, v9, vm0, $0xb8;
	[tilespmem:$0x1C880] =	vst v63  }
0x634: {  	_ = 	snop  }
0x635: {  	[hbm4b:s2+s4] =	stream.indirect_vreg.scatter [tilespmem:s5], [sflag:$0x8], $0x80, v8, vm0, $0xb8;
	[tilespmem:$0x1C880] =	vst v63  }
0x636: {  	_ = 	snop  }
0x637: {  	[hbm4b:s20+s4] =	stream.indirect_vreg.scatter [tilespmem:s7], [sflag:$0x8], $0x80, v8, vm0, $0xb8;
	[tilespmem:$0x1C880] =	vst v63  }
0x638: {  	p0 =	sne.s32 s25, $0x1  }
0x639: {  	[hbm4b:s21+s4] =	stream.indirect_vreg.scatter [tilespmem:s8], [sflag:$0x8], $0x80, v8, vm0, $0xb8;
	[tilespmem:$0x1C880] =	vst v63  }
.Ltmp3:
0x63a: {  	_ = 	snop;
	(pc) =	sbr.rel @!p0 .LBB2_4-.Ltmp3, $4  }
0x63b: {  	_ = 	snop  }
0x63c: {  	[hbm4b:s22+s4] =	stream.indirect_vreg.scatter [tilespmem:s9], [sflag:$0x8], $0x80, v8, vm0, $0xb8;
	[tilespmem:$0x1C880] =	vst v63  }
0x63d: {  	_ =	swait.ge [sflag:s10], $0x4000  }
0x63e: {  	s25 =	sadd.s32 $0xFFFFFFFF, s25;
	[sflag:s10] =	ssyncset.done $0x0  }
.LBB2_3:
0x63f: {  	[sflag:s10] =	ssyncadd.s32 $0xFFFFC000;
	s23 =	sadd.s32 $0x10, s23;
	s24 =	sadd.s32 $0x10, s24  }
0x640: {  	p0 =	sne.s32 s25, $0x1;
	s25 =	sadd.s32 $0xFFFFFFFF, s25  }
0x641: {  	v8 =	vld [tilespmem:s23+$0x0];
	_ =	sdelay $0x2  }
0x642: {  	v9 =	vor.u32 s24, v0  }
0x643: {  	vm1 =	vlt.s32 v9, v4  }
0x644: {  	v8 =	vsel vm1, v8, v3  }
0x645: {  	v9 =	vshll.u32 v8, $0x3  }
0x646: {  	v8 =	vand.u32 $0x7, v8;
	v9 =	vand.u32 $0xFFFFFFC0, v9  }
0x647: {  	v8 =	vor.u32 v8, v9  }
0x648: {  	v9 =	vperm.xlane v8, v5;
	v8 =	vperm.xlane v8, v7;
	_ =	sdelay $0x1  }
0x649: {  	v9 =	vadd.s32 v6, v9;
	_ =	sdelay $0x4  }
0x64a: {  	[hbm4b:s2+s4] =	stream.indirect_vreg.scatter [tilespmem:s31], [sflag:$0x8], $0x80, v9, vm0, $0xb8;
	[tilespmem:$0x1C880] =	vst v63  }
0x64b: {  	_ = 	snop  }
0x64c: {  	[hbm4b:s20+s4] =	stream.indirect_vreg.scatter [tilespmem:s0], [sflag:$0x8], $0x80, v9, vm0, $0xb8;
	[tilespmem:$0x1C880] =	vst v63  }
0x64d: {  	v8 =	vadd.s32 v6, v8  }
0x64e: {  	[hbm4b:s21+s4] =	stream.indirect_vreg.scatter [tilespmem:s3], [sflag:$0x8], $0x80, v9, vm0, $0xb8;
	[tilespmem:$0x1C880] =	vst v63  }
0x64f: {  	_ = 	snop  }
0x650: {  	[hbm4b:s22+s4] =	stream.indirect_vreg.scatter [tilespmem:s6], [sflag:$0x8], $0x80, v9, vm0, $0xb8;
	[tilespmem:$0x1C880] =	vst v63  }
0x651: {  	_ = 	snop  }
0x652: {  	[hbm4b:s2+s4] =	stream.indirect_vreg.scatter [tilespmem:s5], [sflag:$0x8], $0x80, v8, vm0, $0xb8;
	[tilespmem:$0x1C880] =	vst v63  }
0x653: {  	_ = 	snop  }
0x654: {  	[hbm4b:s20+s4] =	stream.indirect_vreg.scatter [tilespmem:s7], [sflag:$0x8], $0x80, v8, vm0, $0xb8;
	[tilespmem:$0x1C880] =	vst v63  }
0x655: {  	_ = 	snop  }
0x656: {  	[hbm4b:s21+s4] =	stream.indirect_vreg.scatter [tilespmem:s8], [sflag:$0x8], $0x80, v8, vm0, $0xb8;
	[tilespmem:$0x1C880] =	vst v63  }
.Ltmp4:
0x657: {  	_ = 	snop;
	(pc) =	sbr.rel @p0 .LBB2_3-.Ltmp4, $4  }
0x658: {  	_ = 	snop  }
0x659: {  	[hbm4b:s22+s4] =	stream.indirect_vreg.scatter [tilespmem:s9], [sflag:$0x8], $0x80, v8, vm0, $0xb8;
	[tilespmem:$0x1C880] =	vst v63  }
0x65a: {  	_ =	swait.ge [sflag:s10], $0x4000  }
0x65b: {  	[sflag:s10] =	ssyncset.done $0x0  }
.Ltmp5:
0x65c: {  	_ = 	snop;
	(pc) =	sbr.rel .LBB2_4-.Ltmp5, $1  }
0x65d: {  	_ =	sdelay $0x3  }
.LBB2_6:
0x65e: {  	_ =	sfence.sel $0x180000  }
0x65f: {  	[bflag:$0x0] =	sbarrier.arrive $0xFFFF  }
0x660: {  	_ =	strace $0x90000047  }
0x661: {  	s0 =	stileid.u32;
	[bflag:$0x2] =	sbarrier.arrive $0xFFFF  }
0x662: {  	p0 =	sne.s32 s0, $0x0;
	s0 =	rddreg [dreg:$0x5]  }
0x663: {  	s0 =	sadd.s32 @!p0 $0x100000, s0  }
0x664: {  	[sflag:s0] =	ssyncadd.tile.s32 @!p0 $0x1;
	_ =	shalt  }
.Lfunc_end2:
_tile_overlayer_lowered:
.L_overlay_start_2:
0x665: {  	(tag) =	ssettag $0x2  }
0x666: {  	s0 =	rddreg [dreg:$0x0];
	s2 =	stileid.u32  }
0x667: {  	s1 =	rddreg [dreg:$0x1];
	p0 =	sne.s32 s2, $0x0  }
0x668: {  	s3 =	rddreg [dreg:$0x2];
	[bflag:$0x3] =	sbarrier.arrive $0xFFFF;
	s2 =	simm.s32 @!p0 $0x1C08  }
0x669: {  	[timem:s3], [sflag:s2] =	dma.local @!p0 [hbm:s0], s1  }
0x66a: {  	s0 =	simm.s32 @!p0 $0x8  }
0x66b: {  	_ =	swait.ge @!p0 [sflag:s0], s1  }
0x66c: {  	s1 =	ssub.s32 @!p0 $0x0, s1;
	[sflag:s0] =	ssyncset.done @!p0 $0x0  }
0x66d: {  	[sflag:s0] =	ssyncadd.s32 @!p0 s1  }
0x66e: {  	[bflag:$0x3] =	sbarrier.arrive $0xFFFF  }
0x66f: {  	_ =	shalt  }

</sc_bundles>
